<compile_context>
chip_gen: v7x
topology: tpu7x:2x2x1
jax: 0.10.2.dev20260603
libtpu: 0.0.44.dev20260713+nightly
codegen_flags: <defaults>
</compile_context>

<pallas_src>
import functools

import jax
import jax.numpy as jnp
from jax import lax
from jax.experimental import pallas as pl
from jax.experimental.pallas import tpu as pltpu
from jax.experimental.pallas import tpu_sc as plsc

N = 10000
E = 320000
D = 128
H = 128
C = 1

NC = 2
NS = 16
NW = NC * NS
LANES = 16

HH = H // 2

DEPT = E // NW

EPT = E // NS
CH = 125
NCH = EPT // CH
R = 5
NG = NCH // R
RPT = N // NS
ZCH = 125
NZ = RPT // ZCH

_F32 = jnp.float32
_BF16 = jnp.bfloat16
_HI = lax.Precision.HIGHEST



def _deg_body(edges_hbm, out_hbm, idx_s, idx_d, degs, degd):
    c = lax.axis_index("c")
    s = lax.axis_index("s")
    wid = s * NC + c
    pltpu.sync_copy(edges_hbm.at[0, pl.ds(wid * DEPT, DEPT)], idx_s)
    pltpu.sync_copy(edges_hbm.at[1, pl.ds(wid * DEPT, DEPT)], idx_d)
    zeros16 = jnp.zeros((LANES,), _F32)

    def zbody(i, carry):
        degs[pl.ds(i * LANES, LANES)] = zeros16
        degd[pl.ds(i * LANES, LANES)] = zeros16
        return carry

    lax.fori_loop(0, N // LANES, zbody, 0)
    ones16 = jnp.ones((LANES,), _F32)

    def hbody(i, carry):
        v = idx_s[pl.ds(i * LANES, LANES)]
        plsc.addupdate_scatter(degs, [v], ones16)
        w = idx_d[pl.ds(i * LANES, LANES)]
        plsc.addupdate_scatter(degd, [w], ones16)
        return carry

    lax.fori_loop(0, DEPT // LANES, hbody, 0)
    pltpu.sync_copy(degs, out_hbm.at[wid, 0])
    pltpu.sync_copy(degd, out_hbm.at[wid, 1])


@functools.cache
def _deg():
    mesh = plsc.VectorSubcoreMesh(core_axis_name="c", subcore_axis_name="s",
                                  num_cores=NC, num_subcores=NS)
    return pl.kernel(
        _deg_body,
        out_type=jax.ShapeDtypeStruct((NW, 2, N), _F32),
        mesh=mesh,
        compiler_params=pltpu.CompilerParams(use_tc_tiling_on_sc=False,
                                             needs_layout_passes=False),
        scratch_types=[
            pltpu.VMEM((DEPT,), jnp.int32),
            pltpu.VMEM((DEPT,), jnp.int32),
            pltpu.VMEM((N,), _F32),
            pltpu.VMEM((N,), _F32),
        ],
    )


def _mp_body(t_hbm, edges_hbm, out_hbm, agg_sh, idx_s, idx_d, rows,
             gsem, ssem):
    c = lax.axis_index("c")
    s = lax.axis_index("s")
    t_hbm = t_hbm.at[c]
    pltpu.sync_copy(edges_hbm.at[0, pl.ds(s * NCH, NCH)], idx_s)
    pltpu.sync_copy(edges_hbm.at[1, pl.ds(s * NCH, NCH)], idx_d)
    zeros16 = jnp.zeros((LANES,), _F32)

    def zb(i, carry):
        for j in range(HH // LANES):
            rows[0, i, pl.ds(j * LANES, LANES)] = zeros16
        return carry

    lax.fori_loop(0, ZCH, zb, 0)
    for k in range(NZ):
        pltpu.sync_copy(rows.at[0], agg_sh.at[pl.ds(s * RPT + k * ZCH, ZCH)])
    plsc.subcore_barrier()

    def g_issue(j, b):
        pltpu.async_copy(t_hbm.at[idx_s.at[j]], rows.at[b], gsem.at[b])

    def g_wait(b):
        pltpu.make_async_copy(t_hbm.at[idx_s.at[0]], rows.at[b],
                              gsem.at[b]).wait()

    def s_issue(j, b):
        pltpu.async_copy(rows.at[b], agg_sh.at[idx_d.at[j]], ssem.at[b],
                         add=True)

    def s_wait(b):
        pltpu.make_async_copy(rows.at[b], agg_sh.at[idx_d.at[0]],
                              ssem.at[b]).wait()

    for b in range(R - 1):
        g_issue(b, b)
    for b in range(R):
        g_wait(b)
        s_issue(b, b)
        if b >= 1:
            s_wait((b - 1) % R)
        g_issue(b + R - 1, (b - 1) % R)

    def grp(g, carry):
        for b in range(R):
            j = g * R + b
            g_wait(b)
            s_issue(j, b)
            s_wait((b - 1) % R)
            g_issue(j + R - 1, (b - 1) % R)
        return carry

    lax.fori_loop(1, NG - 1, grp, 0)
    for b in range(R):
        j = (NG - 1) * R + b
        g_wait(b)
        s_issue(j, b)
        if b == 0:
            s_wait((b - 1) % R)
            g_issue(j + R - 1, (b - 1) % R)
    for b in range(R):
        s_wait(b)

    plsc.subcore_barrier()
    for k in range(NZ):
        pltpu.sync_copy(agg_sh.at[pl.ds(s * RPT + k * ZCH, ZCH)], rows.at[0])
        pltpu.sync_copy(rows.at[0],
                        out_hbm.at[c, pl.ds(s * RPT + k * ZCH, ZCH)])


@functools.cache
def _mp():
    mesh = plsc.VectorSubcoreMesh(core_axis_name="c", subcore_axis_name="s",
                                  num_cores=NC, num_subcores=NS)
    return pl.kernel(
        _mp_body,
        out_type=jax.ShapeDtypeStruct((NC, N, HH), _F32),
        mesh=mesh,
        compiler_params=pltpu.CompilerParams(use_tc_tiling_on_sc=False,
                                             needs_layout_passes=False),
        scratch_types=[
            pltpu.VMEM_SHARED((N, HH), _F32),
            pltpu.VMEM((NCH, CH), jnp.int32),
            pltpu.VMEM((NCH, CH), jnp.int32),
            pltpu.VMEM((R, CH, HH), _F32),
            pltpu.SemaphoreType.DMA((R,)),
            pltpu.SemaphoreType.DMA((R,)),
        ],
    )



def _norm_body(degp_ref, norm_ref):
    acc = degp_ref[0]
    for i in range(1, NW):
        acc = acc + degp_ref[i]
    norm_ref[...] = 1.0 / jnp.sqrt(jnp.maximum(acc, 1.0))


_norms = pl.pallas_call(
    _norm_body,
    out_shape=jax.ShapeDtypeStruct((2, N), _F32),
)


def _mm1_body(x_ref, w_ref, nrm_ref, o_ref):
    ns = lax.transpose(nrm_ref[0:1, :], (1, 0))
    t = jnp.dot(x_ref[...], w_ref[...], preferred_element_type=_F32,
                precision=_HI) * ns
    o_ref[0] = t[:, :HH]
    o_ref[1] = t[:, HH:]


_mm1 = pl.pallas_call(
    _mm1_body,
    out_shape=jax.ShapeDtypeStruct((NC, N, HH), _F32),
)


def _tcb_body(p_ref, nrm_ref, b1_ref, w2_ref, o_ref):
    ns = lax.transpose(nrm_ref[0:1, :], (1, 0))
    nd = lax.transpose(nrm_ref[1:2, :], (1, 0))
    agg = jnp.concatenate([p_ref[0], p_ref[1]], axis=1)
    h = jnp.maximum(agg * nd + b1_ref[...], 0.0)
    t2 = jnp.dot(h, w2_ref[...], preferred_element_type=_F32,
                 precision=_HI) * ns
    o_ref[0] = t2[:, :HH]
    o_ref[1] = t2[:, HH:]


_tcb = pl.pallas_call(
    _tcb_body,
    out_shape=jax.ShapeDtypeStruct((NC, N, HH), _F32),
)


def _tcc_body(q_ref, nrm_ref, b2_ref, wc1_ref, bc1_ref, wc2_ref, bc2_ref,
              wc3_ref, bc3_ref, o_ref):
    nd = lax.transpose(nrm_ref[1:2, :], (1, 0))
    agg = jnp.concatenate([q_ref[0], q_ref[1]], axis=1)
    h2 = jnp.maximum(agg * nd + b2_ref[...], 0.0)
    hg = jnp.mean(h2, axis=0, keepdims=True)
    o1 = jnp.maximum(jnp.dot(hg, wc1_ref[...], preferred_element_type=_F32,
                             precision=_HI) + bc1_ref[...], 0.0)
    o2 = jnp.maximum(jnp.dot(o1, wc2_ref[...], preferred_element_type=_F32,
                             precision=_HI) + bc2_ref[...], 0.0)
    o_ref[...] = jnp.dot(o2, wc3_ref[...], preferred_element_type=_F32,
                         precision=_HI) + bc3_ref[...]


_tcc = pl.pallas_call(
    _tcc_body,
    out_shape=jax.ShapeDtypeStruct((1, C), _F32),
)



def kernel(x, edge_index, W1, b1, W2, b2, Wc1, bc1, Wc2, bc2, Wc3, bc3):
    edges = edge_index.reshape(2, E // CH, CH)
    degp = _deg()(edge_index)
    norms = _norms(degp)
    t1 = _mm1(x, W1, norms)
    p = _mp()(t1, edges)
    t2 = _tcb(p, norms, b1.reshape(1, H), W2)
    q = _mp()(t2, edges)
    o = _tcc(q, norms, b2.reshape(1, H), Wc1, bc1.reshape(1, H), Wc2,
             bc2.reshape(1, H), Wc3, bc3.reshape(1, C))
    return o

# --- scband reference (transcript-rebuilt; emitter-appended) ---
"""Pipeline reference for scband-gcnreg-1211180778301 (READ-ONLY COPY).

The authoritative reference and input builder live on the scoring server;
editing this copy changes nothing except your own understanding.
"""

import jax, jax.numpy as jnp
import numpy as np

N = 10000
E = 320000
D = 128
H = 128
C = 1


def setup_inputs(seed: int = 0) -> dict:
    key = jax.random.key(seed)
    ks = jax.random.split(key, 12)
    x = jax.random.normal(ks[0], (N, D), dtype=jnp.float32)
    edge_index = jax.random.randint(ks[1], (2, E), 0, N, dtype=jnp.int32)
    W1 = jax.random.normal(ks[2], (D, H), dtype=jnp.float32) * (1.0 / np.sqrt(D))
    b1 = jnp.zeros((H,), dtype=jnp.float32)
    W2 = jax.random.normal(ks[3], (H, H), dtype=jnp.float32) * (1.0 / np.sqrt(H))
    b2 = jnp.zeros((H,), dtype=jnp.float32)
    Wc1 = jax.random.normal(ks[4], (H, H), dtype=jnp.float32) * (1.0 / np.sqrt(H))
    bc1 = jnp.zeros((H,), dtype=jnp.float32)
    Wc2 = jax.random.normal(ks[5], (H, H), dtype=jnp.float32) * (1.0 / np.sqrt(H))
    bc2 = jnp.zeros((H,), dtype=jnp.float32)
    Wc3 = jax.random.normal(ks[6], (H, C), dtype=jnp.float32) * (1.0 / np.sqrt(H))
    bc3 = jnp.zeros((C,), dtype=jnp.float32)
    return {"x": x, "edge_index": edge_index, "W1": W1, "b1": b1, "W2": W2, "b2": b2,
            "Wc1": Wc1, "bc1": bc1, "Wc2": Wc2, "bc2": bc2, "Wc3": Wc3, "bc3": bc3}


def reference(x, edge_index, W1, b1, W2, b2, Wc1, bc1, Wc2, bc2, Wc3, bc3):
    n = x.shape[0]
    src = edge_index[0]
    dst = edge_index[1]
    # DGL GraphConv norm='both': symmetric normalization D^-1/2 A D^-1/2
    deg_out = jnp.zeros((n,), x.dtype).at[src].add(1.0)
    deg_in = jnp.zeros((n,), x.dtype).at[dst].add(1.0)
    norm_src = jax.lax.rsqrt(jnp.maximum(deg_out, 1.0))
    norm_dst = jax.lax.rsqrt(jnp.maximum(deg_in, 1.0))

    def gconv(h, W, b):
        h = h @ W
        h = h * norm_src[:, None]
        agg = jnp.zeros((n, W.shape[1]), h.dtype).at[dst].add(h[src])
        agg = agg * norm_dst[:, None]
        return agg + b

    h1 = jax.nn.relu(gconv(x, W1, b1))
    h1 = jax.nn.relu(gconv(h1, W2, b2))
    # dgl.mean_nodes over a single graph -> mean over nodes
    hg = jnp.mean(h1, axis=0, keepdims=True)
    o = jax.nn.relu(hg @ Wc1 + bc1)
    o = jax.nn.relu(o @ Wc2 + bc2)
    o = o @ Wc3 + bc3
    return o

if __name__ == "__main__":
    import jax
    _d = setup_inputs()
    print(jax.jit(kernel)(*tuple(_d.values())))

</pallas_src>

<mosaic_0001>
#map = affine_map<(d0, d1) -> (0, 0, 0)>
module attributes {stable_mosaic.version = 14 : i64} {
  func.func @_mp_body(%arg0: i32, %arg1: i32, %arg2: memref<2x10000x64xf32, #tpu.memory_space<hbm>>, %arg3: memref<2x2560x125xi32, #tpu.memory_space<hbm>>, %arg4: memref<2x10000x64xf32, #tpu.memory_space<hbm>>, %arg5: memref<10000x64xf32, #tpu.memory_space<vmem_shared>>, %arg6: memref<160x125xi32, #tpu.memory_space<vmem>>, %arg7: memref<160x125xi32, #tpu.memory_space<vmem>>, %arg8: memref<5x125x64xf32, #tpu.memory_space<vmem>>, %arg9: memref<5x!tpu.dma_semaphore, #tpu.memory_space<semaphore_mem>>, %arg10: memref<5x!tpu.dma_semaphore, #tpu.memory_space<semaphore_mem>>) attributes {dimension_semantics = [#tpu.dimension_semantics<core_parallel>, #tpu.dimension_semantics<subcore_parallel>], iteration_bounds = array<i64: 2, 16>, scalar_prefetch = 0 : i64, scratch_operands = 6 : i64, tpu.core_type = #tpu.core_type<sc_vector_subcore>, window_params = [{transform_indices = #map}, {transform_indices = #map}, {transform_indices = #map}]} {
    %mul3A = arith.constant 160 : i32
    %mul3A_0 = arith.muli %arg1, %mul3A : i32
    %run_scoped3A = arith.constant 0 : i32
    "tpu.region"() ({
      %run_scoped3A_769 = tpu.sem_alloc : memref<!tpu.dma_semaphore, #tpu.memory_space<semaphore_mem>>
      %dma_start3A_770 = arith.constant 0 : i32
      %dma_start3A_771 = tpu.memref_slice %arg3[%run_scoped3A, %mul3A_0, %dma_start3A_770] : memref<2x2560x125xi32, #tpu.memory_space<hbm>> -> memref<1x160x125xi32, #tpu.memory_space<hbm>>
      %dma_start3A_772 = tpu.memref_squeeze %dma_start3A_771 : memref<1x160x125xi32, #tpu.memory_space<hbm>> -> memref<160x125xi32, #tpu.memory_space<hbm>>
      %dma_start3A_773 = arith.constant 0 : i32
      %dma_start3A_774 = tpu.memref_slice %arg3[%run_scoped3A, %mul3A_0, %dma_start3A_773] : memref<2x2560x125xi32, #tpu.memory_space<hbm>> -> memref<1x160x125xi32, #tpu.memory_space<hbm>>
      %dma_start3A_775 = tpu.memref_squeeze %dma_start3A_774 : memref<1x160x125xi32, #tpu.memory_space<hbm>> -> memref<160x125xi32, #tpu.memory_space<hbm>>
      tpu.enqueue_dma source(%dma_start3A_775 : memref<160x125xi32, #tpu.memory_space<hbm>>) target(%arg6 : memref<160x125xi32, #tpu.memory_space<vmem>>) target_semaphore(%run_scoped3A_769 : memref<!tpu.dma_semaphore, #tpu.memory_space<semaphore_mem>>)
      %dma_wait3A_776 = arith.constant 0 : i32
      %dma_wait3A_777 = tpu.memref_slice %arg3[%run_scoped3A, %mul3A_0, %dma_wait3A_776] : memref<2x2560x125xi32, #tpu.memory_space<hbm>> -> memref<1x160x125xi32, #tpu.memory_space<hbm>>
      %dma_wait3A_778 = tpu.memref_squeeze %dma_wait3A_777 : memref<1x160x125xi32, #tpu.memory_space<hbm>> -> memref<160x125xi32, #tpu.memory_space<hbm>>
      %dma_wait3A_779 = arith.constant 0 : i32
      %dma_wait3A_780 = tpu.memref_slice %arg3[%run_scoped3A, %mul3A_0, %dma_wait3A_779] : memref<2x2560x125xi32, #tpu.memory_space<hbm>> -> memref<1x160x125xi32, #tpu.memory_space<hbm>>
      %dma_wait3A_781 = tpu.memref_squeeze %dma_wait3A_780 : memref<1x160x125xi32, #tpu.memory_space<hbm>> -> memref<160x125xi32, #tpu.memory_space<hbm>>
      tpu.wait_dma2 semaphore(%run_scoped3A_769 : memref<!tpu.dma_semaphore, #tpu.memory_space<semaphore_mem>>) src(%dma_wait3A_781 : memref<160x125xi32, #tpu.memory_space<hbm>>) dst(%arg6 : memref<160x125xi32, #tpu.memory_space<vmem>>)
      tpu.yield
    }) : () -> ()
    %mul3A_1 = arith.constant 160 : i32
    %mul3A_2 = arith.muli %arg1, %mul3A_1 : i32
    %run_scoped3A_3 = arith.constant 1 : i32
    "tpu.region"() ({
      %run_scoped3A_769 = tpu.sem_alloc : memref<!tpu.dma_semaphore, #tpu.memory_space<semaphore_mem>>
      %dma_start3A_770 = arith.constant 0 : i32
      %dma_start3A_771 = tpu.memref_slice %arg3[%run_scoped3A_3, %mul3A_2, %dma_start3A_770] : memref<2x2560x125xi32, #tpu.memory_space<hbm>> -> memref<1x160x125xi32, #tpu.memory_space<hbm>>
      %dma_start3A_772 = tpu.memref_squeeze %dma_start3A_771 : memref<1x160x125xi32, #tpu.memory_space<hbm>> -> memref<160x125xi32, #tpu.memory_space<hbm>>
      %dma_start3A_773 = arith.constant 0 : i32
      %dma_start3A_774 = tpu.memref_slice %arg3[%run_scoped3A_3, %mul3A_2, %dma_start3A_773] : memref<2x2560x125xi32, #tpu.memory_space<hbm>> -> memref<1x160x125xi32, #tpu.memory_space<hbm>>
      %dma_start3A_775 = tpu.memref_squeeze %dma_start3A_774 : memref<1x160x125xi32, #tpu.memory_space<hbm>> -> memref<160x125xi32, #tpu.memory_space<hbm>>
      tpu.enqueue_dma source(%dma_start3A_775 : memref<160x125xi32, #tpu.memory_space<hbm>>) target(%arg7 : memref<160x125xi32, #tpu.memory_space<vmem>>) target_semaphore(%run_scoped3A_769 : memref<!tpu.dma_semaphore, #tpu.memory_space<semaphore_mem>>)
      %dma_wait3A_776 = arith.constant 0 : i32
      %dma_wait3A_777 = tpu.memref_slice %arg3[%run_scoped3A_3, %mul3A_2, %dma_wait3A_776] : memref<2x2560x125xi32, #tpu.memory_space<hbm>> -> memref<1x160x125xi32, #tpu.memory_space<hbm>>
      %dma_wait3A_778 = tpu.memref_squeeze %dma_wait3A_777 : memref<1x160x125xi32, #tpu.memory_space<hbm>> -> memref<160x125xi32, #tpu.memory_space<hbm>>
      %dma_wait3A_779 = arith.constant 0 : i32
      %dma_wait3A_780 = tpu.memref_slice %arg3[%run_scoped3A_3, %mul3A_2, %dma_wait3A_779] : memref<2x2560x125xi32, #tpu.memory_space<hbm>> -> memref<1x160x125xi32, #tpu.memory_space<hbm>>
      %dma_wait3A_781 = tpu.memref_squeeze %dma_wait3A_780 : memref<1x160x125xi32, #tpu.memory_space<hbm>> -> memref<160x125xi32, #tpu.memory_space<hbm>>
      tpu.wait_dma2 semaphore(%run_scoped3A_769 : memref<!tpu.dma_semaphore, #tpu.memory_space<semaphore_mem>>) src(%dma_wait3A_781 : memref<160x125xi32, #tpu.memory_space<hbm>>) dst(%arg7 : memref<160x125xi32, #tpu.memory_space<vmem>>)
      tpu.yield
    }) : () -> ()
    %broadcast_in_dim3A = arith.constant 0.000000e+00 : f32
    %broadcast_in_dim3A_4 = vector.broadcast %broadcast_in_dim3A : f32 to vector<16xf32>
    %scan3A = arith.constant 0 : i32
    %scan3A_5 = arith.constant 0 : i32
    %scan3A_6 = arith.constant 125 : i32
    %scan3A_7 = arith.addi %scan3A_5, %scan3A_6 : i32
    %scan3A_8 = arith.constant 1 : i32
    scf.for %scan3A_769 = %scan3A_5 to %scan3A_7 step %scan3A_8  : i32 {
      %swap3A = arith.constant 0 : i32
      %swap3A_770 = arith.index_cast %swap3A : i32 to index
      %swap3A_771 = arith.index_cast %scan3A_769 : i32 to index
      %swap3A_772 = arith.constant 0 : index
      %swap3A_773 = tpu.vector_load %arg8[%swap3A_770, %swap3A_771, %swap3A_772] {strides = array<i32>} : memref<5x125x64xf32, #tpu.memory_space<vmem>>, vector<16xf32>,
      tpu.vector_store %arg8[%swap3A_770, %swap3A_771, %swap3A_772], %broadcast_in_dim3A_4 {strides = array<i32>} : memref<5x125x64xf32, #tpu.memory_space<vmem>>, vector<16xf32>,
      %swap3A_774 = arith.constant 0 : i32
      %swap3A_775 = arith.index_cast %swap3A_774 : i32 to index
      %swap3A_776 = arith.index_cast %scan3A_769 : i32 to index
      %swap3A_777 = arith.constant 16 : index
      %swap3A_778 = tpu.vector_load %arg8[%swap3A_775, %swap3A_776, %swap3A_777] {strides = array<i32>} : memref<5x125x64xf32, #tpu.memory_space<vmem>>, vector<16xf32>,
      tpu.vector_store %arg8[%swap3A_775, %swap3A_776, %swap3A_777], %broadcast_in_dim3A_4 {strides = array<i32>} : memref<5x125x64xf32, #tpu.memory_space<vmem>>, vector<16xf32>,
      %swap3A_779 = arith.constant 0 : i32
      %swap3A_780 = arith.index_cast %swap3A_779 : i32 to index
      %swap3A_781 = arith.index_cast %scan3A_769 : i32 to index
      %swap3A_782 = arith.constant 32 : index
      %swap3A_783 = tpu.vector_load %arg8[%swap3A_780, %swap3A_781, %swap3A_782] {strides = array<i32>} : memref<5x125x64xf32, #tpu.memory_space<vmem>>, vector<16xf32>,
      tpu.vector_store %arg8[%swap3A_780, %swap3A_781, %swap3A_782], %broadcast_in_dim3A_4 {strides = array<i32>} : memref<5x125x64xf32, #tpu.memory_space<vmem>>, vector<16xf32>,
      %swap3A_784 = arith.constant 0 : i32
      %swap3A_785 = arith.index_cast %swap3A_784 : i32 to index
      %swap3A_786 = arith.index_cast %scan3A_769 : i32 to index
      %swap3A_787 = arith.constant 48 : index
      %swap3A_788 = tpu.vector_load %arg8[%swap3A_785, %swap3A_786, %swap3A_787] {strides = array<i32>} : memref<5x125x64xf32, #tpu.memory_space<vmem>>, vector<16xf32>,
      tpu.vector_store %arg8[%swap3A_785, %swap3A_786, %swap3A_787], %broadcast_in_dim3A_4 {strides = array<i32>} : memref<5x125x64xf32, #tpu.memory_space<vmem>>, vector<16xf32>,
    }
    %scan3A_9 = arith.constant 125 : i32
    %mul3A_10 = arith.constant 625 : i32
    %mul3A_11 = arith.muli %arg1, %mul3A_10 : i32
    %add3A = arith.constant 0 : i32
    %add3A_12 = arith.addi %mul3A_11, %add3A : i32
    %run_scoped3A_13 = arith.constant 0 : i32
    "tpu.region"() ({
      %run_scoped3A_769 = tpu.sem_alloc : memref<!tpu.dma_semaphore, #tpu.memory_space<semaphore_mem>>
      %dma_start3A_770 = arith.constant 0 : i32
      %dma_start3A_771 = arith.constant 0 : i32
      %dma_start3A_772 = tpu.memref_slice %arg8[%run_scoped3A_13, %dma_start3A_770, %dma_start3A_771] : memref<5x125x64xf32, #tpu.memory_space<vmem>> -> memref<1x125x64xf32, #tpu.memory_space<vmem>>
      %dma_start3A_773 = tpu.memref_squeeze %dma_start3A_772 : memref<1x125x64xf32, #tpu.memory_space<vmem>> -> memref<125x64xf32, #tpu.memory_space<vmem>>
      %dma_start3A_774 = arith.constant 0 : i32
      %dma_start3A_775 = tpu.memref_slice %arg5[%add3A_12, %dma_start3A_774] : memref<10000x64xf32, #tpu.memory_space<vmem_shared>> -> memref<125x64xf32, #tpu.memory_space<vmem_shared>>
      %dma_start3A_776 = arith.constant 0 : i32
      %dma_start3A_777 = tpu.memref_slice %arg5[%add3A_12, %dma_start3A_776] : memref<10000x64xf32, #tpu.memory_space<vmem_shared>> -> memref<125x64xf32, #tpu.memory_space<vmem_shared>>
      %dma_start3A_778 = arith.constant 0 : i32
      %dma_start3A_779 = arith.constant 0 : i32
      %dma_start3A_780 = tpu.memref_slice %arg8[%run_scoped3A_13, %dma_start3A_778, %dma_start3A_779] : memref<5x125x64xf32, #tpu.memory_space<vmem>> -> memref<1x125x64xf32, #tpu.memory_space<vmem>>
      %dma_start3A_781 = tpu.memref_squeeze %dma_start3A_780 : memref<1x125x64xf32, #tpu.memory_space<vmem>> -> memref<125x64xf32, #tpu.memory_space<vmem>>
      tpu.enqueue_dma source(%dma_start3A_781 : memref<125x64xf32, #tpu.memory_space<vmem>>) target(%dma_start3A_777 : memref<125x64xf32, #tpu.memory_space<vmem_shared>>) target_semaphore(%run_scoped3A_769 : memref<!tpu.dma_semaphore, #tpu.memory_space<semaphore_mem>>)
      %dma_wait3A_782 = arith.constant 0 : i32
      %dma_wait3A_783 = arith.constant 0 : i32
      %dma_wait3A_784 = tpu.memref_slice %arg8[%run_scoped3A_13, %dma_wait3A_782, %dma_wait3A_783] : memref<5x125x64xf32, #tpu.memory_space<vmem>> -> memref<1x125x64xf32, #tpu.memory_space<vmem>>
      %dma_wait3A_785 = tpu.memref_squeeze %dma_wait3A_784 : memref<1x125x64xf32, #tpu.memory_space<vmem>> -> memref<125x64xf32, #tpu.memory_space<vmem>>
      %dma_wait3A_786 = arith.constant 0 : i32
      %dma_wait3A_787 = tpu.memref_slice %arg5[%add3A_12, %dma_wait3A_786] : memref<10000x64xf32, #tpu.memory_space<vmem_shared>> -> memref<125x64xf32, #tpu.memory_space<vmem_shared>>
      %dma_wait3A_788 = arith.constant 0 : i32
      %dma_wait3A_789 = tpu.memref_slice %arg5[%add3A_12, %dma_wait3A_788] : memref<10000x64xf32, #tpu.memory_space<vmem_shared>> -> memref<125x64xf32, #tpu.memory_space<vmem_shared>>
      %dma_wait3A_790 = arith.constant 0 : i32
      %dma_wait3A_791 = arith.constant 0 : i32
      %dma_wait3A_792 = tpu.memref_slice %arg8[%run_scoped3A_13, %dma_wait3A_790, %dma_wait3A_791] : memref<5x125x64xf32, #tpu.memory_space<vmem>> -> memref<1x125x64xf32, #tpu.memory_space<vmem>>
      %dma_wait3A_793 = tpu.memref_squeeze %dma_wait3A_792 : memref<1x125x64xf32, #tpu.memory_space<vmem>> -> memref<125x64xf32, #tpu.memory_space<vmem>>
      tpu.wait_dma2 semaphore(%run_scoped3A_769 : memref<!tpu.dma_semaphore, #tpu.memory_space<semaphore_mem>>) src(%dma_wait3A_793 : memref<125x64xf32, #tpu.memory_space<vmem>>) dst(%dma_wait3A_789 : memref<125x64xf32, #tpu.memory_space<vmem_shared>>)
      tpu.yield
    }) : () -> ()
    %mul3A_14 = arith.constant 625 : i32
    %mul3A_15 = arith.muli %arg1, %mul3A_14 : i32
    %add3A_16 = arith.constant 125 : i32
    %add3A_17 = arith.addi %mul3A_15, %add3A_16 : i32
    %run_scoped3A_18 = arith.constant 0 : i32
    "tpu.region"() ({
      %run_scoped3A_769 = tpu.sem_alloc : memref<!tpu.dma_semaphore, #tpu.memory_space<semaphore_mem>>
      %dma_start3A_770 = arith.constant 0 : i32
      %dma_start3A_771 = arith.constant 0 : i32
      %dma_start3A_772 = tpu.memref_slice %arg8[%run_scoped3A_18, %dma_start3A_770, %dma_start3A_771] : memref<5x125x64xf32, #tpu.memory_space<vmem>> -> memref<1x125x64xf32, #tpu.memory_space<vmem>>
      %dma_start3A_773 = tpu.memref_squeeze %dma_start3A_772 : memref<1x125x64xf32, #tpu.memory_space<vmem>> -> memref<125x64xf32, #tpu.memory_space<vmem>>
      %dma_start3A_774 = arith.constant 0 : i32
      %dma_start3A_775 = tpu.memref_slice %arg5[%add3A_17, %dma_start3A_774] : memref<10000x64xf32, #tpu.memory_space<vmem_shared>> -> memref<125x64xf32, #tpu.memory_space<vmem_shared>>
      %dma_start3A_776 = arith.constant 0 : i32
      %dma_start3A_777 = tpu.memref_slice %arg5[%add3A_17, %dma_start3A_776] : memref<10000x64xf32, #tpu.memory_space<vmem_shared>> -> memref<125x64xf32, #tpu.memory_space<vmem_shared>>
      %dma_start3A_778 = arith.constant 0 : i32
      %dma_start3A_779 = arith.constant 0 : i32
      %dma_start3A_780 = tpu.memref_slice %arg8[%run_scoped3A_18, %dma_start3A_778, %dma_start3A_779] : memref<5x125x64xf32, #tpu.memory_space<vmem>> -> memref<1x125x64xf32, #tpu.memory_space<vmem>>
      %dma_start3A_781 = tpu.memref_squeeze %dma_start3A_780 : memref<1x125x64xf32, #tpu.memory_space<vmem>> -> memref<125x64xf32, #tpu.memory_space<vmem>>
      tpu.enqueue_dma source(%dma_start3A_781 : memref<125x64xf32, #tpu.memory_space<vmem>>) target(%dma_start3A_777 : memref<125x64xf32, #tpu.memory_space<vmem_shared>>) target_semaphore(%run_scoped3A_769 : memref<!tpu.dma_semaphore, #tpu.memory_space<semaphore_mem>>)
      %dma_wait3A_782 = arith.constant 0 : i32
      %dma_wait3A_783 = arith.constant 0 : i32
      %dma_wait3A_784 = tpu.memref_slice %arg8[%run_scoped3A_18, %dma_wait3A_782, %dma_wait3A_783] : memref<5x125x64xf32, #tpu.memory_space<vmem>> -> memref<1x125x64xf32, #tpu.memory_space<vmem>>
      %dma_wait3A_785 = tpu.memref_squeeze %dma_wait3A_784 : memref<1x125x64xf32, #tpu.memory_space<vmem>> -> memref<125x64xf32, #tpu.memory_space<vmem>>
      %dma_wait3A_786 = arith.constant 0 : i32
      %dma_wait3A_787 = tpu.memref_slice %arg5[%add3A_17, %dma_wait3A_786] : memref<10000x64xf32, #tpu.memory_space<vmem_shared>> -> memref<125x64xf32, #tpu.memory_space<vmem_shared>>
      %dma_wait3A_788 = arith.constant 0 : i32
      %dma_wait3A_789 = tpu.memref_slice %arg5[%add3A_17, %dma_wait3A_788] : memref<10000x64xf32, #tpu.memory_space<vmem_shared>> -> memref<125x64xf32, #tpu.memory_space<vmem_shared>>
      %dma_wait3A_790 = arith.constant 0 : i32
      %dma_wait3A_791 = arith.constant 0 : i32
      %dma_wait3A_792 = tpu.memref_slice %arg8[%run_scoped3A_18, %dma_wait3A_790, %dma_wait3A_791] : memref<5x125x64xf32, #tpu.memory_space<vmem>> -> memref<1x125x64xf32, #tpu.memory_space<vmem>>
      %dma_wait3A_793 = tpu.memref_squeeze %dma_wait3A_792 : memref<1x125x64xf32, #tpu.memory_space<vmem>> -> memref<125x64xf32, #tpu.memory_space<vmem>>
      tpu.wait_dma2 semaphore(%run_scoped3A_769 : memref<!tpu.dma_semaphore, #tpu.memory_space<semaphore_mem>>) src(%dma_wait3A_793 : memref<125x64xf32, #tpu.memory_space<vmem>>) dst(%dma_wait3A_789 : memref<125x64xf32, #tpu.memory_space<vmem_shared>>)
      tpu.yield
    }) : () -> ()
    %mul3A_19 = arith.constant 625 : i32
    %mul3A_20 = arith.muli %arg1, %mul3A_19 : i32
    %add3A_21 = arith.constant 250 : i32
    %add3A_22 = arith.addi %mul3A_20, %add3A_21 : i32
    %run_scoped3A_23 = arith.constant 0 : i32
    "tpu.region"() ({
      %run_scoped3A_769 = tpu.sem_alloc : memref<!tpu.dma_semaphore, #tpu.memory_space<semaphore_mem>>
      %dma_start3A_770 = arith.constant 0 : i32
      %dma_start3A_771 = arith.constant 0 : i32
      %dma_start3A_772 = tpu.memref_slice %arg8[%run_scoped3A_23, %dma_start3A_770, %dma_start3A_771] : memref<5x125x64xf32, #tpu.memory_space<vmem>> -> memref<1x125x64xf32, #tpu.memory_space<vmem>>
      %dma_start3A_773 = tpu.memref_squeeze %dma_start3A_772 : memref<1x125x64xf32, #tpu.memory_space<vmem>> -> memref<125x64xf32, #tpu.memory_space<vmem>>
      %dma_start3A_774 = arith.constant 0 : i32
      %dma_start3A_775 = tpu.memref_slice %arg5[%add3A_22, %dma_start3A_774] : memref<10000x64xf32, #tpu.memory_space<vmem_shared>> -> memref<125x64xf32, #tpu.memory_space<vmem_shared>>
      %dma_start3A_776 = arith.constant 0 : i32
      %dma_start3A_777 = tpu.memref_slice %arg5[%add3A_22, %dma_start3A_776] : memref<10000x64xf32, #tpu.memory_space<vmem_shared>> -> memref<125x64xf32, #tpu.memory_space<vmem_shared>>
      %dma_start3A_778 = arith.constant 0 : i32
      %dma_start3A_779 = arith.constant 0 : i32
      %dma_start3A_780 = tpu.memref_slice %arg8[%run_scoped3A_23, %dma_start3A_778, %dma_start3A_779] : memref<5x125x64xf32, #tpu.memory_space<vmem>> -> memref<1x125x64xf32, #tpu.memory_space<vmem>>
      %dma_start3A_781 = tpu.memref_squeeze %dma_start3A_780 : memref<1x125x64xf32, #tpu.memory_space<vmem>> -> memref<125x64xf32, #tpu.memory_space<vmem>>
      tpu.enqueue_dma source(%dma_start3A_781 : memref<125x64xf32, #tpu.memory_space<vmem>>) target(%dma_start3A_777 : memref<125x64xf32, #tpu.memory_space<vmem_shared>>) target_semaphore(%run_scoped3A_769 : memref<!tpu.dma_semaphore, #tpu.memory_space<semaphore_mem>>)
      %dma_wait3A_782 = arith.constant 0 : i32
      %dma_wait3A_783 = arith.constant 0 : i32
      %dma_wait3A_784 = tpu.memref_slice %arg8[%run_scoped3A_23, %dma_wait3A_782, %dma_wait3A_783] : memref<5x125x64xf32, #tpu.memory_space<vmem>> -> memref<1x125x64xf32, #tpu.memory_space<vmem>>
      %dma_wait3A_785 = tpu.memref_squeeze %dma_wait3A_784 : memref<1x125x64xf32, #tpu.memory_space<vmem>> -> memref<125x64xf32, #tpu.memory_space<vmem>>
      %dma_wait3A_786 = arith.constant 0 : i32
      %dma_wait3A_787 = tpu.memref_slice %arg5[%add3A_22, %dma_wait3A_786] : memref<10000x64xf32, #tpu.memory_space<vmem_shared>> -> memref<125x64xf32, #tpu.memory_space<vmem_shared>>
      %dma_wait3A_788 = arith.constant 0 : i32
      %dma_wait3A_789 = tpu.memref_slice %arg5[%add3A_22, %dma_wait3A_788] : memref<10000x64xf32, #tpu.memory_space<vmem_shared>> -> memref<125x64xf32, #tpu.memory_space<vmem_shared>>
      %dma_wait3A_790 = arith.constant 0 : i32
      %dma_wait3A_791 = arith.constant 0 : i32
      %dma_wait3A_792 = tpu.memref_slice %arg8[%run_scoped3A_23, %dma_wait3A_790, %dma_wait3A_791] : memref<5x125x64xf32, #tpu.memory_space<vmem>> -> memref<1x125x64xf32, #tpu.memory_space<vmem>>
      %dma_wait3A_793 = tpu.memref_squeeze %dma_wait3A_792 : memref<1x125x64xf32, #tpu.memory_space<vmem>> -> memref<125x64xf32, #tpu.memory_space<vmem>>
      tpu.wait_dma2 semaphore(%run_scoped3A_769 : memref<!tpu.dma_semaphore, #tpu.memory_space<semaphore_mem>>) src(%dma_wait3A_793 : memref<125x64xf32, #tpu.memory_space<vmem>>) dst(%dma_wait3A_789 : memref<125x64xf32, #tpu.memory_space<vmem_shared>>)
      tpu.yield
    }) : () -> ()
    %mul3A_24 = arith.constant 625 : i32
    %mul3A_25 = arith.muli %arg1, %mul3A_24 : i32
    %add3A_26 = arith.constant 375 : i32
    %add3A_27 = arith.addi %mul3A_25, %add3A_26 : i32
    %run_scoped3A_28 = arith.constant 0 : i32
    "tpu.region"() ({
      %run_scoped3A_769 = tpu.sem_alloc : memref<!tpu.dma_semaphore, #tpu.memory_space<semaphore_mem>>
      %dma_start3A_770 = arith.constant 0 : i32
      %dma_start3A_771 = arith.constant 0 : i32
      %dma_start3A_772 = tpu.memref_slice %arg8[%run_scoped3A_28, %dma_start3A_770, %dma_start3A_771] : memref<5x125x64xf32, #tpu.memory_space<vmem>> -> memref<1x125x64xf32, #tpu.memory_space<vmem>>
      %dma_start3A_773 = tpu.memref_squeeze %dma_start3A_772 : memref<1x125x64xf32, #tpu.memory_space<vmem>> -> memref<125x64xf32, #tpu.memory_space<vmem>>
      %dma_start3A_774 = arith.constant 0 : i32
      %dma_start3A_775 = tpu.memref_slice %arg5[%add3A_27, %dma_start3A_774] : memref<10000x64xf32, #tpu.memory_space<vmem_shared>> -> memref<125x64xf32, #tpu.memory_space<vmem_shared>>
      %dma_start3A_776 = arith.constant 0 : i32
      %dma_start3A_777 = tpu.memref_slice %arg5[%add3A_27, %dma_start3A_776] : memref<10000x64xf32, #tpu.memory_space<vmem_shared>> -> memref<125x64xf32, #tpu.memory_space<vmem_shared>>
      %dma_start3A_778 = arith.constant 0 : i32
      %dma_start3A_779 = arith.constant 0 : i32
      %dma_start3A_780 = tpu.memref_slice %arg8[%run_scoped3A_28, %dma_start3A_778, %dma_start3A_779] : memref<5x125x64xf32, #tpu.memory_space<vmem>> -> memref<1x125x64xf32, #tpu.memory_space<vmem>>
      %dma_start3A_781 = tpu.memref_squeeze %dma_start3A_780 : memref<1x125x64xf32, #tpu.memory_space<vmem>> -> memref<125x64xf32, #tpu.memory_space<vmem>>
      tpu.enqueue_dma source(%dma_start3A_781 : memref<125x64xf32, #tpu.memory_space<vmem>>) target(%dma_start3A_777 : memref<125x64xf32, #tpu.memory_space<vmem_shared>>) target_semaphore(%run_scoped3A_769 : memref<!tpu.dma_semaphore, #tpu.memory_space<semaphore_mem>>)
      %dma_wait3A_782 = arith.constant 0 : i32
      %dma_wait3A_783 = arith.constant 0 : i32
      %dma_wait3A_784 = tpu.memref_slice %arg8[%run_scoped3A_28, %dma_wait3A_782, %dma_wait3A_783] : memref<5x125x64xf32, #tpu.memory_space<vmem>> -> memref<1x125x64xf32, #tpu.memory_space<vmem>>
      %dma_wait3A_785 = tpu.memref_squeeze %dma_wait3A_784 : memref<1x125x64xf32, #tpu.memory_space<vmem>> -> memref<125x64xf32, #tpu.memory_space<vmem>>
      %dma_wait3A_786 = arith.constant 0 : i32
      %dma_wait3A_787 = tpu.memref_slice %arg5[%add3A_27, %dma_wait3A_786] : memref<10000x64xf32, #tpu.memory_space<vmem_shared>> -> memref<125x64xf32, #tpu.memory_space<vmem_shared>>
      %dma_wait3A_788 = arith.constant 0 : i32
      %dma_wait3A_789 = tpu.memref_slice %arg5[%add3A_27, %dma_wait3A_788] : memref<10000x64xf32, #tpu.memory_space<vmem_shared>> -> memref<125x64xf32, #tpu.memory_space<vmem_shared>>
      %dma_wait3A_790 = arith.constant 0 : i32
      %dma_wait3A_791 = arith.constant 0 : i32
      %dma_wait3A_792 = tpu.memref_slice %arg8[%run_scoped3A_28, %dma_wait3A_790, %dma_wait3A_791] : memref<5x125x64xf32, #tpu.memory_space<vmem>> -> memref<1x125x64xf32, #tpu.memory_space<vmem>>
      %dma_wait3A_793 = tpu.memref_squeeze %dma_wait3A_792 : memref<1x125x64xf32, #tpu.memory_space<vmem>> -> memref<125x64xf32, #tpu.memory_space<vmem>>
      tpu.wait_dma2 semaphore(%run_scoped3A_769 : memref<!tpu.dma_semaphore, #tpu.memory_space<semaphore_mem>>) src(%dma_wait3A_793 : memref<125x64xf32, #tpu.memory_space<vmem>>) dst(%dma_wait3A_789 : memref<125x64xf32, #tpu.memory_space<vmem_shared>>)
      tpu.yield
    }) : () -> ()
    %mul3A_29 = arith.constant 625 : i32
    %mul3A_30 = arith.muli %arg1, %mul3A_29 : i32
    %add3A_31 = arith.constant 500 : i32
    %add3A_32 = arith.addi %mul3A_30, %add3A_31 : i32
    %run_scoped3A_33 = arith.constant 0 : i32
    "tpu.region"() ({
      %run_scoped3A_769 = tpu.sem_alloc : memref<!tpu.dma_semaphore, #tpu.memory_space<semaphore_mem>>
      %dma_start3A_770 = arith.constant 0 : i32
      %dma_start3A_771 = arith.constant 0 : i32
      %dma_start3A_772 = tpu.memref_slice %arg8[%run_scoped3A_33, %dma_start3A_770, %dma_start3A_771] : memref<5x125x64xf32, #tpu.memory_space<vmem>> -> memref<1x125x64xf32, #tpu.memory_space<vmem>>
      %dma_start3A_773 = tpu.memref_squeeze %dma_start3A_772 : memref<1x125x64xf32, #tpu.memory_space<vmem>> -> memref<125x64xf32, #tpu.memory_space<vmem>>
      %dma_start3A_774 = arith.constant 0 : i32
      %dma_start3A_775 = tpu.memref_slice %arg5[%add3A_32, %dma_start3A_774] : memref<10000x64xf32, #tpu.memory_space<vmem_shared>> -> memref<125x64xf32, #tpu.memory_space<vmem_shared>>
      %dma_start3A_776 = arith.constant 0 : i32
      %dma_start3A_777 = tpu.memref_slice %arg5[%add3A_32, %dma_start3A_776] : memref<10000x64xf32, #tpu.memory_space<vmem_shared>> -> memref<125x64xf32, #tpu.memory_space<vmem_shared>>
      %dma_start3A_778 = arith.constant 0 : i32
      %dma_start3A_779 = arith.constant 0 : i32
      %dma_start3A_780 = tpu.memref_slice %arg8[%run_scoped3A_33, %dma_start3A_778, %dma_start3A_779] : memref<5x125x64xf32, #tpu.memory_space<vmem>> -> memref<1x125x64xf32, #tpu.memory_space<vmem>>
      %dma_start3A_781 = tpu.memref_squeeze %dma_start3A_780 : memref<1x125x64xf32, #tpu.memory_space<vmem>> -> memref<125x64xf32, #tpu.memory_space<vmem>>
      tpu.enqueue_dma source(%dma_start3A_781 : memref<125x64xf32, #tpu.memory_space<vmem>>) target(%dma_start3A_777 : memref<125x64xf32, #tpu.memory_space<vmem_shared>>) target_semaphore(%run_scoped3A_769 : memref<!tpu.dma_semaphore, #tpu.memory_space<semaphore_mem>>)
      %dma_wait3A_782 = arith.constant 0 : i32
      %dma_wait3A_783 = arith.constant 0 : i32
      %dma_wait3A_784 = tpu.memref_slice %arg8[%run_scoped3A_33, %dma_wait3A_782, %dma_wait3A_783] : memref<5x125x64xf32, #tpu.memory_space<vmem>> -> memref<1x125x64xf32, #tpu.memory_space<vmem>>
      %dma_wait3A_785 = tpu.memref_squeeze %dma_wait3A_784 : memref<1x125x64xf32, #tpu.memory_space<vmem>> -> memref<125x64xf32, #tpu.memory_space<vmem>>
      %dma_wait3A_786 = arith.constant 0 : i32
      %dma_wait3A_787 = tpu.memref_slice %arg5[%add3A_32, %dma_wait3A_786] : memref<10000x64xf32, #tpu.memory_space<vmem_shared>> -> memref<125x64xf32, #tpu.memory_space<vmem_shared>>
      %dma_wait3A_788 = arith.constant 0 : i32
      %dma_wait3A_789 = tpu.memref_slice %arg5[%add3A_32, %dma_wait3A_788] : memref<10000x64xf32, #tpu.memory_space<vmem_shared>> -> memref<125x64xf32, #tpu.memory_space<vmem_shared>>
      %dma_wait3A_790 = arith.constant 0 : i32
      %dma_wait3A_791 = arith.constant 0 : i32
      %dma_wait3A_792 = tpu.memref_slice %arg8[%run_scoped3A_33, %dma_wait3A_790, %dma_wait3A_791] : memref<5x125x64xf32, #tpu.memory_space<vmem>> -> memref<1x125x64xf32, #tpu.memory_space<vmem>>
      %dma_wait3A_793 = tpu.memref_squeeze %dma_wait3A_792 : memref<1x125x64xf32, #tpu.memory_space<vmem>> -> memref<125x64xf32, #tpu.memory_space<vmem>>
      tpu.wait_dma2 semaphore(%run_scoped3A_769 : memref<!tpu.dma_semaphore, #tpu.memory_space<semaphore_mem>>) src(%dma_wait3A_793 : memref<125x64xf32, #tpu.memory_space<vmem>>) dst(%dma_wait3A_789 : memref<125x64xf32, #tpu.memory_space<vmem_shared>>)
      tpu.yield
    }) : () -> ()
    %barrier3A = arith.constant 0 : index
    tpu.barrier barrier_id(%barrier3A)
    %dma_start3A = arith.constant 0 : i32
    %dma_start3A_34 = arith.constant 0 : i32
    %dma_start3A_35 = arith.constant 0 : i32
    %dma_start3A_36 = arith.constant 0 : i32
    %dma_start3A_37 = arith.constant 0 : i32
    %dma_start3A_38 = tpu.memref_slice %arg8[%dma_start3A_34, %dma_start3A_36, %dma_start3A_37] : memref<5x125x64xf32, #tpu.memory_space<vmem>> -> memref<1x125x64xf32, #tpu.memory_space<vmem>>
    %dma_start3A_39 = tpu.memref_squeeze %dma_start3A_38 : memref<1x125x64xf32, #tpu.memory_space<vmem>> -> memref<125x64xf32, #tpu.memory_space<vmem>>
    %dma_start3A_40 = arith.constant 0 : i32
    %dma_start3A_41 = tpu.memref_slice %arg6[%dma_start3A, %dma_start3A_40] : memref<160x125xi32, #tpu.memory_space<vmem>> -> memref<1x125xi32, #tpu.memory_space<vmem>>
    %dma_start3A_42 = tpu.memref_squeeze %dma_start3A_41 : memref<1x125xi32, #tpu.memory_space<vmem>> -> memref<125xi32, #tpu.memory_space<vmem>>
    %dma_start3A_43 = arith.constant 0 : i32
    %dma_start3A_44 = arith.constant 0 : i32
    %dma_start3A_45 = tpu.memref_slice %arg2[%arg0, %dma_start3A_43, %dma_start3A_44] : memref<2x10000x64xf32, #tpu.memory_space<hbm>> -> memref<1x10000x64xf32, #tpu.memory_space<hbm>>
    %dma_start3A_46 = tpu.memref_squeeze %dma_start3A_45 : memref<1x10000x64xf32, #tpu.memory_space<hbm>> -> memref<10000x64xf32, #tpu.memory_space<hbm>>
    %dma_start3A_47 = arith.constant 0 : i32
    %dma_start3A_48 = arith.constant 0 : i32
    %dma_start3A_49 = tpu.memref_slice %dma_start3A_46[%dma_start3A_47, %dma_start3A_48] : memref<10000x64xf32, #tpu.memory_space<hbm>> -> memref<10000x64xf32, #tpu.memory_space<hbm>>
    %dma_start3A_50 = tpu.memref_slice %arg9[%dma_start3A_35] : memref<5x!tpu.dma_semaphore, #tpu.memory_space<semaphore_mem>> -> memref<1x!tpu.dma_semaphore, #tpu.memory_space<semaphore_mem>>
    %dma_start3A_51 = tpu.memref_squeeze %dma_start3A_50 : memref<1x!tpu.dma_semaphore, #tpu.memory_space<semaphore_mem>> -> memref<!tpu.dma_semaphore, #tpu.memory_space<semaphore_mem>>
    tpu.enqueue_indirect_dma source(%dma_start3A_49 : memref<10000x64xf32, #tpu.memory_space<hbm>>) target(%dma_start3A_39 : memref<125x64xf32, #tpu.memory_space<vmem>>) offsets(%dma_start3A_42 : memref<125xi32, #tpu.memory_space<vmem>>) semaphore(%dma_start3A_51 : memref<!tpu.dma_semaphore, #tpu.memory_space<semaphore_mem>>)
    %dma_start3A_52 = arith.constant 1 : i32
    %dma_start3A_53 = arith.constant 1 : i32
    %dma_start3A_54 = arith.constant 1 : i32
    %dma_start3A_55 = arith.constant 0 : i32
    %dma_start3A_56 = arith.constant 0 : i32
    %dma_start3A_57 = tpu.memref_slice %arg8[%dma_start3A_53, %dma_start3A_55, %dma_start3A_56] : memref<5x125x64xf32, #tpu.memory_space<vmem>> -> memref<1x125x64xf32, #tpu.memory_space<vmem>>
    %dma_start3A_58 = tpu.memref_squeeze %dma_start3A_57 : memref<1x125x64xf32, #tpu.memory_space<vmem>> -> memref<125x64xf32, #tpu.memory_space<vmem>>
    %dma_start3A_59 = arith.constant 0 : i32
    %dma_start3A_60 = tpu.memref_slice %arg6[%dma_start3A_52, %dma_start3A_59] : memref<160x125xi32, #tpu.memory_space<vmem>> -> memref<1x125xi32, #tpu.memory_space<vmem>>
    %dma_start3A_61 = tpu.memref_squeeze %dma_start3A_60 : memref<1x125xi32, #tpu.memory_space<vmem>> -> memref<125xi32, #tpu.memory_space<vmem>>
    %dma_start3A_62 = arith.constant 0 : i32
    %dma_start3A_63 = arith.constant 0 : i32
    %dma_start3A_64 = tpu.memref_slice %arg2[%arg0, %dma_start3A_62, %dma_start3A_63] : memref<2x10000x64xf32, #tpu.memory_space<hbm>> -> memref<1x10000x64xf32, #tpu.memory_space<hbm>>
    %dma_start3A_65 = tpu.memref_squeeze %dma_start3A_64 : memref<1x10000x64xf32, #tpu.memory_space<hbm>> -> memref<10000x64xf32, #tpu.memory_space<hbm>>
    %dma_start3A_66 = arith.constant 0 : i32
    %dma_start3A_67 = arith.constant 0 : i32
    %dma_start3A_68 = tpu.memref_slice %dma_start3A_65[%dma_start3A_66, %dma_start3A_67] : memref<10000x64xf32, #tpu.memory_space<hbm>> -> memref<10000x64xf32, #tpu.memory_space<hbm>>
    %dma_start3A_69 = tpu.memref_slice %arg9[%dma_start3A_54] : memref<5x!tpu.dma_semaphore, #tpu.memory_space<semaphore_mem>> -> memref<1x!tpu.dma_semaphore, #tpu.memory_space<semaphore_mem>>
    %dma_start3A_70 = tpu.memref_squeeze %dma_start3A_69 : memref<1x!tpu.dma_semaphore, #tpu.memory_space<semaphore_mem>> -> memref<!tpu.dma_semaphore, #tpu.memory_space<semaphore_mem>>
    tpu.enqueue_indirect_dma source(%dma_start3A_68 : memref<10000x64xf32, #tpu.memory_space<hbm>>) target(%dma_start3A_58 : memref<125x64xf32, #tpu.memory_space<vmem>>) offsets(%dma_start3A_61 : memref<125xi32, #tpu.memory_space<vmem>>) semaphore(%dma_start3A_70 : memref<!tpu.dma_semaphore, #tpu.memory_space<semaphore_mem>>)
    %dma_start3A_71 = arith.constant 2 : i32
    %dma_start3A_72 = arith.constant 2 : i32
    %dma_start3A_73 = arith.constant 2 : i32
    %dma_start3A_74 = arith.constant 0 : i32
    %dma_start3A_75 = arith.constant 0 : i32
    %dma_start3A_76 = tpu.memref_slice %arg8[%dma_start3A_72, %dma_start3A_74, %dma_start3A_75] : memref<5x125x64xf32, #tpu.memory_space<vmem>> -> memref<1x125x64xf32, #tpu.memory_space<vmem>>
    %dma_start3A_77 = tpu.memref_squeeze %dma_start3A_76 : memref<1x125x64xf32, #tpu.memory_space<vmem>> -> memref<125x64xf32, #tpu.memory_space<vmem>>
    %dma_start3A_78 = arith.constant 0 : i32
    %dma_start3A_79 = tpu.memref_slice %arg6[%dma_start3A_71, %dma_start3A_78] : memref<160x125xi32, #tpu.memory_space<vmem>> -> memref<1x125xi32, #tpu.memory_space<vmem>>
    %dma_start3A_80 = tpu.memref_squeeze %dma_start3A_79 : memref<1x125xi32, #tpu.memory_space<vmem>> -> memref<125xi32, #tpu.memory_space<vmem>>
    %dma_start3A_81 = arith.constant 0 : i32
    %dma_start3A_82 = arith.constant 0 : i32
    %dma_start3A_83 = tpu.memref_slice %arg2[%arg0, %dma_start3A_81, %dma_start3A_82] : memref<2x10000x64xf32, #tpu.memory_space<hbm>> -> memref<1x10000x64xf32, #tpu.memory_space<hbm>>
    %dma_start3A_84 = tpu.memref_squeeze %dma_start3A_83 : memref<1x10000x64xf32, #tpu.memory_space<hbm>> -> memref<10000x64xf32, #tpu.memory_space<hbm>>
    %dma_start3A_85 = arith.constant 0 : i32
    %dma_start3A_86 = arith.constant 0 : i32
    %dma_start3A_87 = tpu.memref_slice %dma_start3A_84[%dma_start3A_85, %dma_start3A_86] : memref<10000x64xf32, #tpu.memory_space<hbm>> -> memref<10000x64xf32, #tpu.memory_space<hbm>>
    %dma_start3A_88 = tpu.memref_slice %arg9[%dma_start3A_73] : memref<5x!tpu.dma_semaphore, #tpu.memory_space<semaphore_mem>> -> memref<1x!tpu.dma_semaphore, #tpu.memory_space<semaphore_mem>>
    %dma_start3A_89 = tpu.memref_squeeze %dma_start3A_88 : memref<1x!tpu.dma_semaphore, #tpu.memory_space<semaphore_mem>> -> memref<!tpu.dma_semaphore, #tpu.memory_space<semaphore_mem>>
    tpu.enqueue_indirect_dma source(%dma_start3A_87 : memref<10000x64xf32, #tpu.memory_space<hbm>>) target(%dma_start3A_77 : memref<125x64xf32, #tpu.memory_space<vmem>>) offsets(%dma_start3A_80 : memref<125xi32, #tpu.memory_space<vmem>>) semaphore(%dma_start3A_89 : memref<!tpu.dma_semaphore, #tpu.memory_space<semaphore_mem>>)
    %dma_start3A_90 = arith.constant 3 : i32
    %dma_start3A_91 = arith.constant 3 : i32
    %dma_start3A_92 = arith.constant 3 : i32
    %dma_start3A_93 = arith.constant 0 : i32
    %dma_start3A_94 = arith.constant 0 : i32
    %dma_start3A_95 = tpu.memref_slice %arg8[%dma_start3A_91, %dma_start3A_93, %dma_start3A_94] : memref<5x125x64xf32, #tpu.memory_space<vmem>> -> memref<1x125x64xf32, #tpu.memory_space<vmem>>
    %dma_start3A_96 = tpu.memref_squeeze %dma_start3A_95 : memref<1x125x64xf32, #tpu.memory_space<vmem>> -> memref<125x64xf32, #tpu.memory_space<vmem>>
    %dma_start3A_97 = arith.constant 0 : i32
    %dma_start3A_98 = tpu.memref_slice %arg6[%dma_start3A_90, %dma_start3A_97] : memref<160x125xi32, #tpu.memory_space<vmem>> -> memref<1x125xi32, #tpu.memory_space<vmem>>
    %dma_start3A_99 = tpu.memref_squeeze %dma_start3A_98 : memref<1x125xi32, #tpu.memory_space<vmem>> -> memref<125xi32, #tpu.memory_space<vmem>>
    %dma_start3A_100 = arith.constant 0 : i32
    %dma_start3A_101 = arith.constant 0 : i32
    %dma_start3A_102 = tpu.memref_slice %arg2[%arg0, %dma_start3A_100, %dma_start3A_101] : memref<2x10000x64xf32, #tpu.memory_space<hbm>> -> memref<1x10000x64xf32, #tpu.memory_space<hbm>>
    %dma_start3A_103 = tpu.memref_squeeze %dma_start3A_102 : memref<1x10000x64xf32, #tpu.memory_space<hbm>> -> memref<10000x64xf32, #tpu.memory_space<hbm>>
    %dma_start3A_104 = arith.constant 0 : i32
    %dma_start3A_105 = arith.constant 0 : i32
    %dma_start3A_106 = tpu.memref_slice %dma_start3A_103[%dma_start3A_104, %dma_start3A_105] : memref<10000x64xf32, #tpu.memory_space<hbm>> -> memref<10000x64xf32, #tpu.memory_space<hbm>>
    %dma_start3A_107 = tpu.memref_slice %arg9[%dma_start3A_92] : memref<5x!tpu.dma_semaphore, #tpu.memory_space<semaphore_mem>> -> memref<1x!tpu.dma_semaphore, #tpu.memory_space<semaphore_mem>>
    %dma_start3A_108 = tpu.memref_squeeze %dma_start3A_107 : memref<1x!tpu.dma_semaphore, #tpu.memory_space<semaphore_mem>> -> memref<!tpu.dma_semaphore, #tpu.memory_space<semaphore_mem>>
    tpu.enqueue_indirect_dma source(%dma_start3A_106 : memref<10000x64xf32, #tpu.memory_space<hbm>>) target(%dma_start3A_96 : memref<125x64xf32, #tpu.memory_space<vmem>>) offsets(%dma_start3A_99 : memref<125xi32, #tpu.memory_space<vmem>>) semaphore(%dma_start3A_108 : memref<!tpu.dma_semaphore, #tpu.memory_space<semaphore_mem>>)
    %dma_wait3A = arith.constant 0 : i32
    %dma_wait3A_109 = arith.constant 0 : i32
    %dma_wait3A_110 = arith.constant 0 : i32
    %dma_wait3A_111 = arith.constant 0 : i32
    %dma_wait3A_112 = arith.constant 0 : i32
    %dma_wait3A_113 = tpu.memref_slice %arg8[%dma_wait3A_109, %dma_wait3A_111, %dma_wait3A_112] : memref<5x125x64xf32, #tpu.memory_space<vmem>> -> memref<1x125x64xf32, #tpu.memory_space<vmem>>
    %dma_wait3A_114 = tpu.memref_squeeze %dma_wait3A_113 : memref<1x125x64xf32, #tpu.memory_space<vmem>> -> memref<125x64xf32, #tpu.memory_space<vmem>>
    %dma_wait3A_115 = arith.constant 0 : i32
    %dma_wait3A_116 = tpu.memref_slice %arg6[%dma_wait3A, %dma_wait3A_115] : memref<160x125xi32, #tpu.memory_space<vmem>> -> memref<1x125xi32, #tpu.memory_space<vmem>>
    %dma_wait3A_117 = tpu.memref_squeeze %dma_wait3A_116 : memref<1x125xi32, #tpu.memory_space<vmem>> -> memref<125xi32, #tpu.memory_space<vmem>>
    %dma_wait3A_118 = arith.constant 0 : i32
    %dma_wait3A_119 = arith.constant 0 : i32
    %dma_wait3A_120 = tpu.memref_slice %arg2[%arg0, %dma_wait3A_118, %dma_wait3A_119] : memref<2x10000x64xf32, #tpu.memory_space<hbm>> -> memref<1x10000x64xf32, #tpu.memory_space<hbm>>
    %dma_wait3A_121 = tpu.memref_squeeze %dma_wait3A_120 : memref<1x10000x64xf32, #tpu.memory_space<hbm>> -> memref<10000x64xf32, #tpu.memory_space<hbm>>
    %dma_wait3A_122 = arith.constant 0 : i32
    %dma_wait3A_123 = arith.constant 0 : i32
    %dma_wait3A_124 = tpu.memref_slice %dma_wait3A_121[%dma_wait3A_122, %dma_wait3A_123] : memref<10000x64xf32, #tpu.memory_space<hbm>> -> memref<10000x64xf32, #tpu.memory_space<hbm>>
    %dma_wait3A_125 = tpu.memref_slice %arg9[%dma_wait3A_110] : memref<5x!tpu.dma_semaphore, #tpu.memory_space<semaphore_mem>> -> memref<1x!tpu.dma_semaphore, #tpu.memory_space<semaphore_mem>>
    %dma_wait3A_126 = tpu.memref_squeeze %dma_wait3A_125 : memref<1x!tpu.dma_semaphore, #tpu.memory_space<semaphore_mem>> -> memref<!tpu.dma_semaphore, #tpu.memory_space<semaphore_mem>>
    tpu.wait_indirect_dma semaphore(%dma_wait3A_126 : memref<!tpu.dma_semaphore, #tpu.memory_space<semaphore_mem>>) src(%dma_wait3A_124 : memref<10000x64xf32, #tpu.memory_space<hbm>>) dst(%dma_wait3A_114 : memref<125x64xf32, #tpu.memory_space<vmem>>)
    %dma_start3A_127 = arith.constant 0 : i32
    %dma_start3A_128 = arith.constant 0 : i32
    %dma_start3A_129 = arith.constant 0 : i32
    %dma_start3A_130 = arith.constant 0 : i32
    %dma_start3A_131 = arith.constant 0 : i32
    %dma_start3A_132 = tpu.memref_slice %arg8[%dma_start3A_127, %dma_start3A_130, %dma_start3A_131] : memref<5x125x64xf32, #tpu.memory_space<vmem>> -> memref<1x125x64xf32, #tpu.memory_space<vmem>>
    %dma_start3A_133 = tpu.memref_squeeze %dma_start3A_132 : memref<1x125x64xf32, #tpu.memory_space<vmem>> -> memref<125x64xf32, #tpu.memory_space<vmem>>
    %dma_start3A_134 = arith.constant 0 : i32
    %dma_start3A_135 = tpu.memref_slice %arg7[%dma_start3A_128, %dma_start3A_134] : memref<160x125xi32, #tpu.memory_space<vmem>> -> memref<1x125xi32, #tpu.memory_space<vmem>>
    %dma_start3A_136 = tpu.memref_squeeze %dma_start3A_135 : memref<1x125xi32, #tpu.memory_space<vmem>> -> memref<125xi32, #tpu.memory_space<vmem>>
    %dma_start3A_137 = arith.constant 0 : i32
    %dma_start3A_138 = arith.constant 0 : i32
    %dma_start3A_139 = tpu.memref_slice %arg5[%dma_start3A_137, %dma_start3A_138] : memref<10000x64xf32, #tpu.memory_space<vmem_shared>> -> memref<10000x64xf32, #tpu.memory_space<vmem_shared>>
    %dma_start3A_140 = tpu.memref_slice %arg10[%dma_start3A_129] : memref<5x!tpu.dma_semaphore, #tpu.memory_space<semaphore_mem>> -> memref<1x!tpu.dma_semaphore, #tpu.memory_space<semaphore_mem>>
    %dma_start3A_141 = tpu.memref_squeeze %dma_start3A_140 : memref<1x!tpu.dma_semaphore, #tpu.memory_space<semaphore_mem>> -> memref<!tpu.dma_semaphore, #tpu.memory_space<semaphore_mem>>
    tpu.enqueue_indirect_dma source(%dma_start3A_133 : memref<125x64xf32, #tpu.memory_space<vmem>>) target(%dma_start3A_139 : memref<10000x64xf32, #tpu.memory_space<vmem_shared>>) offsets(%dma_start3A_136 : memref<125xi32, #tpu.memory_space<vmem>>) semaphore(%dma_start3A_141 : memref<!tpu.dma_semaphore, #tpu.memory_space<semaphore_mem>>) {add = true}
    %dma_start3A_142 = arith.constant 4 : i32
    %dma_start3A_143 = arith.constant 4 : i32
    %dma_start3A_144 = arith.constant 4 : i32
    %dma_start3A_145 = arith.constant 0 : i32
    %dma_start3A_146 = arith.constant 0 : i32
    %dma_start3A_147 = tpu.memref_slice %arg8[%dma_start3A_143, %dma_start3A_145, %dma_start3A_146] : memref<5x125x64xf32, #tpu.memory_space<vmem>> -> memref<1x125x64xf32, #tpu.memory_space<vmem>>
    %dma_start3A_148 = tpu.memref_squeeze %dma_start3A_147 : memref<1x125x64xf32, #tpu.memory_space<vmem>> -> memref<125x64xf32, #tpu.memory_space<vmem>>
    %dma_start3A_149 = arith.constant 0 : i32
    %dma_start3A_150 = tpu.memref_slice %arg6[%dma_start3A_142, %dma_start3A_149] : memref<160x125xi32, #tpu.memory_space<vmem>> -> memref<1x125xi32, #tpu.memory_space<vmem>>
    %dma_start3A_151 = tpu.memref_squeeze %dma_start3A_150 : memref<1x125xi32, #tpu.memory_space<vmem>> -> memref<125xi32, #tpu.memory_space<vmem>>
    %dma_start3A_152 = arith.constant 0 : i32
    %dma_start3A_153 = arith.constant 0 : i32
    %dma_start3A_154 = tpu.memref_slice %arg2[%arg0, %dma_start3A_152, %dma_start3A_153] : memref<2x10000x64xf32, #tpu.memory_space<hbm>> -> memref<1x10000x64xf32, #tpu.memory_space<hbm>>
    %dma_start3A_155 = tpu.memref_squeeze %dma_start3A_154 : memref<1x10000x64xf32, #tpu.memory_space<hbm>> -> memref<10000x64xf32, #tpu.memory_space<hbm>>
    %dma_start3A_156 = arith.constant 0 : i32
    %dma_start3A_157 = arith.constant 0 : i32
    %dma_start3A_158 = tpu.memref_slice %dma_start3A_155[%dma_start3A_156, %dma_start3A_157] : memref<10000x64xf32, #tpu.memory_space<hbm>> -> memref<10000x64xf32, #tpu.memory_space<hbm>>
    %dma_start3A_159 = tpu.memref_slice %arg9[%dma_start3A_144] : memref<5x!tpu.dma_semaphore, #tpu.memory_space<semaphore_mem>> -> memref<1x!tpu.dma_semaphore, #tpu.memory_space<semaphore_mem>>
    %dma_start3A_160 = tpu.memref_squeeze %dma_start3A_159 : memref<1x!tpu.dma_semaphore, #tpu.memory_space<semaphore_mem>> -> memref<!tpu.dma_semaphore, #tpu.memory_space<semaphore_mem>>
    tpu.enqueue_indirect_dma source(%dma_start3A_158 : memref<10000x64xf32, #tpu.memory_space<hbm>>) target(%dma_start3A_148 : memref<125x64xf32, #tpu.memory_space<vmem>>) offsets(%dma_start3A_151 : memref<125xi32, #tpu.memory_space<vmem>>) semaphore(%dma_start3A_160 : memref<!tpu.dma_semaphore, #tpu.memory_space<semaphore_mem>>)
    %dma_wait3A_161 = arith.constant 0 : i32
    %dma_wait3A_162 = arith.constant 1 : i32
    %dma_wait3A_163 = arith.constant 1 : i32
    %dma_wait3A_164 = arith.constant 0 : i32
    %dma_wait3A_165 = arith.constant 0 : i32
    %dma_wait3A_166 = tpu.memref_slice %arg8[%dma_wait3A_162, %dma_wait3A_164, %dma_wait3A_165] : memref<5x125x64xf32, #tpu.memory_space<vmem>> -> memref<1x125x64xf32, #tpu.memory_space<vmem>>
    %dma_wait3A_167 = tpu.memref_squeeze %dma_wait3A_166 : memref<1x125x64xf32, #tpu.memory_space<vmem>> -> memref<125x64xf32, #tpu.memory_space<vmem>>
    %dma_wait3A_168 = arith.constant 0 : i32
    %dma_wait3A_169 = tpu.memref_slice %arg6[%dma_wait3A_161, %dma_wait3A_168] : memref<160x125xi32, #tpu.memory_space<vmem>> -> memref<1x125xi32, #tpu.memory_space<vmem>>
    %dma_wait3A_170 = tpu.memref_squeeze %dma_wait3A_169 : memref<1x125xi32, #tpu.memory_space<vmem>> -> memref<125xi32, #tpu.memory_space<vmem>>
    %dma_wait3A_171 = arith.constant 0 : i32
    %dma_wait3A_172 = arith.constant 0 : i32
    %dma_wait3A_173 = tpu.memref_slice %arg2[%arg0, %dma_wait3A_171, %dma_wait3A_172] : memref<2x10000x64xf32, #tpu.memory_space<hbm>> -> memref<1x10000x64xf32, #tpu.memory_space<hbm>>
    %dma_wait3A_174 = tpu.memref_squeeze %dma_wait3A_173 : memref<1x10000x64xf32, #tpu.memory_space<hbm>> -> memref<10000x64xf32, #tpu.memory_space<hbm>>
    %dma_wait3A_175 = arith.constant 0 : i32
    %dma_wait3A_176 = arith.constant 0 : i32
    %dma_wait3A_177 = tpu.memref_slice %dma_wait3A_174[%dma_wait3A_175, %dma_wait3A_176] : memref<10000x64xf32, #tpu.memory_space<hbm>> -> memref<10000x64xf32, #tpu.memory_space<hbm>>
    %dma_wait3A_178 = tpu.memref_slice %arg9[%dma_wait3A_163] : memref<5x!tpu.dma_semaphore, #tpu.memory_space<semaphore_mem>> -> memref<1x!tpu.dma_semaphore, #tpu.memory_space<semaphore_mem>>
    %dma_wait3A_179 = tpu.memref_squeeze %dma_wait3A_178 : memref<1x!tpu.dma_semaphore, #tpu.memory_space<semaphore_mem>> -> memref<!tpu.dma_semaphore, #tpu.memory_space<semaphore_mem>>
    tpu.wait_indirect_dma semaphore(%dma_wait3A_179 : memref<!tpu.dma_semaphore, #tpu.memory_space<semaphore_mem>>) src(%dma_wait3A_177 : memref<10000x64xf32, #tpu.memory_space<hbm>>) dst(%dma_wait3A_167 : memref<125x64xf32, #tpu.memory_space<vmem>>)
    %dma_start3A_180 = arith.constant 1 : i32
    %dma_start3A_181 = arith.constant 1 : i32
    %dma_start3A_182 = arith.constant 1 : i32
    %dma_start3A_183 = arith.constant 0 : i32
    %dma_start3A_184 = arith.constant 0 : i32
    %dma_start3A_185 = tpu.memref_slice %arg8[%dma_start3A_180, %dma_start3A_183, %dma_start3A_184] : memref<5x125x64xf32, #tpu.memory_space<vmem>> -> memref<1x125x64xf32, #tpu.memory_space<vmem>>
    %dma_start3A_186 = tpu.memref_squeeze %dma_start3A_185 : memref<1x125x64xf32, #tpu.memory_space<vmem>> -> memref<125x64xf32, #tpu.memory_space<vmem>>
    %dma_start3A_187 = arith.constant 0 : i32
    %dma_start3A_188 = tpu.memref_slice %arg7[%dma_start3A_181, %dma_start3A_187] : memref<160x125xi32, #tpu.memory_space<vmem>> -> memref<1x125xi32, #tpu.memory_space<vmem>>
    %dma_start3A_189 = tpu.memref_squeeze %dma_start3A_188 : memref<1x125xi32, #tpu.memory_space<vmem>> -> memref<125xi32, #tpu.memory_space<vmem>>
    %dma_start3A_190 = arith.constant 0 : i32
    %dma_start3A_191 = arith.constant 0 : i32
    %dma_start3A_192 = tpu.memref_slice %arg5[%dma_start3A_190, %dma_start3A_191] : memref<10000x64xf32, #tpu.memory_space<vmem_shared>> -> memref<10000x64xf32, #tpu.memory_space<vmem_shared>>
    %dma_start3A_193 = tpu.memref_slice %arg10[%dma_start3A_182] : memref<5x!tpu.dma_semaphore, #tpu.memory_space<semaphore_mem>> -> memref<1x!tpu.dma_semaphore, #tpu.memory_space<semaphore_mem>>
    %dma_start3A_194 = tpu.memref_squeeze %dma_start3A_193 : memref<1x!tpu.dma_semaphore, #tpu.memory_space<semaphore_mem>> -> memref<!tpu.dma_semaphore, #tpu.memory_space<semaphore_mem>>
    tpu.enqueue_indirect_dma source(%dma_start3A_186 : memref<125x64xf32, #tpu.memory_space<vmem>>) target(%dma_start3A_192 : memref<10000x64xf32, #tpu.memory_space<vmem_shared>>) offsets(%dma_start3A_189 : memref<125xi32, #tpu.memory_space<vmem>>) semaphore(%dma_start3A_194 : memref<!tpu.dma_semaphore, #tpu.memory_space<semaphore_mem>>) {add = true}
    %dma_wait3A_195 = arith.constant 0 : i32
    %dma_wait3A_196 = arith.constant 0 : i32
    %dma_wait3A_197 = arith.constant 0 : i32
    %dma_wait3A_198 = arith.constant 0 : i32
    %dma_wait3A_199 = arith.constant 0 : i32
    %dma_wait3A_200 = tpu.memref_slice %arg8[%dma_wait3A_195, %dma_wait3A_198, %dma_wait3A_199] : memref<5x125x64xf32, #tpu.memory_space<vmem>> -> memref<1x125x64xf32, #tpu.memory_space<vmem>>
    %dma_wait3A_201 = tpu.memref_squeeze %dma_wait3A_200 : memref<1x125x64xf32, #tpu.memory_space<vmem>> -> memref<125x64xf32, #tpu.memory_space<vmem>>
    %dma_wait3A_202 = arith.constant 0 : i32
    %dma_wait3A_203 = tpu.memref_slice %arg7[%dma_wait3A_196, %dma_wait3A_202] : memref<160x125xi32, #tpu.memory_space<vmem>> -> memref<1x125xi32, #tpu.memory_space<vmem>>
    %dma_wait3A_204 = tpu.memref_squeeze %dma_wait3A_203 : memref<1x125xi32, #tpu.memory_space<vmem>> -> memref<125xi32, #tpu.memory_space<vmem>>
    %dma_wait3A_205 = arith.constant 0 : i32
    %dma_wait3A_206 = arith.constant 0 : i32
    %dma_wait3A_207 = tpu.memref_slice %arg5[%dma_wait3A_205, %dma_wait3A_206] : memref<10000x64xf32, #tpu.memory_space<vmem_shared>> -> memref<10000x64xf32, #tpu.memory_space<vmem_shared>>
    %dma_wait3A_208 = tpu.memref_slice %arg10[%dma_wait3A_197] : memref<5x!tpu.dma_semaphore, #tpu.memory_space<semaphore_mem>> -> memref<1x!tpu.dma_semaphore, #tpu.memory_space<semaphore_mem>>
    %dma_wait3A_209 = tpu.memref_squeeze %dma_wait3A_208 : memref<1x!tpu.dma_semaphore, #tpu.memory_space<semaphore_mem>> -> memref<!tpu.dma_semaphore, #tpu.memory_space<semaphore_mem>>
    tpu.wait_indirect_dma semaphore(%dma_wait3A_209 : memref<!tpu.dma_semaphore, #tpu.memory_space<semaphore_mem>>) src(%dma_wait3A_201 : memref<125x64xf32, #tpu.memory_space<vmem>>) dst(%dma_wait3A_207 : memref<10000x64xf32, #tpu.memory_space<vmem_shared>>)
    %dma_start3A_210 = arith.constant 5 : i32
    %dma_start3A_211 = arith.constant 0 : i32
    %dma_start3A_212 = arith.constant 0 : i32
    %dma_start3A_213 = arith.constant 0 : i32
    %dma_start3A_214 = arith.constant 0 : i32
    %dma_start3A_215 = tpu.memref_slice %arg8[%dma_start3A_211, %dma_start3A_213, %dma_start3A_214] : memref<5x125x64xf32, #tpu.memory_space<vmem>> -> memref<1x125x64xf32, #tpu.memory_space<vmem>>
    %dma_start3A_216 = tpu.memref_squeeze %dma_start3A_215 : memref<1x125x64xf32, #tpu.memory_space<vmem>> -> memref<125x64xf32, #tpu.memory_space<vmem>>
    %dma_start3A_217 = arith.constant 0 : i32
    %dma_start3A_218 = tpu.memref_slice %arg6[%dma_start3A_210, %dma_start3A_217] : memref<160x125xi32, #tpu.memory_space<vmem>> -> memref<1x125xi32, #tpu.memory_space<vmem>>
    %dma_start3A_219 = tpu.memref_squeeze %dma_start3A_218 : memref<1x125xi32, #tpu.memory_space<vmem>> -> memref<125xi32, #tpu.memory_space<vmem>>
    %dma_start3A_220 = arith.constant 0 : i32
    %dma_start3A_221 = arith.constant 0 : i32
    %dma_start3A_222 = tpu.memref_slice %arg2[%arg0, %dma_start3A_220, %dma_start3A_221] : memref<2x10000x64xf32, #tpu.memory_space<hbm>> -> memref<1x10000x64xf32, #tpu.memory_space<hbm>>
    %dma_start3A_223 = tpu.memref_squeeze %dma_start3A_222 : memref<1x10000x64xf32, #tpu.memory_space<hbm>> -> memref<10000x64xf32, #tpu.memory_space<hbm>>
    %dma_start3A_224 = arith.constant 0 : i32
    %dma_start3A_225 = arith.constant 0 : i32
    %dma_start3A_226 = tpu.memref_slice %dma_start3A_223[%dma_start3A_224, %dma_start3A_225] : memref<10000x64xf32, #tpu.memory_space<hbm>> -> memref<10000x64xf32, #tpu.memory_space<hbm>>
    %dma_start3A_227 = tpu.memref_slice %arg9[%dma_start3A_212] : memref<5x!tpu.dma_semaphore, #tpu.memory_space<semaphore_mem>> -> memref<1x!tpu.dma_semaphore, #tpu.memory_space<semaphore_mem>>
    %dma_start3A_228 = tpu.memref_squeeze %dma_start3A_227 : memref<1x!tpu.dma_semaphore, #tpu.memory_space<semaphore_mem>> -> memref<!tpu.dma_semaphore, #tpu.memory_space<semaphore_mem>>
    tpu.enqueue_indirect_dma source(%dma_start3A_226 : memref<10000x64xf32, #tpu.memory_space<hbm>>) target(%dma_start3A_216 : memref<125x64xf32, #tpu.memory_space<vmem>>) offsets(%dma_start3A_219 : memref<125xi32, #tpu.memory_space<vmem>>) semaphore(%dma_start3A_228 : memref<!tpu.dma_semaphore, #tpu.memory_space<semaphore_mem>>)
    %dma_wait3A_229 = arith.constant 0 : i32
    %dma_wait3A_230 = arith.constant 2 : i32
    %dma_wait3A_231 = arith.constant 2 : i32
    %dma_wait3A_232 = arith.constant 0 : i32
    %dma_wait3A_233 = arith.constant 0 : i32
    %dma_wait3A_234 = tpu.memref_slice %arg8[%dma_wait3A_230, %dma_wait3A_232, %dma_wait3A_233] : memref<5x125x64xf32, #tpu.memory_space<vmem>> -> memref<1x125x64xf32, #tpu.memory_space<vmem>>
    %dma_wait3A_235 = tpu.memref_squeeze %dma_wait3A_234 : memref<1x125x64xf32, #tpu.memory_space<vmem>> -> memref<125x64xf32, #tpu.memory_space<vmem>>
    %dma_wait3A_236 = arith.constant 0 : i32
    %dma_wait3A_237 = tpu.memref_slice %arg6[%dma_wait3A_229, %dma_wait3A_236] : memref<160x125xi32, #tpu.memory_space<vmem>> -> memref<1x125xi32, #tpu.memory_space<vmem>>
    %dma_wait3A_238 = tpu.memref_squeeze %dma_wait3A_237 : memref<1x125xi32, #tpu.memory_space<vmem>> -> memref<125xi32, #tpu.memory_space<vmem>>
    %dma_wait3A_239 = arith.constant 0 : i32
    %dma_wait3A_240 = arith.constant 0 : i32
    %dma_wait3A_241 = tpu.memref_slice %arg2[%arg0, %dma_wait3A_239, %dma_wait3A_240] : memref<2x10000x64xf32, #tpu.memory_space<hbm>> -> memref<1x10000x64xf32, #tpu.memory_space<hbm>>
    %dma_wait3A_242 = tpu.memref_squeeze %dma_wait3A_241 : memref<1x10000x64xf32, #tpu.memory_space<hbm>> -> memref<10000x64xf32, #tpu.memory_space<hbm>>
    %dma_wait3A_243 = arith.constant 0 : i32
    %dma_wait3A_244 = arith.constant 0 : i32
    %dma_wait3A_245 = tpu.memref_slice %dma_wait3A_242[%dma_wait3A_243, %dma_wait3A_244] : memref<10000x64xf32, #tpu.memory_space<hbm>> -> memref<10000x64xf32, #tpu.memory_space<hbm>>
    %dma_wait3A_246 = tpu.memref_slice %arg9[%dma_wait3A_231] : memref<5x!tpu.dma_semaphore, #tpu.memory_space<semaphore_mem>> -> memref<1x!tpu.dma_semaphore, #tpu.memory_space<semaphore_mem>>
    %dma_wait3A_247 = tpu.memref_squeeze %dma_wait3A_246 : memref<1x!tpu.dma_semaphore, #tpu.memory_space<semaphore_mem>> -> memref<!tpu.dma_semaphore, #tpu.memory_space<semaphore_mem>>
    tpu.wait_indirect_dma semaphore(%dma_wait3A_247 : memref<!tpu.dma_semaphore, #tpu.memory_space<semaphore_mem>>) src(%dma_wait3A_245 : memref<10000x64xf32, #tpu.memory_space<hbm>>) dst(%dma_wait3A_235 : memref<125x64xf32, #tpu.memory_space<vmem>>)
    %dma_start3A_248 = arith.constant 2 : i32
    %dma_start3A_249 = arith.constant 2 : i32
    %dma_start3A_250 = arith.constant 2 : i32
    %dma_start3A_251 = arith.constant 0 : i32
    %dma_start3A_252 = arith.constant 0 : i32
    %dma_start3A_253 = tpu.memref_slice %arg8[%dma_start3A_248, %dma_start3A_251, %dma_start3A_252] : memref<5x125x64xf32, #tpu.memory_space<vmem>> -> memref<1x125x64xf32, #tpu.memory_space<vmem>>
    %dma_start3A_254 = tpu.memref_squeeze %dma_start3A_253 : memref<1x125x64xf32, #tpu.memory_space<vmem>> -> memref<125x64xf32, #tpu.memory_space<vmem>>
    %dma_start3A_255 = arith.constant 0 : i32
    %dma_start3A_256 = tpu.memref_slice %arg7[%dma_start3A_249, %dma_start3A_255] : memref<160x125xi32, #tpu.memory_space<vmem>> -> memref<1x125xi32, #tpu.memory_space<vmem>>
    %dma_start3A_257 = tpu.memref_squeeze %dma_start3A_256 : memref<1x125xi32, #tpu.memory_space<vmem>> -> memref<125xi32, #tpu.memory_space<vmem>>
    %dma_start3A_258 = arith.constant 0 : i32
    %dma_start3A_259 = arith.constant 0 : i32
    %dma_start3A_260 = tpu.memref_slice %arg5[%dma_start3A_258, %dma_start3A_259] : memref<10000x64xf32, #tpu.memory_space<vmem_shared>> -> memref<10000x64xf32, #tpu.memory_space<vmem_shared>>
    %dma_start3A_261 = tpu.memref_slice %arg10[%dma_start3A_250] : memref<5x!tpu.dma_semaphore, #tpu.memory_space<semaphore_mem>> -> memref<1x!tpu.dma_semaphore, #tpu.memory_space<semaphore_mem>>
    %dma_start3A_262 = tpu.memref_squeeze %dma_start3A_261 : memref<1x!tpu.dma_semaphore, #tpu.memory_space<semaphore_mem>> -> memref<!tpu.dma_semaphore, #tpu.memory_space<semaphore_mem>>
    tpu.enqueue_indirect_dma source(%dma_start3A_254 : memref<125x64xf32, #tpu.memory_space<vmem>>) target(%dma_start3A_260 : memref<10000x64xf32, #tpu.memory_space<vmem_shared>>) offsets(%dma_start3A_257 : memref<125xi32, #tpu.memory_space<vmem>>) semaphore(%dma_start3A_262 : memref<!tpu.dma_semaphore, #tpu.memory_space<semaphore_mem>>) {add = true}
    %dma_wait3A_263 = arith.constant 1 : i32
    %dma_wait3A_264 = arith.constant 0 : i32
    %dma_wait3A_265 = arith.constant 1 : i32
    %dma_wait3A_266 = arith.constant 0 : i32
    %dma_wait3A_267 = arith.constant 0 : i32
    %dma_wait3A_268 = tpu.memref_slice %arg8[%dma_wait3A_263, %dma_wait3A_266, %dma_wait3A_267] : memref<5x125x64xf32, #tpu.memory_space<vmem>> -> memref<1x125x64xf32, #tpu.memory_space<vmem>>
    %dma_wait3A_269 = tpu.memref_squeeze %dma_wait3A_268 : memref<1x125x64xf32, #tpu.memory_space<vmem>> -> memref<125x64xf32, #tpu.memory_space<vmem>>
    %dma_wait3A_270 = arith.constant 0 : i32
    %dma_wait3A_271 = tpu.memref_slice %arg7[%dma_wait3A_264, %dma_wait3A_270] : memref<160x125xi32, #tpu.memory_space<vmem>> -> memref<1x125xi32, #tpu.memory_space<vmem>>
    %dma_wait3A_272 = tpu.memref_squeeze %dma_wait3A_271 : memref<1x125xi32, #tpu.memory_space<vmem>> -> memref<125xi32, #tpu.memory_space<vmem>>
    %dma_wait3A_273 = arith.constant 0 : i32
    %dma_wait3A_274 = arith.constant 0 : i32
    %dma_wait3A_275 = tpu.memref_slice %arg5[%dma_wait3A_273, %dma_wait3A_274] : memref<10000x64xf32, #tpu.memory_space<vmem_shared>> -> memref<10000x64xf32, #tpu.memory_space<vmem_shared>>
    %dma_wait3A_276 = tpu.memref_slice %arg10[%dma_wait3A_265] : memref<5x!tpu.dma_semaphore, #tpu.memory_space<semaphore_mem>> -> memref<1x!tpu.dma_semaphore, #tpu.memory_space<semaphore_mem>>
    %dma_wait3A_277 = tpu.memref_squeeze %dma_wait3A_276 : memref<1x!tpu.dma_semaphore, #tpu.memory_space<semaphore_mem>> -> memref<!tpu.dma_semaphore, #tpu.memory_space<semaphore_mem>>
    tpu.wait_indirect_dma semaphore(%dma_wait3A_277 : memref<!tpu.dma_semaphore, #tpu.memory_space<semaphore_mem>>) src(%dma_wait3A_269 : memref<125x64xf32, #tpu.memory_space<vmem>>) dst(%dma_wait3A_275 : memref<10000x64xf32, #tpu.memory_space<vmem_shared>>)
    %dma_start3A_278 = arith.constant 6 : i32
    %dma_start3A_279 = arith.constant 1 : i32
    %dma_start3A_280 = arith.constant 1 : i32
    %dma_start3A_281 = arith.constant 0 : i32
    %dma_start3A_282 = arith.constant 0 : i32
    %dma_start3A_283 = tpu.memref_slice %arg8[%dma_start3A_279, %dma_start3A_281, %dma_start3A_282] : memref<5x125x64xf32, #tpu.memory_space<vmem>> -> memref<1x125x64xf32, #tpu.memory_space<vmem>>
    %dma_start3A_284 = tpu.memref_squeeze %dma_start3A_283 : memref<1x125x64xf32, #tpu.memory_space<vmem>> -> memref<125x64xf32, #tpu.memory_space<vmem>>
    %dma_start3A_285 = arith.constant 0 : i32
    %dma_start3A_286 = tpu.memref_slice %arg6[%dma_start3A_278, %dma_start3A_285] : memref<160x125xi32, #tpu.memory_space<vmem>> -> memref<1x125xi32, #tpu.memory_space<vmem>>
    %dma_start3A_287 = tpu.memref_squeeze %dma_start3A_286 : memref<1x125xi32, #tpu.memory_space<vmem>> -> memref<125xi32, #tpu.memory_space<vmem>>
    %dma_start3A_288 = arith.constant 0 : i32
    %dma_start3A_289 = arith.constant 0 : i32
    %dma_start3A_290 = tpu.memref_slice %arg2[%arg0, %dma_start3A_288, %dma_start3A_289] : memref<2x10000x64xf32, #tpu.memory_space<hbm>> -> memref<1x10000x64xf32, #tpu.memory_space<hbm>>
    %dma_start3A_291 = tpu.memref_squeeze %dma_start3A_290 : memref<1x10000x64xf32, #tpu.memory_space<hbm>> -> memref<10000x64xf32, #tpu.memory_space<hbm>>
    %dma_start3A_292 = arith.constant 0 : i32
    %dma_start3A_293 = arith.constant 0 : i32
    %dma_start3A_294 = tpu.memref_slice %dma_start3A_291[%dma_start3A_292, %dma_start3A_293] : memref<10000x64xf32, #tpu.memory_space<hbm>> -> memref<10000x64xf32, #tpu.memory_space<hbm>>
    %dma_start3A_295 = tpu.memref_slice %arg9[%dma_start3A_280] : memref<5x!tpu.dma_semaphore, #tpu.memory_space<semaphore_mem>> -> memref<1x!tpu.dma_semaphore, #tpu.memory_space<semaphore_mem>>
    %dma_start3A_296 = tpu.memref_squeeze %dma_start3A_295 : memref<1x!tpu.dma_semaphore, #tpu.memory_space<semaphore_mem>> -> memref<!tpu.dma_semaphore, #tpu.memory_space<semaphore_mem>>
    tpu.enqueue_indirect_dma source(%dma_start3A_294 : memref<10000x64xf32, #tpu.memory_space<hbm>>) target(%dma_start3A_284 : memref<125x64xf32, #tpu.memory_space<vmem>>) offsets(%dma_start3A_287 : memref<125xi32, #tpu.memory_space<vmem>>) semaphore(%dma_start3A_296 : memref<!tpu.dma_semaphore, #tpu.memory_space<semaphore_mem>>)
    %dma_wait3A_297 = arith.constant 0 : i32
    %dma_wait3A_298 = arith.constant 3 : i32
    %dma_wait3A_299 = arith.constant 3 : i32
    %dma_wait3A_300 = arith.constant 0 : i32
    %dma_wait3A_301 = arith.constant 0 : i32
    %dma_wait3A_302 = tpu.memref_slice %arg8[%dma_wait3A_298, %dma_wait3A_300, %dma_wait3A_301] : memref<5x125x64xf32, #tpu.memory_space<vmem>> -> memref<1x125x64xf32, #tpu.memory_space<vmem>>
    %dma_wait3A_303 = tpu.memref_squeeze %dma_wait3A_302 : memref<1x125x64xf32, #tpu.memory_space<vmem>> -> memref<125x64xf32, #tpu.memory_space<vmem>>
    %dma_wait3A_304 = arith.constant 0 : i32
    %dma_wait3A_305 = tpu.memref_slice %arg6[%dma_wait3A_297, %dma_wait3A_304] : memref<160x125xi32, #tpu.memory_space<vmem>> -> memref<1x125xi32, #tpu.memory_space<vmem>>
    %dma_wait3A_306 = tpu.memref_squeeze %dma_wait3A_305 : memref<1x125xi32, #tpu.memory_space<vmem>> -> memref<125xi32, #tpu.memory_space<vmem>>
    %dma_wait3A_307 = arith.constant 0 : i32
    %dma_wait3A_308 = arith.constant 0 : i32
    %dma_wait3A_309 = tpu.memref_slice %arg2[%arg0, %dma_wait3A_307, %dma_wait3A_308] : memref<2x10000x64xf32, #tpu.memory_space<hbm>> -> memref<1x10000x64xf32, #tpu.memory_space<hbm>>
    %dma_wait3A_310 = tpu.memref_squeeze %dma_wait3A_309 : memref<1x10000x64xf32, #tpu.memory_space<hbm>> -> memref<10000x64xf32, #tpu.memory_space<hbm>>
    %dma_wait3A_311 = arith.constant 0 : i32
    %dma_wait3A_312 = arith.constant 0 : i32
    %dma_wait3A_313 = tpu.memref_slice %dma_wait3A_310[%dma_wait3A_311, %dma_wait3A_312] : memref<10000x64xf32, #tpu.memory_space<hbm>> -> memref<10000x64xf32, #tpu.memory_space<hbm>>
    %dma_wait3A_314 = tpu.memref_slice %arg9[%dma_wait3A_299] : memref<5x!tpu.dma_semaphore, #tpu.memory_space<semaphore_mem>> -> memref<1x!tpu.dma_semaphore, #tpu.memory_space<semaphore_mem>>
    %dma_wait3A_315 = tpu.memref_squeeze %dma_wait3A_314 : memref<1x!tpu.dma_semaphore, #tpu.memory_space<semaphore_mem>> -> memref<!tpu.dma_semaphore, #tpu.memory_space<semaphore_mem>>
    tpu.wait_indirect_dma semaphore(%dma_wait3A_315 : memref<!tpu.dma_semaphore, #tpu.memory_space<semaphore_mem>>) src(%dma_wait3A_313 : memref<10000x64xf32, #tpu.memory_space<hbm>>) dst(%dma_wait3A_303 : memref<125x64xf32, #tpu.memory_space<vmem>>)
    %dma_start3A_316 = arith.constant 3 : i32
    %dma_start3A_317 = arith.constant 3 : i32
    %dma_start3A_318 = arith.constant 3 : i32
    %dma_start3A_319 = arith.constant 0 : i32
    %dma_start3A_320 = arith.constant 0 : i32
    %dma_start3A_321 = tpu.memref_slice %arg8[%dma_start3A_316, %dma_start3A_319, %dma_start3A_320] : memref<5x125x64xf32, #tpu.memory_space<vmem>> -> memref<1x125x64xf32, #tpu.memory_space<vmem>>
    %dma_start3A_322 = tpu.memref_squeeze %dma_start3A_321 : memref<1x125x64xf32, #tpu.memory_space<vmem>> -> memref<125x64xf32, #tpu.memory_space<vmem>>
    %dma_start3A_323 = arith.constant 0 : i32
    %dma_start3A_324 = tpu.memref_slice %arg7[%dma_start3A_317, %dma_start3A_323] : memref<160x125xi32, #tpu.memory_space<vmem>> -> memref<1x125xi32, #tpu.memory_space<vmem>>
    %dma_start3A_325 = tpu.memref_squeeze %dma_start3A_324 : memref<1x125xi32, #tpu.memory_space<vmem>> -> memref<125xi32, #tpu.memory_space<vmem>>
    %dma_start3A_326 = arith.constant 0 : i32
    %dma_start3A_327 = arith.constant 0 : i32
    %dma_start3A_328 = tpu.memref_slice %arg5[%dma_start3A_326, %dma_start3A_327] : memref<10000x64xf32, #tpu.memory_space<vmem_shared>> -> memref<10000x64xf32, #tpu.memory_space<vmem_shared>>
    %dma_start3A_329 = tpu.memref_slice %arg10[%dma_start3A_318] : memref<5x!tpu.dma_semaphore, #tpu.memory_space<semaphore_mem>> -> memref<1x!tpu.dma_semaphore, #tpu.memory_space<semaphore_mem>>
    %dma_start3A_330 = tpu.memref_squeeze %dma_start3A_329 : memref<1x!tpu.dma_semaphore, #tpu.memory_space<semaphore_mem>> -> memref<!tpu.dma_semaphore, #tpu.memory_space<semaphore_mem>>
    tpu.enqueue_indirect_dma source(%dma_start3A_322 : memref<125x64xf32, #tpu.memory_space<vmem>>) target(%dma_start3A_328 : memref<10000x64xf32, #tpu.memory_space<vmem_shared>>) offsets(%dma_start3A_325 : memref<125xi32, #tpu.memory_space<vmem>>) semaphore(%dma_start3A_330 : memref<!tpu.dma_semaphore, #tpu.memory_space<semaphore_mem>>) {add = true}
    %dma_wait3A_331 = arith.constant 2 : i32
    %dma_wait3A_332 = arith.constant 0 : i32
    %dma_wait3A_333 = arith.constant 2 : i32
    %dma_wait3A_334 = arith.constant 0 : i32
    %dma_wait3A_335 = arith.constant 0 : i32
    %dma_wait3A_336 = tpu.memref_slice %arg8[%dma_wait3A_331, %dma_wait3A_334, %dma_wait3A_335] : memref<5x125x64xf32, #tpu.memory_space<vmem>> -> memref<1x125x64xf32, #tpu.memory_space<vmem>>
    %dma_wait3A_337 = tpu.memref_squeeze %dma_wait3A_336 : memref<1x125x64xf32, #tpu.memory_space<vmem>> -> memref<125x64xf32, #tpu.memory_space<vmem>>
    %dma_wait3A_338 = arith.constant 0 : i32
    %dma_wait3A_339 = tpu.memref_slice %arg7[%dma_wait3A_332, %dma_wait3A_338] : memref<160x125xi32, #tpu.memory_space<vmem>> -> memref<1x125xi32, #tpu.memory_space<vmem>>
    %dma_wait3A_340 = tpu.memref_squeeze %dma_wait3A_339 : memref<1x125xi32, #tpu.memory_space<vmem>> -> memref<125xi32, #tpu.memory_space<vmem>>
    %dma_wait3A_341 = arith.constant 0 : i32
    %dma_wait3A_342 = arith.constant 0 : i32
    %dma_wait3A_343 = tpu.memref_slice %arg5[%dma_wait3A_341, %dma_wait3A_342] : memref<10000x64xf32, #tpu.memory_space<vmem_shared>> -> memref<10000x64xf32, #tpu.memory_space<vmem_shared>>
    %dma_wait3A_344 = tpu.memref_slice %arg10[%dma_wait3A_333] : memref<5x!tpu.dma_semaphore, #tpu.memory_space<semaphore_mem>> -> memref<1x!tpu.dma_semaphore, #tpu.memory_space<semaphore_mem>>
    %dma_wait3A_345 = tpu.memref_squeeze %dma_wait3A_344 : memref<1x!tpu.dma_semaphore, #tpu.memory_space<semaphore_mem>> -> memref<!tpu.dma_semaphore, #tpu.memory_space<semaphore_mem>>
    tpu.wait_indirect_dma semaphore(%dma_wait3A_345 : memref<!tpu.dma_semaphore, #tpu.memory_space<semaphore_mem>>) src(%dma_wait3A_337 : memref<125x64xf32, #tpu.memory_space<vmem>>) dst(%dma_wait3A_343 : memref<10000x64xf32, #tpu.memory_space<vmem_shared>>)
    %dma_start3A_346 = arith.constant 7 : i32
    %dma_start3A_347 = arith.constant 2 : i32
    %dma_start3A_348 = arith.constant 2 : i32
    %dma_start3A_349 = arith.constant 0 : i32
    %dma_start3A_350 = arith.constant 0 : i32
    %dma_start3A_351 = tpu.memref_slice %arg8[%dma_start3A_347, %dma_start3A_349, %dma_start3A_350] : memref<5x125x64xf32, #tpu.memory_space<vmem>> -> memref<1x125x64xf32, #tpu.memory_space<vmem>>
    %dma_start3A_352 = tpu.memref_squeeze %dma_start3A_351 : memref<1x125x64xf32, #tpu.memory_space<vmem>> -> memref<125x64xf32, #tpu.memory_space<vmem>>
    %dma_start3A_353 = arith.constant 0 : i32
    %dma_start3A_354 = tpu.memref_slice %arg6[%dma_start3A_346, %dma_start3A_353] : memref<160x125xi32, #tpu.memory_space<vmem>> -> memref<1x125xi32, #tpu.memory_space<vmem>>
    %dma_start3A_355 = tpu.memref_squeeze %dma_start3A_354 : memref<1x125xi32, #tpu.memory_space<vmem>> -> memref<125xi32, #tpu.memory_space<vmem>>
    %dma_start3A_356 = arith.constant 0 : i32
    %dma_start3A_357 = arith.constant 0 : i32
    %dma_start3A_358 = tpu.memref_slice %arg2[%arg0, %dma_start3A_356, %dma_start3A_357] : memref<2x10000x64xf32, #tpu.memory_space<hbm>> -> memref<1x10000x64xf32, #tpu.memory_space<hbm>>
    %dma_start3A_359 = tpu.memref_squeeze %dma_start3A_358 : memref<1x10000x64xf32, #tpu.memory_space<hbm>> -> memref<10000x64xf32, #tpu.memory_space<hbm>>
    %dma_start3A_360 = arith.constant 0 : i32
    %dma_start3A_361 = arith.constant 0 : i32
    %dma_start3A_362 = tpu.memref_slice %dma_start3A_359[%dma_start3A_360, %dma_start3A_361] : memref<10000x64xf32, #tpu.memory_space<hbm>> -> memref<10000x64xf32, #tpu.memory_space<hbm>>
    %dma_start3A_363 = tpu.memref_slice %arg9[%dma_start3A_348] : memref<5x!tpu.dma_semaphore, #tpu.memory_space<semaphore_mem>> -> memref<1x!tpu.dma_semaphore, #tpu.memory_space<semaphore_mem>>
    %dma_start3A_364 = tpu.memref_squeeze %dma_start3A_363 : memref<1x!tpu.dma_semaphore, #tpu.memory_space<semaphore_mem>> -> memref<!tpu.dma_semaphore, #tpu.memory_space<semaphore_mem>>
    tpu.enqueue_indirect_dma source(%dma_start3A_362 : memref<10000x64xf32, #tpu.memory_space<hbm>>) target(%dma_start3A_352 : memref<125x64xf32, #tpu.memory_space<vmem>>) offsets(%dma_start3A_355 : memref<125xi32, #tpu.memory_space<vmem>>) semaphore(%dma_start3A_364 : memref<!tpu.dma_semaphore, #tpu.memory_space<semaphore_mem>>)
    %dma_wait3A_365 = arith.constant 0 : i32
    %dma_wait3A_366 = arith.constant 4 : i32
    %dma_wait3A_367 = arith.constant 4 : i32
    %dma_wait3A_368 = arith.constant 0 : i32
    %dma_wait3A_369 = arith.constant 0 : i32
    %dma_wait3A_370 = tpu.memref_slice %arg8[%dma_wait3A_366, %dma_wait3A_368, %dma_wait3A_369] : memref<5x125x64xf32, #tpu.memory_space<vmem>> -> memref<1x125x64xf32, #tpu.memory_space<vmem>>
    %dma_wait3A_371 = tpu.memref_squeeze %dma_wait3A_370 : memref<1x125x64xf32, #tpu.memory_space<vmem>> -> memref<125x64xf32, #tpu.memory_space<vmem>>
    %dma_wait3A_372 = arith.constant 0 : i32
    %dma_wait3A_373 = tpu.memref_slice %arg6[%dma_wait3A_365, %dma_wait3A_372] : memref<160x125xi32, #tpu.memory_space<vmem>> -> memref<1x125xi32, #tpu.memory_space<vmem>>
    %dma_wait3A_374 = tpu.memref_squeeze %dma_wait3A_373 : memref<1x125xi32, #tpu.memory_space<vmem>> -> memref<125xi32, #tpu.memory_space<vmem>>
    %dma_wait3A_375 = arith.constant 0 : i32
    %dma_wait3A_376 = arith.constant 0 : i32
    %dma_wait3A_377 = tpu.memref_slice %arg2[%arg0, %dma_wait3A_375, %dma_wait3A_376] : memref<2x10000x64xf32, #tpu.memory_space<hbm>> -> memref<1x10000x64xf32, #tpu.memory_space<hbm>>
    %dma_wait3A_378 = tpu.memref_squeeze %dma_wait3A_377 : memref<1x10000x64xf32, #tpu.memory_space<hbm>> -> memref<10000x64xf32, #tpu.memory_space<hbm>>
    %dma_wait3A_379 = arith.constant 0 : i32
    %dma_wait3A_380 = arith.constant 0 : i32
    %dma_wait3A_381 = tpu.memref_slice %dma_wait3A_378[%dma_wait3A_379, %dma_wait3A_380] : memref<10000x64xf32, #tpu.memory_space<hbm>> -> memref<10000x64xf32, #tpu.memory_space<hbm>>
    %dma_wait3A_382 = tpu.memref_slice %arg9[%dma_wait3A_367] : memref<5x!tpu.dma_semaphore, #tpu.memory_space<semaphore_mem>> -> memref<1x!tpu.dma_semaphore, #tpu.memory_space<semaphore_mem>>
    %dma_wait3A_383 = tpu.memref_squeeze %dma_wait3A_382 : memref<1x!tpu.dma_semaphore, #tpu.memory_space<semaphore_mem>> -> memref<!tpu.dma_semaphore, #tpu.memory_space<semaphore_mem>>
    tpu.wait_indirect_dma semaphore(%dma_wait3A_383 : memref<!tpu.dma_semaphore, #tpu.memory_space<semaphore_mem>>) src(%dma_wait3A_381 : memref<10000x64xf32, #tpu.memory_space<hbm>>) dst(%dma_wait3A_371 : memref<125x64xf32, #tpu.memory_space<vmem>>)
    %dma_start3A_384 = arith.constant 4 : i32
    %dma_start3A_385 = arith.constant 4 : i32
    %dma_start3A_386 = arith.constant 4 : i32
    %dma_start3A_387 = arith.constant 0 : i32
    %dma_start3A_388 = arith.constant 0 : i32
    %dma_start3A_389 = tpu.memref_slice %arg8[%dma_start3A_384, %dma_start3A_387, %dma_start3A_388] : memref<5x125x64xf32, #tpu.memory_space<vmem>> -> memref<1x125x64xf32, #tpu.memory_space<vmem>>
    %dma_start3A_390 = tpu.memref_squeeze %dma_start3A_389 : memref<1x125x64xf32, #tpu.memory_space<vmem>> -> memref<125x64xf32, #tpu.memory_space<vmem>>
    %dma_start3A_391 = arith.constant 0 : i32
    %dma_start3A_392 = tpu.memref_slice %arg7[%dma_start3A_385, %dma_start3A_391] : memref<160x125xi32, #tpu.memory_space<vmem>> -> memref<1x125xi32, #tpu.memory_space<vmem>>
    %dma_start3A_393 = tpu.memref_squeeze %dma_start3A_392 : memref<1x125xi32, #tpu.memory_space<vmem>> -> memref<125xi32, #tpu.memory_space<vmem>>
    %dma_start3A_394 = arith.constant 0 : i32
    %dma_start3A_395 = arith.constant 0 : i32
    %dma_start3A_396 = tpu.memref_slice %arg5[%dma_start3A_394, %dma_start3A_395] : memref<10000x64xf32, #tpu.memory_space<vmem_shared>> -> memref<10000x64xf32, #tpu.memory_space<vmem_shared>>
    %dma_start3A_397 = tpu.memref_slice %arg10[%dma_start3A_386] : memref<5x!tpu.dma_semaphore, #tpu.memory_space<semaphore_mem>> -> memref<1x!tpu.dma_semaphore, #tpu.memory_space<semaphore_mem>>
    %dma_start3A_398 = tpu.memref_squeeze %dma_start3A_397 : memref<1x!tpu.dma_semaphore, #tpu.memory_space<semaphore_mem>> -> memref<!tpu.dma_semaphore, #tpu.memory_space<semaphore_mem>>
    tpu.enqueue_indirect_dma source(%dma_start3A_390 : memref<125x64xf32, #tpu.memory_space<vmem>>) target(%dma_start3A_396 : memref<10000x64xf32, #tpu.memory_space<vmem_shared>>) offsets(%dma_start3A_393 : memref<125xi32, #tpu.memory_space<vmem>>) semaphore(%dma_start3A_398 : memref<!tpu.dma_semaphore, #tpu.memory_space<semaphore_mem>>) {add = true}
    %dma_wait3A_399 = arith.constant 3 : i32
    %dma_wait3A_400 = arith.constant 0 : i32
    %dma_wait3A_401 = arith.constant 3 : i32
    %dma_wait3A_402 = arith.constant 0 : i32
    %dma_wait3A_403 = arith.constant 0 : i32
    %dma_wait3A_404 = tpu.memref_slice %arg8[%dma_wait3A_399, %dma_wait3A_402, %dma_wait3A_403] : memref<5x125x64xf32, #tpu.memory_space<vmem>> -> memref<1x125x64xf32, #tpu.memory_space<vmem>>
    %dma_wait3A_405 = tpu.memref_squeeze %dma_wait3A_404 : memref<1x125x64xf32, #tpu.memory_space<vmem>> -> memref<125x64xf32, #tpu.memory_space<vmem>>
    %dma_wait3A_406 = arith.constant 0 : i32
    %dma_wait3A_407 = tpu.memref_slice %arg7[%dma_wait3A_400, %dma_wait3A_406] : memref<160x125xi32, #tpu.memory_space<vmem>> -> memref<1x125xi32, #tpu.memory_space<vmem>>
    %dma_wait3A_408 = tpu.memref_squeeze %dma_wait3A_407 : memref<1x125xi32, #tpu.memory_space<vmem>> -> memref<125xi32, #tpu.memory_space<vmem>>
    %dma_wait3A_409 = arith.constant 0 : i32
    %dma_wait3A_410 = arith.constant 0 : i32
    %dma_wait3A_411 = tpu.memref_slice %arg5[%dma_wait3A_409, %dma_wait3A_410] : memref<10000x64xf32, #tpu.memory_space<vmem_shared>> -> memref<10000x64xf32, #tpu.memory_space<vmem_shared>>
    %dma_wait3A_412 = tpu.memref_slice %arg10[%dma_wait3A_401] : memref<5x!tpu.dma_semaphore, #tpu.memory_space<semaphore_mem>> -> memref<1x!tpu.dma_semaphore, #tpu.memory_space<semaphore_mem>>
    %dma_wait3A_413 = tpu.memref_squeeze %dma_wait3A_412 : memref<1x!tpu.dma_semaphore, #tpu.memory_space<semaphore_mem>> -> memref<!tpu.dma_semaphore, #tpu.memory_space<semaphore_mem>>
    tpu.wait_indirect_dma semaphore(%dma_wait3A_413 : memref<!tpu.dma_semaphore, #tpu.memory_space<semaphore_mem>>) src(%dma_wait3A_405 : memref<125x64xf32, #tpu.memory_space<vmem>>) dst(%dma_wait3A_411 : memref<10000x64xf32, #tpu.memory_space<vmem_shared>>)
    %dma_start3A_414 = arith.constant 8 : i32
    %dma_start3A_415 = arith.constant 3 : i32
    %dma_start3A_416 = arith.constant 3 : i32
    %dma_start3A_417 = arith.constant 0 : i32
    %dma_start3A_418 = arith.constant 0 : i32
    %dma_start3A_419 = tpu.memref_slice %arg8[%dma_start3A_415, %dma_start3A_417, %dma_start3A_418] : memref<5x125x64xf32, #tpu.memory_space<vmem>> -> memref<1x125x64xf32, #tpu.memory_space<vmem>>
    %dma_start3A_420 = tpu.memref_squeeze %dma_start3A_419 : memref<1x125x64xf32, #tpu.memory_space<vmem>> -> memref<125x64xf32, #tpu.memory_space<vmem>>
    %dma_start3A_421 = arith.constant 0 : i32
    %dma_start3A_422 = tpu.memref_slice %arg6[%dma_start3A_414, %dma_start3A_421] : memref<160x125xi32, #tpu.memory_space<vmem>> -> memref<1x125xi32, #tpu.memory_space<vmem>>
    %dma_start3A_423 = tpu.memref_squeeze %dma_start3A_422 : memref<1x125xi32, #tpu.memory_space<vmem>> -> memref<125xi32, #tpu.memory_space<vmem>>
    %dma_start3A_424 = arith.constant 0 : i32
    %dma_start3A_425 = arith.constant 0 : i32
    %dma_start3A_426 = tpu.memref_slice %arg2[%arg0, %dma_start3A_424, %dma_start3A_425] : memref<2x10000x64xf32, #tpu.memory_space<hbm>> -> memref<1x10000x64xf32, #tpu.memory_space<hbm>>
    %dma_start3A_427 = tpu.memref_squeeze %dma_start3A_426 : memref<1x10000x64xf32, #tpu.memory_space<hbm>> -> memref<10000x64xf32, #tpu.memory_space<hbm>>
    %dma_start3A_428 = arith.constant 0 : i32
    %dma_start3A_429 = arith.constant 0 : i32
    %dma_start3A_430 = tpu.memref_slice %dma_start3A_427[%dma_start3A_428, %dma_start3A_429] : memref<10000x64xf32, #tpu.memory_space<hbm>> -> memref<10000x64xf32, #tpu.memory_space<hbm>>
    %dma_start3A_431 = tpu.memref_slice %arg9[%dma_start3A_416] : memref<5x!tpu.dma_semaphore, #tpu.memory_space<semaphore_mem>> -> memref<1x!tpu.dma_semaphore, #tpu.memory_space<semaphore_mem>>
    %dma_start3A_432 = tpu.memref_squeeze %dma_start3A_431 : memref<1x!tpu.dma_semaphore, #tpu.memory_space<semaphore_mem>> -> memref<!tpu.dma_semaphore, #tpu.memory_space<semaphore_mem>>
    tpu.enqueue_indirect_dma source(%dma_start3A_430 : memref<10000x64xf32, #tpu.memory_space<hbm>>) target(%dma_start3A_420 : memref<125x64xf32, #tpu.memory_space<vmem>>) offsets(%dma_start3A_423 : memref<125xi32, #tpu.memory_space<vmem>>) semaphore(%dma_start3A_432 : memref<!tpu.dma_semaphore, #tpu.memory_space<semaphore_mem>>)
    %scan3A_433 = arith.constant 0 : i32
    %scan3A_434 = arith.constant 1 : i32
    %scan3A_435 = arith.constant 30 : i32
    %scan3A_436 = arith.addi %scan3A_434, %scan3A_435 : i32
    %scan3A_437 = arith.constant 1 : i32
    scf.for %scan3A_769 = %scan3A_434 to %scan3A_436 step %scan3A_437  : i32 {
      %mul3A_770 = arith.constant 5 : i32
      %mul3A_771 = arith.muli %scan3A_769, %mul3A_770 : i32
      %add3A_772 = arith.constant 0 : i32
      %add3A_773 = arith.addi %mul3A_771, %add3A_772 : i32
      %dma_wait3A_774 = arith.constant 0 : i32
      %dma_wait3A_775 = arith.constant 0 : i32
      %dma_wait3A_776 = arith.constant 0 : i32
      %dma_wait3A_777 = arith.constant 0 : i32
      %dma_wait3A_778 = arith.constant 0 : i32
      %dma_wait3A_779 = tpu.memref_slice %arg8[%dma_wait3A_775, %dma_wait3A_777, %dma_wait3A_778] : memref<5x125x64xf32, #tpu.memory_space<vmem>> -> memref<1x125x64xf32, #tpu.memory_space<vmem>>
      %dma_wait3A_780 = tpu.memref_squeeze %dma_wait3A_779 : memref<1x125x64xf32, #tpu.memory_space<vmem>> -> memref<125x64xf32, #tpu.memory_space<vmem>>
      %dma_wait3A_781 = arith.constant 0 : i32
      %dma_wait3A_782 = tpu.memref_slice %arg6[%dma_wait3A_774, %dma_wait3A_781] : memref<160x125xi32, #tpu.memory_space<vmem>> -> memref<1x125xi32, #tpu.memory_space<vmem>>
      %dma_wait3A_783 = tpu.memref_squeeze %dma_wait3A_782 : memref<1x125xi32, #tpu.memory_space<vmem>> -> memref<125xi32, #tpu.memory_space<vmem>>
      %dma_wait3A_784 = arith.constant 0 : i32
      %dma_wait3A_785 = arith.constant 0 : i32
      %dma_wait3A_786 = tpu.memref_slice %arg2[%arg0, %dma_wait3A_784, %dma_wait3A_785] : memref<2x10000x64xf32, #tpu.memory_space<hbm>> -> memref<1x10000x64xf32, #tpu.memory_space<hbm>>
      %dma_wait3A_787 = tpu.memref_squeeze %dma_wait3A_786 : memref<1x10000x64xf32, #tpu.memory_space<hbm>> -> memref<10000x64xf32, #tpu.memory_space<hbm>>
      %dma_wait3A_788 = arith.constant 0 : i32
      %dma_wait3A_789 = arith.constant 0 : i32
      %dma_wait3A_790 = tpu.memref_slice %dma_wait3A_787[%dma_wait3A_788, %dma_wait3A_789] : memref<10000x64xf32, #tpu.memory_space<hbm>> -> memref<10000x64xf32, #tpu.memory_space<hbm>>
      %dma_wait3A_791 = tpu.memref_slice %arg9[%dma_wait3A_776] : memref<5x!tpu.dma_semaphore, #tpu.memory_space<semaphore_mem>> -> memref<1x!tpu.dma_semaphore, #tpu.memory_space<semaphore_mem>>
      %dma_wait3A_792 = tpu.memref_squeeze %dma_wait3A_791 : memref<1x!tpu.dma_semaphore, #tpu.memory_space<semaphore_mem>> -> memref<!tpu.dma_semaphore, #tpu.memory_space<semaphore_mem>>
      tpu.wait_indirect_dma semaphore(%dma_wait3A_792 : memref<!tpu.dma_semaphore, #tpu.memory_space<semaphore_mem>>) src(%dma_wait3A_790 : memref<10000x64xf32, #tpu.memory_space<hbm>>) dst(%dma_wait3A_780 : memref<125x64xf32, #tpu.memory_space<vmem>>)
      %dma_start3A_793 = arith.constant 0 : i32
      %dma_start3A_794 = arith.constant 0 : i32
      %dma_start3A_795 = arith.constant 0 : i32
      %dma_start3A_796 = arith.constant 0 : i32
      %dma_start3A_797 = tpu.memref_slice %arg8[%dma_start3A_793, %dma_start3A_795, %dma_start3A_796] : memref<5x125x64xf32, #tpu.memory_space<vmem>> -> memref<1x125x64xf32, #tpu.memory_space<vmem>>
      %dma_start3A_798 = tpu.memref_squeeze %dma_start3A_797 : memref<1x125x64xf32, #tpu.memory_space<vmem>> -> memref<125x64xf32, #tpu.memory_space<vmem>>
      %dma_start3A_799 = arith.constant 0 : i32
      %dma_start3A_800 = tpu.memref_slice %arg7[%add3A_773, %dma_start3A_799] : memref<160x125xi32, #tpu.memory_space<vmem>> -> memref<1x125xi32, #tpu.memory_space<vmem>>
      %dma_start3A_801 = tpu.memref_squeeze %dma_start3A_800 : memref<1x125xi32, #tpu.memory_space<vmem>> -> memref<125xi32, #tpu.memory_space<vmem>>
      %dma_start3A_802 = arith.constant 0 : i32
      %dma_start3A_803 = arith.constant 0 : i32
      %dma_start3A_804 = tpu.memref_slice %arg5[%dma_start3A_802, %dma_start3A_803] : memref<10000x64xf32, #tpu.memory_space<vmem_shared>> -> memref<10000x64xf32, #tpu.memory_space<vmem_shared>>
      %dma_start3A_805 = tpu.memref_slice %arg10[%dma_start3A_794] : memref<5x!tpu.dma_semaphore, #tpu.memory_space<semaphore_mem>> -> memref<1x!tpu.dma_semaphore, #tpu.memory_space<semaphore_mem>>
      %dma_start3A_806 = tpu.memref_squeeze %dma_start3A_805 : memref<1x!tpu.dma_semaphore, #tpu.memory_space<semaphore_mem>> -> memref<!tpu.dma_semaphore, #tpu.memory_space<semaphore_mem>>
      tpu.enqueue_indirect_dma source(%dma_start3A_798 : memref<125x64xf32, #tpu.memory_space<vmem>>) target(%dma_start3A_804 : memref<10000x64xf32, #tpu.memory_space<vmem_shared>>) offsets(%dma_start3A_801 : memref<125xi32, #tpu.memory_space<vmem>>) semaphore(%dma_start3A_806 : memref<!tpu.dma_semaphore, #tpu.memory_space<semaphore_mem>>) {add = true}
      %dma_wait3A_807 = arith.constant 4 : i32
      %dma_wait3A_808 = arith.constant 0 : i32
      %dma_wait3A_809 = arith.constant 4 : i32
      %dma_wait3A_810 = arith.constant 0 : i32
      %dma_wait3A_811 = arith.constant 0 : i32
      %dma_wait3A_812 = tpu.memref_slice %arg8[%dma_wait3A_807, %dma_wait3A_810, %dma_wait3A_811] : memref<5x125x64xf32, #tpu.memory_space<vmem>> -> memref<1x125x64xf32, #tpu.memory_space<vmem>>
      %dma_wait3A_813 = tpu.memref_squeeze %dma_wait3A_812 : memref<1x125x64xf32, #tpu.memory_space<vmem>> -> memref<125x64xf32, #tpu.memory_space<vmem>>
      %dma_wait3A_814 = arith.constant 0 : i32
      %dma_wait3A_815 = tpu.memref_slice %arg7[%dma_wait3A_808, %dma_wait3A_814] : memref<160x125xi32, #tpu.memory_space<vmem>> -> memref<1x125xi32, #tpu.memory_space<vmem>>
      %dma_wait3A_816 = tpu.memref_squeeze %dma_wait3A_815 : memref<1x125xi32, #tpu.memory_space<vmem>> -> memref<125xi32, #tpu.memory_space<vmem>>
      %dma_wait3A_817 = arith.constant 0 : i32
      %dma_wait3A_818 = arith.constant 0 : i32
      %dma_wait3A_819 = tpu.memref_slice %arg5[%dma_wait3A_817, %dma_wait3A_818] : memref<10000x64xf32, #tpu.memory_space<vmem_shared>> -> memref<10000x64xf32, #tpu.memory_space<vmem_shared>>
      %dma_wait3A_820 = tpu.memref_slice %arg10[%dma_wait3A_809] : memref<5x!tpu.dma_semaphore, #tpu.memory_space<semaphore_mem>> -> memref<1x!tpu.dma_semaphore, #tpu.memory_space<semaphore_mem>>
      %dma_wait3A_821 = tpu.memref_squeeze %dma_wait3A_820 : memref<1x!tpu.dma_semaphore, #tpu.memory_space<semaphore_mem>> -> memref<!tpu.dma_semaphore, #tpu.memory_space<semaphore_mem>>
      tpu.wait_indirect_dma semaphore(%dma_wait3A_821 : memref<!tpu.dma_semaphore, #tpu.memory_space<semaphore_mem>>) src(%dma_wait3A_813 : memref<125x64xf32, #tpu.memory_space<vmem>>) dst(%dma_wait3A_819 : memref<10000x64xf32, #tpu.memory_space<vmem_shared>>)
      %add3A_822 = arith.constant 5 : i32
      %add3A_823 = arith.addi %add3A_773, %add3A_822 : i32
      %sub3A = arith.constant 1 : i32
      %sub3A_824 = arith.subi %add3A_823, %sub3A : i32
      %dma_start3A_825 = arith.constant 4 : i32
      %dma_start3A_826 = arith.constant 4 : i32
      %dma_start3A_827 = arith.constant 0 : i32
      %dma_start3A_828 = arith.constant 0 : i32
      %dma_start3A_829 = tpu.memref_slice %arg8[%dma_start3A_825, %dma_start3A_827, %dma_start3A_828] : memref<5x125x64xf32, #tpu.memory_space<vmem>> -> memref<1x125x64xf32, #tpu.memory_space<vmem>>
      %dma_start3A_830 = tpu.memref_squeeze %dma_start3A_829 : memref<1x125x64xf32, #tpu.memory_space<vmem>> -> memref<125x64xf32, #tpu.memory_space<vmem>>
      %dma_start3A_831 = arith.constant 0 : i32
      %dma_start3A_832 = tpu.memref_slice %arg6[%sub3A_824, %dma_start3A_831] : memref<160x125xi32, #tpu.memory_space<vmem>> -> memref<1x125xi32, #tpu.memory_space<vmem>>
      %dma_start3A_833 = tpu.memref_squeeze %dma_start3A_832 : memref<1x125xi32, #tpu.memory_space<vmem>> -> memref<125xi32, #tpu.memory_space<vmem>>
      %dma_start3A_834 = arith.constant 0 : i32
      %dma_start3A_835 = arith.constant 0 : i32
      %dma_start3A_836 = tpu.memref_slice %arg2[%arg0, %dma_start3A_834, %dma_start3A_835] : memref<2x10000x64xf32, #tpu.memory_space<hbm>> -> memref<1x10000x64xf32, #tpu.memory_space<hbm>>
      %dma_start3A_837 = tpu.memref_squeeze %dma_start3A_836 : memref<1x10000x64xf32, #tpu.memory_space<hbm>> -> memref<10000x64xf32, #tpu.memory_space<hbm>>
      %dma_start3A_838 = arith.constant 0 : i32
      %dma_start3A_839 = arith.constant 0 : i32
      %dma_start3A_840 = tpu.memref_slice %dma_start3A_837[%dma_start3A_838, %dma_start3A_839] : memref<10000x64xf32, #tpu.memory_space<hbm>> -> memref<10000x64xf32, #tpu.memory_space<hbm>>
      %dma_start3A_841 = tpu.memref_slice %arg9[%dma_start3A_826] : memref<5x!tpu.dma_semaphore, #tpu.memory_space<semaphore_mem>> -> memref<1x!tpu.dma_semaphore, #tpu.memory_space<semaphore_mem>>
      %dma_start3A_842 = tpu.memref_squeeze %dma_start3A_841 : memref<1x!tpu.dma_semaphore, #tpu.memory_space<semaphore_mem>> -> memref<!tpu.dma_semaphore, #tpu.memory_space<semaphore_mem>>
      tpu.enqueue_indirect_dma source(%dma_start3A_840 : memref<10000x64xf32, #tpu.memory_space<hbm>>) target(%dma_start3A_830 : memref<125x64xf32, #tpu.memory_space<vmem>>) offsets(%dma_start3A_833 : memref<125xi32, #tpu.memory_space<vmem>>) semaphore(%dma_start3A_842 : memref<!tpu.dma_semaphore, #tpu.memory_space<semaphore_mem>>)
      %mul3A_843 = arith.constant 5 : i32
      %mul3A_844 = arith.muli %scan3A_769, %mul3A_843 : i32
      %add3A_845 = arith.constant 1 : i32
      %add3A_846 = arith.addi %mul3A_844, %add3A_845 : i32
      %dma_wait3A_847 = arith.constant 0 : i32
      %dma_wait3A_848 = arith.constant 1 : i32
      %dma_wait3A_849 = arith.constant 1 : i32
      %dma_wait3A_850 = arith.constant 0 : i32
      %dma_wait3A_851 = arith.constant 0 : i32
      %dma_wait3A_852 = tpu.memref_slice %arg8[%dma_wait3A_848, %dma_wait3A_850, %dma_wait3A_851] : memref<5x125x64xf32, #tpu.memory_space<vmem>> -> memref<1x125x64xf32, #tpu.memory_space<vmem>>
      %dma_wait3A_853 = tpu.memref_squeeze %dma_wait3A_852 : memref<1x125x64xf32, #tpu.memory_space<vmem>> -> memref<125x64xf32, #tpu.memory_space<vmem>>
      %dma_wait3A_854 = arith.constant 0 : i32
      %dma_wait3A_855 = tpu.memref_slice %arg6[%dma_wait3A_847, %dma_wait3A_854] : memref<160x125xi32, #tpu.memory_space<vmem>> -> memref<1x125xi32, #tpu.memory_space<vmem>>
      %dma_wait3A_856 = tpu.memref_squeeze %dma_wait3A_855 : memref<1x125xi32, #tpu.memory_space<vmem>> -> memref<125xi32, #tpu.memory_space<vmem>>
      %dma_wait3A_857 = arith.constant 0 : i32
      %dma_wait3A_858 = arith.constant 0 : i32
      %dma_wait3A_859 = tpu.memref_slice %arg2[%arg0, %dma_wait3A_857, %dma_wait3A_858] : memref<2x10000x64xf32, #tpu.memory_space<hbm>> -> memref<1x10000x64xf32, #tpu.memory_space<hbm>>
      %dma_wait3A_860 = tpu.memref_squeeze %dma_wait3A_859 : memref<1x10000x64xf32, #tpu.memory_space<hbm>> -> memref<10000x64xf32, #tpu.memory_space<hbm>>
      %dma_wait3A_861 = arith.constant 0 : i32
      %dma_wait3A_862 = arith.constant 0 : i32
      %dma_wait3A_863 = tpu.memref_slice %dma_wait3A_860[%dma_wait3A_861, %dma_wait3A_862] : memref<10000x64xf32, #tpu.memory_space<hbm>> -> memref<10000x64xf32, #tpu.memory_space<hbm>>
      %dma_wait3A_864 = tpu.memref_slice %arg9[%dma_wait3A_849] : memref<5x!tpu.dma_semaphore, #tpu.memory_space<semaphore_mem>> -> memref<1x!tpu.dma_semaphore, #tpu.memory_space<semaphore_mem>>
      %dma_wait3A_865 = tpu.memref_squeeze %dma_wait3A_864 : memref<1x!tpu.dma_semaphore, #tpu.memory_space<semaphore_mem>> -> memref<!tpu.dma_semaphore, #tpu.memory_space<semaphore_mem>>
      tpu.wait_indirect_dma semaphore(%dma_wait3A_865 : memref<!tpu.dma_semaphore, #tpu.memory_space<semaphore_mem>>) src(%dma_wait3A_863 : memref<10000x64xf32, #tpu.memory_space<hbm>>) dst(%dma_wait3A_853 : memref<125x64xf32, #tpu.memory_space<vmem>>)
      %dma_start3A_866 = arith.constant 1 : i32
      %dma_start3A_867 = arith.constant 1 : i32
      %dma_start3A_868 = arith.constant 0 : i32
      %dma_start3A_869 = arith.constant 0 : i32
      %dma_start3A_870 = tpu.memref_slice %arg8[%dma_start3A_866, %dma_start3A_868, %dma_start3A_869] : memref<5x125x64xf32, #tpu.memory_space<vmem>> -> memref<1x125x64xf32, #tpu.memory_space<vmem>>
      %dma_start3A_871 = tpu.memref_squeeze %dma_start3A_870 : memref<1x125x64xf32, #tpu.memory_space<vmem>> -> memref<125x64xf32, #tpu.memory_space<vmem>>
      %dma_start3A_872 = arith.constant 0 : i32
      %dma_start3A_873 = tpu.memref_slice %arg7[%add3A_846, %dma_start3A_872] : memref<160x125xi32, #tpu.memory_space<vmem>> -> memref<1x125xi32, #tpu.memory_space<vmem>>
      %dma_start3A_874 = tpu.memref_squeeze %dma_start3A_873 : memref<1x125xi32, #tpu.memory_space<vmem>> -> memref<125xi32, #tpu.memory_space<vmem>>
      %dma_start3A_875 = arith.constant 0 : i32
      %dma_start3A_876 = arith.constant 0 : i32
      %dma_start3A_877 = tpu.memref_slice %arg5[%dma_start3A_875, %dma_start3A_876] : memref<10000x64xf32, #tpu.memory_space<vmem_shared>> -> memref<10000x64xf32, #tpu.memory_space<vmem_shared>>
      %dma_start3A_878 = tpu.memref_slice %arg10[%dma_start3A_867] : memref<5x!tpu.dma_semaphore, #tpu.memory_space<semaphore_mem>> -> memref<1x!tpu.dma_semaphore, #tpu.memory_space<semaphore_mem>>
      %dma_start3A_879 = tpu.memref_squeeze %dma_start3A_878 : memref<1x!tpu.dma_semaphore, #tpu.memory_space<semaphore_mem>> -> memref<!tpu.dma_semaphore, #tpu.memory_space<semaphore_mem>>
      tpu.enqueue_indirect_dma source(%dma_start3A_871 : memref<125x64xf32, #tpu.memory_space<vmem>>) target(%dma_start3A_877 : memref<10000x64xf32, #tpu.memory_space<vmem_shared>>) offsets(%dma_start3A_874 : memref<125xi32, #tpu.memory_space<vmem>>) semaphore(%dma_start3A_879 : memref<!tpu.dma_semaphore, #tpu.memory_space<semaphore_mem>>) {add = true}
      %dma_wait3A_880 = arith.constant 0 : i32
      %dma_wait3A_881 = arith.constant 0 : i32
      %dma_wait3A_882 = arith.constant 0 : i32
      %dma_wait3A_883 = arith.constant 0 : i32
      %dma_wait3A_884 = arith.constant 0 : i32
      %dma_wait3A_885 = tpu.memref_slice %arg8[%dma_wait3A_880, %dma_wait3A_883, %dma_wait3A_884] : memref<5x125x64xf32, #tpu.memory_space<vmem>> -> memref<1x125x64xf32, #tpu.memory_space<vmem>>
      %dma_wait3A_886 = tpu.memref_squeeze %dma_wait3A_885 : memref<1x125x64xf32, #tpu.memory_space<vmem>> -> memref<125x64xf32, #tpu.memory_space<vmem>>
      %dma_wait3A_887 = arith.constant 0 : i32
      %dma_wait3A_888 = tpu.memref_slice %arg7[%dma_wait3A_881, %dma_wait3A_887] : memref<160x125xi32, #tpu.memory_space<vmem>> -> memref<1x125xi32, #tpu.memory_space<vmem>>
      %dma_wait3A_889 = tpu.memref_squeeze %dma_wait3A_888 : memref<1x125xi32, #tpu.memory_space<vmem>> -> memref<125xi32, #tpu.memory_space<vmem>>
      %dma_wait3A_890 = arith.constant 0 : i32
      %dma_wait3A_891 = arith.constant 0 : i32
      %dma_wait3A_892 = tpu.memref_slice %arg5[%dma_wait3A_890, %dma_wait3A_891] : memref<10000x64xf32, #tpu.memory_space<vmem_shared>> -> memref<10000x64xf32, #tpu.memory_space<vmem_shared>>
      %dma_wait3A_893 = tpu.memref_slice %arg10[%dma_wait3A_882] : memref<5x!tpu.dma_semaphore, #tpu.memory_space<semaphore_mem>> -> memref<1x!tpu.dma_semaphore, #tpu.memory_space<semaphore_mem>>
      %dma_wait3A_894 = tpu.memref_squeeze %dma_wait3A_893 : memref<1x!tpu.dma_semaphore, #tpu.memory_space<semaphore_mem>> -> memref<!tpu.dma_semaphore, #tpu.memory_space<semaphore_mem>>
      tpu.wait_indirect_dma semaphore(%dma_wait3A_894 : memref<!tpu.dma_semaphore, #tpu.memory_space<semaphore_mem>>) src(%dma_wait3A_886 : memref<125x64xf32, #tpu.memory_space<vmem>>) dst(%dma_wait3A_892 : memref<10000x64xf32, #tpu.memory_space<vmem_shared>>)
      %add3A_895 = arith.constant 5 : i32
      %add3A_896 = arith.addi %add3A_846, %add3A_895 : i32
      %sub3A_897 = arith.constant 1 : i32
      %sub3A_898 = arith.subi %add3A_896, %sub3A_897 : i32
      %dma_start3A_899 = arith.constant 0 : i32
      %dma_start3A_900 = arith.constant 0 : i32
      %dma_start3A_901 = arith.constant 0 : i32
      %dma_start3A_902 = arith.constant 0 : i32
      %dma_start3A_903 = tpu.memref_slice %arg8[%dma_start3A_899, %dma_start3A_901, %dma_start3A_902] : memref<5x125x64xf32, #tpu.memory_space<vmem>> -> memref<1x125x64xf32, #tpu.memory_space<vmem>>
      %dma_start3A_904 = tpu.memref_squeeze %dma_start3A_903 : memref<1x125x64xf32, #tpu.memory_space<vmem>> -> memref<125x64xf32, #tpu.memory_space<vmem>>
      %dma_start3A_905 = arith.constant 0 : i32
      %dma_start3A_906 = tpu.memref_slice %arg6[%sub3A_898, %dma_start3A_905] : memref<160x125xi32, #tpu.memory_space<vmem>> -> memref<1x125xi32, #tpu.memory_space<vmem>>
      %dma_start3A_907 = tpu.memref_squeeze %dma_start3A_906 : memref<1x125xi32, #tpu.memory_space<vmem>> -> memref<125xi32, #tpu.memory_space<vmem>>
      %dma_start3A_908 = arith.constant 0 : i32
      %dma_start3A_909 = arith.constant 0 : i32
      %dma_start3A_910 = tpu.memref_slice %arg2[%arg0, %dma_start3A_908, %dma_start3A_909] : memref<2x10000x64xf32, #tpu.memory_space<hbm>> -> memref<1x10000x64xf32, #tpu.memory_space<hbm>>
      %dma_start3A_911 = tpu.memref_squeeze %dma_start3A_910 : memref<1x10000x64xf32, #tpu.memory_space<hbm>> -> memref<10000x64xf32, #tpu.memory_space<hbm>>
      %dma_start3A_912 = arith.constant 0 : i32
      %dma_start3A_913 = arith.constant 0 : i32
      %dma_start3A_914 = tpu.memref_slice %dma_start3A_911[%dma_start3A_912, %dma_start3A_913] : memref<10000x64xf32, #tpu.memory_space<hbm>> -> memref<10000x64xf32, #tpu.memory_space<hbm>>
      %dma_start3A_915 = tpu.memref_slice %arg9[%dma_start3A_900] : memref<5x!tpu.dma_semaphore, #tpu.memory_space<semaphore_mem>> -> memref<1x!tpu.dma_semaphore, #tpu.memory_space<semaphore_mem>>
      %dma_start3A_916 = tpu.memref_squeeze %dma_start3A_915 : memref<1x!tpu.dma_semaphore, #tpu.memory_space<semaphore_mem>> -> memref<!tpu.dma_semaphore, #tpu.memory_space<semaphore_mem>>
      tpu.enqueue_indirect_dma source(%dma_start3A_914 : memref<10000x64xf32, #tpu.memory_space<hbm>>) target(%dma_start3A_904 : memref<125x64xf32, #tpu.memory_space<vmem>>) offsets(%dma_start3A_907 : memref<125xi32, #tpu.memory_space<vmem>>) semaphore(%dma_start3A_916 : memref<!tpu.dma_semaphore, #tpu.memory_space<semaphore_mem>>)
      %mul3A_917 = arith.constant 5 : i32
      %mul3A_918 = arith.muli %scan3A_769, %mul3A_917 : i32
      %add3A_919 = arith.constant 2 : i32
      %add3A_920 = arith.addi %mul3A_918, %add3A_919 : i32
      %dma_wait3A_921 = arith.constant 0 : i32
      %dma_wait3A_922 = arith.constant 2 : i32
      %dma_wait3A_923 = arith.constant 2 : i32
      %dma_wait3A_924 = arith.constant 0 : i32
      %dma_wait3A_925 = arith.constant 0 : i32
      %dma_wait3A_926 = tpu.memref_slice %arg8[%dma_wait3A_922, %dma_wait3A_924, %dma_wait3A_925] : memref<5x125x64xf32, #tpu.memory_space<vmem>> -> memref<1x125x64xf32, #tpu.memory_space<vmem>>
      %dma_wait3A_927 = tpu.memref_squeeze %dma_wait3A_926 : memref<1x125x64xf32, #tpu.memory_space<vmem>> -> memref<125x64xf32, #tpu.memory_space<vmem>>
      %dma_wait3A_928 = arith.constant 0 : i32
      %dma_wait3A_929 = tpu.memref_slice %arg6[%dma_wait3A_921, %dma_wait3A_928] : memref<160x125xi32, #tpu.memory_space<vmem>> -> memref<1x125xi32, #tpu.memory_space<vmem>>
      %dma_wait3A_930 = tpu.memref_squeeze %dma_wait3A_929 : memref<1x125xi32, #tpu.memory_space<vmem>> -> memref<125xi32, #tpu.memory_space<vmem>>
      %dma_wait3A_931 = arith.constant 0 : i32
      %dma_wait3A_932 = arith.constant 0 : i32
      %dma_wait3A_933 = tpu.memref_slice %arg2[%arg0, %dma_wait3A_931, %dma_wait3A_932] : memref<2x10000x64xf32, #tpu.memory_space<hbm>> -> memref<1x10000x64xf32, #tpu.memory_space<hbm>>
      %dma_wait3A_934 = tpu.memref_squeeze %dma_wait3A_933 : memref<1x10000x64xf32, #tpu.memory_space<hbm>> -> memref<10000x64xf32, #tpu.memory_space<hbm>>
      %dma_wait3A_935 = arith.constant 0 : i32
      %dma_wait3A_936 = arith.constant 0 : i32
      %dma_wait3A_937 = tpu.memref_slice %dma_wait3A_934[%dma_wait3A_935, %dma_wait3A_936] : memref<10000x64xf32, #tpu.memory_space<hbm>> -> memref<10000x64xf32, #tpu.memory_space<hbm>>
      %dma_wait3A_938 = tpu.memref_slice %arg9[%dma_wait3A_923] : memref<5x!tpu.dma_semaphore, #tpu.memory_space<semaphore_mem>> -> memref<1x!tpu.dma_semaphore, #tpu.memory_space<semaphore_mem>>
      %dma_wait3A_939 = tpu.memref_squeeze %dma_wait3A_938 : memref<1x!tpu.dma_semaphore, #tpu.memory_space<semaphore_mem>> -> memref<!tpu.dma_semaphore, #tpu.memory_space<semaphore_mem>>
      tpu.wait_indirect_dma semaphore(%dma_wait3A_939 : memref<!tpu.dma_semaphore, #tpu.memory_space<semaphore_mem>>) src(%dma_wait3A_937 : memref<10000x64xf32, #tpu.memory_space<hbm>>) dst(%dma_wait3A_927 : memref<125x64xf32, #tpu.memory_space<vmem>>)
      %dma_start3A_940 = arith.constant 2 : i32
      %dma_start3A_941 = arith.constant 2 : i32
      %dma_start3A_942 = arith.constant 0 : i32
      %dma_start3A_943 = arith.constant 0 : i32
      %dma_start3A_944 = tpu.memref_slice %arg8[%dma_start3A_940, %dma_start3A_942, %dma_start3A_943] : memref<5x125x64xf32, #tpu.memory_space<vmem>> -> memref<1x125x64xf32, #tpu.memory_space<vmem>>
      %dma_start3A_945 = tpu.memref_squeeze %dma_start3A_944 : memref<1x125x64xf32, #tpu.memory_space<vmem>> -> memref<125x64xf32, #tpu.memory_space<vmem>>
      %dma_start3A_946 = arith.constant 0 : i32
      %dma_start3A_947 = tpu.memref_slice %arg7[%add3A_920, %dma_start3A_946] : memref<160x125xi32, #tpu.memory_space<vmem>> -> memref<1x125xi32, #tpu.memory_space<vmem>>
      %dma_start3A_948 = tpu.memref_squeeze %dma_start3A_947 : memref<1x125xi32, #tpu.memory_space<vmem>> -> memref<125xi32, #tpu.memory_space<vmem>>
      %dma_start3A_949 = arith.constant 0 : i32
      %dma_start3A_950 = arith.constant 0 : i32
      %dma_start3A_951 = tpu.memref_slice %arg5[%dma_start3A_949, %dma_start3A_950] : memref<10000x64xf32, #tpu.memory_space<vmem_shared>> -> memref<10000x64xf32, #tpu.memory_space<vmem_shared>>
      %dma_start3A_952 = tpu.memref_slice %arg10[%dma_start3A_941] : memref<5x!tpu.dma_semaphore, #tpu.memory_space<semaphore_mem>> -> memref<1x!tpu.dma_semaphore, #tpu.memory_space<semaphore_mem>>
      %dma_start3A_953 = tpu.memref_squeeze %dma_start3A_952 : memref<1x!tpu.dma_semaphore, #tpu.memory_space<semaphore_mem>> -> memref<!tpu.dma_semaphore, #tpu.memory_space<semaphore_mem>>
      tpu.enqueue_indirect_dma source(%dma_start3A_945 : memref<125x64xf32, #tpu.memory_space<vmem>>) target(%dma_start3A_951 : memref<10000x64xf32, #tpu.memory_space<vmem_shared>>) offsets(%dma_start3A_948 : memref<125xi32, #tpu.memory_space<vmem>>) semaphore(%dma_start3A_953 : memref<!tpu.dma_semaphore, #tpu.memory_space<semaphore_mem>>) {add = true}
      %dma_wait3A_954 = arith.constant 1 : i32
      %dma_wait3A_955 = arith.constant 0 : i32
      %dma_wait3A_956 = arith.constant 1 : i32
      %dma_wait3A_957 = arith.constant 0 : i32
      %dma_wait3A_958 = arith.constant 0 : i32
      %dma_wait3A_959 = tpu.memref_slice %arg8[%dma_wait3A_954, %dma_wait3A_957, %dma_wait3A_958] : memref<5x125x64xf32, #tpu.memory_space<vmem>> -> memref<1x125x64xf32, #tpu.memory_space<vmem>>
      %dma_wait3A_960 = tpu.memref_squeeze %dma_wait3A_959 : memref<1x125x64xf32, #tpu.memory_space<vmem>> -> memref<125x64xf32, #tpu.memory_space<vmem>>
      %dma_wait3A_961 = arith.constant 0 : i32
      %dma_wait3A_962 = tpu.memref_slice %arg7[%dma_wait3A_955, %dma_wait3A_961] : memref<160x125xi32, #tpu.memory_space<vmem>> -> memref<1x125xi32, #tpu.memory_space<vmem>>
      %dma_wait3A_963 = tpu.memref_squeeze %dma_wait3A_962 : memref<1x125xi32, #tpu.memory_space<vmem>> -> memref<125xi32, #tpu.memory_space<vmem>>
      %dma_wait3A_964 = arith.constant 0 : i32
      %dma_wait3A_965 = arith.constant 0 : i32
      %dma_wait3A_966 = tpu.memref_slice %arg5[%dma_wait3A_964, %dma_wait3A_965] : memref<10000x64xf32, #tpu.memory_space<vmem_shared>> -> memref<10000x64xf32, #tpu.memory_space<vmem_shared>>
      %dma_wait3A_967 = tpu.memref_slice %arg10[%dma_wait3A_956] : memref<5x!tpu.dma_semaphore, #tpu.memory_space<semaphore_mem>> -> memref<1x!tpu.dma_semaphore, #tpu.memory_space<semaphore_mem>>
      %dma_wait3A_968 = tpu.memref_squeeze %dma_wait3A_967 : memref<1x!tpu.dma_semaphore, #tpu.memory_space<semaphore_mem>> -> memref<!tpu.dma_semaphore, #tpu.memory_space<semaphore_mem>>
      tpu.wait_indirect_dma semaphore(%dma_wait3A_968 : memref<!tpu.dma_semaphore, #tpu.memory_space<semaphore_mem>>) src(%dma_wait3A_960 : memref<125x64xf32, #tpu.memory_space<vmem>>) dst(%dma_wait3A_966 : memref<10000x64xf32, #tpu.memory_space<vmem_shared>>)
      %add3A_969 = arith.constant 5 : i32
      %add3A_970 = arith.addi %add3A_920, %add3A_969 : i32
      %sub3A_971 = arith.constant 1 : i32
      %sub3A_972 = arith.subi %add3A_970, %sub3A_971 : i32
      %dma_start3A_973 = arith.constant 1 : i32
      %dma_start3A_974 = arith.constant 1 : i32
      %dma_start3A_975 = arith.constant 0 : i32
      %dma_start3A_976 = arith.constant 0 : i32
      %dma_start3A_977 = tpu.memref_slice %arg8[%dma_start3A_973, %dma_start3A_975, %dma_start3A_976] : memref<5x125x64xf32, #tpu.memory_space<vmem>> -> memref<1x125x64xf32, #tpu.memory_space<vmem>>
      %dma_start3A_978 = tpu.memref_squeeze %dma_start3A_977 : memref<1x125x64xf32, #tpu.memory_space<vmem>> -> memref<125x64xf32, #tpu.memory_space<vmem>>
      %dma_start3A_979 = arith.constant 0 : i32
      %dma_start3A_980 = tpu.memref_slice %arg6[%sub3A_972, %dma_start3A_979] : memref<160x125xi32, #tpu.memory_space<vmem>> -> memref<1x125xi32, #tpu.memory_space<vmem>>
      %dma_start3A_981 = tpu.memref_squeeze %dma_start3A_980 : memref<1x125xi32, #tpu.memory_space<vmem>> -> memref<125xi32, #tpu.memory_space<vmem>>
      %dma_start3A_982 = arith.constant 0 : i32
      %dma_start3A_983 = arith.constant 0 : i32
      %dma_start3A_984 = tpu.memref_slice %arg2[%arg0, %dma_start3A_982, %dma_start3A_983] : memref<2x10000x64xf32, #tpu.memory_space<hbm>> -> memref<1x10000x64xf32, #tpu.memory_space<hbm>>
      %dma_start3A_985 = tpu.memref_squeeze %dma_start3A_984 : memref<1x10000x64xf32, #tpu.memory_space<hbm>> -> memref<10000x64xf32, #tpu.memory_space<hbm>>
      %dma_start3A_986 = arith.constant 0 : i32
      %dma_start3A_987 = arith.constant 0 : i32
      %dma_start3A_988 = tpu.memref_slice %dma_start3A_985[%dma_start3A_986, %dma_start3A_987] : memref<10000x64xf32, #tpu.memory_space<hbm>> -> memref<10000x64xf32, #tpu.memory_space<hbm>>
      %dma_start3A_989 = tpu.memref_slice %arg9[%dma_start3A_974] : memref<5x!tpu.dma_semaphore, #tpu.memory_space<semaphore_mem>> -> memref<1x!tpu.dma_semaphore, #tpu.memory_space<semaphore_mem>>
      %dma_start3A_990 = tpu.memref_squeeze %dma_start3A_989 : memref<1x!tpu.dma_semaphore, #tpu.memory_space<semaphore_mem>> -> memref<!tpu.dma_semaphore, #tpu.memory_space<semaphore_mem>>
      tpu.enqueue_indirect_dma source(%dma_start3A_988 : memref<10000x64xf32, #tpu.memory_space<hbm>>) target(%dma_start3A_978 : memref<125x64xf32, #tpu.memory_space<vmem>>) offsets(%dma_start3A_981 : memref<125xi32, #tpu.memory_space<vmem>>) semaphore(%dma_start3A_990 : memref<!tpu.dma_semaphore, #tpu.memory_space<semaphore_mem>>)
      %mul3A_991 = arith.constant 5 : i32
      %mul3A_992 = arith.muli %scan3A_769, %mul3A_991 : i32
      %add3A_993 = arith.constant 3 : i32
      %add3A_994 = arith.addi %mul3A_992, %add3A_993 : i32
      %dma_wait3A_995 = arith.constant 0 : i32
      %dma_wait3A_996 = arith.constant 3 : i32
      %dma_wait3A_997 = arith.constant 3 : i32
      %dma_wait3A_998 = arith.constant 0 : i32
      %dma_wait3A_999 = arith.constant 0 : i32
      %dma_wait3A_1000 = tpu.memref_slice %arg8[%dma_wait3A_996, %dma_wait3A_998, %dma_wait3A_999] : memref<5x125x64xf32, #tpu.memory_space<vmem>> -> memref<1x125x64xf32, #tpu.memory_space<vmem>>
      %dma_wait3A_1001 = tpu.memref_squeeze %dma_wait3A_1000 : memref<1x125x64xf32, #tpu.memory_space<vmem>> -> memref<125x64xf32, #tpu.memory_space<vmem>>
      %dma_wait3A_1002 = arith.constant 0 : i32
      %dma_wait3A_1003 = tpu.memref_slice %arg6[%dma_wait3A_995, %dma_wait3A_1002] : memref<160x125xi32, #tpu.memory_space<vmem>> -> memref<1x125xi32, #tpu.memory_space<vmem>>
      %dma_wait3A_1004 = tpu.memref_squeeze %dma_wait3A_1003 : memref<1x125xi32, #tpu.memory_space<vmem>> -> memref<125xi32, #tpu.memory_space<vmem>>
      %dma_wait3A_1005 = arith.constant 0 : i32
      %dma_wait3A_1006 = arith.constant 0 : i32
      %dma_wait3A_1007 = tpu.memref_slice %arg2[%arg0, %dma_wait3A_1005, %dma_wait3A_1006] : memref<2x10000x64xf32, #tpu.memory_space<hbm>> -> memref<1x10000x64xf32, #tpu.memory_space<hbm>>
      %dma_wait3A_1008 = tpu.memref_squeeze %dma_wait3A_1007 : memref<1x10000x64xf32, #tpu.memory_space<hbm>> -> memref<10000x64xf32, #tpu.memory_space<hbm>>
      %dma_wait3A_1009 = arith.constant 0 : i32
      %dma_wait3A_1010 = arith.constant 0 : i32
      %dma_wait3A_1011 = tpu.memref_slice %dma_wait3A_1008[%dma_wait3A_1009, %dma_wait3A_1010] : memref<10000x64xf32, #tpu.memory_space<hbm>> -> memref<10000x64xf32, #tpu.memory_space<hbm>>
      %dma_wait3A_1012 = tpu.memref_slice %arg9[%dma_wait3A_997] : memref<5x!tpu.dma_semaphore, #tpu.memory_space<semaphore_mem>> -> memref<1x!tpu.dma_semaphore, #tpu.memory_space<semaphore_mem>>
      %dma_wait3A_1013 = tpu.memref_squeeze %dma_wait3A_1012 : memref<1x!tpu.dma_semaphore, #tpu.memory_space<semaphore_mem>> -> memref<!tpu.dma_semaphore, #tpu.memory_space<semaphore_mem>>
      tpu.wait_indirect_dma semaphore(%dma_wait3A_1013 : memref<!tpu.dma_semaphore, #tpu.memory_space<semaphore_mem>>) src(%dma_wait3A_1011 : memref<10000x64xf32, #tpu.memory_space<hbm>>) dst(%dma_wait3A_1001 : memref<125x64xf32, #tpu.memory_space<vmem>>)
      %dma_start3A_1014 = arith.constant 3 : i32
      %dma_start3A_1015 = arith.constant 3 : i32
      %dma_start3A_1016 = arith.constant 0 : i32
      %dma_start3A_1017 = arith.constant 0 : i32
      %dma_start3A_1018 = tpu.memref_slice %arg8[%dma_start3A_1014, %dma_start3A_1016, %dma_start3A_1017] : memref<5x125x64xf32, #tpu.memory_space<vmem>> -> memref<1x125x64xf32, #tpu.memory_space<vmem>>
      %dma_start3A_1019 = tpu.memref_squeeze %dma_start3A_1018 : memref<1x125x64xf32, #tpu.memory_space<vmem>> -> memref<125x64xf32, #tpu.memory_space<vmem>>
      %dma_start3A_1020 = arith.constant 0 : i32
      %dma_start3A_1021 = tpu.memref_slice %arg7[%add3A_994, %dma_start3A_1020] : memref<160x125xi32, #tpu.memory_space<vmem>> -> memref<1x125xi32, #tpu.memory_space<vmem>>
      %dma_start3A_1022 = tpu.memref_squeeze %dma_start3A_1021 : memref<1x125xi32, #tpu.memory_space<vmem>> -> memref<125xi32, #tpu.memory_space<vmem>>
      %dma_start3A_1023 = arith.constant 0 : i32
      %dma_start3A_1024 = arith.constant 0 : i32
      %dma_start3A_1025 = tpu.memref_slice %arg5[%dma_start3A_1023, %dma_start3A_1024] : memref<10000x64xf32, #tpu.memory_space<vmem_shared>> -> memref<10000x64xf32, #tpu.memory_space<vmem_shared>>
      %dma_start3A_1026 = tpu.memref_slice %arg10[%dma_start3A_1015] : memref<5x!tpu.dma_semaphore, #tpu.memory_space<semaphore_mem>> -> memref<1x!tpu.dma_semaphore, #tpu.memory_space<semaphore_mem>>
      %dma_start3A_1027 = tpu.memref_squeeze %dma_start3A_1026 : memref<1x!tpu.dma_semaphore, #tpu.memory_space<semaphore_mem>> -> memref<!tpu.dma_semaphore, #tpu.memory_space<semaphore_mem>>
      tpu.enqueue_indirect_dma source(%dma_start3A_1019 : memref<125x64xf32, #tpu.memory_space<vmem>>) target(%dma_start3A_1025 : memref<10000x64xf32, #tpu.memory_space<vmem_shared>>) offsets(%dma_start3A_1022 : memref<125xi32, #tpu.memory_space<vmem>>) semaphore(%dma_start3A_1027 : memref<!tpu.dma_semaphore, #tpu.memory_space<semaphore_mem>>) {add = true}
      %dma_wait3A_1028 = arith.constant 2 : i32
      %dma_wait3A_1029 = arith.constant 0 : i32
      %dma_wait3A_1030 = arith.constant 2 : i32
      %dma_wait3A_1031 = arith.constant 0 : i32
      %dma_wait3A_1032 = arith.constant 0 : i32
      %dma_wait3A_1033 = tpu.memref_slice %arg8[%dma_wait3A_1028, %dma_wait3A_1031, %dma_wait3A_1032] : memref<5x125x64xf32, #tpu.memory_space<vmem>> -> memref<1x125x64xf32, #tpu.memory_space<vmem>>
      %dma_wait3A_1034 = tpu.memref_squeeze %dma_wait3A_1033 : memref<1x125x64xf32, #tpu.memory_space<vmem>> -> memref<125x64xf32, #tpu.memory_space<vmem>>
      %dma_wait3A_1035 = arith.constant 0 : i32
      %dma_wait3A_1036 = tpu.memref_slice %arg7[%dma_wait3A_1029, %dma_wait3A_1035] : memref<160x125xi32, #tpu.memory_space<vmem>> -> memref<1x125xi32, #tpu.memory_space<vmem>>
      %dma_wait3A_1037 = tpu.memref_squeeze %dma_wait3A_1036 : memref<1x125xi32, #tpu.memory_space<vmem>> -> memref<125xi32, #tpu.memory_space<vmem>>
      %dma_wait3A_1038 = arith.constant 0 : i32
      %dma_wait3A_1039 = arith.constant 0 : i32
      %dma_wait3A_1040 = tpu.memref_slice %arg5[%dma_wait3A_1038, %dma_wait3A_1039] : memref<10000x64xf32, #tpu.memory_space<vmem_shared>> -> memref<10000x64xf32, #tpu.memory_space<vmem_shared>>
      %dma_wait3A_1041 = tpu.memref_slice %arg10[%dma_wait3A_1030] : memref<5x!tpu.dma_semaphore, #tpu.memory_space<semaphore_mem>> -> memref<1x!tpu.dma_semaphore, #tpu.memory_space<semaphore_mem>>
      %dma_wait3A_1042 = tpu.memref_squeeze %dma_wait3A_1041 : memref<1x!tpu.dma_semaphore, #tpu.memory_space<semaphore_mem>> -> memref<!tpu.dma_semaphore, #tpu.memory_space<semaphore_mem>>
      tpu.wait_indirect_dma semaphore(%dma_wait3A_1042 : memref<!tpu.dma_semaphore, #tpu.memory_space<semaphore_mem>>) src(%dma_wait3A_1034 : memref<125x64xf32, #tpu.memory_space<vmem>>) dst(%dma_wait3A_1040 : memref<10000x64xf32, #tpu.memory_space<vmem_shared>>)
      %add3A_1043 = arith.constant 5 : i32
      %add3A_1044 = arith.addi %add3A_994, %add3A_1043 : i32
      %sub3A_1045 = arith.constant 1 : i32
      %sub3A_1046 = arith.subi %add3A_1044, %sub3A_1045 : i32
      %dma_start3A_1047 = arith.constant 2 : i32
      %dma_start3A_1048 = arith.constant 2 : i32
      %dma_start3A_1049 = arith.constant 0 : i32
      %dma_start3A_1050 = arith.constant 0 : i32
      %dma_start3A_1051 = tpu.memref_slice %arg8[%dma_start3A_1047, %dma_start3A_1049, %dma_start3A_1050] : memref<5x125x64xf32, #tpu.memory_space<vmem>> -> memref<1x125x64xf32, #tpu.memory_space<vmem>>
      %dma_start3A_1052 = tpu.memref_squeeze %dma_start3A_1051 : memref<1x125x64xf32, #tpu.memory_space<vmem>> -> memref<125x64xf32, #tpu.memory_space<vmem>>
      %dma_start3A_1053 = arith.constant 0 : i32
      %dma_start3A_1054 = tpu.memref_slice %arg6[%sub3A_1046, %dma_start3A_1053] : memref<160x125xi32, #tpu.memory_space<vmem>> -> memref<1x125xi32, #tpu.memory_space<vmem>>
      %dma_start3A_1055 = tpu.memref_squeeze %dma_start3A_1054 : memref<1x125xi32, #tpu.memory_space<vmem>> -> memref<125xi32, #tpu.memory_space<vmem>>
      %dma_start3A_1056 = arith.constant 0 : i32
      %dma_start3A_1057 = arith.constant 0 : i32
      %dma_start3A_1058 = tpu.memref_slice %arg2[%arg0, %dma_start3A_1056, %dma_start3A_1057] : memref<2x10000x64xf32, #tpu.memory_space<hbm>> -> memref<1x10000x64xf32, #tpu.memory_space<hbm>>
      %dma_start3A_1059 = tpu.memref_squeeze %dma_start3A_1058 : memref<1x10000x64xf32, #tpu.memory_space<hbm>> -> memref<10000x64xf32, #tpu.memory_space<hbm>>
      %dma_start3A_1060 = arith.constant 0 : i32
      %dma_start3A_1061 = arith.constant 0 : i32
      %dma_start3A_1062 = tpu.memref_slice %dma_start3A_1059[%dma_start3A_1060, %dma_start3A_1061] : memref<10000x64xf32, #tpu.memory_space<hbm>> -> memref<10000x64xf32, #tpu.memory_space<hbm>>
      %dma_start3A_1063 = tpu.memref_slice %arg9[%dma_start3A_1048] : memref<5x!tpu.dma_semaphore, #tpu.memory_space<semaphore_mem>> -> memref<1x!tpu.dma_semaphore, #tpu.memory_space<semaphore_mem>>
      %dma_start3A_1064 = tpu.memref_squeeze %dma_start3A_1063 : memref<1x!tpu.dma_semaphore, #tpu.memory_space<semaphore_mem>> -> memref<!tpu.dma_semaphore, #tpu.memory_space<semaphore_mem>>
      tpu.enqueue_indirect_dma source(%dma_start3A_1062 : memref<10000x64xf32, #tpu.memory_space<hbm>>) target(%dma_start3A_1052 : memref<125x64xf32, #tpu.memory_space<vmem>>) offsets(%dma_start3A_1055 : memref<125xi32, #tpu.memory_space<vmem>>) semaphore(%dma_start3A_1064 : memref<!tpu.dma_semaphore, #tpu.memory_space<semaphore_mem>>)
      %mul3A_1065 = arith.constant 5 : i32
      %mul3A_1066 = arith.muli %scan3A_769, %mul3A_1065 : i32
      %add3A_1067 = arith.constant 4 : i32
      %add3A_1068 = arith.addi %mul3A_1066, %add3A_1067 : i32
      %dma_wait3A_1069 = arith.constant 0 : i32
      %dma_wait3A_1070 = arith.constant 4 : i32
      %dma_wait3A_1071 = arith.constant 4 : i32
      %dma_wait3A_1072 = arith.constant 0 : i32
      %dma_wait3A_1073 = arith.constant 0 : i32
      %dma_wait3A_1074 = tpu.memref_slice %arg8[%dma_wait3A_1070, %dma_wait3A_1072, %dma_wait3A_1073] : memref<5x125x64xf32, #tpu.memory_space<vmem>> -> memref<1x125x64xf32, #tpu.memory_space<vmem>>
      %dma_wait3A_1075 = tpu.memref_squeeze %dma_wait3A_1074 : memref<1x125x64xf32, #tpu.memory_space<vmem>> -> memref<125x64xf32, #tpu.memory_space<vmem>>
      %dma_wait3A_1076 = arith.constant 0 : i32
      %dma_wait3A_1077 = tpu.memref_slice %arg6[%dma_wait3A_1069, %dma_wait3A_1076] : memref<160x125xi32, #tpu.memory_space<vmem>> -> memref<1x125xi32, #tpu.memory_space<vmem>>
      %dma_wait3A_1078 = tpu.memref_squeeze %dma_wait3A_1077 : memref<1x125xi32, #tpu.memory_space<vmem>> -> memref<125xi32, #tpu.memory_space<vmem>>
      %dma_wait3A_1079 = arith.constant 0 : i32
      %dma_wait3A_1080 = arith.constant 0 : i32
      %dma_wait3A_1081 = tpu.memref_slice %arg2[%arg0, %dma_wait3A_1079, %dma_wait3A_1080] : memref<2x10000x64xf32, #tpu.memory_space<hbm>> -> memref<1x10000x64xf32, #tpu.memory_space<hbm>>
      %dma_wait3A_1082 = tpu.memref_squeeze %dma_wait3A_1081 : memref<1x10000x64xf32, #tpu.memory_space<hbm>> -> memref<10000x64xf32, #tpu.memory_space<hbm>>
      %dma_wait3A_1083 = arith.constant 0 : i32
      %dma_wait3A_1084 = arith.constant 0 : i32
      %dma_wait3A_1085 = tpu.memref_slice %dma_wait3A_1082[%dma_wait3A_1083, %dma_wait3A_1084] : memref<10000x64xf32, #tpu.memory_space<hbm>> -> memref<10000x64xf32, #tpu.memory_space<hbm>>
      %dma_wait3A_1086 = tpu.memref_slice %arg9[%dma_wait3A_1071] : memref<5x!tpu.dma_semaphore, #tpu.memory_space<semaphore_mem>> -> memref<1x!tpu.dma_semaphore, #tpu.memory_space<semaphore_mem>>
      %dma_wait3A_1087 = tpu.memref_squeeze %dma_wait3A_1086 : memref<1x!tpu.dma_semaphore, #tpu.memory_space<semaphore_mem>> -> memref<!tpu.dma_semaphore, #tpu.memory_space<semaphore_mem>>
      tpu.wait_indirect_dma semaphore(%dma_wait3A_1087 : memref<!tpu.dma_semaphore, #tpu.memory_space<semaphore_mem>>) src(%dma_wait3A_1085 : memref<10000x64xf32, #tpu.memory_space<hbm>>) dst(%dma_wait3A_1075 : memref<125x64xf32, #tpu.memory_space<vmem>>)
      %dma_start3A_1088 = arith.constant 4 : i32
      %dma_start3A_1089 = arith.constant 4 : i32
      %dma_start3A_1090 = arith.constant 0 : i32
      %dma_start3A_1091 = arith.constant 0 : i32
      %dma_start3A_1092 = tpu.memref_slice %arg8[%dma_start3A_1088, %dma_start3A_1090, %dma_start3A_1091] : memref<5x125x64xf32, #tpu.memory_space<vmem>> -> memref<1x125x64xf32, #tpu.memory_space<vmem>>
      %dma_start3A_1093 = tpu.memref_squeeze %dma_start3A_1092 : memref<1x125x64xf32, #tpu.memory_space<vmem>> -> memref<125x64xf32, #tpu.memory_space<vmem>>
      %dma_start3A_1094 = arith.constant 0 : i32
      %dma_start3A_1095 = tpu.memref_slice %arg7[%add3A_1068, %dma_start3A_1094] : memref<160x125xi32, #tpu.memory_space<vmem>> -> memref<1x125xi32, #tpu.memory_space<vmem>>
      %dma_start3A_1096 = tpu.memref_squeeze %dma_start3A_1095 : memref<1x125xi32, #tpu.memory_space<vmem>> -> memref<125xi32, #tpu.memory_space<vmem>>
      %dma_start3A_1097 = arith.constant 0 : i32
      %dma_start3A_1098 = arith.constant 0 : i32
      %dma_start3A_1099 = tpu.memref_slice %arg5[%dma_start3A_1097, %dma_start3A_1098] : memref<10000x64xf32, #tpu.memory_space<vmem_shared>> -> memref<10000x64xf32, #tpu.memory_space<vmem_shared>>
      %dma_start3A_1100 = tpu.memref_slice %arg10[%dma_start3A_1089] : memref<5x!tpu.dma_semaphore, #tpu.memory_space<semaphore_mem>> -> memref<1x!tpu.dma_semaphore, #tpu.memory_space<semaphore_mem>>
      %dma_start3A_1101 = tpu.memref_squeeze %dma_start3A_1100 : memref<1x!tpu.dma_semaphore, #tpu.memory_space<semaphore_mem>> -> memref<!tpu.dma_semaphore, #tpu.memory_space<semaphore_mem>>
      tpu.enqueue_indirect_dma source(%dma_start3A_1093 : memref<125x64xf32, #tpu.memory_space<vmem>>) target(%dma_start3A_1099 : memref<10000x64xf32, #tpu.memory_space<vmem_shared>>) offsets(%dma_start3A_1096 : memref<125xi32, #tpu.memory_space<vmem>>) semaphore(%dma_start3A_1101 : memref<!tpu.dma_semaphore, #tpu.memory_space<semaphore_mem>>) {add = true}
      %dma_wait3A_1102 = arith.constant 3 : i32
      %dma_wait3A_1103 = arith.constant 0 : i32
      %dma_wait3A_1104 = arith.constant 3 : i32
      %dma_wait3A_1105 = arith.constant 0 : i32
      %dma_wait3A_1106 = arith.constant 0 : i32
      %dma_wait3A_1107 = tpu.memref_slice %arg8[%dma_wait3A_1102, %dma_wait3A_1105, %dma_wait3A_1106] : memref<5x125x64xf32, #tpu.memory_space<vmem>> -> memref<1x125x64xf32, #tpu.memory_space<vmem>>
      %dma_wait3A_1108 = tpu.memref_squeeze %dma_wait3A_1107 : memref<1x125x64xf32, #tpu.memory_space<vmem>> -> memref<125x64xf32, #tpu.memory_space<vmem>>
      %dma_wait3A_1109 = arith.constant 0 : i32
      %dma_wait3A_1110 = tpu.memref_slice %arg7[%dma_wait3A_1103, %dma_wait3A_1109] : memref<160x125xi32, #tpu.memory_space<vmem>> -> memref<1x125xi32, #tpu.memory_space<vmem>>
      %dma_wait3A_1111 = tpu.memref_squeeze %dma_wait3A_1110 : memref<1x125xi32, #tpu.memory_space<vmem>> -> memref<125xi32, #tpu.memory_space<vmem>>
      %dma_wait3A_1112 = arith.constant 0 : i32
      %dma_wait3A_1113 = arith.constant 0 : i32
      %dma_wait3A_1114 = tpu.memref_slice %arg5[%dma_wait3A_1112, %dma_wait3A_1113] : memref<10000x64xf32, #tpu.memory_space<vmem_shared>> -> memref<10000x64xf32, #tpu.memory_space<vmem_shared>>
      %dma_wait3A_1115 = tpu.memref_slice %arg10[%dma_wait3A_1104] : memref<5x!tpu.dma_semaphore, #tpu.memory_space<semaphore_mem>> -> memref<1x!tpu.dma_semaphore, #tpu.memory_space<semaphore_mem>>
      %dma_wait3A_1116 = tpu.memref_squeeze %dma_wait3A_1115 : memref<1x!tpu.dma_semaphore, #tpu.memory_space<semaphore_mem>> -> memref<!tpu.dma_semaphore, #tpu.memory_space<semaphore_mem>>
      tpu.wait_indirect_dma semaphore(%dma_wait3A_1116 : memref<!tpu.dma_semaphore, #tpu.memory_space<semaphore_mem>>) src(%dma_wait3A_1108 : memref<125x64xf32, #tpu.memory_space<vmem>>) dst(%dma_wait3A_1114 : memref<10000x64xf32, #tpu.memory_space<vmem_shared>>)
      %add3A_1117 = arith.constant 5 : i32
      %add3A_1118 = arith.addi %add3A_1068, %add3A_1117 : i32
      %sub3A_1119 = arith.constant 1 : i32
      %sub3A_1120 = arith.subi %add3A_1118, %sub3A_1119 : i32
      %dma_start3A_1121 = arith.constant 3 : i32
      %dma_start3A_1122 = arith.constant 3 : i32
      %dma_start3A_1123 = arith.constant 0 : i32
      %dma_start3A_1124 = arith.constant 0 : i32
      %dma_start3A_1125 = tpu.memref_slice %arg8[%dma_start3A_1121, %dma_start3A_1123, %dma_start3A_1124] : memref<5x125x64xf32, #tpu.memory_space<vmem>> -> memref<1x125x64xf32, #tpu.memory_space<vmem>>
      %dma_start3A_1126 = tpu.memref_squeeze %dma_start3A_1125 : memref<1x125x64xf32, #tpu.memory_space<vmem>> -> memref<125x64xf32, #tpu.memory_space<vmem>>
      %dma_start3A_1127 = arith.constant 0 : i32
      %dma_start3A_1128 = tpu.memref_slice %arg6[%sub3A_1120, %dma_start3A_1127] : memref<160x125xi32, #tpu.memory_space<vmem>> -> memref<1x125xi32, #tpu.memory_space<vmem>>
      %dma_start3A_1129 = tpu.memref_squeeze %dma_start3A_1128 : memref<1x125xi32, #tpu.memory_space<vmem>> -> memref<125xi32, #tpu.memory_space<vmem>>
      %dma_start3A_1130 = arith.constant 0 : i32
      %dma_start3A_1131 = arith.constant 0 : i32
      %dma_start3A_1132 = tpu.memref_slice %arg2[%arg0, %dma_start3A_1130, %dma_start3A_1131] : memref<2x10000x64xf32, #tpu.memory_space<hbm>> -> memref<1x10000x64xf32, #tpu.memory_space<hbm>>
      %dma_start3A_1133 = tpu.memref_squeeze %dma_start3A_1132 : memref<1x10000x64xf32, #tpu.memory_space<hbm>> -> memref<10000x64xf32, #tpu.memory_space<hbm>>
      %dma_start3A_1134 = arith.constant 0 : i32
      %dma_start3A_1135 = arith.constant 0 : i32
      %dma_start3A_1136 = tpu.memref_slice %dma_start3A_1133[%dma_start3A_1134, %dma_start3A_1135] : memref<10000x64xf32, #tpu.memory_space<hbm>> -> memref<10000x64xf32, #tpu.memory_space<hbm>>
      %dma_start3A_1137 = tpu.memref_slice %arg9[%dma_start3A_1122] : memref<5x!tpu.dma_semaphore, #tpu.memory_space<semaphore_mem>> -> memref<1x!tpu.dma_semaphore, #tpu.memory_space<semaphore_mem>>
      %dma_start3A_1138 = tpu.memref_squeeze %dma_start3A_1137 : memref<1x!tpu.dma_semaphore, #tpu.memory_space<semaphore_mem>> -> memref<!tpu.dma_semaphore, #tpu.memory_space<semaphore_mem>>
      tpu.enqueue_indirect_dma source(%dma_start3A_1136 : memref<10000x64xf32, #tpu.memory_space<hbm>>) target(%dma_start3A_1126 : memref<125x64xf32, #tpu.memory_space<vmem>>) offsets(%dma_start3A_1129 : memref<125xi32, #tpu.memory_space<vmem>>) semaphore(%dma_start3A_1138 : memref<!tpu.dma_semaphore, #tpu.memory_space<semaphore_mem>>)
    }
    %scan3A_438 = arith.constant 30 : i32
    %dma_wait3A_439 = arith.constant 0 : i32
    %dma_wait3A_440 = arith.constant 0 : i32
    %dma_wait3A_441 = arith.constant 0 : i32
    %dma_wait3A_442 = arith.constant 0 : i32
    %dma_wait3A_443 = arith.constant 0 : i32
    %dma_wait3A_444 = tpu.memref_slice %arg8[%dma_wait3A_440, %dma_wait3A_442, %dma_wait3A_443] : memref<5x125x64xf32, #tpu.memory_space<vmem>> -> memref<1x125x64xf32, #tpu.memory_space<vmem>>
    %dma_wait3A_445 = tpu.memref_squeeze %dma_wait3A_444 : memref<1x125x64xf32, #tpu.memory_space<vmem>> -> memref<125x64xf32, #tpu.memory_space<vmem>>
    %dma_wait3A_446 = arith.constant 0 : i32
    %dma_wait3A_447 = tpu.memref_slice %arg6[%dma_wait3A_439, %dma_wait3A_446] : memref<160x125xi32, #tpu.memory_space<vmem>> -> memref<1x125xi32, #tpu.memory_space<vmem>>
    %dma_wait3A_448 = tpu.memref_squeeze %dma_wait3A_447 : memref<1x125xi32, #tpu.memory_space<vmem>> -> memref<125xi32, #tpu.memory_space<vmem>>
    %dma_wait3A_449 = arith.constant 0 : i32
    %dma_wait3A_450 = arith.constant 0 : i32
    %dma_wait3A_451 = tpu.memref_slice %arg2[%arg0, %dma_wait3A_449, %dma_wait3A_450] : memref<2x10000x64xf32, #tpu.memory_space<hbm>> -> memref<1x10000x64xf32, #tpu.memory_space<hbm>>
    %dma_wait3A_452 = tpu.memref_squeeze %dma_wait3A_451 : memref<1x10000x64xf32, #tpu.memory_space<hbm>> -> memref<10000x64xf32, #tpu.memory_space<hbm>>
    %dma_wait3A_453 = arith.constant 0 : i32
    %dma_wait3A_454 = arith.constant 0 : i32
    %dma_wait3A_455 = tpu.memref_slice %dma_wait3A_452[%dma_wait3A_453, %dma_wait3A_454] : memref<10000x64xf32, #tpu.memory_space<hbm>> -> memref<10000x64xf32, #tpu.memory_space<hbm>>
    %dma_wait3A_456 = tpu.memref_slice %arg9[%dma_wait3A_441] : memref<5x!tpu.dma_semaphore, #tpu.memory_space<semaphore_mem>> -> memref<1x!tpu.dma_semaphore, #tpu.memory_space<semaphore_mem>>
    %dma_wait3A_457 = tpu.memref_squeeze %dma_wait3A_456 : memref<1x!tpu.dma_semaphore, #tpu.memory_space<semaphore_mem>> -> memref<!tpu.dma_semaphore, #tpu.memory_space<semaphore_mem>>
    tpu.wait_indirect_dma semaphore(%dma_wait3A_457 : memref<!tpu.dma_semaphore, #tpu.memory_space<semaphore_mem>>) src(%dma_wait3A_455 : memref<10000x64xf32, #tpu.memory_space<hbm>>) dst(%dma_wait3A_445 : memref<125x64xf32, #tpu.memory_space<vmem>>)
    %dma_start3A_458 = arith.constant 0 : i32
    %dma_start3A_459 = arith.constant 155 : i32
    %dma_start3A_460 = arith.constant 0 : i32
    %dma_start3A_461 = arith.constant 0 : i32
    %dma_start3A_462 = arith.constant 0 : i32
    %dma_start3A_463 = tpu.memref_slice %arg8[%dma_start3A_458, %dma_start3A_461, %dma_start3A_462] : memref<5x125x64xf32, #tpu.memory_space<vmem>> -> memref<1x125x64xf32, #tpu.memory_space<vmem>>
    %dma_start3A_464 = tpu.memref_squeeze %dma_start3A_463 : memref<1x125x64xf32, #tpu.memory_space<vmem>> -> memref<125x64xf32, #tpu.memory_space<vmem>>
    %dma_start3A_465 = arith.constant 0 : i32
    %dma_start3A_466 = tpu.memref_slice %arg7[%dma_start3A_459, %dma_start3A_465] : memref<160x125xi32, #tpu.memory_space<vmem>> -> memref<1x125xi32, #tpu.memory_space<vmem>>
    %dma_start3A_467 = tpu.memref_squeeze %dma_start3A_466 : memref<1x125xi32, #tpu.memory_space<vmem>> -> memref<125xi32, #tpu.memory_space<vmem>>
    %dma_start3A_468 = arith.constant 0 : i32
    %dma_start3A_469 = arith.constant 0 : i32
    %dma_start3A_470 = tpu.memref_slice %arg5[%dma_start3A_468, %dma_start3A_469] : memref<10000x64xf32, #tpu.memory_space<vmem_shared>> -> memref<10000x64xf32, #tpu.memory_space<vmem_shared>>
    %dma_start3A_471 = tpu.memref_slice %arg10[%dma_start3A_460] : memref<5x!tpu.dma_semaphore, #tpu.memory_space<semaphore_mem>> -> memref<1x!tpu.dma_semaphore, #tpu.memory_space<semaphore_mem>>
    %dma_start3A_472 = tpu.memref_squeeze %dma_start3A_471 : memref<1x!tpu.dma_semaphore, #tpu.memory_space<semaphore_mem>> -> memref<!tpu.dma_semaphore, #tpu.memory_space<semaphore_mem>>
    tpu.enqueue_indirect_dma source(%dma_start3A_464 : memref<125x64xf32, #tpu.memory_space<vmem>>) target(%dma_start3A_470 : memref<10000x64xf32, #tpu.memory_space<vmem_shared>>) offsets(%dma_start3A_467 : memref<125xi32, #tpu.memory_space<vmem>>) semaphore(%dma_start3A_472 : memref<!tpu.dma_semaphore, #tpu.memory_space<semaphore_mem>>) {add = true}
    %dma_wait3A_473 = arith.constant 4 : i32
    %dma_wait3A_474 = arith.constant 0 : i32
    %dma_wait3A_475 = arith.constant 4 : i32
    %dma_wait3A_476 = arith.constant 0 : i32
    %dma_wait3A_477 = arith.constant 0 : i32
    %dma_wait3A_478 = tpu.memref_slice %arg8[%dma_wait3A_473, %dma_wait3A_476, %dma_wait3A_477] : memref<5x125x64xf32, #tpu.memory_space<vmem>> -> memref<1x125x64xf32, #tpu.memory_space<vmem>>
    %dma_wait3A_479 = tpu.memref_squeeze %dma_wait3A_478 : memref<1x125x64xf32, #tpu.memory_space<vmem>> -> memref<125x64xf32, #tpu.memory_space<vmem>>
    %dma_wait3A_480 = arith.constant 0 : i32
    %dma_wait3A_481 = tpu.memref_slice %arg7[%dma_wait3A_474, %dma_wait3A_480] : memref<160x125xi32, #tpu.memory_space<vmem>> -> memref<1x125xi32, #tpu.memory_space<vmem>>
    %dma_wait3A_482 = tpu.memref_squeeze %dma_wait3A_481 : memref<1x125xi32, #tpu.memory_space<vmem>> -> memref<125xi32, #tpu.memory_space<vmem>>
    %dma_wait3A_483 = arith.constant 0 : i32
    %dma_wait3A_484 = arith.constant 0 : i32
    %dma_wait3A_485 = tpu.memref_slice %arg5[%dma_wait3A_483, %dma_wait3A_484] : memref<10000x64xf32, #tpu.memory_space<vmem_shared>> -> memref<10000x64xf32, #tpu.memory_space<vmem_shared>>
    %dma_wait3A_486 = tpu.memref_slice %arg10[%dma_wait3A_475] : memref<5x!tpu.dma_semaphore, #tpu.memory_space<semaphore_mem>> -> memref<1x!tpu.dma_semaphore, #tpu.memory_space<semaphore_mem>>
    %dma_wait3A_487 = tpu.memref_squeeze %dma_wait3A_486 : memref<1x!tpu.dma_semaphore, #tpu.memory_space<semaphore_mem>> -> memref<!tpu.dma_semaphore, #tpu.memory_space<semaphore_mem>>
    tpu.wait_indirect_dma semaphore(%dma_wait3A_487 : memref<!tpu.dma_semaphore, #tpu.memory_space<semaphore_mem>>) src(%dma_wait3A_479 : memref<125x64xf32, #tpu.memory_space<vmem>>) dst(%dma_wait3A_485 : memref<10000x64xf32, #tpu.memory_space<vmem_shared>>)
    %dma_start3A_488 = arith.constant 159 : i32
    %dma_start3A_489 = arith.constant 4 : i32
    %dma_start3A_490 = arith.constant 4 : i32
    %dma_start3A_491 = arith.constant 0 : i32
    %dma_start3A_492 = arith.constant 0 : i32
    %dma_start3A_493 = tpu.memref_slice %arg8[%dma_start3A_489, %dma_start3A_491, %dma_start3A_492] : memref<5x125x64xf32, #tpu.memory_space<vmem>> -> memref<1x125x64xf32, #tpu.memory_space<vmem>>
    %dma_start3A_494 = tpu.memref_squeeze %dma_start3A_493 : memref<1x125x64xf32, #tpu.memory_space<vmem>> -> memref<125x64xf32, #tpu.memory_space<vmem>>
    %dma_start3A_495 = arith.constant 0 : i32
    %dma_start3A_496 = tpu.memref_slice %arg6[%dma_start3A_488, %dma_start3A_495] : memref<160x125xi32, #tpu.memory_space<vmem>> -> memref<1x125xi32, #tpu.memory_space<vmem>>
    %dma_start3A_497 = tpu.memref_squeeze %dma_start3A_496 : memref<1x125xi32, #tpu.memory_space<vmem>> -> memref<125xi32, #tpu.memory_space<vmem>>
    %dma_start3A_498 = arith.constant 0 : i32
    %dma_start3A_499 = arith.constant 0 : i32
    %dma_start3A_500 = tpu.memref_slice %arg2[%arg0, %dma_start3A_498, %dma_start3A_499] : memref<2x10000x64xf32, #tpu.memory_space<hbm>> -> memref<1x10000x64xf32, #tpu.memory_space<hbm>>
    %dma_start3A_501 = tpu.memref_squeeze %dma_start3A_500 : memref<1x10000x64xf32, #tpu.memory_space<hbm>> -> memref<10000x64xf32, #tpu.memory_space<hbm>>
    %dma_start3A_502 = arith.constant 0 : i32
    %dma_start3A_503 = arith.constant 0 : i32
    %dma_start3A_504 = tpu.memref_slice %dma_start3A_501[%dma_start3A_502, %dma_start3A_503] : memref<10000x64xf32, #tpu.memory_space<hbm>> -> memref<10000x64xf32, #tpu.memory_space<hbm>>
    %dma_start3A_505 = tpu.memref_slice %arg9[%dma_start3A_490] : memref<5x!tpu.dma_semaphore, #tpu.memory_space<semaphore_mem>> -> memref<1x!tpu.dma_semaphore, #tpu.memory_space<semaphore_mem>>
    %dma_start3A_506 = tpu.memref_squeeze %dma_start3A_505 : memref<1x!tpu.dma_semaphore, #tpu.memory_space<semaphore_mem>> -> memref<!tpu.dma_semaphore, #tpu.memory_space<semaphore_mem>>
    tpu.enqueue_indirect_dma source(%dma_start3A_504 : memref<10000x64xf32, #tpu.memory_space<hbm>>) target(%dma_start3A_494 : memref<125x64xf32, #tpu.memory_space<vmem>>) offsets(%dma_start3A_497 : memref<125xi32, #tpu.memory_space<vmem>>) semaphore(%dma_start3A_506 : memref<!tpu.dma_semaphore, #tpu.memory_space<semaphore_mem>>)
    %dma_wait3A_507 = arith.constant 0 : i32
    %dma_wait3A_508 = arith.constant 1 : i32
    %dma_wait3A_509 = arith.constant 1 : i32
    %dma_wait3A_510 = arith.constant 0 : i32
    %dma_wait3A_511 = arith.constant 0 : i32
    %dma_wait3A_512 = tpu.memref_slice %arg8[%dma_wait3A_508, %dma_wait3A_510, %dma_wait3A_511] : memref<5x125x64xf32, #tpu.memory_space<vmem>> -> memref<1x125x64xf32, #tpu.memory_space<vmem>>
    %dma_wait3A_513 = tpu.memref_squeeze %dma_wait3A_512 : memref<1x125x64xf32, #tpu.memory_space<vmem>> -> memref<125x64xf32, #tpu.memory_space<vmem>>
    %dma_wait3A_514 = arith.constant 0 : i32
    %dma_wait3A_515 = tpu.memref_slice %arg6[%dma_wait3A_507, %dma_wait3A_514] : memref<160x125xi32, #tpu.memory_space<vmem>> -> memref<1x125xi32, #tpu.memory_space<vmem>>
    %dma_wait3A_516 = tpu.memref_squeeze %dma_wait3A_515 : memref<1x125xi32, #tpu.memory_space<vmem>> -> memref<125xi32, #tpu.memory_space<vmem>>
    %dma_wait3A_517 = arith.constant 0 : i32
    %dma_wait3A_518 = arith.constant 0 : i32
    %dma_wait3A_519 = tpu.memref_slice %arg2[%arg0, %dma_wait3A_517, %dma_wait3A_518] : memref<2x10000x64xf32, #tpu.memory_space<hbm>> -> memref<1x10000x64xf32, #tpu.memory_space<hbm>>
    %dma_wait3A_520 = tpu.memref_squeeze %dma_wait3A_519 : memref<1x10000x64xf32, #tpu.memory_space<hbm>> -> memref<10000x64xf32, #tpu.memory_space<hbm>>
    %dma_wait3A_521 = arith.constant 0 : i32
    %dma_wait3A_522 = arith.constant 0 : i32
    %dma_wait3A_523 = tpu.memref_slice %dma_wait3A_520[%dma_wait3A_521, %dma_wait3A_522] : memref<10000x64xf32, #tpu.memory_space<hbm>> -> memref<10000x64xf32, #tpu.memory_space<hbm>>
    %dma_wait3A_524 = tpu.memref_slice %arg9[%dma_wait3A_509] : memref<5x!tpu.dma_semaphore, #tpu.memory_space<semaphore_mem>> -> memref<1x!tpu.dma_semaphore, #tpu.memory_space<semaphore_mem>>
    %dma_wait3A_525 = tpu.memref_squeeze %dma_wait3A_524 : memref<1x!tpu.dma_semaphore, #tpu.memory_space<semaphore_mem>> -> memref<!tpu.dma_semaphore, #tpu.memory_space<semaphore_mem>>
    tpu.wait_indirect_dma semaphore(%dma_wait3A_525 : memref<!tpu.dma_semaphore, #tpu.memory_space<semaphore_mem>>) src(%dma_wait3A_523 : memref<10000x64xf32, #tpu.memory_space<hbm>>) dst(%dma_wait3A_513 : memref<125x64xf32, #tpu.memory_space<vmem>>)
    %dma_start3A_526 = arith.constant 1 : i32
    %dma_start3A_527 = arith.constant 156 : i32
    %dma_start3A_528 = arith.constant 1 : i32
    %dma_start3A_529 = arith.constant 0 : i32
    %dma_start3A_530 = arith.constant 0 : i32
    %dma_start3A_531 = tpu.memref_slice %arg8[%dma_start3A_526, %dma_start3A_529, %dma_start3A_530] : memref<5x125x64xf32, #tpu.memory_space<vmem>> -> memref<1x125x64xf32, #tpu.memory_space<vmem>>
    %dma_start3A_532 = tpu.memref_squeeze %dma_start3A_531 : memref<1x125x64xf32, #tpu.memory_space<vmem>> -> memref<125x64xf32, #tpu.memory_space<vmem>>
    %dma_start3A_533 = arith.constant 0 : i32
    %dma_start3A_534 = tpu.memref_slice %arg7[%dma_start3A_527, %dma_start3A_533] : memref<160x125xi32, #tpu.memory_space<vmem>> -> memref<1x125xi32, #tpu.memory_space<vmem>>
    %dma_start3A_535 = tpu.memref_squeeze %dma_start3A_534 : memref<1x125xi32, #tpu.memory_space<vmem>> -> memref<125xi32, #tpu.memory_space<vmem>>
    %dma_start3A_536 = arith.constant 0 : i32
    %dma_start3A_537 = arith.constant 0 : i32
    %dma_start3A_538 = tpu.memref_slice %arg5[%dma_start3A_536, %dma_start3A_537] : memref<10000x64xf32, #tpu.memory_space<vmem_shared>> -> memref<10000x64xf32, #tpu.memory_space<vmem_shared>>
    %dma_start3A_539 = tpu.memref_slice %arg10[%dma_start3A_528] : memref<5x!tpu.dma_semaphore, #tpu.memory_space<semaphore_mem>> -> memref<1x!tpu.dma_semaphore, #tpu.memory_space<semaphore_mem>>
    %dma_start3A_540 = tpu.memref_squeeze %dma_start3A_539 : memref<1x!tpu.dma_semaphore, #tpu.memory_space<semaphore_mem>> -> memref<!tpu.dma_semaphore, #tpu.memory_space<semaphore_mem>>
    tpu.enqueue_indirect_dma source(%dma_start3A_532 : memref<125x64xf32, #tpu.memory_space<vmem>>) target(%dma_start3A_538 : memref<10000x64xf32, #tpu.memory_space<vmem_shared>>) offsets(%dma_start3A_535 : memref<125xi32, #tpu.memory_space<vmem>>) semaphore(%dma_start3A_540 : memref<!tpu.dma_semaphore, #tpu.memory_space<semaphore_mem>>) {add = true}
    %dma_wait3A_541 = arith.constant 0 : i32
    %dma_wait3A_542 = arith.constant 2 : i32
    %dma_wait3A_543 = arith.constant 2 : i32
    %dma_wait3A_544 = arith.constant 0 : i32
    %dma_wait3A_545 = arith.constant 0 : i32
    %dma_wait3A_546 = tpu.memref_slice %arg8[%dma_wait3A_542, %dma_wait3A_544, %dma_wait3A_545] : memref<5x125x64xf32, #tpu.memory_space<vmem>> -> memref<1x125x64xf32, #tpu.memory_space<vmem>>
    %dma_wait3A_547 = tpu.memref_squeeze %dma_wait3A_546 : memref<1x125x64xf32, #tpu.memory_space<vmem>> -> memref<125x64xf32, #tpu.memory_space<vmem>>
    %dma_wait3A_548 = arith.constant 0 : i32
    %dma_wait3A_549 = tpu.memref_slice %arg6[%dma_wait3A_541, %dma_wait3A_548] : memref<160x125xi32, #tpu.memory_space<vmem>> -> memref<1x125xi32, #tpu.memory_space<vmem>>
    %dma_wait3A_550 = tpu.memref_squeeze %dma_wait3A_549 : memref<1x125xi32, #tpu.memory_space<vmem>> -> memref<125xi32, #tpu.memory_space<vmem>>
    %dma_wait3A_551 = arith.constant 0 : i32
    %dma_wait3A_552 = arith.constant 0 : i32
    %dma_wait3A_553 = tpu.memref_slice %arg2[%arg0, %dma_wait3A_551, %dma_wait3A_552] : memref<2x10000x64xf32, #tpu.memory_space<hbm>> -> memref<1x10000x64xf32, #tpu.memory_space<hbm>>
    %dma_wait3A_554 = tpu.memref_squeeze %dma_wait3A_553 : memref<1x10000x64xf32, #tpu.memory_space<hbm>> -> memref<10000x64xf32, #tpu.memory_space<hbm>>
    %dma_wait3A_555 = arith.constant 0 : i32
    %dma_wait3A_556 = arith.constant 0 : i32
    %dma_wait3A_557 = tpu.memref_slice %dma_wait3A_554[%dma_wait3A_555, %dma_wait3A_556] : memref<10000x64xf32, #tpu.memory_space<hbm>> -> memref<10000x64xf32, #tpu.memory_space<hbm>>
    %dma_wait3A_558 = tpu.memref_slice %arg9[%dma_wait3A_543] : memref<5x!tpu.dma_semaphore, #tpu.memory_space<semaphore_mem>> -> memref<1x!tpu.dma_semaphore, #tpu.memory_space<semaphore_mem>>
    %dma_wait3A_559 = tpu.memref_squeeze %dma_wait3A_558 : memref<1x!tpu.dma_semaphore, #tpu.memory_space<semaphore_mem>> -> memref<!tpu.dma_semaphore, #tpu.memory_space<semaphore_mem>>
    tpu.wait_indirect_dma semaphore(%dma_wait3A_559 : memref<!tpu.dma_semaphore, #tpu.memory_space<semaphore_mem>>) src(%dma_wait3A_557 : memref<10000x64xf32, #tpu.memory_space<hbm>>) dst(%dma_wait3A_547 : memref<125x64xf32, #tpu.memory_space<vmem>>)
    %dma_start3A_560 = arith.constant 2 : i32
    %dma_start3A_561 = arith.constant 157 : i32
    %dma_start3A_562 = arith.constant 2 : i32
    %dma_start3A_563 = arith.constant 0 : i32
    %dma_start3A_564 = arith.constant 0 : i32
    %dma_start3A_565 = tpu.memref_slice %arg8[%dma_start3A_560, %dma_start3A_563, %dma_start3A_564] : memref<5x125x64xf32, #tpu.memory_space<vmem>> -> memref<1x125x64xf32, #tpu.memory_space<vmem>>
    %dma_start3A_566 = tpu.memref_squeeze %dma_start3A_565 : memref<1x125x64xf32, #tpu.memory_space<vmem>> -> memref<125x64xf32, #tpu.memory_space<vmem>>
    %dma_start3A_567 = arith.constant 0 : i32
    %dma_start3A_568 = tpu.memref_slice %arg7[%dma_start3A_561, %dma_start3A_567] : memref<160x125xi32, #tpu.memory_space<vmem>> -> memref<1x125xi32, #tpu.memory_space<vmem>>
    %dma_start3A_569 = tpu.memref_squeeze %dma_start3A_568 : memref<1x125xi32, #tpu.memory_space<vmem>> -> memref<125xi32, #tpu.memory_space<vmem>>
    %dma_start3A_570 = arith.constant 0 : i32
    %dma_start3A_571 = arith.constant 0 : i32
    %dma_start3A_572 = tpu.memref_slice %arg5[%dma_start3A_570, %dma_start3A_571] : memref<10000x64xf32, #tpu.memory_space<vmem_shared>> -> memref<10000x64xf32, #tpu.memory_space<vmem_shared>>
    %dma_start3A_573 = tpu.memref_slice %arg10[%dma_start3A_562] : memref<5x!tpu.dma_semaphore, #tpu.memory_space<semaphore_mem>> -> memref<1x!tpu.dma_semaphore, #tpu.memory_space<semaphore_mem>>
    %dma_start3A_574 = tpu.memref_squeeze %dma_start3A_573 : memref<1x!tpu.dma_semaphore, #tpu.memory_space<semaphore_mem>> -> memref<!tpu.dma_semaphore, #tpu.memory_space<semaphore_mem>>
    tpu.enqueue_indirect_dma source(%dma_start3A_566 : memref<125x64xf32, #tpu.memory_space<vmem>>) target(%dma_start3A_572 : memref<10000x64xf32, #tpu.memory_space<vmem_shared>>) offsets(%dma_start3A_569 : memref<125xi32, #tpu.memory_space<vmem>>) semaphore(%dma_start3A_574 : memref<!tpu.dma_semaphore, #tpu.memory_space<semaphore_mem>>) {add = true}
    %dma_wait3A_575 = arith.constant 0 : i32
    %dma_wait3A_576 = arith.constant 3 : i32
    %dma_wait3A_577 = arith.constant 3 : i32
    %dma_wait3A_578 = arith.constant 0 : i32
    %dma_wait3A_579 = arith.constant 0 : i32
    %dma_wait3A_580 = tpu.memref_slice %arg8[%dma_wait3A_576, %dma_wait3A_578, %dma_wait3A_579] : memref<5x125x64xf32, #tpu.memory_space<vmem>> -> memref<1x125x64xf32, #tpu.memory_space<vmem>>
    %dma_wait3A_581 = tpu.memref_squeeze %dma_wait3A_580 : memref<1x125x64xf32, #tpu.memory_space<vmem>> -> memref<125x64xf32, #tpu.memory_space<vmem>>
    %dma_wait3A_582 = arith.constant 0 : i32
    %dma_wait3A_583 = tpu.memref_slice %arg6[%dma_wait3A_575, %dma_wait3A_582] : memref<160x125xi32, #tpu.memory_space<vmem>> -> memref<1x125xi32, #tpu.memory_space<vmem>>
    %dma_wait3A_584 = tpu.memref_squeeze %dma_wait3A_583 : memref<1x125xi32, #tpu.memory_space<vmem>> -> memref<125xi32, #tpu.memory_space<vmem>>
    %dma_wait3A_585 = arith.constant 0 : i32
    %dma_wait3A_586 = arith.constant 0 : i32
    %dma_wait3A_587 = tpu.memref_slice %arg2[%arg0, %dma_wait3A_585, %dma_wait3A_586] : memref<2x10000x64xf32, #tpu.memory_space<hbm>> -> memref<1x10000x64xf32, #tpu.memory_space<hbm>>
    %dma_wait3A_588 = tpu.memref_squeeze %dma_wait3A_587 : memref<1x10000x64xf32, #tpu.memory_space<hbm>> -> memref<10000x64xf32, #tpu.memory_space<hbm>>
    %dma_wait3A_589 = arith.constant 0 : i32
    %dma_wait3A_590 = arith.constant 0 : i32
    %dma_wait3A_591 = tpu.memref_slice %dma_wait3A_588[%dma_wait3A_589, %dma_wait3A_590] : memref<10000x64xf32, #tpu.memory_space<hbm>> -> memref<10000x64xf32, #tpu.memory_space<hbm>>
    %dma_wait3A_592 = tpu.memref_slice %arg9[%dma_wait3A_577] : memref<5x!tpu.dma_semaphore, #tpu.memory_space<semaphore_mem>> -> memref<1x!tpu.dma_semaphore, #tpu.memory_space<semaphore_mem>>
    %dma_wait3A_593 = tpu.memref_squeeze %dma_wait3A_592 : memref<1x!tpu.dma_semaphore, #tpu.memory_space<semaphore_mem>> -> memref<!tpu.dma_semaphore, #tpu.memory_space<semaphore_mem>>
    tpu.wait_indirect_dma semaphore(%dma_wait3A_593 : memref<!tpu.dma_semaphore, #tpu.memory_space<semaphore_mem>>) src(%dma_wait3A_591 : memref<10000x64xf32, #tpu.memory_space<hbm>>) dst(%dma_wait3A_581 : memref<125x64xf32, #tpu.memory_space<vmem>>)
    %dma_start3A_594 = arith.constant 3 : i32
    %dma_start3A_595 = arith.constant 158 : i32
    %dma_start3A_596 = arith.constant 3 : i32
    %dma_start3A_597 = arith.constant 0 : i32
    %dma_start3A_598 = arith.constant 0 : i32
    %dma_start3A_599 = tpu.memref_slice %arg8[%dma_start3A_594, %dma_start3A_597, %dma_start3A_598] : memref<5x125x64xf32, #tpu.memory_space<vmem>> -> memref<1x125x64xf32, #tpu.memory_space<vmem>>
    %dma_start3A_600 = tpu.memref_squeeze %dma_start3A_599 : memref<1x125x64xf32, #tpu.memory_space<vmem>> -> memref<125x64xf32, #tpu.memory_space<vmem>>
    %dma_start3A_601 = arith.constant 0 : i32
    %dma_start3A_602 = tpu.memref_slice %arg7[%dma_start3A_595, %dma_start3A_601] : memref<160x125xi32, #tpu.memory_space<vmem>> -> memref<1x125xi32, #tpu.memory_space<vmem>>
    %dma_start3A_603 = tpu.memref_squeeze %dma_start3A_602 : memref<1x125xi32, #tpu.memory_space<vmem>> -> memref<125xi32, #tpu.memory_space<vmem>>
    %dma_start3A_604 = arith.constant 0 : i32
    %dma_start3A_605 = arith.constant 0 : i32
    %dma_start3A_606 = tpu.memref_slice %arg5[%dma_start3A_604, %dma_start3A_605] : memref<10000x64xf32, #tpu.memory_space<vmem_shared>> -> memref<10000x64xf32, #tpu.memory_space<vmem_shared>>
    %dma_start3A_607 = tpu.memref_slice %arg10[%dma_start3A_596] : memref<5x!tpu.dma_semaphore, #tpu.memory_space<semaphore_mem>> -> memref<1x!tpu.dma_semaphore, #tpu.memory_space<semaphore_mem>>
    %dma_start3A_608 = tpu.memref_squeeze %dma_start3A_607 : memref<1x!tpu.dma_semaphore, #tpu.memory_space<semaphore_mem>> -> memref<!tpu.dma_semaphore, #tpu.memory_space<semaphore_mem>>
    tpu.enqueue_indirect_dma source(%dma_start3A_600 : memref<125x64xf32, #tpu.memory_space<vmem>>) target(%dma_start3A_606 : memref<10000x64xf32, #tpu.memory_space<vmem_shared>>) offsets(%dma_start3A_603 : memref<125xi32, #tpu.memory_space<vmem>>) semaphore(%dma_start3A_608 : memref<!tpu.dma_semaphore, #tpu.memory_space<semaphore_mem>>) {add = true}
    %dma_wait3A_609 = arith.constant 0 : i32
    %dma_wait3A_610 = arith.constant 4 : i32
    %dma_wait3A_611 = arith.constant 4 : i32
    %dma_wait3A_612 = arith.constant 0 : i32
    %dma_wait3A_613 = arith.constant 0 : i32
    %dma_wait3A_614 = tpu.memref_slice %arg8[%dma_wait3A_610, %dma_wait3A_612, %dma_wait3A_613] : memref<5x125x64xf32, #tpu.memory_space<vmem>> -> memref<1x125x64xf32, #tpu.memory_space<vmem>>
    %dma_wait3A_615 = tpu.memref_squeeze %dma_wait3A_614 : memref<1x125x64xf32, #tpu.memory_space<vmem>> -> memref<125x64xf32, #tpu.memory_space<vmem>>
    %dma_wait3A_616 = arith.constant 0 : i32
    %dma_wait3A_617 = tpu.memref_slice %arg6[%dma_wait3A_609, %dma_wait3A_616] : memref<160x125xi32, #tpu.memory_space<vmem>> -> memref<1x125xi32, #tpu.memory_space<vmem>>
    %dma_wait3A_618 = tpu.memref_squeeze %dma_wait3A_617 : memref<1x125xi32, #tpu.memory_space<vmem>> -> memref<125xi32, #tpu.memory_space<vmem>>
    %dma_wait3A_619 = arith.constant 0 : i32
    %dma_wait3A_620 = arith.constant 0 : i32
    %dma_wait3A_621 = tpu.memref_slice %arg2[%arg0, %dma_wait3A_619, %dma_wait3A_620] : memref<2x10000x64xf32, #tpu.memory_space<hbm>> -> memref<1x10000x64xf32, #tpu.memory_space<hbm>>
    %dma_wait3A_622 = tpu.memref_squeeze %dma_wait3A_621 : memref<1x10000x64xf32, #tpu.memory_space<hbm>> -> memref<10000x64xf32, #tpu.memory_space<hbm>>
    %dma_wait3A_623 = arith.constant 0 : i32
    %dma_wait3A_624 = arith.constant 0 : i32
    %dma_wait3A_625 = tpu.memref_slice %dma_wait3A_622[%dma_wait3A_623, %dma_wait3A_624] : memref<10000x64xf32, #tpu.memory_space<hbm>> -> memref<10000x64xf32, #tpu.memory_space<hbm>>
    %dma_wait3A_626 = tpu.memref_slice %arg9[%dma_wait3A_611] : memref<5x!tpu.dma_semaphore, #tpu.memory_space<semaphore_mem>> -> memref<1x!tpu.dma_semaphore, #tpu.memory_space<semaphore_mem>>
    %dma_wait3A_627 = tpu.memref_squeeze %dma_wait3A_626 : memref<1x!tpu.dma_semaphore, #tpu.memory_space<semaphore_mem>> -> memref<!tpu.dma_semaphore, #tpu.memory_space<semaphore_mem>>
    tpu.wait_indirect_dma semaphore(%dma_wait3A_627 : memref<!tpu.dma_semaphore, #tpu.memory_space<semaphore_mem>>) src(%dma_wait3A_625 : memref<10000x64xf32, #tpu.memory_space<hbm>>) dst(%dma_wait3A_615 : memref<125x64xf32, #tpu.memory_space<vmem>>)
    %dma_start3A_628 = arith.constant 4 : i32
    %dma_start3A_629 = arith.constant 159 : i32
    %dma_start3A_630 = arith.constant 4 : i32
    %dma_start3A_631 = arith.constant 0 : i32
    %dma_start3A_632 = arith.constant 0 : i32
    %dma_start3A_633 = tpu.memref_slice %arg8[%dma_start3A_628, %dma_start3A_631, %dma_start3A_632] : memref<5x125x64xf32, #tpu.memory_space<vmem>> -> memref<1x125x64xf32, #tpu.memory_space<vmem>>
    %dma_start3A_634 = tpu.memref_squeeze %dma_start3A_633 : memref<1x125x64xf32, #tpu.memory_space<vmem>> -> memref<125x64xf32, #tpu.memory_space<vmem>>
    %dma_start3A_635 = arith.constant 0 : i32
    %dma_start3A_636 = tpu.memref_slice %arg7[%dma_start3A_629, %dma_start3A_635] : memref<160x125xi32, #tpu.memory_space<vmem>> -> memref<1x125xi32, #tpu.memory_space<vmem>>
    %dma_start3A_637 = tpu.memref_squeeze %dma_start3A_636 : memref<1x125xi32, #tpu.memory_space<vmem>> -> memref<125xi32, #tpu.memory_space<vmem>>
    %dma_start3A_638 = arith.constant 0 : i32
    %dma_start3A_639 = arith.constant 0 : i32
    %dma_start3A_640 = tpu.memref_slice %arg5[%dma_start3A_638, %dma_start3A_639] : memref<10000x64xf32, #tpu.memory_space<vmem_shared>> -> memref<10000x64xf32, #tpu.memory_space<vmem_shared>>
    %dma_start3A_641 = tpu.memref_slice %arg10[%dma_start3A_630] : memref<5x!tpu.dma_semaphore, #tpu.memory_space<semaphore_mem>> -> memref<1x!tpu.dma_semaphore, #tpu.memory_space<semaphore_mem>>
    %dma_start3A_642 = tpu.memref_squeeze %dma_start3A_641 : memref<1x!tpu.dma_semaphore, #tpu.memory_space<semaphore_mem>> -> memref<!tpu.dma_semaphore, #tpu.memory_space<semaphore_mem>>
    tpu.enqueue_indirect_dma source(%dma_start3A_634 : memref<125x64xf32, #tpu.memory_space<vmem>>) target(%dma_start3A_640 : memref<10000x64xf32, #tpu.memory_space<vmem_shared>>) offsets(%dma_start3A_637 : memref<125xi32, #tpu.memory_space<vmem>>) semaphore(%dma_start3A_642 : memref<!tpu.dma_semaphore, #tpu.memory_space<semaphore_mem>>) {add = true}
    %dma_wait3A_643 = arith.constant 0 : i32
    %dma_wait3A_644 = arith.constant 0 : i32
    %dma_wait3A_645 = arith.constant 0 : i32
    %dma_wait3A_646 = arith.constant 0 : i32
    %dma_wait3A_647 = arith.constant 0 : i32
    %dma_wait3A_648 = tpu.memref_slice %arg8[%dma_wait3A_643, %dma_wait3A_646, %dma_wait3A_647] : memref<5x125x64xf32, #tpu.memory_space<vmem>> -> memref<1x125x64xf32, #tpu.memory_space<vmem>>
    %dma_wait3A_649 = tpu.memref_squeeze %dma_wait3A_648 : memref<1x125x64xf32, #tpu.memory_space<vmem>> -> memref<125x64xf32, #tpu.memory_space<vmem>>
    %dma_wait3A_650 = arith.constant 0 : i32
    %dma_wait3A_651 = tpu.memref_slice %arg7[%dma_wait3A_644, %dma_wait3A_650] : memref<160x125xi32, #tpu.memory_space<vmem>> -> memref<1x125xi32, #tpu.memory_space<vmem>>
    %dma_wait3A_652 = tpu.memref_squeeze %dma_wait3A_651 : memref<1x125xi32, #tpu.memory_space<vmem>> -> memref<125xi32, #tpu.memory_space<vmem>>
    %dma_wait3A_653 = arith.constant 0 : i32
    %dma_wait3A_654 = arith.constant 0 : i32
    %dma_wait3A_655 = tpu.memref_slice %arg5[%dma_wait3A_653, %dma_wait3A_654] : memref<10000x64xf32, #tpu.memory_space<vmem_shared>> -> memref<10000x64xf32, #tpu.memory_space<vmem_shared>>
    %dma_wait3A_656 = tpu.memref_slice %arg10[%dma_wait3A_645] : memref<5x!tpu.dma_semaphore, #tpu.memory_space<semaphore_mem>> -> memref<1x!tpu.dma_semaphore, #tpu.memory_space<semaphore_mem>>
    %dma_wait3A_657 = tpu.memref_squeeze %dma_wait3A_656 : memref<1x!tpu.dma_semaphore, #tpu.memory_space<semaphore_mem>> -> memref<!tpu.dma_semaphore, #tpu.memory_space<semaphore_mem>>
    tpu.wait_indirect_dma semaphore(%dma_wait3A_657 : memref<!tpu.dma_semaphore, #tpu.memory_space<semaphore_mem>>) src(%dma_wait3A_649 : memref<125x64xf32, #tpu.memory_space<vmem>>) dst(%dma_wait3A_655 : memref<10000x64xf32, #tpu.memory_space<vmem_shared>>)
    %dma_wait3A_658 = arith.constant 1 : i32
    %dma_wait3A_659 = arith.constant 0 : i32
    %dma_wait3A_660 = arith.constant 1 : i32
    %dma_wait3A_661 = arith.constant 0 : i32
    %dma_wait3A_662 = arith.constant 0 : i32
    %dma_wait3A_663 = tpu.memref_slice %arg8[%dma_wait3A_658, %dma_wait3A_661, %dma_wait3A_662] : memref<5x125x64xf32, #tpu.memory_space<vmem>> -> memref<1x125x64xf32, #tpu.memory_space<vmem>>
    %dma_wait3A_664 = tpu.memref_squeeze %dma_wait3A_663 : memref<1x125x64xf32, #tpu.memory_space<vmem>> -> memref<125x64xf32, #tpu.memory_space<vmem>>
    %dma_wait3A_665 = arith.constant 0 : i32
    %dma_wait3A_666 = tpu.memref_slice %arg7[%dma_wait3A_659, %dma_wait3A_665] : memref<160x125xi32, #tpu.memory_space<vmem>> -> memref<1x125xi32, #tpu.memory_space<vmem>>
    %dma_wait3A_667 = tpu.memref_squeeze %dma_wait3A_666 : memref<1x125xi32, #tpu.memory_space<vmem>> -> memref<125xi32, #tpu.memory_space<vmem>>
    %dma_wait3A_668 = arith.constant 0 : i32
    %dma_wait3A_669 = arith.constant 0 : i32
    %dma_wait3A_670 = tpu.memref_slice %arg5[%dma_wait3A_668, %dma_wait3A_669] : memref<10000x64xf32, #tpu.memory_space<vmem_shared>> -> memref<10000x64xf32, #tpu.memory_space<vmem_shared>>
    %dma_wait3A_671 = tpu.memref_slice %arg10[%dma_wait3A_660] : memref<5x!tpu.dma_semaphore, #tpu.memory_space<semaphore_mem>> -> memref<1x!tpu.dma_semaphore, #tpu.memory_space<semaphore_mem>>
    %dma_wait3A_672 = tpu.memref_squeeze %dma_wait3A_671 : memref<1x!tpu.dma_semaphore, #tpu.memory_space<semaphore_mem>> -> memref<!tpu.dma_semaphore, #tpu.memory_space<semaphore_mem>>
    tpu.wait_indirect_dma semaphore(%dma_wait3A_672 : memref<!tpu.dma_semaphore, #tpu.memory_space<semaphore_mem>>) src(%dma_wait3A_664 : memref<125x64xf32, #tpu.memory_space<vmem>>) dst(%dma_wait3A_670 : memref<10000x64xf32, #tpu.memory_space<vmem_shared>>)
    %dma_wait3A_673 = arith.constant 2 : i32
    %dma_wait3A_674 = arith.constant 0 : i32
    %dma_wait3A_675 = arith.constant 2 : i32
    %dma_wait3A_676 = arith.constant 0 : i32
    %dma_wait3A_677 = arith.constant 0 : i32
    %dma_wait3A_678 = tpu.memref_slice %arg8[%dma_wait3A_673, %dma_wait3A_676, %dma_wait3A_677] : memref<5x125x64xf32, #tpu.memory_space<vmem>> -> memref<1x125x64xf32, #tpu.memory_space<vmem>>
    %dma_wait3A_679 = tpu.memref_squeeze %dma_wait3A_678 : memref<1x125x64xf32, #tpu.memory_space<vmem>> -> memref<125x64xf32, #tpu.memory_space<vmem>>
    %dma_wait3A_680 = arith.constant 0 : i32
    %dma_wait3A_681 = tpu.memref_slice %arg7[%dma_wait3A_674, %dma_wait3A_680] : memref<160x125xi32, #tpu.memory_space<vmem>> -> memref<1x125xi32, #tpu.memory_space<vmem>>
    %dma_wait3A_682 = tpu.memref_squeeze %dma_wait3A_681 : memref<1x125xi32, #tpu.memory_space<vmem>> -> memref<125xi32, #tpu.memory_space<vmem>>
    %dma_wait3A_683 = arith.constant 0 : i32
    %dma_wait3A_684 = arith.constant 0 : i32
    %dma_wait3A_685 = tpu.memref_slice %arg5[%dma_wait3A_683, %dma_wait3A_684] : memref<10000x64xf32, #tpu.memory_space<vmem_shared>> -> memref<10000x64xf32, #tpu.memory_space<vmem_shared>>
    %dma_wait3A_686 = tpu.memref_slice %arg10[%dma_wait3A_675] : memref<5x!tpu.dma_semaphore, #tpu.memory_space<semaphore_mem>> -> memref<1x!tpu.dma_semaphore, #tpu.memory_space<semaphore_mem>>
    %dma_wait3A_687 = tpu.memref_squeeze %dma_wait3A_686 : memref<1x!tpu.dma_semaphore, #tpu.memory_space<semaphore_mem>> -> memref<!tpu.dma_semaphore, #tpu.memory_space<semaphore_mem>>
    tpu.wait_indirect_dma semaphore(%dma_wait3A_687 : memref<!tpu.dma_semaphore, #tpu.memory_space<semaphore_mem>>) src(%dma_wait3A_679 : memref<125x64xf32, #tpu.memory_space<vmem>>) dst(%dma_wait3A_685 : memref<10000x64xf32, #tpu.memory_space<vmem_shared>>)
    %dma_wait3A_688 = arith.constant 3 : i32
    %dma_wait3A_689 = arith.constant 0 : i32
    %dma_wait3A_690 = arith.constant 3 : i32
    %dma_wait3A_691 = arith.constant 0 : i32
    %dma_wait3A_692 = arith.constant 0 : i32
    %dma_wait3A_693 = tpu.memref_slice %arg8[%dma_wait3A_688, %dma_wait3A_691, %dma_wait3A_692] : memref<5x125x64xf32, #tpu.memory_space<vmem>> -> memref<1x125x64xf32, #tpu.memory_space<vmem>>
    %dma_wait3A_694 = tpu.memref_squeeze %dma_wait3A_693 : memref<1x125x64xf32, #tpu.memory_space<vmem>> -> memref<125x64xf32, #tpu.memory_space<vmem>>
    %dma_wait3A_695 = arith.constant 0 : i32
    %dma_wait3A_696 = tpu.memref_slice %arg7[%dma_wait3A_689, %dma_wait3A_695] : memref<160x125xi32, #tpu.memory_space<vmem>> -> memref<1x125xi32, #tpu.memory_space<vmem>>
    %dma_wait3A_697 = tpu.memref_squeeze %dma_wait3A_696 : memref<1x125xi32, #tpu.memory_space<vmem>> -> memref<125xi32, #tpu.memory_space<vmem>>
    %dma_wait3A_698 = arith.constant 0 : i32
    %dma_wait3A_699 = arith.constant 0 : i32
    %dma_wait3A_700 = tpu.memref_slice %arg5[%dma_wait3A_698, %dma_wait3A_699] : memref<10000x64xf32, #tpu.memory_space<vmem_shared>> -> memref<10000x64xf32, #tpu.memory_space<vmem_shared>>
    %dma_wait3A_701 = tpu.memref_slice %arg10[%dma_wait3A_690] : memref<5x!tpu.dma_semaphore, #tpu.memory_space<semaphore_mem>> -> memref<1x!tpu.dma_semaphore, #tpu.memory_space<semaphore_mem>>
    %dma_wait3A_702 = tpu.memref_squeeze %dma_wait3A_701 : memref<1x!tpu.dma_semaphore, #tpu.memory_space<semaphore_mem>> -> memref<!tpu.dma_semaphore, #tpu.memory_space<semaphore_mem>>
    tpu.wait_indirect_dma semaphore(%dma_wait3A_702 : memref<!tpu.dma_semaphore, #tpu.memory_space<semaphore_mem>>) src(%dma_wait3A_694 : memref<125x64xf32, #tpu.memory_space<vmem>>) dst(%dma_wait3A_700 : memref<10000x64xf32, #tpu.memory_space<vmem_shared>>)
    %dma_wait3A_703 = arith.constant 4 : i32
    %dma_wait3A_704 = arith.constant 0 : i32
    %dma_wait3A_705 = arith.constant 4 : i32
    %dma_wait3A_706 = arith.constant 0 : i32
    %dma_wait3A_707 = arith.constant 0 : i32
    %dma_wait3A_708 = tpu.memref_slice %arg8[%dma_wait3A_703, %dma_wait3A_706, %dma_wait3A_707] : memref<5x125x64xf32, #tpu.memory_space<vmem>> -> memref<1x125x64xf32, #tpu.memory_space<vmem>>
    %dma_wait3A_709 = tpu.memref_squeeze %dma_wait3A_708 : memref<1x125x64xf32, #tpu.memory_space<vmem>> -> memref<125x64xf32, #tpu.memory_space<vmem>>
    %dma_wait3A_710 = arith.constant 0 : i32
    %dma_wait3A_711 = tpu.memref_slice %arg7[%dma_wait3A_704, %dma_wait3A_710] : memref<160x125xi32, #tpu.memory_space<vmem>> -> memref<1x125xi32, #tpu.memory_space<vmem>>
    %dma_wait3A_712 = tpu.memref_squeeze %dma_wait3A_711 : memref<1x125xi32, #tpu.memory_space<vmem>> -> memref<125xi32, #tpu.memory_space<vmem>>
    %dma_wait3A_713 = arith.constant 0 : i32
    %dma_wait3A_714 = arith.constant 0 : i32
    %dma_wait3A_715 = tpu.memref_slice %arg5[%dma_wait3A_713, %dma_wait3A_714] : memref<10000x64xf32, #tpu.memory_space<vmem_shared>> -> memref<10000x64xf32, #tpu.memory_space<vmem_shared>>
    %dma_wait3A_716 = tpu.memref_slice %arg10[%dma_wait3A_705] : memref<5x!tpu.dma_semaphore, #tpu.memory_space<semaphore_mem>> -> memref<1x!tpu.dma_semaphore, #tpu.memory_space<semaphore_mem>>
    %dma_wait3A_717 = tpu.memref_squeeze %dma_wait3A_716 : memref<1x!tpu.dma_semaphore, #tpu.memory_space<semaphore_mem>> -> memref<!tpu.dma_semaphore, #tpu.memory_space<semaphore_mem>>
    tpu.wait_indirect_dma semaphore(%dma_wait3A_717 : memref<!tpu.dma_semaphore, #tpu.memory_space<semaphore_mem>>) src(%dma_wait3A_709 : memref<125x64xf32, #tpu.memory_space<vmem>>) dst(%dma_wait3A_715 : memref<10000x64xf32, #tpu.memory_space<vmem_shared>>)
    %barrier3A_718 = arith.constant 0 : index
    tpu.barrier barrier_id(%barrier3A_718)
    %mul3A_719 = arith.constant 625 : i32
    %mul3A_720 = arith.muli %arg1, %mul3A_719 : i32
    %add3A_721 = arith.constant 0 : i32
    %add3A_722 = arith.addi %mul3A_720, %add3A_721 : i32
    %run_scoped3A_723 = arith.constant 0 : i32
    "tpu.region"() ({
      %run_scoped3A_769 = tpu.sem_alloc : memref<!tpu.dma_semaphore, #tpu.memory_space<semaphore_mem>>
      %dma_start3A_770 = arith.constant 0 : i32
      %dma_start3A_771 = arith.constant 0 : i32
      %dma_start3A_772 = tpu.memref_slice %arg8[%run_scoped3A_723, %dma_start3A_770, %dma_start3A_771] : memref<5x125x64xf32, #tpu.memory_space<vmem>> -> memref<1x125x64xf32, #tpu.memory_space<vmem>>
      %dma_start3A_773 = tpu.memref_squeeze %dma_start3A_772 : memref<1x125x64xf32, #tpu.memory_space<vmem>> -> memref<125x64xf32, #tpu.memory_space<vmem>>
      %dma_start3A_774 = arith.constant 0 : i32
      %dma_start3A_775 = tpu.memref_slice %arg5[%add3A_722, %dma_start3A_774] : memref<10000x64xf32, #tpu.memory_space<vmem_shared>> -> memref<125x64xf32, #tpu.memory_space<vmem_shared>>
      %dma_start3A_776 = arith.constant 0 : i32
      %dma_start3A_777 = arith.constant 0 : i32
      %dma_start3A_778 = tpu.memref_slice %arg8[%run_scoped3A_723, %dma_start3A_776, %dma_start3A_777] : memref<5x125x64xf32, #tpu.memory_space<vmem>> -> memref<1x125x64xf32, #tpu.memory_space<vmem>>
      %dma_start3A_779 = tpu.memref_squeeze %dma_start3A_778 : memref<1x125x64xf32, #tpu.memory_space<vmem>> -> memref<125x64xf32, #tpu.memory_space<vmem>>
      %dma_start3A_780 = arith.constant 0 : i32
      %dma_start3A_781 = tpu.memref_slice %arg5[%add3A_722, %dma_start3A_780] : memref<10000x64xf32, #tpu.memory_space<vmem_shared>> -> memref<125x64xf32, #tpu.memory_space<vmem_shared>>
      tpu.enqueue_dma source(%dma_start3A_781 : memref<125x64xf32, #tpu.memory_space<vmem_shared>>) target(%dma_start3A_779 : memref<125x64xf32, #tpu.memory_space<vmem>>) target_semaphore(%run_scoped3A_769 : memref<!tpu.dma_semaphore, #tpu.memory_space<semaphore_mem>>)
      %dma_wait3A_782 = arith.constant 0 : i32
      %dma_wait3A_783 = arith.constant 0 : i32
      %dma_wait3A_784 = tpu.memref_slice %arg8[%run_scoped3A_723, %dma_wait3A_782, %dma_wait3A_783] : memref<5x125x64xf32, #tpu.memory_space<vmem>> -> memref<1x125x64xf32, #tpu.memory_space<vmem>>
      %dma_wait3A_785 = tpu.memref_squeeze %dma_wait3A_784 : memref<1x125x64xf32, #tpu.memory_space<vmem>> -> memref<125x64xf32, #tpu.memory_space<vmem>>
      %dma_wait3A_786 = arith.constant 0 : i32
      %dma_wait3A_787 = tpu.memref_slice %arg5[%add3A_722, %dma_wait3A_786] : memref<10000x64xf32, #tpu.memory_space<vmem_shared>> -> memref<125x64xf32, #tpu.memory_space<vmem_shared>>
      %dma_wait3A_788 = arith.constant 0 : i32
      %dma_wait3A_789 = arith.constant 0 : i32
      %dma_wait3A_790 = tpu.memref_slice %arg8[%run_scoped3A_723, %dma_wait3A_788, %dma_wait3A_789] : memref<5x125x64xf32, #tpu.memory_space<vmem>> -> memref<1x125x64xf32, #tpu.memory_space<vmem>>
      %dma_wait3A_791 = tpu.memref_squeeze %dma_wait3A_790 : memref<1x125x64xf32, #tpu.memory_space<vmem>> -> memref<125x64xf32, #tpu.memory_space<vmem>>
      %dma_wait3A_792 = arith.constant 0 : i32
      %dma_wait3A_793 = tpu.memref_slice %arg5[%add3A_722, %dma_wait3A_792] : memref<10000x64xf32, #tpu.memory_space<vmem_shared>> -> memref<125x64xf32, #tpu.memory_space<vmem_shared>>
      tpu.wait_dma2 semaphore(%run_scoped3A_769 : memref<!tpu.dma_semaphore, #tpu.memory_space<semaphore_mem>>) src(%dma_wait3A_793 : memref<125x64xf32, #tpu.memory_space<vmem_shared>>) dst(%dma_wait3A_791 : memref<125x64xf32, #tpu.memory_space<vmem>>)
      tpu.yield
    }) : () -> ()
    %mul3A_724 = arith.constant 625 : i32
    %mul3A_725 = arith.muli %arg1, %mul3A_724 : i32
    %add3A_726 = arith.constant 0 : i32
    %add3A_727 = arith.addi %mul3A_725, %add3A_726 : i32
    %run_scoped3A_728 = arith.constant 0 : i32
    "tpu.region"() ({
      %run_scoped3A_769 = tpu.sem_alloc : memref<!tpu.dma_semaphore, #tpu.memory_space<semaphore_mem>>
      %dma_start3A_770 = arith.constant 0 : i32
      %dma_start3A_771 = arith.constant 0 : i32
      %dma_start3A_772 = tpu.memref_slice %arg8[%run_scoped3A_728, %dma_start3A_770, %dma_start3A_771] : memref<5x125x64xf32, #tpu.memory_space<vmem>> -> memref<1x125x64xf32, #tpu.memory_space<vmem>>
      %dma_start3A_773 = tpu.memref_squeeze %dma_start3A_772 : memref<1x125x64xf32, #tpu.memory_space<vmem>> -> memref<125x64xf32, #tpu.memory_space<vmem>>
      %dma_start3A_774 = arith.constant 0 : i32
      %dma_start3A_775 = tpu.memref_slice %arg4[%arg0, %add3A_727, %dma_start3A_774] : memref<2x10000x64xf32, #tpu.memory_space<hbm>> -> memref<1x125x64xf32, #tpu.memory_space<hbm>>
      %dma_start3A_776 = tpu.memref_squeeze %dma_start3A_775 : memref<1x125x64xf32, #tpu.memory_space<hbm>> -> memref<125x64xf32, #tpu.memory_space<hbm>>
      %dma_start3A_777 = arith.constant 0 : i32
      %dma_start3A_778 = tpu.memref_slice %arg4[%arg0, %add3A_727, %dma_start3A_777] : memref<2x10000x64xf32, #tpu.memory_space<hbm>> -> memref<1x125x64xf32, #tpu.memory_space<hbm>>
      %dma_start3A_779 = tpu.memref_squeeze %dma_start3A_778 : memref<1x125x64xf32, #tpu.memory_space<hbm>> -> memref<125x64xf32, #tpu.memory_space<hbm>>
      %dma_start3A_780 = arith.constant 0 : i32
      %dma_start3A_781 = arith.constant 0 : i32
      %dma_start3A_782 = tpu.memref_slice %arg8[%run_scoped3A_728, %dma_start3A_780, %dma_start3A_781] : memref<5x125x64xf32, #tpu.memory_space<vmem>> -> memref<1x125x64xf32, #tpu.memory_space<vmem>>
      %dma_start3A_783 = tpu.memref_squeeze %dma_start3A_782 : memref<1x125x64xf32, #tpu.memory_space<vmem>> -> memref<125x64xf32, #tpu.memory_space<vmem>>
      tpu.enqueue_dma source(%dma_start3A_783 : memref<125x64xf32, #tpu.memory_space<vmem>>) target(%dma_start3A_779 : memref<125x64xf32, #tpu.memory_space<hbm>>) target_semaphore(%run_scoped3A_769 : memref<!tpu.dma_semaphore, #tpu.memory_space<semaphore_mem>>)
      %dma_wait3A_784 = arith.constant 0 : i32
      %dma_wait3A_785 = arith.constant 0 : i32
      %dma_wait3A_786 = tpu.memref_slice %arg8[%run_scoped3A_728, %dma_wait3A_784, %dma_wait3A_785] : memref<5x125x64xf32, #tpu.memory_space<vmem>> -> memref<1x125x64xf32, #tpu.memory_space<vmem>>
      %dma_wait3A_787 = tpu.memref_squeeze %dma_wait3A_786 : memref<1x125x64xf32, #tpu.memory_space<vmem>> -> memref<125x64xf32, #tpu.memory_space<vmem>>
      %dma_wait3A_788 = arith.constant 0 : i32
      %dma_wait3A_789 = tpu.memref_slice %arg4[%arg0, %add3A_727, %dma_wait3A_788] : memref<2x10000x64xf32, #tpu.memory_space<hbm>> -> memref<1x125x64xf32, #tpu.memory_space<hbm>>
      %dma_wait3A_790 = tpu.memref_squeeze %dma_wait3A_789 : memref<1x125x64xf32, #tpu.memory_space<hbm>> -> memref<125x64xf32, #tpu.memory_space<hbm>>
      %dma_wait3A_791 = arith.constant 0 : i32
      %dma_wait3A_792 = tpu.memref_slice %arg4[%arg0, %add3A_727, %dma_wait3A_791] : memref<2x10000x64xf32, #tpu.memory_space<hbm>> -> memref<1x125x64xf32, #tpu.memory_space<hbm>>
      %dma_wait3A_793 = tpu.memref_squeeze %dma_wait3A_792 : memref<1x125x64xf32, #tpu.memory_space<hbm>> -> memref<125x64xf32, #tpu.memory_space<hbm>>
      %dma_wait3A_794 = arith.constant 0 : i32
      %dma_wait3A_795 = arith.constant 0 : i32
      %dma_wait3A_796 = tpu.memref_slice %arg8[%run_scoped3A_728, %dma_wait3A_794, %dma_wait3A_795] : memref<5x125x64xf32, #tpu.memory_space<vmem>> -> memref<1x125x64xf32, #tpu.memory_space<vmem>>
      %dma_wait3A_797 = tpu.memref_squeeze %dma_wait3A_796 : memref<1x125x64xf32, #tpu.memory_space<vmem>> -> memref<125x64xf32, #tpu.memory_space<vmem>>
      tpu.wait_dma2 semaphore(%run_scoped3A_769 : memref<!tpu.dma_semaphore, #tpu.memory_space<semaphore_mem>>) src(%dma_wait3A_797 : memref<125x64xf32, #tpu.memory_space<vmem>>) dst(%dma_wait3A_793 : memref<125x64xf32, #tpu.memory_space<hbm>>)
      tpu.yield
    }) : () -> ()
    %mul3A_729 = arith.constant 625 : i32
    %mul3A_730 = arith.muli %arg1, %mul3A_729 : i32
    %add3A_731 = arith.constant 125 : i32
    %add3A_732 = arith.addi %mul3A_730, %add3A_731 : i32
    %run_scoped3A_733 = arith.constant 0 : i32
    "tpu.region"() ({
      %run_scoped3A_769 = tpu.sem_alloc : memref<!tpu.dma_semaphore, #tpu.memory_space<semaphore_mem>>
      %dma_start3A_770 = arith.constant 0 : i32
      %dma_start3A_771 = arith.constant 0 : i32
      %dma_start3A_772 = tpu.memref_slice %arg8[%run_scoped3A_733, %dma_start3A_770, %dma_start3A_771] : memref<5x125x64xf32, #tpu.memory_space<vmem>> -> memref<1x125x64xf32, #tpu.memory_space<vmem>>
      %dma_start3A_773 = tpu.memref_squeeze %dma_start3A_772 : memref<1x125x64xf32, #tpu.memory_space<vmem>> -> memref<125x64xf32, #tpu.memory_space<vmem>>
      %dma_start3A_774 = arith.constant 0 : i32
      %dma_start3A_775 = tpu.memref_slice %arg5[%add3A_732, %dma_start3A_774] : memref<10000x64xf32, #tpu.memory_space<vmem_shared>> -> memref<125x64xf32, #tpu.memory_space<vmem_shared>>
      %dma_start3A_776 = arith.constant 0 : i32
      %dma_start3A_777 = arith.constant 0 : i32
      %dma_start3A_778 = tpu.memref_slice %arg8[%run_scoped3A_733, %dma_start3A_776, %dma_start3A_777] : memref<5x125x64xf32, #tpu.memory_space<vmem>> -> memref<1x125x64xf32, #tpu.memory_space<vmem>>
      %dma_start3A_779 = tpu.memref_squeeze %dma_start3A_778 : memref<1x125x64xf32, #tpu.memory_space<vmem>> -> memref<125x64xf32, #tpu.memory_space<vmem>>
      %dma_start3A_780 = arith.constant 0 : i32
      %dma_start3A_781 = tpu.memref_slice %arg5[%add3A_732, %dma_start3A_780] : memref<10000x64xf32, #tpu.memory_space<vmem_shared>> -> memref<125x64xf32, #tpu.memory_space<vmem_shared>>
      tpu.enqueue_dma source(%dma_start3A_781 : memref<125x64xf32, #tpu.memory_space<vmem_shared>>) target(%dma_start3A_779 : memref<125x64xf32, #tpu.memory_space<vmem>>) target_semaphore(%run_scoped3A_769 : memref<!tpu.dma_semaphore, #tpu.memory_space<semaphore_mem>>)
      %dma_wait3A_782 = arith.constant 0 : i32
      %dma_wait3A_783 = arith.constant 0 : i32
      %dma_wait3A_784 = tpu.memref_slice %arg8[%run_scoped3A_733, %dma_wait3A_782, %dma_wait3A_783] : memref<5x125x64xf32, #tpu.memory_space<vmem>> -> memref<1x125x64xf32, #tpu.memory_space<vmem>>
      %dma_wait3A_785 = tpu.memref_squeeze %dma_wait3A_784 : memref<1x125x64xf32, #tpu.memory_space<vmem>> -> memref<125x64xf32, #tpu.memory_space<vmem>>
      %dma_wait3A_786 = arith.constant 0 : i32
      %dma_wait3A_787 = tpu.memref_slice %arg5[%add3A_732, %dma_wait3A_786] : memref<10000x64xf32, #tpu.memory_space<vmem_shared>> -> memref<125x64xf32, #tpu.memory_space<vmem_shared>>
      %dma_wait3A_788 = arith.constant 0 : i32
      %dma_wait3A_789 = arith.constant 0 : i32
      %dma_wait3A_790 = tpu.memref_slice %arg8[%run_scoped3A_733, %dma_wait3A_788, %dma_wait3A_789] : memref<5x125x64xf32, #tpu.memory_space<vmem>> -> memref<1x125x64xf32, #tpu.memory_space<vmem>>
      %dma_wait3A_791 = tpu.memref_squeeze %dma_wait3A_790 : memref<1x125x64xf32, #tpu.memory_space<vmem>> -> memref<125x64xf32, #tpu.memory_space<vmem>>
      %dma_wait3A_792 = arith.constant 0 : i32
      %dma_wait3A_793 = tpu.memref_slice %arg5[%add3A_732, %dma_wait3A_792] : memref<10000x64xf32, #tpu.memory_space<vmem_shared>> -> memref<125x64xf32, #tpu.memory_space<vmem_shared>>
      tpu.wait_dma2 semaphore(%run_scoped3A_769 : memref<!tpu.dma_semaphore, #tpu.memory_space<semaphore_mem>>) src(%dma_wait3A_793 : memref<125x64xf32, #tpu.memory_space<vmem_shared>>) dst(%dma_wait3A_791 : memref<125x64xf32, #tpu.memory_space<vmem>>)
      tpu.yield
    }) : () -> ()
    %mul3A_734 = arith.constant 625 : i32
    %mul3A_735 = arith.muli %arg1, %mul3A_734 : i32
    %add3A_736 = arith.constant 125 : i32
    %add3A_737 = arith.addi %mul3A_735, %add3A_736 : i32
    %run_scoped3A_738 = arith.constant 0 : i32
    "tpu.region"() ({
      %run_scoped3A_769 = tpu.sem_alloc : memref<!tpu.dma_semaphore, #tpu.memory_space<semaphore_mem>>
      %dma_start3A_770 = arith.constant 0 : i32
      %dma_start3A_771 = arith.constant 0 : i32
      %dma_start3A_772 = tpu.memref_slice %arg8[%run_scoped3A_738, %dma_start3A_770, %dma_start3A_771] : memref<5x125x64xf32, #tpu.memory_space<vmem>> -> memref<1x125x64xf32, #tpu.memory_space<vmem>>
      %dma_start3A_773 = tpu.memref_squeeze %dma_start3A_772 : memref<1x125x64xf32, #tpu.memory_space<vmem>> -> memref<125x64xf32, #tpu.memory_space<vmem>>
      %dma_start3A_774 = arith.constant 0 : i32
      %dma_start3A_775 = tpu.memref_slice %arg4[%arg0, %add3A_737, %dma_start3A_774] : memref<2x10000x64xf32, #tpu.memory_space<hbm>> -> memref<1x125x64xf32, #tpu.memory_space<hbm>>
      %dma_start3A_776 = tpu.memref_squeeze %dma_start3A_775 : memref<1x125x64xf32, #tpu.memory_space<hbm>> -> memref<125x64xf32, #tpu.memory_space<hbm>>
      %dma_start3A_777 = arith.constant 0 : i32
      %dma_start3A_778 = tpu.memref_slice %arg4[%arg0, %add3A_737, %dma_start3A_777] : memref<2x10000x64xf32, #tpu.memory_space<hbm>> -> memref<1x125x64xf32, #tpu.memory_space<hbm>>
      %dma_start3A_779 = tpu.memref_squeeze %dma_start3A_778 : memref<1x125x64xf32, #tpu.memory_space<hbm>> -> memref<125x64xf32, #tpu.memory_space<hbm>>
      %dma_start3A_780 = arith.constant 0 : i32
      %dma_start3A_781 = arith.constant 0 : i32
      %dma_start3A_782 = tpu.memref_slice %arg8[%run_scoped3A_738, %dma_start3A_780, %dma_start3A_781] : memref<5x125x64xf32, #tpu.memory_space<vmem>> -> memref<1x125x64xf32, #tpu.memory_space<vmem>>
      %dma_start3A_783 = tpu.memref_squeeze %dma_start3A_782 : memref<1x125x64xf32, #tpu.memory_space<vmem>> -> memref<125x64xf32, #tpu.memory_space<vmem>>
      tpu.enqueue_dma source(%dma_start3A_783 : memref<125x64xf32, #tpu.memory_space<vmem>>) target(%dma_start3A_779 : memref<125x64xf32, #tpu.memory_space<hbm>>) target_semaphore(%run_scoped3A_769 : memref<!tpu.dma_semaphore, #tpu.memory_space<semaphore_mem>>)
      %dma_wait3A_784 = arith.constant 0 : i32
      %dma_wait3A_785 = arith.constant 0 : i32
      %dma_wait3A_786 = tpu.memref_slice %arg8[%run_scoped3A_738, %dma_wait3A_784, %dma_wait3A_785] : memref<5x125x64xf32, #tpu.memory_space<vmem>> -> memref<1x125x64xf32, #tpu.memory_space<vmem>>
      %dma_wait3A_787 = tpu.memref_squeeze %dma_wait3A_786 : memref<1x125x64xf32, #tpu.memory_space<vmem>> -> memref<125x64xf32, #tpu.memory_space<vmem>>
      %dma_wait3A_788 = arith.constant 0 : i32
      %dma_wait3A_789 = tpu.memref_slice %arg4[%arg0, %add3A_737, %dma_wait3A_788] : memref<2x10000x64xf32, #tpu.memory_space<hbm>> -> memref<1x125x64xf32, #tpu.memory_space<hbm>>
      %dma_wait3A_790 = tpu.memref_squeeze %dma_wait3A_789 : memref<1x125x64xf32, #tpu.memory_space<hbm>> -> memref<125x64xf32, #tpu.memory_space<hbm>>
      %dma_wait3A_791 = arith.constant 0 : i32
      %dma_wait3A_792 = tpu.memref_slice %arg4[%arg0, %add3A_737, %dma_wait3A_791] : memref<2x10000x64xf32, #tpu.memory_space<hbm>> -> memref<1x125x64xf32, #tpu.memory_space<hbm>>
      %dma_wait3A_793 = tpu.memref_squeeze %dma_wait3A_792 : memref<1x125x64xf32, #tpu.memory_space<hbm>> -> memref<125x64xf32, #tpu.memory_space<hbm>>
      %dma_wait3A_794 = arith.constant 0 : i32
      %dma_wait3A_795 = arith.constant 0 : i32
      %dma_wait3A_796 = tpu.memref_slice %arg8[%run_scoped3A_738, %dma_wait3A_794, %dma_wait3A_795] : memref<5x125x64xf32, #tpu.memory_space<vmem>> -> memref<1x125x64xf32, #tpu.memory_space<vmem>>
      %dma_wait3A_797 = tpu.memref_squeeze %dma_wait3A_796 : memref<1x125x64xf32, #tpu.memory_space<vmem>> -> memref<125x64xf32, #tpu.memory_space<vmem>>
      tpu.wait_dma2 semaphore(%run_scoped3A_769 : memref<!tpu.dma_semaphore, #tpu.memory_space<semaphore_mem>>) src(%dma_wait3A_797 : memref<125x64xf32, #tpu.memory_space<vmem>>) dst(%dma_wait3A_793 : memref<125x64xf32, #tpu.memory_space<hbm>>)
      tpu.yield
    }) : () -> ()
    %mul3A_739 = arith.constant 625 : i32
    %mul3A_740 = arith.muli %arg1, %mul3A_739 : i32
    %add3A_741 = arith.constant 250 : i32
    %add3A_742 = arith.addi %mul3A_740, %add3A_741 : i32
    %run_scoped3A_743 = arith.constant 0 : i32
    "tpu.region"() ({
      %run_scoped3A_769 = tpu.sem_alloc : memref<!tpu.dma_semaphore, #tpu.memory_space<semaphore_mem>>
      %dma_start3A_770 = arith.constant 0 : i32
      %dma_start3A_771 = arith.constant 0 : i32
      %dma_start3A_772 = tpu.memref_slice %arg8[%run_scoped3A_743, %dma_start3A_770, %dma_start3A_771] : memref<5x125x64xf32, #tpu.memory_space<vmem>> -> memref<1x125x64xf32, #tpu.memory_space<vmem>>
      %dma_start3A_773 = tpu.memref_squeeze %dma_start3A_772 : memref<1x125x64xf32, #tpu.memory_space<vmem>> -> memref<125x64xf32, #tpu.memory_space<vmem>>
      %dma_start3A_774 = arith.constant 0 : i32
      %dma_start3A_775 = tpu.memref_slice %arg5[%add3A_742, %dma_start3A_774] : memref<10000x64xf32, #tpu.memory_space<vmem_shared>> -> memref<125x64xf32, #tpu.memory_space<vmem_shared>>
      %dma_start3A_776 = arith.constant 0 : i32
      %dma_start3A_777 = arith.constant 0 : i32
      %dma_start3A_778 = tpu.memref_slice %arg8[%run_scoped3A_743, %dma_start3A_776, %dma_start3A_777] : memref<5x125x64xf32, #tpu.memory_space<vmem>> -> memref<1x125x64xf32, #tpu.memory_space<vmem>>
      %dma_start3A_779 = tpu.memref_squeeze %dma_start3A_778 : memref<1x125x64xf32, #tpu.memory_space<vmem>> -> memref<125x64xf32, #tpu.memory_space<vmem>>
      %dma_start3A_780 = arith.constant 0 : i32
      %dma_start3A_781 = tpu.memref_slice %arg5[%add3A_742, %dma_start3A_780] : memref<10000x64xf32, #tpu.memory_space<vmem_shared>> -> memref<125x64xf32, #tpu.memory_space<vmem_shared>>
      tpu.enqueue_dma source(%dma_start3A_781 : memref<125x64xf32, #tpu.memory_space<vmem_shared>>) target(%dma_start3A_779 : memref<125x64xf32, #tpu.memory_space<vmem>>) target_semaphore(%run_scoped3A_769 : memref<!tpu.dma_semaphore, #tpu.memory_space<semaphore_mem>>)
      %dma_wait3A_782 = arith.constant 0 : i32
      %dma_wait3A_783 = arith.constant 0 : i32
      %dma_wait3A_784 = tpu.memref_slice %arg8[%run_scoped3A_743, %dma_wait3A_782, %dma_wait3A_783] : memref<5x125x64xf32, #tpu.memory_space<vmem>> -> memref<1x125x64xf32, #tpu.memory_space<vmem>>
      %dma_wait3A_785 = tpu.memref_squeeze %dma_wait3A_784 : memref<1x125x64xf32, #tpu.memory_space<vmem>> -> memref<125x64xf32, #tpu.memory_space<vmem>>
      %dma_wait3A_786 = arith.constant 0 : i32
      %dma_wait3A_787 = tpu.memref_slice %arg5[%add3A_742, %dma_wait3A_786] : memref<10000x64xf32, #tpu.memory_space<vmem_shared>> -> memref<125x64xf32, #tpu.memory_space<vmem_shared>>
      %dma_wait3A_788 = arith.constant 0 : i32
      %dma_wait3A_789 = arith.constant 0 : i32
      %dma_wait3A_790 = tpu.memref_slice %arg8[%run_scoped3A_743, %dma_wait3A_788, %dma_wait3A_789] : memref<5x125x64xf32, #tpu.memory_space<vmem>> -> memref<1x125x64xf32, #tpu.memory_space<vmem>>
      %dma_wait3A_791 = tpu.memref_squeeze %dma_wait3A_790 : memref<1x125x64xf32, #tpu.memory_space<vmem>> -> memref<125x64xf32, #tpu.memory_space<vmem>>
      %dma_wait3A_792 = arith.constant 0 : i32
      %dma_wait3A_793 = tpu.memref_slice %arg5[%add3A_742, %dma_wait3A_792] : memref<10000x64xf32, #tpu.memory_space<vmem_shared>> -> memref<125x64xf32, #tpu.memory_space<vmem_shared>>
      tpu.wait_dma2 semaphore(%run_scoped3A_769 : memref<!tpu.dma_semaphore, #tpu.memory_space<semaphore_mem>>) src(%dma_wait3A_793 : memref<125x64xf32, #tpu.memory_space<vmem_shared>>) dst(%dma_wait3A_791 : memref<125x64xf32, #tpu.memory_space<vmem>>)
      tpu.yield
    }) : () -> ()
    %mul3A_744 = arith.constant 625 : i32
    %mul3A_745 = arith.muli %arg1, %mul3A_744 : i32
    %add3A_746 = arith.constant 250 : i32
    %add3A_747 = arith.addi %mul3A_745, %add3A_746 : i32
    %run_scoped3A_748 = arith.constant 0 : i32
    "tpu.region"() ({
      %run_scoped3A_769 = tpu.sem_alloc : memref<!tpu.dma_semaphore, #tpu.memory_space<semaphore_mem>>
      %dma_start3A_770 = arith.constant 0 : i32
      %dma_start3A_771 = arith.constant 0 : i32
      %dma_start3A_772 = tpu.memref_slice %arg8[%run_scoped3A_748, %dma_start3A_770, %dma_start3A_771] : memref<5x125x64xf32, #tpu.memory_space<vmem>> -> memref<1x125x64xf32, #tpu.memory_space<vmem>>
      %dma_start3A_773 = tpu.memref_squeeze %dma_start3A_772 : memref<1x125x64xf32, #tpu.memory_space<vmem>> -> memref<125x64xf32, #tpu.memory_space<vmem>>
      %dma_start3A_774 = arith.constant 0 : i32
      %dma_start3A_775 = tpu.memref_slice %arg4[%arg0, %add3A_747, %dma_start3A_774] : memref<2x10000x64xf32, #tpu.memory_space<hbm>> -> memref<1x125x64xf32, #tpu.memory_space<hbm>>
      %dma_start3A_776 = tpu.memref_squeeze %dma_start3A_775 : memref<1x125x64xf32, #tpu.memory_space<hbm>> -> memref<125x64xf32, #tpu.memory_space<hbm>>
      %dma_start3A_777 = arith.constant 0 : i32
      %dma_start3A_778 = tpu.memref_slice %arg4[%arg0, %add3A_747, %dma_start3A_777] : memref<2x10000x64xf32, #tpu.memory_space<hbm>> -> memref<1x125x64xf32, #tpu.memory_space<hbm>>
      %dma_start3A_779 = tpu.memref_squeeze %dma_start3A_778 : memref<1x125x64xf32, #tpu.memory_space<hbm>> -> memref<125x64xf32, #tpu.memory_space<hbm>>
      %dma_start3A_780 = arith.constant 0 : i32
      %dma_start3A_781 = arith.constant 0 : i32
      %dma_start3A_782 = tpu.memref_slice %arg8[%run_scoped3A_748, %dma_start3A_780, %dma_start3A_781] : memref<5x125x64xf32, #tpu.memory_space<vmem>> -> memref<1x125x64xf32, #tpu.memory_space<vmem>>
      %dma_start3A_783 = tpu.memref_squeeze %dma_start3A_782 : memref<1x125x64xf32, #tpu.memory_space<vmem>> -> memref<125x64xf32, #tpu.memory_space<vmem>>
      tpu.enqueue_dma source(%dma_start3A_783 : memref<125x64xf32, #tpu.memory_space<vmem>>) target(%dma_start3A_779 : memref<125x64xf32, #tpu.memory_space<hbm>>) target_semaphore(%run_scoped3A_769 : memref<!tpu.dma_semaphore, #tpu.memory_space<semaphore_mem>>)
      %dma_wait3A_784 = arith.constant 0 : i32
      %dma_wait3A_785 = arith.constant 0 : i32
      %dma_wait3A_786 = tpu.memref_slice %arg8[%run_scoped3A_748, %dma_wait3A_784, %dma_wait3A_785] : memref<5x125x64xf32, #tpu.memory_space<vmem>> -> memref<1x125x64xf32, #tpu.memory_space<vmem>>
      %dma_wait3A_787 = tpu.memref_squeeze %dma_wait3A_786 : memref<1x125x64xf32, #tpu.memory_space<vmem>> -> memref<125x64xf32, #tpu.memory_space<vmem>>
      %dma_wait3A_788 = arith.constant 0 : i32
      %dma_wait3A_789 = tpu.memref_slice %arg4[%arg0, %add3A_747, %dma_wait3A_788] : memref<2x10000x64xf32, #tpu.memory_space<hbm>> -> memref<1x125x64xf32, #tpu.memory_space<hbm>>
      %dma_wait3A_790 = tpu.memref_squeeze %dma_wait3A_789 : memref<1x125x64xf32, #tpu.memory_space<hbm>> -> memref<125x64xf32, #tpu.memory_space<hbm>>
      %dma_wait3A_791 = arith.constant 0 : i32
      %dma_wait3A_792 = tpu.memref_slice %arg4[%arg0, %add3A_747, %dma_wait3A_791] : memref<2x10000x64xf32, #tpu.memory_space<hbm>> -> memref<1x125x64xf32, #tpu.memory_space<hbm>>
      %dma_wait3A_793 = tpu.memref_squeeze %dma_wait3A_792 : memref<1x125x64xf32, #tpu.memory_space<hbm>> -> memref<125x64xf32, #tpu.memory_space<hbm>>
      %dma_wait3A_794 = arith.constant 0 : i32
      %dma_wait3A_795 = arith.constant 0 : i32
      %dma_wait3A_796 = tpu.memref_slice %arg8[%run_scoped3A_748, %dma_wait3A_794, %dma_wait3A_795] : memref<5x125x64xf32, #tpu.memory_space<vmem>> -> memref<1x125x64xf32, #tpu.memory_space<vmem>>
      %dma_wait3A_797 = tpu.memref_squeeze %dma_wait3A_796 : memref<1x125x64xf32, #tpu.memory_space<vmem>> -> memref<125x64xf32, #tpu.memory_space<vmem>>
      tpu.wait_dma2 semaphore(%run_scoped3A_769 : memref<!tpu.dma_semaphore, #tpu.memory_space<semaphore_mem>>) src(%dma_wait3A_797 : memref<125x64xf32, #tpu.memory_space<vmem>>) dst(%dma_wait3A_793 : memref<125x64xf32, #tpu.memory_space<hbm>>)
      tpu.yield
    }) : () -> ()
    %mul3A_749 = arith.constant 625 : i32
    %mul3A_750 = arith.muli %arg1, %mul3A_749 : i32
    %add3A_751 = arith.constant 375 : i32
    %add3A_752 = arith.addi %mul3A_750, %add3A_751 : i32
    %run_scoped3A_753 = arith.constant 0 : i32
    "tpu.region"() ({
      %run_scoped3A_769 = tpu.sem_alloc : memref<!tpu.dma_semaphore, #tpu.memory_space<semaphore_mem>>
      %dma_start3A_770 = arith.constant 0 : i32
      %dma_start3A_771 = arith.constant 0 : i32
      %dma_start3A_772 = tpu.memref_slice %arg8[%run_scoped3A_753, %dma_start3A_770, %dma_start3A_771] : memref<5x125x64xf32, #tpu.memory_space<vmem>> -> memref<1x125x64xf32, #tpu.memory_space<vmem>>
      %dma_start3A_773 = tpu.memref_squeeze %dma_start3A_772 : memref<1x125x64xf32, #tpu.memory_space<vmem>> -> memref<125x64xf32, #tpu.memory_space<vmem>>
      %dma_start3A_774 = arith.constant 0 : i32
      %dma_start3A_775 = tpu.memref_slice %arg5[%add3A_752, %dma_start3A_774] : memref<10000x64xf32, #tpu.memory_space<vmem_shared>> -> memref<125x64xf32, #tpu.memory_space<vmem_shared>>
      %dma_start3A_776 = arith.constant 0 : i32
      %dma_start3A_777 = arith.constant 0 : i32
      %dma_start3A_778 = tpu.memref_slice %arg8[%run_scoped3A_753, %dma_start3A_776, %dma_start3A_777] : memref<5x125x64xf32, #tpu.memory_space<vmem>> -> memref<1x125x64xf32, #tpu.memory_space<vmem>>
      %dma_start3A_779 = tpu.memref_squeeze %dma_start3A_778 : memref<1x125x64xf32, #tpu.memory_space<vmem>> -> memref<125x64xf32, #tpu.memory_space<vmem>>
      %dma_start3A_780 = arith.constant 0 : i32
      %dma_start3A_781 = tpu.memref_slice %arg5[%add3A_752, %dma_start3A_780] : memref<10000x64xf32, #tpu.memory_space<vmem_shared>> -> memref<125x64xf32, #tpu.memory_space<vmem_shared>>
      tpu.enqueue_dma source(%dma_start3A_781 : memref<125x64xf32, #tpu.memory_space<vmem_shared>>) target(%dma_start3A_779 : memref<125x64xf32, #tpu.memory_space<vmem>>) target_semaphore(%run_scoped3A_769 : memref<!tpu.dma_semaphore, #tpu.memory_space<semaphore_mem>>)
      %dma_wait3A_782 = arith.constant 0 : i32
      %dma_wait3A_783 = arith.constant 0 : i32
      %dma_wait3A_784 = tpu.memref_slice %arg8[%run_scoped3A_753, %dma_wait3A_782, %dma_wait3A_783] : memref<5x125x64xf32, #tpu.memory_space<vmem>> -> memref<1x125x64xf32, #tpu.memory_space<vmem>>
      %dma_wait3A_785 = tpu.memref_squeeze %dma_wait3A_784 : memref<1x125x64xf32, #tpu.memory_space<vmem>> -> memref<125x64xf32, #tpu.memory_space<vmem>>
      %dma_wait3A_786 = arith.constant 0 : i32
      %dma_wait3A_787 = tpu.memref_slice %arg5[%add3A_752, %dma_wait3A_786] : memref<10000x64xf32, #tpu.memory_space<vmem_shared>> -> memref<125x64xf32, #tpu.memory_space<vmem_shared>>
      %dma_wait3A_788 = arith.constant 0 : i32
      %dma_wait3A_789 = arith.constant 0 : i32
      %dma_wait3A_790 = tpu.memref_slice %arg8[%run_scoped3A_753, %dma_wait3A_788, %dma_wait3A_789] : memref<5x125x64xf32, #tpu.memory_space<vmem>> -> memref<1x125x64xf32, #tpu.memory_space<vmem>>
      %dma_wait3A_791 = tpu.memref_squeeze %dma_wait3A_790 : memref<1x125x64xf32, #tpu.memory_space<vmem>> -> memref<125x64xf32, #tpu.memory_space<vmem>>
      %dma_wait3A_792 = arith.constant 0 : i32
      %dma_wait3A_793 = tpu.memref_slice %arg5[%add3A_752, %dma_wait3A_792] : memref<10000x64xf32, #tpu.memory_space<vmem_shared>> -> memref<125x64xf32, #tpu.memory_space<vmem_shared>>
      tpu.wait_dma2 semaphore(%run_scoped3A_769 : memref<!tpu.dma_semaphore, #tpu.memory_space<semaphore_mem>>) src(%dma_wait3A_793 : memref<125x64xf32, #tpu.memory_space<vmem_shared>>) dst(%dma_wait3A_791 : memref<125x64xf32, #tpu.memory_space<vmem>>)
      tpu.yield
    }) : () -> ()
    %mul3A_754 = arith.constant 625 : i32
    %mul3A_755 = arith.muli %arg1, %mul3A_754 : i32
    %add3A_756 = arith.constant 375 : i32
    %add3A_757 = arith.addi %mul3A_755, %add3A_756 : i32
    %run_scoped3A_758 = arith.constant 0 : i32
    "tpu.region"() ({
      %run_scoped3A_769 = tpu.sem_alloc : memref<!tpu.dma_semaphore, #tpu.memory_space<semaphore_mem>>
      %dma_start3A_770 = arith.constant 0 : i32
      %dma_start3A_771 = arith.constant 0 : i32
      %dma_start3A_772 = tpu.memref_slice %arg8[%run_scoped3A_758, %dma_start3A_770, %dma_start3A_771] : memref<5x125x64xf32, #tpu.memory_space<vmem>> -> memref<1x125x64xf32, #tpu.memory_space<vmem>>
      %dma_start3A_773 = tpu.memref_squeeze %dma_start3A_772 : memref<1x125x64xf32, #tpu.memory_space<vmem>> -> memref<125x64xf32, #tpu.memory_space<vmem>>
      %dma_start3A_774 = arith.constant 0 : i32
      %dma_start3A_775 = tpu.memref_slice %arg4[%arg0, %add3A_757, %dma_start3A_774] : memref<2x10000x64xf32, #tpu.memory_space<hbm>> -> memref<1x125x64xf32, #tpu.memory_space<hbm>>
      %dma_start3A_776 = tpu.memref_squeeze %dma_start3A_775 : memref<1x125x64xf32, #tpu.memory_space<hbm>> -> memref<125x64xf32, #tpu.memory_space<hbm>>
      %dma_start3A_777 = arith.constant 0 : i32
      %dma_start3A_778 = tpu.memref_slice %arg4[%arg0, %add3A_757, %dma_start3A_777] : memref<2x10000x64xf32, #tpu.memory_space<hbm>> -> memref<1x125x64xf32, #tpu.memory_space<hbm>>
      %dma_start3A_779 = tpu.memref_squeeze %dma_start3A_778 : memref<1x125x64xf32, #tpu.memory_space<hbm>> -> memref<125x64xf32, #tpu.memory_space<hbm>>
      %dma_start3A_780 = arith.constant 0 : i32
      %dma_start3A_781 = arith.constant 0 : i32
      %dma_start3A_782 = tpu.memref_slice %arg8[%run_scoped3A_758, %dma_start3A_780, %dma_start3A_781] : memref<5x125x64xf32, #tpu.memory_space<vmem>> -> memref<1x125x64xf32, #tpu.memory_space<vmem>>
      %dma_start3A_783 = tpu.memref_squeeze %dma_start3A_782 : memref<1x125x64xf32, #tpu.memory_space<vmem>> -> memref<125x64xf32, #tpu.memory_space<vmem>>
      tpu.enqueue_dma source(%dma_start3A_783 : memref<125x64xf32, #tpu.memory_space<vmem>>) target(%dma_start3A_779 : memref<125x64xf32, #tpu.memory_space<hbm>>) target_semaphore(%run_scoped3A_769 : memref<!tpu.dma_semaphore, #tpu.memory_space<semaphore_mem>>)
      %dma_wait3A_784 = arith.constant 0 : i32
      %dma_wait3A_785 = arith.constant 0 : i32
      %dma_wait3A_786 = tpu.memref_slice %arg8[%run_scoped3A_758, %dma_wait3A_784, %dma_wait3A_785] : memref<5x125x64xf32, #tpu.memory_space<vmem>> -> memref<1x125x64xf32, #tpu.memory_space<vmem>>
      %dma_wait3A_787 = tpu.memref_squeeze %dma_wait3A_786 : memref<1x125x64xf32, #tpu.memory_space<vmem>> -> memref<125x64xf32, #tpu.memory_space<vmem>>
      %dma_wait3A_788 = arith.constant 0 : i32
      %dma_wait3A_789 = tpu.memref_slice %arg4[%arg0, %add3A_757, %dma_wait3A_788] : memref<2x10000x64xf32, #tpu.memory_space<hbm>> -> memref<1x125x64xf32, #tpu.memory_space<hbm>>
      %dma_wait3A_790 = tpu.memref_squeeze %dma_wait3A_789 : memref<1x125x64xf32, #tpu.memory_space<hbm>> -> memref<125x64xf32, #tpu.memory_space<hbm>>
      %dma_wait3A_791 = arith.constant 0 : i32
      %dma_wait3A_792 = tpu.memref_slice %arg4[%arg0, %add3A_757, %dma_wait3A_791] : memref<2x10000x64xf32, #tpu.memory_space<hbm>> -> memref<1x125x64xf32, #tpu.memory_space<hbm>>
      %dma_wait3A_793 = tpu.memref_squeeze %dma_wait3A_792 : memref<1x125x64xf32, #tpu.memory_space<hbm>> -> memref<125x64xf32, #tpu.memory_space<hbm>>
      %dma_wait3A_794 = arith.constant 0 : i32
      %dma_wait3A_795 = arith.constant 0 : i32
      %dma_wait3A_796 = tpu.memref_slice %arg8[%run_scoped3A_758, %dma_wait3A_794, %dma_wait3A_795] : memref<5x125x64xf32, #tpu.memory_space<vmem>> -> memref<1x125x64xf32, #tpu.memory_space<vmem>>
      %dma_wait3A_797 = tpu.memref_squeeze %dma_wait3A_796 : memref<1x125x64xf32, #tpu.memory_space<vmem>> -> memref<125x64xf32, #tpu.memory_space<vmem>>
      tpu.wait_dma2 semaphore(%run_scoped3A_769 : memref<!tpu.dma_semaphore, #tpu.memory_space<semaphore_mem>>) src(%dma_wait3A_797 : memref<125x64xf32, #tpu.memory_space<vmem>>) dst(%dma_wait3A_793 : memref<125x64xf32, #tpu.memory_space<hbm>>)
      tpu.yield
    }) : () -> ()
    %mul3A_759 = arith.constant 625 : i32
    %mul3A_760 = arith.muli %arg1, %mul3A_759 : i32
    %add3A_761 = arith.constant 500 : i32
    %add3A_762 = arith.addi %mul3A_760, %add3A_761 : i32
    %run_scoped3A_763 = arith.constant 0 : i32
    "tpu.region"() ({
      %run_scoped3A_769 = tpu.sem_alloc : memref<!tpu.dma_semaphore, #tpu.memory_space<semaphore_mem>>
      %dma_start3A_770 = arith.constant 0 : i32
      %dma_start3A_771 = arith.constant 0 : i32
      %dma_start3A_772 = tpu.memref_slice %arg8[%run_scoped3A_763, %dma_start3A_770, %dma_start3A_771] : memref<5x125x64xf32, #tpu.memory_space<vmem>> -> memref<1x125x64xf32, #tpu.memory_space<vmem>>
      %dma_start3A_773 = tpu.memref_squeeze %dma_start3A_772 : memref<1x125x64xf32, #tpu.memory_space<vmem>> -> memref<125x64xf32, #tpu.memory_space<vmem>>
      %dma_start3A_774 = arith.constant 0 : i32
      %dma_start3A_775 = tpu.memref_slice %arg5[%add3A_762, %dma_start3A_774] : memref<10000x64xf32, #tpu.memory_space<vmem_shared>> -> memref<125x64xf32, #tpu.memory_space<vmem_shared>>
      %dma_start3A_776 = arith.constant 0 : i32
      %dma_start3A_777 = arith.constant 0 : i32
      %dma_start3A_778 = tpu.memref_slice %arg8[%run_scoped3A_763, %dma_start3A_776, %dma_start3A_777] : memref<5x125x64xf32, #tpu.memory_space<vmem>> -> memref<1x125x64xf32, #tpu.memory_space<vmem>>
      %dma_start3A_779 = tpu.memref_squeeze %dma_start3A_778 : memref<1x125x64xf32, #tpu.memory_space<vmem>> -> memref<125x64xf32, #tpu.memory_space<vmem>>
      %dma_start3A_780 = arith.constant 0 : i32
      %dma_start3A_781 = tpu.memref_slice %arg5[%add3A_762, %dma_start3A_780] : memref<10000x64xf32, #tpu.memory_space<vmem_shared>> -> memref<125x64xf32, #tpu.memory_space<vmem_shared>>
      tpu.enqueue_dma source(%dma_start3A_781 : memref<125x64xf32, #tpu.memory_space<vmem_shared>>) target(%dma_start3A_779 : memref<125x64xf32, #tpu.memory_space<vmem>>) target_semaphore(%run_scoped3A_769 : memref<!tpu.dma_semaphore, #tpu.memory_space<semaphore_mem>>)
      %dma_wait3A_782 = arith.constant 0 : i32
      %dma_wait3A_783 = arith.constant 0 : i32
      %dma_wait3A_784 = tpu.memref_slice %arg8[%run_scoped3A_763, %dma_wait3A_782, %dma_wait3A_783] : memref<5x125x64xf32, #tpu.memory_space<vmem>> -> memref<1x125x64xf32, #tpu.memory_space<vmem>>
      %dma_wait3A_785 = tpu.memref_squeeze %dma_wait3A_784 : memref<1x125x64xf32, #tpu.memory_space<vmem>> -> memref<125x64xf32, #tpu.memory_space<vmem>>
      %dma_wait3A_786 = arith.constant 0 : i32
      %dma_wait3A_787 = tpu.memref_slice %arg5[%add3A_762, %dma_wait3A_786] : memref<10000x64xf32, #tpu.memory_space<vmem_shared>> -> memref<125x64xf32, #tpu.memory_space<vmem_shared>>
      %dma_wait3A_788 = arith.constant 0 : i32
      %dma_wait3A_789 = arith.constant 0 : i32
      %dma_wait3A_790 = tpu.memref_slice %arg8[%run_scoped3A_763, %dma_wait3A_788, %dma_wait3A_789] : memref<5x125x64xf32, #tpu.memory_space<vmem>> -> memref<1x125x64xf32, #tpu.memory_space<vmem>>
      %dma_wait3A_791 = tpu.memref_squeeze %dma_wait3A_790 : memref<1x125x64xf32, #tpu.memory_space<vmem>> -> memref<125x64xf32, #tpu.memory_space<vmem>>
      %dma_wait3A_792 = arith.constant 0 : i32
      %dma_wait3A_793 = tpu.memref_slice %arg5[%add3A_762, %dma_wait3A_792] : memref<10000x64xf32, #tpu.memory_space<vmem_shared>> -> memref<125x64xf32, #tpu.memory_space<vmem_shared>>
      tpu.wait_dma2 semaphore(%run_scoped3A_769 : memref<!tpu.dma_semaphore, #tpu.memory_space<semaphore_mem>>) src(%dma_wait3A_793 : memref<125x64xf32, #tpu.memory_space<vmem_shared>>) dst(%dma_wait3A_791 : memref<125x64xf32, #tpu.memory_space<vmem>>)
      tpu.yield
    }) : () -> ()
    %mul3A_764 = arith.constant 625 : i32
    %mul3A_765 = arith.muli %arg1, %mul3A_764 : i32
    %add3A_766 = arith.constant 500 : i32
    %add3A_767 = arith.addi %mul3A_765, %add3A_766 : i32
    %run_scoped3A_768 = arith.constant 0 : i32
    "tpu.region"() ({
      %run_scoped3A_769 = tpu.sem_alloc : memref<!tpu.dma_semaphore, #tpu.memory_space<semaphore_mem>>
      %dma_start3A_770 = arith.constant 0 : i32
      %dma_start3A_771 = arith.constant 0 : i32
      %dma_start3A_772 = tpu.memref_slice %arg8[%run_scoped3A_768, %dma_start3A_770, %dma_start3A_771] : memref<5x125x64xf32, #tpu.memory_space<vmem>> -> memref<1x125x64xf32, #tpu.memory_space<vmem>>
      %dma_start3A_773 = tpu.memref_squeeze %dma_start3A_772 : memref<1x125x64xf32, #tpu.memory_space<vmem>> -> memref<125x64xf32, #tpu.memory_space<vmem>>
      %dma_start3A_774 = arith.constant 0 : i32
      %dma_start3A_775 = tpu.memref_slice %arg4[%arg0, %add3A_767, %dma_start3A_774] : memref<2x10000x64xf32, #tpu.memory_space<hbm>> -> memref<1x125x64xf32, #tpu.memory_space<hbm>>
      %dma_start3A_776 = tpu.memref_squeeze %dma_start3A_775 : memref<1x125x64xf32, #tpu.memory_space<hbm>> -> memref<125x64xf32, #tpu.memory_space<hbm>>
      %dma_start3A_777 = arith.constant 0 : i32
      %dma_start3A_778 = tpu.memref_slice %arg4[%arg0, %add3A_767, %dma_start3A_777] : memref<2x10000x64xf32, #tpu.memory_space<hbm>> -> memref<1x125x64xf32, #tpu.memory_space<hbm>>
      %dma_start3A_779 = tpu.memref_squeeze %dma_start3A_778 : memref<1x125x64xf32, #tpu.memory_space<hbm>> -> memref<125x64xf32, #tpu.memory_space<hbm>>
      %dma_start3A_780 = arith.constant 0 : i32
      %dma_start3A_781 = arith.constant 0 : i32
      %dma_start3A_782 = tpu.memref_slice %arg8[%run_scoped3A_768, %dma_start3A_780, %dma_start3A_781] : memref<5x125x64xf32, #tpu.memory_space<vmem>> -> memref<1x125x64xf32, #tpu.memory_space<vmem>>
      %dma_start3A_783 = tpu.memref_squeeze %dma_start3A_782 : memref<1x125x64xf32, #tpu.memory_space<vmem>> -> memref<125x64xf32, #tpu.memory_space<vmem>>
      tpu.enqueue_dma source(%dma_start3A_783 : memref<125x64xf32, #tpu.memory_space<vmem>>) target(%dma_start3A_779 : memref<125x64xf32, #tpu.memory_space<hbm>>) target_semaphore(%run_scoped3A_769 : memref<!tpu.dma_semaphore, #tpu.memory_space<semaphore_mem>>)
      %dma_wait3A_784 = arith.constant 0 : i32
      %dma_wait3A_785 = arith.constant 0 : i32
      %dma_wait3A_786 = tpu.memref_slice %arg8[%run_scoped3A_768, %dma_wait3A_784, %dma_wait3A_785] : memref<5x125x64xf32, #tpu.memory_space<vmem>> -> memref<1x125x64xf32, #tpu.memory_space<vmem>>
      %dma_wait3A_787 = tpu.memref_squeeze %dma_wait3A_786 : memref<1x125x64xf32, #tpu.memory_space<vmem>> -> memref<125x64xf32, #tpu.memory_space<vmem>>
      %dma_wait3A_788 = arith.constant 0 : i32
      %dma_wait3A_789 = tpu.memref_slice %arg4[%arg0, %add3A_767, %dma_wait3A_788] : memref<2x10000x64xf32, #tpu.memory_space<hbm>> -> memref<1x125x64xf32, #tpu.memory_space<hbm>>
      %dma_wait3A_790 = tpu.memref_squeeze %dma_wait3A_789 : memref<1x125x64xf32, #tpu.memory_space<hbm>> -> memref<125x64xf32, #tpu.memory_space<hbm>>
      %dma_wait3A_791 = arith.constant 0 : i32
      %dma_wait3A_792 = tpu.memref_slice %arg4[%arg0, %add3A_767, %dma_wait3A_791] : memref<2x10000x64xf32, #tpu.memory_space<hbm>> -> memref<1x125x64xf32, #tpu.memory_space<hbm>>
      %dma_wait3A_793 = tpu.memref_squeeze %dma_wait3A_792 : memref<1x125x64xf32, #tpu.memory_space<hbm>> -> memref<125x64xf32, #tpu.memory_space<hbm>>
      %dma_wait3A_794 = arith.constant 0 : i32
      %dma_wait3A_795 = arith.constant 0 : i32
      %dma_wait3A_796 = tpu.memref_slice %arg8[%run_scoped3A_768, %dma_wait3A_794, %dma_wait3A_795] : memref<5x125x64xf32, #tpu.memory_space<vmem>> -> memref<1x125x64xf32, #tpu.memory_space<vmem>>
      %dma_wait3A_797 = tpu.memref_squeeze %dma_wait3A_796 : memref<1x125x64xf32, #tpu.memory_space<vmem>> -> memref<125x64xf32, #tpu.memory_space<vmem>>
      tpu.wait_dma2 semaphore(%run_scoped3A_769 : memref<!tpu.dma_semaphore, #tpu.memory_space<semaphore_mem>>) src(%dma_wait3A_797 : memref<125x64xf32, #tpu.memory_space<vmem>>) dst(%dma_wait3A_793 : memref<125x64xf32, #tpu.memory_space<hbm>>)
      tpu.yield
    }) : () -> ()
    return
  }
}

#map = affine_map<(d0, d1) -> (0, 0)>
#map1 = affine_map<(d0, d1) -> (0, 0, 0)>
module attributes {stable_mosaic.version = 14 : i64} {
  func.func @_deg_body(%arg0: i32, %arg1: i32, %arg2: memref<2x320000xi32, #tpu.memory_space<hbm>>, %arg3: memref<32x2x10000xf32, #tpu.memory_space<hbm>>, %arg4: memref<10000xi32, #tpu.memory_space<vmem>>, %arg5: memref<10000xi32, #tpu.memory_space<vmem>>, %arg6: memref<10000xf32, #tpu.memory_space<vmem>>, %arg7: memref<10000xf32, #tpu.memory_space<vmem>>) attributes {dimension_semantics = [#tpu.dimension_semantics<core_parallel>, #tpu.dimension_semantics<subcore_parallel>], iteration_bounds = array<i64: 2, 16>, scalar_prefetch = 0 : i64, scratch_operands = 4 : i64, tpu.core_type = #tpu.core_type<sc_vector_subcore>, window_params = [{transform_indices = #map}, {transform_indices = #map1}]} {
    %mul3A = arith.constant 2 : i32
    %mul3A_0 = arith.muli %arg1, %mul3A : i32
    %add3A = arith.addi %mul3A_0, %arg0 : i32
    %mul3A_1 = arith.constant 10000 : i32
    %mul3A_2 = arith.muli %add3A, %mul3A_1 : i32
    %run_scoped3A = arith.constant 0 : i32
    "tpu.region"() ({
      %run_scoped3A_22 = tpu.sem_alloc : memref<!tpu.dma_semaphore, #tpu.memory_space<semaphore_mem>>
      %dma_start3A = tpu.memref_slice %arg2[%run_scoped3A, %mul3A_2] : memref<2x320000xi32, #tpu.memory_space<hbm>> -> memref<1x10000xi32, #tpu.memory_space<hbm>>
      %dma_start3A_23 = tpu.memref_squeeze %dma_start3A : memref<1x10000xi32, #tpu.memory_space<hbm>> -> memref<10000xi32, #tpu.memory_space<hbm>>
      %dma_start3A_24 = tpu.memref_slice %arg2[%run_scoped3A, %mul3A_2] : memref<2x320000xi32, #tpu.memory_space<hbm>> -> memref<1x10000xi32, #tpu.memory_space<hbm>>
      %dma_start3A_25 = tpu.memref_squeeze %dma_start3A_24 : memref<1x10000xi32, #tpu.memory_space<hbm>> -> memref<10000xi32, #tpu.memory_space<hbm>>
      tpu.enqueue_dma source(%dma_start3A_25 : memref<10000xi32, #tpu.memory_space<hbm>>) target(%arg4 : memref<10000xi32, #tpu.memory_space<vmem>>) target_semaphore(%run_scoped3A_22 : memref<!tpu.dma_semaphore, #tpu.memory_space<semaphore_mem>>)
      %dma_wait3A = tpu.memref_slice %arg2[%run_scoped3A, %mul3A_2] : memref<2x320000xi32, #tpu.memory_space<hbm>> -> memref<1x10000xi32, #tpu.memory_space<hbm>>
      %dma_wait3A_26 = tpu.memref_squeeze %dma_wait3A : memref<1x10000xi32, #tpu.memory_space<hbm>> -> memref<10000xi32, #tpu.memory_space<hbm>>
      %dma_wait3A_27 = tpu.memref_slice %arg2[%run_scoped3A, %mul3A_2] : memref<2x320000xi32, #tpu.memory_space<hbm>> -> memref<1x10000xi32, #tpu.memory_space<hbm>>
      %dma_wait3A_28 = tpu.memref_squeeze %dma_wait3A_27 : memref<1x10000xi32, #tpu.memory_space<hbm>> -> memref<10000xi32, #tpu.memory_space<hbm>>
      tpu.wait_dma2 semaphore(%run_scoped3A_22 : memref<!tpu.dma_semaphore, #tpu.memory_space<semaphore_mem>>) src(%dma_wait3A_28 : memref<10000xi32, #tpu.memory_space<hbm>>) dst(%arg4 : memref<10000xi32, #tpu.memory_space<vmem>>)
      tpu.yield
    }) : () -> ()
    %mul3A_3 = arith.constant 10000 : i32
    %mul3A_4 = arith.muli %add3A, %mul3A_3 : i32
    %run_scoped3A_5 = arith.constant 1 : i32
    "tpu.region"() ({
      %run_scoped3A_22 = tpu.sem_alloc : memref<!tpu.dma_semaphore, #tpu.memory_space<semaphore_mem>>
      %dma_start3A = tpu.memref_slice %arg2[%run_scoped3A_5, %mul3A_4] : memref<2x320000xi32, #tpu.memory_space<hbm>> -> memref<1x10000xi32, #tpu.memory_space<hbm>>
      %dma_start3A_23 = tpu.memref_squeeze %dma_start3A : memref<1x10000xi32, #tpu.memory_space<hbm>> -> memref<10000xi32, #tpu.memory_space<hbm>>
      %dma_start3A_24 = tpu.memref_slice %arg2[%run_scoped3A_5, %mul3A_4] : memref<2x320000xi32, #tpu.memory_space<hbm>> -> memref<1x10000xi32, #tpu.memory_space<hbm>>
      %dma_start3A_25 = tpu.memref_squeeze %dma_start3A_24 : memref<1x10000xi32, #tpu.memory_space<hbm>> -> memref<10000xi32, #tpu.memory_space<hbm>>
      tpu.enqueue_dma source(%dma_start3A_25 : memref<10000xi32, #tpu.memory_space<hbm>>) target(%arg5 : memref<10000xi32, #tpu.memory_space<vmem>>) target_semaphore(%run_scoped3A_22 : memref<!tpu.dma_semaphore, #tpu.memory_space<semaphore_mem>>)
      %dma_wait3A = tpu.memref_slice %arg2[%run_scoped3A_5, %mul3A_4] : memref<2x320000xi32, #tpu.memory_space<hbm>> -> memref<1x10000xi32, #tpu.memory_space<hbm>>
      %dma_wait3A_26 = tpu.memref_squeeze %dma_wait3A : memref<1x10000xi32, #tpu.memory_space<hbm>> -> memref<10000xi32, #tpu.memory_space<hbm>>
      %dma_wait3A_27 = tpu.memref_slice %arg2[%run_scoped3A_5, %mul3A_4] : memref<2x320000xi32, #tpu.memory_space<hbm>> -> memref<1x10000xi32, #tpu.memory_space<hbm>>
      %dma_wait3A_28 = tpu.memref_squeeze %dma_wait3A_27 : memref<1x10000xi32, #tpu.memory_space<hbm>> -> memref<10000xi32, #tpu.memory_space<hbm>>
      tpu.wait_dma2 semaphore(%run_scoped3A_22 : memref<!tpu.dma_semaphore, #tpu.memory_space<semaphore_mem>>) src(%dma_wait3A_28 : memref<10000xi32, #tpu.memory_space<hbm>>) dst(%arg5 : memref<10000xi32, #tpu.memory_space<vmem>>)
      tpu.yield
    }) : () -> ()
    %broadcast_in_dim3A = arith.constant 0.000000e+00 : f32
    %broadcast_in_dim3A_6 = vector.broadcast %broadcast_in_dim3A : f32 to vector<16xf32>
    %scan3A = arith.constant 0 : i32
    %scan3A_7 = arith.constant 0 : i32
    %scan3A_8 = arith.constant 625 : i32
    %scan3A_9 = arith.addi %scan3A_7, %scan3A_8 : i32
    %scan3A_10 = arith.constant 1 : i32
    scf.for %scan3A_22 = %scan3A_7 to %scan3A_9 step %scan3A_10  : i32 {
      %mul3A_23 = arith.constant 16 : i32
      %mul3A_24 = arith.muli %scan3A_22, %mul3A_23 : i32
      %swap3A = arith.index_cast %mul3A_24 : i32 to index
      %swap3A_25 = tpu.vector_load %arg6[%swap3A] {strides = array<i32>} : memref<10000xf32, #tpu.memory_space<vmem>>, vector<16xf32>,
      tpu.vector_store %arg6[%swap3A], %broadcast_in_dim3A_6 {strides = array<i32>} : memref<10000xf32, #tpu.memory_space<vmem>>, vector<16xf32>,
      %mul3A_26 = arith.constant 16 : i32
      %mul3A_27 = arith.muli %scan3A_22, %mul3A_26 : i32
      %swap3A_28 = arith.index_cast %mul3A_27 : i32 to index
      %swap3A_29 = tpu.vector_load %arg7[%swap3A_28] {strides = array<i32>} : memref<10000xf32, #tpu.memory_space<vmem>>, vector<16xf32>,
      tpu.vector_store %arg7[%swap3A_28], %broadcast_in_dim3A_6 {strides = array<i32>} : memref<10000xf32, #tpu.memory_space<vmem>>, vector<16xf32>,
    }
    %scan3A_11 = arith.constant 625 : i32
    %broadcast_in_dim3A_12 = arith.constant 1.000000e+00 : f32
    %broadcast_in_dim3A_13 = vector.broadcast %broadcast_in_dim3A_12 : f32 to vector<16xf32>
    %scan3A_14 = arith.constant 0 : i32
    %scan3A_15 = arith.constant 0 : i32
    %scan3A_16 = arith.constant 625 : i32
    %scan3A_17 = arith.addi %scan3A_15, %scan3A_16 : i32
    %scan3A_18 = arith.constant 1 : i32
    scf.for %scan3A_22 = %scan3A_15 to %scan3A_17 step %scan3A_18  : i32 {
      %mul3A_23 = arith.constant 16 : i32
      %mul3A_24 = arith.muli %scan3A_22, %mul3A_23 : i32
      %get3A = arith.index_cast %mul3A_24 : i32 to index
      %get3A_25 = tpu.vector_load %arg4[%get3A] {strides = array<i32>} : memref<10000xi32, #tpu.memory_space<vmem>>, vector<16xi32>,
      tpu.vector_store_idx %arg6[%get3A_25], %broadcast_in_dim3A_13 {add = true} : memref<10000xf32, #tpu.memory_space<vmem>>[vector<16xi32>], vector<16xf32>,
      %mul3A_26 = arith.constant 16 : i32
      %mul3A_27 = arith.muli %scan3A_22, %mul3A_26 : i32
      %get3A_28 = arith.index_cast %mul3A_27 : i32 to index
      %get3A_29 = tpu.vector_load %arg5[%get3A_28] {strides = array<i32>} : memref<10000xi32, #tpu.memory_space<vmem>>, vector<16xi32>,
      tpu.vector_store_idx %arg7[%get3A_29], %broadcast_in_dim3A_13 {add = true} : memref<10000xf32, #tpu.memory_space<vmem>>[vector<16xi32>], vector<16xf32>,
    }
    %scan3A_19 = arith.constant 625 : i32
    %run_scoped3A_20 = arith.constant 0 : i32
    "tpu.region"() ({
      %run_scoped3A_22 = tpu.sem_alloc : memref<!tpu.dma_semaphore, #tpu.memory_space<semaphore_mem>>
      %dma_start3A = arith.constant 0 : i32
      %dma_start3A_23 = tpu.memref_slice %arg3[%add3A, %run_scoped3A_20, %dma_start3A] : memref<32x2x10000xf32, #tpu.memory_space<hbm>> -> memref<1x1x10000xf32, #tpu.memory_space<hbm>>
      %dma_start3A_24 = tpu.memref_squeeze %dma_start3A_23 : memref<1x1x10000xf32, #tpu.memory_space<hbm>> -> memref<10000xf32, #tpu.memory_space<hbm>>
      %dma_start3A_25 = arith.constant 0 : i32
      %dma_start3A_26 = tpu.memref_slice %arg3[%add3A, %run_scoped3A_20, %dma_start3A_25] : memref<32x2x10000xf32, #tpu.memory_space<hbm>> -> memref<1x1x10000xf32, #tpu.memory_space<hbm>>
      %dma_start3A_27 = tpu.memref_squeeze %dma_start3A_26 : memref<1x1x10000xf32, #tpu.memory_space<hbm>> -> memref<10000xf32, #tpu.memory_space<hbm>>
      tpu.enqueue_dma source(%arg6 : memref<10000xf32, #tpu.memory_space<vmem>>) target(%dma_start3A_27 : memref<10000xf32, #tpu.memory_space<hbm>>) target_semaphore(%run_scoped3A_22 : memref<!tpu.dma_semaphore, #tpu.memory_space<semaphore_mem>>)
      %dma_wait3A = arith.constant 0 : i32
      %dma_wait3A_28 = tpu.memref_slice %arg3[%add3A, %run_scoped3A_20, %dma_wait3A] : memref<32x2x10000xf32, #tpu.memory_space<hbm>> -> memref<1x1x10000xf32, #tpu.memory_space<hbm>>
      %dma_wait3A_29 = tpu.memref_squeeze %dma_wait3A_28 : memref<1x1x10000xf32, #tpu.memory_space<hbm>> -> memref<10000xf32, #tpu.memory_space<hbm>>
      %dma_wait3A_30 = arith.constant 0 : i32
      %dma_wait3A_31 = tpu.memref_slice %arg3[%add3A, %run_scoped3A_20, %dma_wait3A_30] : memref<32x2x10000xf32, #tpu.memory_space<hbm>> -> memref<1x1x10000xf32, #tpu.memory_space<hbm>>
      %dma_wait3A_32 = tpu.memref_squeeze %dma_wait3A_31 : memref<1x1x10000xf32, #tpu.memory_space<hbm>> -> memref<10000xf32, #tpu.memory_space<hbm>>
      tpu.wait_dma2 semaphore(%run_scoped3A_22 : memref<!tpu.dma_semaphore, #tpu.memory_space<semaphore_mem>>) src(%arg6 : memref<10000xf32, #tpu.memory_space<vmem>>) dst(%dma_wait3A_32 : memref<10000xf32, #tpu.memory_space<hbm>>)
      tpu.yield
    }) : () -> ()
    %run_scoped3A_21 = arith.constant 1 : i32
    "tpu.region"() ({
      %run_scoped3A_22 = tpu.sem_alloc : memref<!tpu.dma_semaphore, #tpu.memory_space<semaphore_mem>>
      %dma_start3A = arith.constant 0 : i32
      %dma_start3A_23 = tpu.memref_slice %arg3[%add3A, %run_scoped3A_21, %dma_start3A] : memref<32x2x10000xf32, #tpu.memory_space<hbm>> -> memref<1x1x10000xf32, #tpu.memory_space<hbm>>
      %dma_start3A_24 = tpu.memref_squeeze %dma_start3A_23 : memref<1x1x10000xf32, #tpu.memory_space<hbm>> -> memref<10000xf32, #tpu.memory_space<hbm>>
      %dma_start3A_25 = arith.constant 0 : i32
      %dma_start3A_26 = tpu.memref_slice %arg3[%add3A, %run_scoped3A_21, %dma_start3A_25] : memref<32x2x10000xf32, #tpu.memory_space<hbm>> -> memref<1x1x10000xf32, #tpu.memory_space<hbm>>
      %dma_start3A_27 = tpu.memref_squeeze %dma_start3A_26 : memref<1x1x10000xf32, #tpu.memory_space<hbm>> -> memref<10000xf32, #tpu.memory_space<hbm>>
      tpu.enqueue_dma source(%arg7 : memref<10000xf32, #tpu.memory_space<vmem>>) target(%dma_start3A_27 : memref<10000xf32, #tpu.memory_space<hbm>>) target_semaphore(%run_scoped3A_22 : memref<!tpu.dma_semaphore, #tpu.memory_space<semaphore_mem>>)
      %dma_wait3A = arith.constant 0 : i32
      %dma_wait3A_28 = tpu.memref_slice %arg3[%add3A, %run_scoped3A_21, %dma_wait3A] : memref<32x2x10000xf32, #tpu.memory_space<hbm>> -> memref<1x1x10000xf32, #tpu.memory_space<hbm>>
      %dma_wait3A_29 = tpu.memref_squeeze %dma_wait3A_28 : memref<1x1x10000xf32, #tpu.memory_space<hbm>> -> memref<10000xf32, #tpu.memory_space<hbm>>
      %dma_wait3A_30 = arith.constant 0 : i32
      %dma_wait3A_31 = tpu.memref_slice %arg3[%add3A, %run_scoped3A_21, %dma_wait3A_30] : memref<32x2x10000xf32, #tpu.memory_space<hbm>> -> memref<1x1x10000xf32, #tpu.memory_space<hbm>>
      %dma_wait3A_32 = tpu.memref_squeeze %dma_wait3A_31 : memref<1x1x10000xf32, #tpu.memory_space<hbm>> -> memref<10000xf32, #tpu.memory_space<hbm>>
      tpu.wait_dma2 semaphore(%run_scoped3A_22 : memref<!tpu.dma_semaphore, #tpu.memory_space<semaphore_mem>>) src(%arg7 : memref<10000xf32, #tpu.memory_space<vmem>>) dst(%dma_wait3A_32 : memref<10000xf32, #tpu.memory_space<hbm>>)
      tpu.yield
    }) : () -> ()
    return
  }
}

#map = affine_map<(d0, d1) -> (0, 0, 0)>
module attributes {stable_mosaic.version = 14 : i64} {
  func.func @_mp_body(%arg0: i32, %arg1: i32, %arg2: memref<2x10000x64xf32, #tpu.memory_space<hbm>>, %arg3: memref<2x2560x125xi32, #tpu.memory_space<hbm>>, %arg4: memref<2x10000x64xf32, #tpu.memory_space<hbm>>, %arg5: memref<10000x64xf32, #tpu.memory_space<vmem_shared>>, %arg6: memref<160x125xi32, #tpu.memory_space<vmem>>, %arg7: memref<160x125xi32, #tpu.memory_space<vmem>>, %arg8: memref<5x125x64xf32, #tpu.memory_space<vmem>>, %arg9: memref<5x!tpu.dma_semaphore, #tpu.memory_space<semaphore_mem>>, %arg10: memref<5x!tpu.dma_semaphore, #tpu.memory_space<semaphore_mem>>) attributes {dimension_semantics = [#tpu.dimension_semantics<core_parallel>, #tpu.dimension_semantics<subcore_parallel>], iteration_bounds = array<i64: 2, 16>, scalar_prefetch = 0 : i64, scratch_operands = 6 : i64, tpu.core_type = #tpu.core_type<sc_vector_subcore>, window_params = [{transform_indices = #map}, {transform_indices = #map}, {transform_indices = #map}]} {
    %mul3A = arith.constant 160 : i32
    %mul3A_0 = arith.muli %arg1, %mul3A : i32
    %run_scoped3A = arith.constant 0 : i32
    "tpu.region"() ({
      %run_scoped3A_769 = tpu.sem_alloc : memref<!tpu.dma_semaphore, #tpu.memory_space<semaphore_mem>>
      %dma_start3A_770 = arith.constant 0 : i32
      %dma_start3A_771 = tpu.memref_slice %arg3[%run_scoped3A, %mul3A_0, %dma_start3A_770] : memref<2x2560x125xi32, #tpu.memory_space<hbm>> -> memref<1x160x125xi32, #tpu.memory_space<hbm>>
      %dma_start3A_772 = tpu.memref_squeeze %dma_start3A_771 : memref<1x160x125xi32, #tpu.memory_space<hbm>> -> memref<160x125xi32, #tpu.memory_space<hbm>>
      %dma_start3A_773 = arith.constant 0 : i32
      %dma_start3A_774 = tpu.memref_slice %arg3[%run_scoped3A, %mul3A_0, %dma_start3A_773] : memref<2x2560x125xi32, #tpu.memory_space<hbm>> -> memref<1x160x125xi32, #tpu.memory_space<hbm>>
      %dma_start3A_775 = tpu.memref_squeeze %dma_start3A_774 : memref<1x160x125xi32, #tpu.memory_space<hbm>> -> memref<160x125xi32, #tpu.memory_space<hbm>>
      tpu.enqueue_dma source(%dma_start3A_775 : memref<160x125xi32, #tpu.memory_space<hbm>>) target(%arg6 : memref<160x125xi32, #tpu.memory_space<vmem>>) target_semaphore(%run_scoped3A_769 : memref<!tpu.dma_semaphore, #tpu.memory_space<semaphore_mem>>)
      %dma_wait3A_776 = arith.constant 0 : i32
      %dma_wait3A_777 = tpu.memref_slice %arg3[%run_scoped3A, %mul3A_0, %dma_wait3A_776] : memref<2x2560x125xi32, #tpu.memory_space<hbm>> -> memref<1x160x125xi32, #tpu.memory_space<hbm>>
      %dma_wait3A_778 = tpu.memref_squeeze %dma_wait3A_777 : memref<1x160x125xi32, #tpu.memory_space<hbm>> -> memref<160x125xi32, #tpu.memory_space<hbm>>
      %dma_wait3A_779 = arith.constant 0 : i32
      %dma_wait3A_780 = tpu.memref_slice %arg3[%run_scoped3A, %mul3A_0, %dma_wait3A_779] : memref<2x2560x125xi32, #tpu.memory_space<hbm>> -> memref<1x160x125xi32, #tpu.memory_space<hbm>>
      %dma_wait3A_781 = tpu.memref_squeeze %dma_wait3A_780 : memref<1x160x125xi32, #tpu.memory_space<hbm>> -> memref<160x125xi32, #tpu.memory_space<hbm>>
      tpu.wait_dma2 semaphore(%run_scoped3A_769 : memref<!tpu.dma_semaphore, #tpu.memory_space<semaphore_mem>>) src(%dma_wait3A_781 : memref<160x125xi32, #tpu.memory_space<hbm>>) dst(%arg6 : memref<160x125xi32, #tpu.memory_space<vmem>>)
      tpu.yield
    }) : () -> ()
    %mul3A_1 = arith.constant 160 : i32
    %mul3A_2 = arith.muli %arg1, %mul3A_1 : i32
    %run_scoped3A_3 = arith.constant 1 : i32
    "tpu.region"() ({
      %run_scoped3A_769 = tpu.sem_alloc : memref<!tpu.dma_semaphore, #tpu.memory_space<semaphore_mem>>
      %dma_start3A_770 = arith.constant 0 : i32
      %dma_start3A_771 = tpu.memref_slice %arg3[%run_scoped3A_3, %mul3A_2, %dma_start3A_770] : memref<2x2560x125xi32, #tpu.memory_space<hbm>> -> memref<1x160x125xi32, #tpu.memory_space<hbm>>
      %dma_start3A_772 = tpu.memref_squeeze %dma_start3A_771 : memref<1x160x125xi32, #tpu.memory_space<hbm>> -> memref<160x125xi32, #tpu.memory_space<hbm>>
      %dma_start3A_773 = arith.constant 0 : i32
      %dma_start3A_774 = tpu.memref_slice %arg3[%run_scoped3A_3, %mul3A_2, %dma_start3A_773] : memref<2x2560x125xi32, #tpu.memory_space<hbm>> -> memref<1x160x125xi32, #tpu.memory_space<hbm>>
      %dma_start3A_775 = tpu.memref_squeeze %dma_start3A_774 : memref<1x160x125xi32, #tpu.memory_space<hbm>> -> memref<160x125xi32, #tpu.memory_space<hbm>>
      tpu.enqueue_dma source(%dma_start3A_775 : memref<160x125xi32, #tpu.memory_space<hbm>>) target(%arg7 : memref<160x125xi32, #tpu.memory_space<vmem>>) target_semaphore(%run_scoped3A_769 : memref<!tpu.dma_semaphore, #tpu.memory_space<semaphore_mem>>)
      %dma_wait3A_776 = arith.constant 0 : i32
      %dma_wait3A_777 = tpu.memref_slice %arg3[%run_scoped3A_3, %mul3A_2, %dma_wait3A_776] : memref<2x2560x125xi32, #tpu.memory_space<hbm>> -> memref<1x160x125xi32, #tpu.memory_space<hbm>>
      %dma_wait3A_778 = tpu.memref_squeeze %dma_wait3A_777 : memref<1x160x125xi32, #tpu.memory_space<hbm>> -> memref<160x125xi32, #tpu.memory_space<hbm>>
      %dma_wait3A_779 = arith.constant 0 : i32
      %dma_wait3A_780 = tpu.memref_slice %arg3[%run_scoped3A_3, %mul3A_2, %dma_wait3A_779] : memref<2x2560x125xi32, #tpu.memory_space<hbm>> -> memref<1x160x125xi32, #tpu.memory_space<hbm>>
      %dma_wait3A_781 = tpu.memref_squeeze %dma_wait3A_780 : memref<1x160x125xi32, #tpu.memory_space<hbm>> -> memref<160x125xi32, #tpu.memory_space<hbm>>
      tpu.wait_dma2 semaphore(%run_scoped3A_769 : memref<!tpu.dma_semaphore, #tpu.memory_space<semaphore_mem>>) src(%dma_wait3A_781 : memref<160x125xi32, #tpu.memory_space<hbm>>) dst(%arg7 : memref<160x125xi32, #tpu.memory_space<vmem>>)
      tpu.yield
    }) : () -> ()
    %broadcast_in_dim3A = arith.constant 0.000000e+00 : f32
    %broadcast_in_dim3A_4 = vector.broadcast %broadcast_in_dim3A : f32 to vector<16xf32>
    %scan3A = arith.constant 0 : i32
    %scan3A_5 = arith.constant 0 : i32
    %scan3A_6 = arith.constant 125 : i32
    %scan3A_7 = arith.addi %scan3A_5, %scan3A_6 : i32
    %scan3A_8 = arith.constant 1 : i32
    scf.for %scan3A_769 = %scan3A_5 to %scan3A_7 step %scan3A_8  : i32 {
      %swap3A = arith.constant 0 : i32
      %swap3A_770 = arith.index_cast %swap3A : i32 to index
      %swap3A_771 = arith.index_cast %scan3A_769 : i32 to index
      %swap3A_772 = arith.constant 0 : index
      %swap3A_773 = tpu.vector_load %arg8[%swap3A_770, %swap3A_771, %swap3A_772] {strides = array<i32>} : memref<5x125x64xf32, #tpu.memory_space<vmem>>, vector<16xf32>,
      tpu.vector_store %arg8[%swap3A_770, %swap3A_771, %swap3A_772], %broadcast_in_dim3A_4 {strides = array<i32>} : memref<5x125x64xf32, #tpu.memory_space<vmem>>, vector<16xf32>,
      %swap3A_774 = arith.constant 0 : i32
      %swap3A_775 = arith.index_cast %swap3A_774 : i32 to index
      %swap3A_776 = arith.index_cast %scan3A_769 : i32 to index
      %swap3A_777 = arith.constant 16 : index
      %swap3A_778 = tpu.vector_load %arg8[%swap3A_775, %swap3A_776, %swap3A_777] {strides = array<i32>} : memref<5x125x64xf32, #tpu.memory_space<vmem>>, vector<16xf32>,
      tpu.vector_store %arg8[%swap3A_775, %swap3A_776, %swap3A_777], %broadcast_in_dim3A_4 {strides = array<i32>} : memref<5x125x64xf32, #tpu.memory_space<vmem>>, vector<16xf32>,
      %swap3A_779 = arith.constant 0 : i32
      %swap3A_780 = arith.index_cast %swap3A_779 : i32 to index
      %swap3A_781 = arith.index_cast %scan3A_769 : i32 to index
      %swap3A_782 = arith.constant 32 : index
      %swap3A_783 = tpu.vector_load %arg8[%swap3A_780, %swap3A_781, %swap3A_782] {strides = array<i32>} : memref<5x125x64xf32, #tpu.memory_space<vmem>>, vector<16xf32>,
      tpu.vector_store %arg8[%swap3A_780, %swap3A_781, %swap3A_782], %broadcast_in_dim3A_4 {strides = array<i32>} : memref<5x125x64xf32, #tpu.memory_space<vmem>>, vector<16xf32>,
      %swap3A_784 = arith.constant 0 : i32
      %swap3A_785 = arith.index_cast %swap3A_784 : i32 to index
      %swap3A_786 = arith.index_cast %scan3A_769 : i32 to index
      %swap3A_787 = arith.constant 48 : index
      %swap3A_788 = tpu.vector_load %arg8[%swap3A_785, %swap3A_786, %swap3A_787] {strides = array<i32>} : memref<5x125x64xf32, #tpu.memory_space<vmem>>, vector<16xf32>,
      tpu.vector_store %arg8[%swap3A_785, %swap3A_786, %swap3A_787], %broadcast_in_dim3A_4 {strides = array<i32>} : memref<5x125x64xf32, #tpu.memory_space<vmem>>, vector<16xf32>,
    }
    %scan3A_9 = arith.constant 125 : i32
    %mul3A_10 = arith.constant 625 : i32
    %mul3A_11 = arith.muli %arg1, %mul3A_10 : i32
    %add3A = arith.constant 0 : i32
    %add3A_12 = arith.addi %mul3A_11, %add3A : i32
    %run_scoped3A_13 = arith.constant 0 : i32
    "tpu.region"() ({
      %run_scoped3A_769 = tpu.sem_alloc : memref<!tpu.dma_semaphore, #tpu.memory_space<semaphore_mem>>
      %dma_start3A_770 = arith.constant 0 : i32
      %dma_start3A_771 = arith.constant 0 : i32
      %dma_start3A_772 = tpu.memref_slice %arg8[%run_scoped3A_13, %dma_start3A_770, %dma_start3A_771] : memref<5x125x64xf32, #tpu.memory_space<vmem>> -> memref<1x125x64xf32, #tpu.memory_space<vmem>>
      %dma_start3A_773 = tpu.memref_squeeze %dma_start3A_772 : memref<1x125x64xf32, #tpu.memory_space<vmem>> -> memref<125x64xf32, #tpu.memory_space<vmem>>
      %dma_start3A_774 = arith.constant 0 : i32
      %dma_start3A_775 = tpu.memref_slice %arg5[%add3A_12, %dma_start3A_774] : memref<10000x64xf32, #tpu.memory_space<vmem_shared>> -> memref<125x64xf32, #tpu.memory_space<vmem_shared>>
      %dma_start3A_776 = arith.constant 0 : i32
      %dma_start3A_777 = tpu.memref_slice %arg5[%add3A_12, %dma_start3A_776] : memref<10000x64xf32, #tpu.memory_space<vmem_shared>> -> memref<125x64xf32, #tpu.memory_space<vmem_shared>>
      %dma_start3A_778 = arith.constant 0 : i32
      %dma_start3A_779 = arith.constant 0 : i32
      %dma_start3A_780 = tpu.memref_slice %arg8[%run_scoped3A_13, %dma_start3A_778, %dma_start3A_779] : memref<5x125x64xf32, #tpu.memory_space<vmem>> -> memref<1x125x64xf32, #tpu.memory_space<vmem>>
      %dma_start3A_781 = tpu.memref_squeeze %dma_start3A_780 : memref<1x125x64xf32, #tpu.memory_space<vmem>> -> memref<125x64xf32, #tpu.memory_space<vmem>>
      tpu.enqueue_dma source(%dma_start3A_781 : memref<125x64xf32, #tpu.memory_space<vmem>>) target(%dma_start3A_777 : memref<125x64xf32, #tpu.memory_space<vmem_shared>>) target_semaphore(%run_scoped3A_769 : memref<!tpu.dma_semaphore, #tpu.memory_space<semaphore_mem>>)
      %dma_wait3A_782 = arith.constant 0 : i32
      %dma_wait3A_783 = arith.constant 0 : i32
      %dma_wait3A_784 = tpu.memref_slice %arg8[%run_scoped3A_13, %dma_wait3A_782, %dma_wait3A_783] : memref<5x125x64xf32, #tpu.memory_space<vmem>> -> memref<1x125x64xf32, #tpu.memory_space<vmem>>
      %dma_wait3A_785 = tpu.memref_squeeze %dma_wait3A_784 : memref<1x125x64xf32, #tpu.memory_space<vmem>> -> memref<125x64xf32, #tpu.memory_space<vmem>>
      %dma_wait3A_786 = arith.constant 0 : i32
      %dma_wait3A_787 = tpu.memref_slice %arg5[%add3A_12, %dma_wait3A_786] : memref<10000x64xf32, #tpu.memory_space<vmem_shared>> -> memref<125x64xf32, #tpu.memory_space<vmem_shared>>
      %dma_wait3A_788 = arith.constant 0 : i32
      %dma_wait3A_789 = tpu.memref_slice %arg5[%add3A_12, %dma_wait3A_788] : memref<10000x64xf32, #tpu.memory_space<vmem_shared>> -> memref<125x64xf32, #tpu.memory_space<vmem_shared>>
      %dma_wait3A_790 = arith.constant 0 : i32
      %dma_wait3A_791 = arith.constant 0 : i32
      %dma_wait3A_792 = tpu.memref_slice %arg8[%run_scoped3A_13, %dma_wait3A_790, %dma_wait3A_791] : memref<5x125x64xf32, #tpu.memory_space<vmem>> -> memref<1x125x64xf32, #tpu.memory_space<vmem>>
      %dma_wait3A_793 = tpu.memref_squeeze %dma_wait3A_792 : memref<1x125x64xf32, #tpu.memory_space<vmem>> -> memref<125x64xf32, #tpu.memory_space<vmem>>
      tpu.wait_dma2 semaphore(%run_scoped3A_769 : memref<!tpu.dma_semaphore, #tpu.memory_space<semaphore_mem>>) src(%dma_wait3A_793 : memref<125x64xf32, #tpu.memory_space<vmem>>) dst(%dma_wait3A_789 : memref<125x64xf32, #tpu.memory_space<vmem_shared>>)
      tpu.yield
    }) : () -> ()
    %mul3A_14 = arith.constant 625 : i32
    %mul3A_15 = arith.muli %arg1, %mul3A_14 : i32
    %add3A_16 = arith.constant 125 : i32
    %add3A_17 = arith.addi %mul3A_15, %add3A_16 : i32
    %run_scoped3A_18 = arith.constant 0 : i32
    "tpu.region"() ({
      %run_scoped3A_769 = tpu.sem_alloc : memref<!tpu.dma_semaphore, #tpu.memory_space<semaphore_mem>>
      %dma_start3A_770 = arith.constant 0 : i32
      %dma_start3A_771 = arith.constant 0 : i32
      %dma_start3A_772 = tpu.memref_slice %arg8[%run_scoped3A_18, %dma_start3A_770, %dma_start3A_771] : memref<5x125x64xf32, #tpu.memory_space<vmem>> -> memref<1x125x64xf32, #tpu.memory_space<vmem>>
      %dma_start3A_773 = tpu.memref_squeeze %dma_start3A_772 : memref<1x125x64xf32, #tpu.memory_space<vmem>> -> memref<125x64xf32, #tpu.memory_space<vmem>>
      %dma_start3A_774 = arith.constant 0 : i32
      %dma_start3A_775 = tpu.memref_slice %arg5[%add3A_17, %dma_start3A_774] : memref<10000x64xf32, #tpu.memory_space<vmem_shared>> -> memref<125x64xf32, #tpu.memory_space<vmem_shared>>
      %dma_start3A_776 = arith.constant 0 : i32
      %dma_start3A_777 = tpu.memref_slice %arg5[%add3A_17, %dma_start3A_776] : memref<10000x64xf32, #tpu.memory_space<vmem_shared>> -> memref<125x64xf32, #tpu.memory_space<vmem_shared>>
      %dma_start3A_778 = arith.constant 0 : i32
      %dma_start3A_779 = arith.constant 0 : i32
      %dma_start3A_780 = tpu.memref_slice %arg8[%run_scoped3A_18, %dma_start3A_778, %dma_start3A_779] : memref<5x125x64xf32, #tpu.memory_space<vmem>> -> memref<1x125x64xf32, #tpu.memory_space<vmem>>
      %dma_start3A_781 = tpu.memref_squeeze %dma_start3A_780 : memref<1x125x64xf32, #tpu.memory_space<vmem>> -> memref<125x64xf32, #tpu.memory_space<vmem>>
      tpu.enqueue_dma source(%dma_start3A_781 : memref<125x64xf32, #tpu.memory_space<vmem>>) target(%dma_start3A_777 : memref<125x64xf32, #tpu.memory_space<vmem_shared>>) target_semaphore(%run_scoped3A_769 : memref<!tpu.dma_semaphore, #tpu.memory_space<semaphore_mem>>)
      %dma_wait3A_782 = arith.constant 0 : i32
      %dma_wait3A_783 = arith.constant 0 : i32
      %dma_wait3A_784 = tpu.memref_slice %arg8[%run_scoped3A_18, %dma_wait3A_782, %dma_wait3A_783] : memref<5x125x64xf32, #tpu.memory_space<vmem>> -> memref<1x125x64xf32, #tpu.memory_space<vmem>>
      %dma_wait3A_785 = tpu.memref_squeeze %dma_wait3A_784 : memref<1x125x64xf32, #tpu.memory_space<vmem>> -> memref<125x64xf32, #tpu.memory_space<vmem>>
      %dma_wait3A_786 = arith.constant 0 : i32
      %dma_wait3A_787 = tpu.memref_slice %arg5[%add3A_17, %dma_wait3A_786] : memref<10000x64xf32, #tpu.memory_space<vmem_shared>> -> memref<125x64xf32, #tpu.memory_space<vmem_shared>>
      %dma_wait3A_788 = arith.constant 0 : i32
      %dma_wait3A_789 = tpu.memref_slice %arg5[%add3A_17, %dma_wait3A_788] : memref<10000x64xf32, #tpu.memory_space<vmem_shared>> -> memref<125x64xf32, #tpu.memory_space<vmem_shared>>
      %dma_wait3A_790 = arith.constant 0 : i32
      %dma_wait3A_791 = arith.constant 0 : i32
      %dma_wait3A_792 = tpu.memref_slice %arg8[%run_scoped3A_18, %dma_wait3A_790, %dma_wait3A_791] : memref<5x125x64xf32, #tpu.memory_space<vmem>> -> memref<1x125x64xf32, #tpu.memory_space<vmem>>
      %dma_wait3A_793 = tpu.memref_squeeze %dma_wait3A_792 : memref<1x125x64xf32, #tpu.memory_space<vmem>> -> memref<125x64xf32, #tpu.memory_space<vmem>>
      tpu.wait_dma2 semaphore(%run_scoped3A_769 : memref<!tpu.dma_semaphore, #tpu.memory_space<semaphore_mem>>) src(%dma_wait3A_793 : memref<125x64xf32, #tpu.memory_space<vmem>>) dst(%dma_wait3A_789 : memref<125x64xf32, #tpu.memory_space<vmem_shared>>)
      tpu.yield
    }) : () -> ()
    %mul3A_19 = arith.constant 625 : i32
    %mul3A_20 = arith.muli %arg1, %mul3A_19 : i32
    %add3A_21 = arith.constant 250 : i32
    %add3A_22 = arith.addi %mul3A_20, %add3A_21 : i32
    %run_scoped3A_23 = arith.constant 0 : i32
    "tpu.region"() ({
      %run_scoped3A_769 = tpu.sem_alloc : memref<!tpu.dma_semaphore, #tpu.memory_space<semaphore_mem>>
      %dma_start3A_770 = arith.constant 0 : i32
      %dma_start3A_771 = arith.constant 0 : i32
      %dma_start3A_772 = tpu.memref_slice %arg8[%run_scoped3A_23, %dma_start3A_770, %dma_start3A_771] : memref<5x125x64xf32, #tpu.memory_space<vmem>> -> memref<1x125x64xf32, #tpu.memory_space<vmem>>
      %dma_start3A_773 = tpu.memref_squeeze %dma_start3A_772 : memref<1x125x64xf32, #tpu.memory_space<vmem>> -> memref<125x64xf32, #tpu.memory_space<vmem>>
      %dma_start3A_774 = arith.constant 0 : i32
      %dma_start3A_775 = tpu.memref_slice %arg5[%add3A_22, %dma_start3A_774] : memref<10000x64xf32, #tpu.memory_space<vmem_shared>> -> memref<125x64xf32, #tpu.memory_space<vmem_shared>>
      %dma_start3A_776 = arith.constant 0 : i32
      %dma_start3A_777 = tpu.memref_slice %arg5[%add3A_22, %dma_start3A_776] : memref<10000x64xf32, #tpu.memory_space<vmem_shared>> -> memref<125x64xf32, #tpu.memory_space<vmem_shared>>
      %dma_start3A_778 = arith.constant 0 : i32
      %dma_start3A_779 = arith.constant 0 : i32
      %dma_start3A_780 = tpu.memref_slice %arg8[%run_scoped3A_23, %dma_start3A_778, %dma_start3A_779] : memref<5x125x64xf32, #tpu.memory_space<vmem>> -> memref<1x125x64xf32, #tpu.memory_space<vmem>>
      %dma_start3A_781 = tpu.memref_squeeze %dma_start3A_780 : memref<1x125x64xf32, #tpu.memory_space<vmem>> -> memref<125x64xf32, #tpu.memory_space<vmem>>
      tpu.enqueue_dma source(%dma_start3A_781 : memref<125x64xf32, #tpu.memory_space<vmem>>) target(%dma_start3A_777 : memref<125x64xf32, #tpu.memory_space<vmem_shared>>) target_semaphore(%run_scoped3A_769 : memref<!tpu.dma_semaphore, #tpu.memory_space<semaphore_mem>>)
      %dma_wait3A_782 = arith.constant 0 : i32
      %dma_wait3A_783 = arith.constant 0 : i32
      %dma_wait3A_784 = tpu.memref_slice %arg8[%run_scoped3A_23, %dma_wait3A_782, %dma_wait3A_783] : memref<5x125x64xf32, #tpu.memory_space<vmem>> -> memref<1x125x64xf32, #tpu.memory_space<vmem>>
      %dma_wait3A_785 = tpu.memref_squeeze %dma_wait3A_784 : memref<1x125x64xf32, #tpu.memory_space<vmem>> -> memref<125x64xf32, #tpu.memory_space<vmem>>
      %dma_wait3A_786 = arith.constant 0 : i32
      %dma_wait3A_787 = tpu.memref_slice %arg5[%add3A_22, %dma_wait3A_786] : memref<10000x64xf32, #tpu.memory_space<vmem_shared>> -> memref<125x64xf32, #tpu.memory_space<vmem_shared>>
      %dma_wait3A_788 = arith.constant 0 : i32
      %dma_wait3A_789 = tpu.memref_slice %arg5[%add3A_22, %dma_wait3A_788] : memref<10000x64xf32, #tpu.memory_space<vmem_shared>> -> memref<125x64xf32, #tpu.memory_space<vmem_shared>>
      %dma_wait3A_790 = arith.constant 0 : i32
      %dma_wait3A_791 = arith.constant 0 : i32
      %dma_wait3A_792 = tpu.memref_slice %arg8[%run_scoped3A_23, %dma_wait3A_790, %dma_wait3A_791] : memref<5x125x64xf32, #tpu.memory_space<vmem>> -> memref<1x125x64xf32, #tpu.memory_space<vmem>>
      %dma_wait3A_793 = tpu.memref_squeeze %dma_wait3A_792 : memref<1x125x64xf32, #tpu.memory_space<vmem>> -> memref<125x64xf32, #tpu.memory_space<vmem>>
      tpu.wait_dma2 semaphore(%run_scoped3A_769 : memref<!tpu.dma_semaphore, #tpu.memory_space<semaphore_mem>>) src(%dma_wait3A_793 : memref<125x64xf32, #tpu.memory_space<vmem>>) dst(%dma_wait3A_789 : memref<125x64xf32, #tpu.memory_space<vmem_shared>>)
      tpu.yield
    }) : () -> ()
    %mul3A_24 = arith.constant 625 : i32
    %mul3A_25 = arith.muli %arg1, %mul3A_24 : i32
    %add3A_26 = arith.constant 375 : i32
    %add3A_27 = arith.addi %mul3A_25, %add3A_26 : i32
    %run_scoped3A_28 = arith.constant 0 : i32
    "tpu.region"() ({
      %run_scoped3A_769 = tpu.sem_alloc : memref<!tpu.dma_semaphore, #tpu.memory_space<semaphore_mem>>
      %dma_start3A_770 = arith.constant 0 : i32
      %dma_start3A_771 = arith.constant 0 : i32
      %dma_start3A_772 = tpu.memref_slice %arg8[%run_scoped3A_28, %dma_start3A_770, %dma_start3A_771] : memref<5x125x64xf32, #tpu.memory_space<vmem>> -> memref<1x125x64xf32, #tpu.memory_space<vmem>>
      %dma_start3A_773 = tpu.memref_squeeze %dma_start3A_772 : memref<1x125x64xf32, #tpu.memory_space<vmem>> -> memref<125x64xf32, #tpu.memory_space<vmem>>
      %dma_start3A_774 = arith.constant 0 : i32
      %dma_start3A_775 = tpu.memref_slice %arg5[%add3A_27, %dma_start3A_774] : memref<10000x64xf32, #tpu.memory_space<vmem_shared>> -> memref<125x64xf32, #tpu.memory_space<vmem_shared>>
      %dma_start3A_776 = arith.constant 0 : i32
      %dma_start3A_777 = tpu.memref_slice %arg5[%add3A_27, %dma_start3A_776] : memref<10000x64xf32, #tpu.memory_space<vmem_shared>> -> memref<125x64xf32, #tpu.memory_space<vmem_shared>>
      %dma_start3A_778 = arith.constant 0 : i32
      %dma_start3A_779 = arith.constant 0 : i32
      %dma_start3A_780 = tpu.memref_slice %arg8[%run_scoped3A_28, %dma_start3A_778, %dma_start3A_779] : memref<5x125x64xf32, #tpu.memory_space<vmem>> -> memref<1x125x64xf32, #tpu.memory_space<vmem>>
      %dma_start3A_781 = tpu.memref_squeeze %dma_start3A_780 : memref<1x125x64xf32, #tpu.memory_space<vmem>> -> memref<125x64xf32, #tpu.memory_space<vmem>>
      tpu.enqueue_dma source(%dma_start3A_781 : memref<125x64xf32, #tpu.memory_space<vmem>>) target(%dma_start3A_777 : memref<125x64xf32, #tpu.memory_space<vmem_shared>>) target_semaphore(%run_scoped3A_769 : memref<!tpu.dma_semaphore, #tpu.memory_space<semaphore_mem>>)
      %dma_wait3A_782 = arith.constant 0 : i32
      %dma_wait3A_783 = arith.constant 0 : i32
      %dma_wait3A_784 = tpu.memref_slice %arg8[%run_scoped3A_28, %dma_wait3A_782, %dma_wait3A_783] : memref<5x125x64xf32, #tpu.memory_space<vmem>> -> memref<1x125x64xf32, #tpu.memory_space<vmem>>
      %dma_wait3A_785 = tpu.memref_squeeze %dma_wait3A_784 : memref<1x125x64xf32, #tpu.memory_space<vmem>> -> memref<125x64xf32, #tpu.memory_space<vmem>>
      %dma_wait3A_786 = arith.constant 0 : i32
      %dma_wait3A_787 = tpu.memref_slice %arg5[%add3A_27, %dma_wait3A_786] : memref<10000x64xf32, #tpu.memory_space<vmem_shared>> -> memref<125x64xf32, #tpu.memory_space<vmem_shared>>
      %dma_wait3A_788 = arith.constant 0 : i32
      %dma_wait3A_789 = tpu.memref_slice %arg5[%add3A_27, %dma_wait3A_788] : memref<10000x64xf32, #tpu.memory_space<vmem_shared>> -> memref<125x64xf32, #tpu.memory_space<vmem_shared>>
      %dma_wait3A_790 = arith.constant 0 : i32
      %dma_wait3A_791 = arith.constant 0 : i32
      %dma_wait3A_792 = tpu.memref_slice %arg8[%run_scoped3A_28, %dma_wait3A_790, %dma_wait3A_791] : memref<5x125x64xf32, #tpu.memory_space<vmem>> -> memref<1x125x64xf32, #tpu.memory_space<vmem>>
      %dma_wait3A_793 = tpu.memref_squeeze %dma_wait3A_792 : memref<1x125x64xf32, #tpu.memory_space<vmem>> -> memref<125x64xf32, #tpu.memory_space<vmem>>
      tpu.wait_dma2 semaphore(%run_scoped3A_769 : memref<!tpu.dma_semaphore, #tpu.memory_space<semaphore_mem>>) src(%dma_wait3A_793 : memref<125x64xf32, #tpu.memory_space<vmem>>) dst(%dma_wait3A_789 : memref<125x64xf32, #tpu.memory_space<vmem_shared>>)
      tpu.yield
    }) : () -> ()
    %mul3A_29 = arith.constant 625 : i32
    %mul3A_30 = arith.muli %arg1, %mul3A_29 : i32
    %add3A_31 = arith.constant 500 : i32
    %add3A_32 = arith.addi %mul3A_30, %add3A_31 : i32
    %run_scoped3A_33 = arith.constant 0 : i32
    "tpu.region"() ({
      %run_scoped3A_769 = tpu.sem_alloc : memref<!tpu.dma_semaphore, #tpu.memory_space<semaphore_mem>>
      %dma_start3A_770 = arith.constant 0 : i32
      %dma_start3A_771 = arith.constant 0 : i32
      %dma_start3A_772 = tpu.memref_slice %arg8[%run_scoped3A_33, %dma_start3A_770, %dma_start3A_771] : memref<5x125x64xf32, #tpu.memory_space<vmem>> -> memref<1x125x64xf32, #tpu.memory_space<vmem>>
      %dma_start3A_773 = tpu.memref_squeeze %dma_start3A_772 : memref<1x125x64xf32, #tpu.memory_space<vmem>> -> memref<125x64xf32, #tpu.memory_space<vmem>>
      %dma_start3A_774 = arith.constant 0 : i32
      %dma_start3A_775 = tpu.memref_slice %arg5[%add3A_32, %dma_start3A_774] : memref<10000x64xf32, #tpu.memory_space<vmem_shared>> -> memref<125x64xf32, #tpu.memory_space<vmem_shared>>
      %dma_start3A_776 = arith.constant 0 : i32
      %dma_start3A_777 = tpu.memref_slice %arg5[%add3A_32, %dma_start3A_776] : memref<10000x64xf32, #tpu.memory_space<vmem_shared>> -> memref<125x64xf32, #tpu.memory_space<vmem_shared>>
      %dma_start3A_778 = arith.constant 0 : i32
      %dma_start3A_779 = arith.constant 0 : i32
      %dma_start3A_780 = tpu.memref_slice %arg8[%run_scoped3A_33, %dma_start3A_778, %dma_start3A_779] : memref<5x125x64xf32, #tpu.memory_space<vmem>> -> memref<1x125x64xf32, #tpu.memory_space<vmem>>
      %dma_start3A_781 = tpu.memref_squeeze %dma_start3A_780 : memref<1x125x64xf32, #tpu.memory_space<vmem>> -> memref<125x64xf32, #tpu.memory_space<vmem>>
      tpu.enqueue_dma source(%dma_start3A_781 : memref<125x64xf32, #tpu.memory_space<vmem>>) target(%dma_start3A_777 : memref<125x64xf32, #tpu.memory_space<vmem_shared>>) target_semaphore(%run_scoped3A_769 : memref<!tpu.dma_semaphore, #tpu.memory_space<semaphore_mem>>)
      %dma_wait3A_782 = arith.constant 0 : i32
      %dma_wait3A_783 = arith.constant 0 : i32
      %dma_wait3A_784 = tpu.memref_slice %arg8[%run_scoped3A_33, %dma_wait3A_782, %dma_wait3A_783] : memref<5x125x64xf32, #tpu.memory_space<vmem>> -> memref<1x125x64xf32, #tpu.memory_space<vmem>>
      %dma_wait3A_785 = tpu.memref_squeeze %dma_wait3A_784 : memref<1x125x64xf32, #tpu.memory_space<vmem>> -> memref<125x64xf32, #tpu.memory_space<vmem>>
      %dma_wait3A_786 = arith.constant 0 : i32
      %dma_wait3A_787 = tpu.memref_slice %arg5[%add3A_32, %dma_wait3A_786] : memref<10000x64xf32, #tpu.memory_space<vmem_shared>> -> memref<125x64xf32, #tpu.memory_space<vmem_shared>>
      %dma_wait3A_788 = arith.constant 0 : i32
      %dma_wait3A_789 = tpu.memref_slice %arg5[%add3A_32, %dma_wait3A_788] : memref<10000x64xf32, #tpu.memory_space<vmem_shared>> -> memref<125x64xf32, #tpu.memory_space<vmem_shared>>
      %dma_wait3A_790 = arith.constant 0 : i32
      %dma_wait3A_791 = arith.constant 0 : i32
      %dma_wait3A_792 = tpu.memref_slice %arg8[%run_scoped3A_33, %dma_wait3A_790, %dma_wait3A_791] : memref<5x125x64xf32, #tpu.memory_space<vmem>> -> memref<1x125x64xf32, #tpu.memory_space<vmem>>
      %dma_wait3A_793 = tpu.memref_squeeze %dma_wait3A_792 : memref<1x125x64xf32, #tpu.memory_space<vmem>> -> memref<125x64xf32, #tpu.memory_space<vmem>>
      tpu.wait_dma2 semaphore(%run_scoped3A_769 : memref<!tpu.dma_semaphore, #tpu.memory_space<semaphore_mem>>) src(%dma_wait3A_793 : memref<125x64xf32, #tpu.memory_space<vmem>>) dst(%dma_wait3A_789 : memref<125x64xf32, #tpu.memory_space<vmem_shared>>)
      tpu.yield
    }) : () -> ()
    %barrier3A = arith.constant 0 : index
    tpu.barrier barrier_id(%barrier3A)
    %dma_start3A = arith.constant 0 : i32
    %dma_start3A_34 = arith.constant 0 : i32
    %dma_start3A_35 = arith.constant 0 : i32
    %dma_start3A_36 = arith.constant 0 : i32
    %dma_start3A_37 = arith.constant 0 : i32
    %dma_start3A_38 = tpu.memref_slice %arg8[%dma_start3A_34, %dma_start3A_36, %dma_start3A_37] : memref<5x125x64xf32, #tpu.memory_space<vmem>> -> memref<1x125x64xf32, #tpu.memory_space<vmem>>
    %dma_start3A_39 = tpu.memref_squeeze %dma_start3A_38 : memref<1x125x64xf32, #tpu.memory_space<vmem>> -> memref<125x64xf32, #tpu.memory_space<vmem>>
    %dma_start3A_40 = arith.constant 0 : i32
    %dma_start3A_41 = tpu.memref_slice %arg6[%dma_start3A, %dma_start3A_40] : memref<160x125xi32, #tpu.memory_space<vmem>> -> memref<1x125xi32, #tpu.memory_space<vmem>>
    %dma_start3A_42 = tpu.memref_squeeze %dma_start3A_41 : memref<1x125xi32, #tpu.memory_space<vmem>> -> memref<125xi32, #tpu.memory_space<vmem>>
    %dma_start3A_43 = arith.constant 0 : i32
    %dma_start3A_44 = arith.constant 0 : i32
    %dma_start3A_45 = tpu.memref_slice %arg2[%arg0, %dma_start3A_43, %dma_start3A_44] : memref<2x10000x64xf32, #tpu.memory_space<hbm>> -> memref<1x10000x64xf32, #tpu.memory_space<hbm>>
    %dma_start3A_46 = tpu.memref_squeeze %dma_start3A_45 : memref<1x10000x64xf32, #tpu.memory_space<hbm>> -> memref<10000x64xf32, #tpu.memory_space<hbm>>
    %dma_start3A_47 = arith.constant 0 : i32
    %dma_start3A_48 = arith.constant 0 : i32
    %dma_start3A_49 = tpu.memref_slice %dma_start3A_46[%dma_start3A_47, %dma_start3A_48] : memref<10000x64xf32, #tpu.memory_space<hbm>> -> memref<10000x64xf32, #tpu.memory_space<hbm>>
    %dma_start3A_50 = tpu.memref_slice %arg9[%dma_start3A_35] : memref<5x!tpu.dma_semaphore, #tpu.memory_space<semaphore_mem>> -> memref<1x!tpu.dma_semaphore, #tpu.memory_space<semaphore_mem>>
    %dma_start3A_51 = tpu.memref_squeeze %dma_start3A_50 : memref<1x!tpu.dma_semaphore, #tpu.memory_space<semaphore_mem>> -> memref<!tpu.dma_semaphore, #tpu.memory_space<semaphore_mem>>
    tpu.enqueue_indirect_dma source(%dma_start3A_49 : memref<10000x64xf32, #tpu.memory_space<hbm>>) target(%dma_start3A_39 : memref<125x64xf32, #tpu.memory_space<vmem>>) offsets(%dma_start3A_42 : memref<125xi32, #tpu.memory_space<vmem>>) semaphore(%dma_start3A_51 : memref<!tpu.dma_semaphore, #tpu.memory_space<semaphore_mem>>)
    %dma_start3A_52 = arith.constant 1 : i32
    %dma_start3A_53 = arith.constant 1 : i32
    %dma_start3A_54 = arith.constant 1 : i32
    %dma_start3A_55 = arith.constant 0 : i32
    %dma_start3A_56 = arith.constant 0 : i32
    %dma_start3A_57 = tpu.memref_slice %arg8[%dma_start3A_53, %dma_start3A_55, %dma_start3A_56] : memref<5x125x64xf32, #tpu.memory_space<vmem>> -> memref<1x125x64xf32, #tpu.memory_space<vmem>>
    %dma_start3A_58 = tpu.memref_squeeze %dma_start3A_57 : memref<1x125x64xf32, #tpu.memory_space<vmem>> -> memref<125x64xf32, #tpu.memory_space<vmem>>
    %dma_start3A_59 = arith.constant 0 : i32
    %dma_start3A_60 = tpu.memref_slice %arg6[%dma_start3A_52, %dma_start3A_59] : memref<160x125xi32, #tpu.memory_space<vmem>> -> memref<1x125xi32, #tpu.memory_space<vmem>>
    %dma_start3A_61 = tpu.memref_squeeze %dma_start3A_60 : memref<1x125xi32, #tpu.memory_space<vmem>> -> memref<125xi32, #tpu.memory_space<vmem>>
    %dma_start3A_62 = arith.constant 0 : i32
    %dma_start3A_63 = arith.constant 0 : i32
    %dma_start3A_64 = tpu.memref_slice %arg2[%arg0, %dma_start3A_62, %dma_start3A_63] : memref<2x10000x64xf32, #tpu.memory_space<hbm>> -> memref<1x10000x64xf32, #tpu.memory_space<hbm>>
    %dma_start3A_65 = tpu.memref_squeeze %dma_start3A_64 : memref<1x10000x64xf32, #tpu.memory_space<hbm>> -> memref<10000x64xf32, #tpu.memory_space<hbm>>
    %dma_start3A_66 = arith.constant 0 : i32
    %dma_start3A_67 = arith.constant 0 : i32
    %dma_start3A_68 = tpu.memref_slice %dma_start3A_65[%dma_start3A_66, %dma_start3A_67] : memref<10000x64xf32, #tpu.memory_space<hbm>> -> memref<10000x64xf32, #tpu.memory_space<hbm>>
    %dma_start3A_69 = tpu.memref_slice %arg9[%dma_start3A_54] : memref<5x!tpu.dma_semaphore, #tpu.memory_space<semaphore_mem>> -> memref<1x!tpu.dma_semaphore, #tpu.memory_space<semaphore_mem>>
    %dma_start3A_70 = tpu.memref_squeeze %dma_start3A_69 : memref<1x!tpu.dma_semaphore, #tpu.memory_space<semaphore_mem>> -> memref<!tpu.dma_semaphore, #tpu.memory_space<semaphore_mem>>
    tpu.enqueue_indirect_dma source(%dma_start3A_68 : memref<10000x64xf32, #tpu.memory_space<hbm>>) target(%dma_start3A_58 : memref<125x64xf32, #tpu.memory_space<vmem>>) offsets(%dma_start3A_61 : memref<125xi32, #tpu.memory_space<vmem>>) semaphore(%dma_start3A_70 : memref<!tpu.dma_semaphore, #tpu.memory_space<semaphore_mem>>)
    %dma_start3A_71 = arith.constant 2 : i32
    %dma_start3A_72 = arith.constant 2 : i32
    %dma_start3A_73 = arith.constant 2 : i32
    %dma_start3A_74 = arith.constant 0 : i32
    %dma_start3A_75 = arith.constant 0 : i32
    %dma_start3A_76 = tpu.memref_slice %arg8[%dma_start3A_72, %dma_start3A_74, %dma_start3A_75] : memref<5x125x64xf32, #tpu.memory_space<vmem>> -> memref<1x125x64xf32, #tpu.memory_space<vmem>>
    %dma_start3A_77 = tpu.memref_squeeze %dma_start3A_76 : memref<1x125x64xf32, #tpu.memory_space<vmem>> -> memref<125x64xf32, #tpu.memory_space<vmem>>
    %dma_start3A_78 = arith.constant 0 : i32
    %dma_start3A_79 = tpu.memref_slice %arg6[%dma_start3A_71, %dma_start3A_78] : memref<160x125xi32, #tpu.memory_space<vmem>> -> memref<1x125xi32, #tpu.memory_space<vmem>>
    %dma_start3A_80 = tpu.memref_squeeze %dma_start3A_79 : memref<1x125xi32, #tpu.memory_space<vmem>> -> memref<125xi32, #tpu.memory_space<vmem>>
    %dma_start3A_81 = arith.constant 0 : i32
    %dma_start3A_82 = arith.constant 0 : i32
    %dma_start3A_83 = tpu.memref_slice %arg2[%arg0, %dma_start3A_81, %dma_start3A_82] : memref<2x10000x64xf32, #tpu.memory_space<hbm>> -> memref<1x10000x64xf32, #tpu.memory_space<hbm>>
    %dma_start3A_84 = tpu.memref_squeeze %dma_start3A_83 : memref<1x10000x64xf32, #tpu.memory_space<hbm>> -> memref<10000x64xf32, #tpu.memory_space<hbm>>
    %dma_start3A_85 = arith.constant 0 : i32
    %dma_start3A_86 = arith.constant 0 : i32
    %dma_start3A_87 = tpu.memref_slice %dma_start3A_84[%dma_start3A_85, %dma_start3A_86] : memref<10000x64xf32, #tpu.memory_space<hbm>> -> memref<10000x64xf32, #tpu.memory_space<hbm>>
    %dma_start3A_88 = tpu.memref_slice %arg9[%dma_start3A_73] : memref<5x!tpu.dma_semaphore, #tpu.memory_space<semaphore_mem>> -> memref<1x!tpu.dma_semaphore, #tpu.memory_space<semaphore_mem>>
    %dma_start3A_89 = tpu.memref_squeeze %dma_start3A_88 : memref<1x!tpu.dma_semaphore, #tpu.memory_space<semaphore_mem>> -> memref<!tpu.dma_semaphore, #tpu.memory_space<semaphore_mem>>
    tpu.enqueue_indirect_dma source(%dma_start3A_87 : memref<10000x64xf32, #tpu.memory_space<hbm>>) target(%dma_start3A_77 : memref<125x64xf32, #tpu.memory_space<vmem>>) offsets(%dma_start3A_80 : memref<125xi32, #tpu.memory_space<vmem>>) semaphore(%dma_start3A_89 : memref<!tpu.dma_semaphore, #tpu.memory_space<semaphore_mem>>)
    %dma_start3A_90 = arith.constant 3 : i32
    %dma_start3A_91 = arith.constant 3 : i32
    %dma_start3A_92 = arith.constant 3 : i32
    %dma_start3A_93 = arith.constant 0 : i32
    %dma_start3A_94 = arith.constant 0 : i32
    %dma_start3A_95 = tpu.memref_slice %arg8[%dma_start3A_91, %dma_start3A_93, %dma_start3A_94] : memref<5x125x64xf32, #tpu.memory_space<vmem>> -> memref<1x125x64xf32, #tpu.memory_space<vmem>>
    %dma_start3A_96 = tpu.memref_squeeze %dma_start3A_95 : memref<1x125x64xf32, #tpu.memory_space<vmem>> -> memref<125x64xf32, #tpu.memory_space<vmem>>
    %dma_start3A_97 = arith.constant 0 : i32
    %dma_start3A_98 = tpu.memref_slice %arg6[%dma_start3A_90, %dma_start3A_97] : memref<160x125xi32, #tpu.memory_space<vmem>> -> memref<1x125xi32, #tpu.memory_space<vmem>>
    %dma_start3A_99 = tpu.memref_squeeze %dma_start3A_98 : memref<1x125xi32, #tpu.memory_space<vmem>> -> memref<125xi32, #tpu.memory_space<vmem>>
    %dma_start3A_100 = arith.constant 0 : i32
    %dma_start3A_101 = arith.constant 0 : i32
    %dma_start3A_102 = tpu.memref_slice %arg2[%arg0, %dma_start3A_100, %dma_start3A_101] : memref<2x10000x64xf32, #tpu.memory_space<hbm>> -> memref<1x10000x64xf32, #tpu.memory_space<hbm>>
    %dma_start3A_103 = tpu.memref_squeeze %dma_start3A_102 : memref<1x10000x64xf32, #tpu.memory_space<hbm>> -> memref<10000x64xf32, #tpu.memory_space<hbm>>
    %dma_start3A_104 = arith.constant 0 : i32
    %dma_start3A_105 = arith.constant 0 : i32
    %dma_start3A_106 = tpu.memref_slice %dma_start3A_103[%dma_start3A_104, %dma_start3A_105] : memref<10000x64xf32, #tpu.memory_space<hbm>> -> memref<10000x64xf32, #tpu.memory_space<hbm>>
    %dma_start3A_107 = tpu.memref_slice %arg9[%dma_start3A_92] : memref<5x!tpu.dma_semaphore, #tpu.memory_space<semaphore_mem>> -> memref<1x!tpu.dma_semaphore, #tpu.memory_space<semaphore_mem>>
    %dma_start3A_108 = tpu.memref_squeeze %dma_start3A_107 : memref<1x!tpu.dma_semaphore, #tpu.memory_space<semaphore_mem>> -> memref<!tpu.dma_semaphore, #tpu.memory_space<semaphore_mem>>
    tpu.enqueue_indirect_dma source(%dma_start3A_106 : memref<10000x64xf32, #tpu.memory_space<hbm>>) target(%dma_start3A_96 : memref<125x64xf32, #tpu.memory_space<vmem>>) offsets(%dma_start3A_99 : memref<125xi32, #tpu.memory_space<vmem>>) semaphore(%dma_start3A_108 : memref<!tpu.dma_semaphore, #tpu.memory_space<semaphore_mem>>)
    %dma_wait3A = arith.constant 0 : i32
    %dma_wait3A_109 = arith.constant 0 : i32
    %dma_wait3A_110 = arith.constant 0 : i32
    %dma_wait3A_111 = arith.constant 0 : i32
    %dma_wait3A_112 = arith.constant 0 : i32
    %dma_wait3A_113 = tpu.memref_slice %arg8[%dma_wait3A_109, %dma_wait3A_111, %dma_wait3A_112] : memref<5x125x64xf32, #tpu.memory_space<vmem>> -> memref<1x125x64xf32, #tpu.memory_space<vmem>>
    %dma_wait3A_114 = tpu.memref_squeeze %dma_wait3A_113 : memref<1x125x64xf32, #tpu.memory_space<vmem>> -> memref<125x64xf32, #tpu.memory_space<vmem>>
    %dma_wait3A_115 = arith.constant 0 : i32
    %dma_wait3A_116 = tpu.memref_slice %arg6[%dma_wait3A, %dma_wait3A_115] : memref<160x125xi32, #tpu.memory_space<vmem>> -> memref<1x125xi32, #tpu.memory_space<vmem>>
    %dma_wait3A_117 = tpu.memref_squeeze %dma_wait3A_116 : memref<1x125xi32, #tpu.memory_space<vmem>> -> memref<125xi32, #tpu.memory_space<vmem>>
    %dma_wait3A_118 = arith.constant 0 : i32
    %dma_wait3A_119 = arith.constant 0 : i32
    %dma_wait3A_120 = tpu.memref_slice %arg2[%arg0, %dma_wait3A_118, %dma_wait3A_119] : memref<2x10000x64xf32, #tpu.memory_space<hbm>> -> memref<1x10000x64xf32, #tpu.memory_space<hbm>>
    %dma_wait3A_121 = tpu.memref_squeeze %dma_wait3A_120 : memref<1x10000x64xf32, #tpu.memory_space<hbm>> -> memref<10000x64xf32, #tpu.memory_space<hbm>>
    %dma_wait3A_122 = arith.constant 0 : i32
    %dma_wait3A_123 = arith.constant 0 : i32
    %dma_wait3A_124 = tpu.memref_slice %dma_wait3A_121[%dma_wait3A_122, %dma_wait3A_123] : memref<10000x64xf32, #tpu.memory_space<hbm>> -> memref<10000x64xf32, #tpu.memory_space<hbm>>
    %dma_wait3A_125 = tpu.memref_slice %arg9[%dma_wait3A_110] : memref<5x!tpu.dma_semaphore, #tpu.memory_space<semaphore_mem>> -> memref<1x!tpu.dma_semaphore, #tpu.memory_space<semaphore_mem>>
    %dma_wait3A_126 = tpu.memref_squeeze %dma_wait3A_125 : memref<1x!tpu.dma_semaphore, #tpu.memory_space<semaphore_mem>> -> memref<!tpu.dma_semaphore, #tpu.memory_space<semaphore_mem>>
    tpu.wait_indirect_dma semaphore(%dma_wait3A_126 : memref<!tpu.dma_semaphore, #tpu.memory_space<semaphore_mem>>) src(%dma_wait3A_124 : memref<10000x64xf32, #tpu.memory_space<hbm>>) dst(%dma_wait3A_114 : memref<125x64xf32, #tpu.memory_space<vmem>>)
    %dma_start3A_127 = arith.constant 0 : i32
    %dma_start3A_128 = arith.constant 0 : i32
    %dma_start3A_129 = arith.constant 0 : i32
    %dma_start3A_130 = arith.constant 0 : i32
    %dma_start3A_131 = arith.constant 0 : i32
    %dma_start3A_132 = tpu.memref_slice %arg8[%dma_start3A_127, %dma_start3A_130, %dma_start3A_131] : memref<5x125x64xf32, #tpu.memory_space<vmem>> -> memref<1x125x64xf32, #tpu.memory_space<vmem>>
    %dma_start3A_133 = tpu.memref_squeeze %dma_start3A_132 : memref<1x125x64xf32, #tpu.memory_space<vmem>> -> memref<125x64xf32, #tpu.memory_space<vmem>>
    %dma_start3A_134 = arith.constant 0 : i32
    %dma_start3A_135 = tpu.memref_slice %arg7[%dma_start3A_128, %dma_start3A_134] : memref<160x125xi32, #tpu.memory_space<vmem>> -> memref<1x125xi32, #tpu.memory_space<vmem>>
    %dma_start3A_136 = tpu.memref_squeeze %dma_start3A_135 : memref<1x125xi32, #tpu.memory_space<vmem>> -> memref<125xi32, #tpu.memory_space<vmem>>
    %dma_start3A_137 = arith.constant 0 : i32
    %dma_start3A_138 = arith.constant 0 : i32
    %dma_start3A_139 = tpu.memref_slice %arg5[%dma_start3A_137, %dma_start3A_138] : memref<10000x64xf32, #tpu.memory_space<vmem_shared>> -> memref<10000x64xf32, #tpu.memory_space<vmem_shared>>
    %dma_start3A_140 = tpu.memref_slice %arg10[%dma_start3A_129] : memref<5x!tpu.dma_semaphore, #tpu.memory_space<semaphore_mem>> -> memref<1x!tpu.dma_semaphore, #tpu.memory_space<semaphore_mem>>
    %dma_start3A_141 = tpu.memref_squeeze %dma_start3A_140 : memref<1x!tpu.dma_semaphore, #tpu.memory_space<semaphore_mem>> -> memref<!tpu.dma_semaphore, #tpu.memory_space<semaphore_mem>>
    tpu.enqueue_indirect_dma source(%dma_start3A_133 : memref<125x64xf32, #tpu.memory_space<vmem>>) target(%dma_start3A_139 : memref<10000x64xf32, #tpu.memory_space<vmem_shared>>) offsets(%dma_start3A_136 : memref<125xi32, #tpu.memory_space<vmem>>) semaphore(%dma_start3A_141 : memref<!tpu.dma_semaphore, #tpu.memory_space<semaphore_mem>>) {add = true}
    %dma_start3A_142 = arith.constant 4 : i32
    %dma_start3A_143 = arith.constant 4 : i32
    %dma_start3A_144 = arith.constant 4 : i32
    %dma_start3A_145 = arith.constant 0 : i32
    %dma_start3A_146 = arith.constant 0 : i32
    %dma_start3A_147 = tpu.memref_slice %arg8[%dma_start3A_143, %dma_start3A_145, %dma_start3A_146] : memref<5x125x64xf32, #tpu.memory_space<vmem>> -> memref<1x125x64xf32, #tpu.memory_space<vmem>>
    %dma_start3A_148 = tpu.memref_squeeze %dma_start3A_147 : memref<1x125x64xf32, #tpu.memory_space<vmem>> -> memref<125x64xf32, #tpu.memory_space<vmem>>
    %dma_start3A_149 = arith.constant 0 : i32
    %dma_start3A_150 = tpu.memref_slice %arg6[%dma_start3A_142, %dma_start3A_149] : memref<160x125xi32, #tpu.memory_space<vmem>> -> memref<1x125xi32, #tpu.memory_space<vmem>>
    %dma_start3A_151 = tpu.memref_squeeze %dma_start3A_150 : memref<1x125xi32, #tpu.memory_space<vmem>> -> memref<125xi32, #tpu.memory_space<vmem>>
    %dma_start3A_152 = arith.constant 0 : i32
    %dma_start3A_153 = arith.constant 0 : i32
    %dma_start3A_154 = tpu.memref_slice %arg2[%arg0, %dma_start3A_152, %dma_start3A_153] : memref<2x10000x64xf32, #tpu.memory_space<hbm>> -> memref<1x10000x64xf32, #tpu.memory_space<hbm>>
    %dma_start3A_155 = tpu.memref_squeeze %dma_start3A_154 : memref<1x10000x64xf32, #tpu.memory_space<hbm>> -> memref<10000x64xf32, #tpu.memory_space<hbm>>
    %dma_start3A_156 = arith.constant 0 : i32
    %dma_start3A_157 = arith.constant 0 : i32
    %dma_start3A_158 = tpu.memref_slice %dma_start3A_155[%dma_start3A_156, %dma_start3A_157] : memref<10000x64xf32, #tpu.memory_space<hbm>> -> memref<10000x64xf32, #tpu.memory_space<hbm>>
    %dma_start3A_159 = tpu.memref_slice %arg9[%dma_start3A_144] : memref<5x!tpu.dma_semaphore, #tpu.memory_space<semaphore_mem>> -> memref<1x!tpu.dma_semaphore, #tpu.memory_space<semaphore_mem>>
    %dma_start3A_160 = tpu.memref_squeeze %dma_start3A_159 : memref<1x!tpu.dma_semaphore, #tpu.memory_space<semaphore_mem>> -> memref<!tpu.dma_semaphore, #tpu.memory_space<semaphore_mem>>
    tpu.enqueue_indirect_dma source(%dma_start3A_158 : memref<10000x64xf32, #tpu.memory_space<hbm>>) target(%dma_start3A_148 : memref<125x64xf32, #tpu.memory_space<vmem>>) offsets(%dma_start3A_151 : memref<125xi32, #tpu.memory_space<vmem>>) semaphore(%dma_start3A_160 : memref<!tpu.dma_semaphore, #tpu.memory_space<semaphore_mem>>)
    %dma_wait3A_161 = arith.constant 0 : i32
    %dma_wait3A_162 = arith.constant 1 : i32
    %dma_wait3A_163 = arith.constant 1 : i32
    %dma_wait3A_164 = arith.constant 0 : i32
    %dma_wait3A_165 = arith.constant 0 : i32
    %dma_wait3A_166 = tpu.memref_slice %arg8[%dma_wait3A_162, %dma_wait3A_164, %dma_wait3A_165] : memref<5x125x64xf32, #tpu.memory_space<vmem>> -> memref<1x125x64xf32, #tpu.memory_space<vmem>>
    %dma_wait3A_167 = tpu.memref_squeeze %dma_wait3A_166 : memref<1x125x64xf32, #tpu.memory_space<vmem>> -> memref<125x64xf32, #tpu.memory_space<vmem>>
    %dma_wait3A_168 = arith.constant 0 : i32
    %dma_wait3A_169 = tpu.memref_slice %arg6[%dma_wait3A_161, %dma_wait3A_168] : memref<160x125xi32, #tpu.memory_space<vmem>> -> memref<1x125xi32, #tpu.memory_space<vmem>>
    %dma_wait3A_170 = tpu.memref_squeeze %dma_wait3A_169 : memref<1x125xi32, #tpu.memory_space<vmem>> -> memref<125xi32, #tpu.memory_space<vmem>>
    %dma_wait3A_171 = arith.constant 0 : i32
    %dma_wait3A_172 = arith.constant 0 : i32
    %dma_wait3A_173 = tpu.memref_slice %arg2[%arg0, %dma_wait3A_171, %dma_wait3A_172] : memref<2x10000x64xf32, #tpu.memory_space<hbm>> -> memref<1x10000x64xf32, #tpu.memory_space<hbm>>
    %dma_wait3A_174 = tpu.memref_squeeze %dma_wait3A_173 : memref<1x10000x64xf32, #tpu.memory_space<hbm>> -> memref<10000x64xf32, #tpu.memory_space<hbm>>
    %dma_wait3A_175 = arith.constant 0 : i32
    %dma_wait3A_176 = arith.constant 0 : i32
    %dma_wait3A_177 = tpu.memref_slice %dma_wait3A_174[%dma_wait3A_175, %dma_wait3A_176] : memref<10000x64xf32, #tpu.memory_space<hbm>> -> memref<10000x64xf32, #tpu.memory_space<hbm>>
    %dma_wait3A_178 = tpu.memref_slice %arg9[%dma_wait3A_163] : memref<5x!tpu.dma_semaphore, #tpu.memory_space<semaphore_mem>> -> memref<1x!tpu.dma_semaphore, #tpu.memory_space<semaphore_mem>>
    %dma_wait3A_179 = tpu.memref_squeeze %dma_wait3A_178 : memref<1x!tpu.dma_semaphore, #tpu.memory_space<semaphore_mem>> -> memref<!tpu.dma_semaphore, #tpu.memory_space<semaphore_mem>>
    tpu.wait_indirect_dma semaphore(%dma_wait3A_179 : memref<!tpu.dma_semaphore, #tpu.memory_space<semaphore_mem>>) src(%dma_wait3A_177 : memref<10000x64xf32, #tpu.memory_space<hbm>>) dst(%dma_wait3A_167 : memref<125x64xf32, #tpu.memory_space<vmem>>)
    %dma_start3A_180 = arith.constant 1 : i32
    %dma_start3A_181 = arith.constant 1 : i32
    %dma_start3A_182 = arith.constant 1 : i32
    %dma_start3A_183 = arith.constant 0 : i32
    %dma_start3A_184 = arith.constant 0 : i32
    %dma_start3A_185 = tpu.memref_slice %arg8[%dma_start3A_180, %dma_start3A_183, %dma_start3A_184] : memref<5x125x64xf32, #tpu.memory_space<vmem>> -> memref<1x125x64xf32, #tpu.memory_space<vmem>>
    %dma_start3A_186 = tpu.memref_squeeze %dma_start3A_185 : memref<1x125x64xf32, #tpu.memory_space<vmem>> -> memref<125x64xf32, #tpu.memory_space<vmem>>
    %dma_start3A_187 = arith.constant 0 : i32
    %dma_start3A_188 = tpu.memref_slice %arg7[%dma_start3A_181, %dma_start3A_187] : memref<160x125xi32, #tpu.memory_space<vmem>> -> memref<1x125xi32, #tpu.memory_space<vmem>>
    %dma_start3A_189 = tpu.memref_squeeze %dma_start3A_188 : memref<1x125xi32, #tpu.memory_space<vmem>> -> memref<125xi32, #tpu.memory_space<vmem>>
    %dma_start3A_190 = arith.constant 0 : i32
    %dma_start3A_191 = arith.constant 0 : i32
    %dma_start3A_192 = tpu.memref_slice %arg5[%dma_start3A_190, %dma_start3A_191] : memref<10000x64xf32, #tpu.memory_space<vmem_shared>> -> memref<10000x64xf32, #tpu.memory_space<vmem_shared>>
    %dma_start3A_193 = tpu.memref_slice %arg10[%dma_start3A_182] : memref<5x!tpu.dma_semaphore, #tpu.memory_space<semaphore_mem>> -> memref<1x!tpu.dma_semaphore, #tpu.memory_space<semaphore_mem>>
    %dma_start3A_194 = tpu.memref_squeeze %dma_start3A_193 : memref<1x!tpu.dma_semaphore, #tpu.memory_space<semaphore_mem>> -> memref<!tpu.dma_semaphore, #tpu.memory_space<semaphore_mem>>
    tpu.enqueue_indirect_dma source(%dma_start3A_186 : memref<125x64xf32, #tpu.memory_space<vmem>>) target(%dma_start3A_192 : memref<10000x64xf32, #tpu.memory_space<vmem_shared>>) offsets(%dma_start3A_189 : memref<125xi32, #tpu.memory_space<vmem>>) semaphore(%dma_start3A_194 : memref<!tpu.dma_semaphore, #tpu.memory_space<semaphore_mem>>) {add = true}
    %dma_wait3A_195 = arith.constant 0 : i32
    %dma_wait3A_196 = arith.constant 0 : i32
    %dma_wait3A_197 = arith.constant 0 : i32
    %dma_wait3A_198 = arith.constant 0 : i32
    %dma_wait3A_199 = arith.constant 0 : i32
    %dma_wait3A_200 = tpu.memref_slice %arg8[%dma_wait3A_195, %dma_wait3A_198, %dma_wait3A_199] : memref<5x125x64xf32, #tpu.memory_space<vmem>> -> memref<1x125x64xf32, #tpu.memory_space<vmem>>
    %dma_wait3A_201 = tpu.memref_squeeze %dma_wait3A_200 : memref<1x125x64xf32, #tpu.memory_space<vmem>> -> memref<125x64xf32, #tpu.memory_space<vmem>>
    %dma_wait3A_202 = arith.constant 0 : i32
    %dma_wait3A_203 = tpu.memref_slice %arg7[%dma_wait3A_196, %dma_wait3A_202] : memref<160x125xi32, #tpu.memory_space<vmem>> -> memref<1x125xi32, #tpu.memory_space<vmem>>
    %dma_wait3A_204 = tpu.memref_squeeze %dma_wait3A_203 : memref<1x125xi32, #tpu.memory_space<vmem>> -> memref<125xi32, #tpu.memory_space<vmem>>
    %dma_wait3A_205 = arith.constant 0 : i32
    %dma_wait3A_206 = arith.constant 0 : i32
    %dma_wait3A_207 = tpu.memref_slice %arg5[%dma_wait3A_205, %dma_wait3A_206] : memref<10000x64xf32, #tpu.memory_space<vmem_shared>> -> memref<10000x64xf32, #tpu.memory_space<vmem_shared>>
    %dma_wait3A_208 = tpu.memref_slice %arg10[%dma_wait3A_197] : memref<5x!tpu.dma_semaphore, #tpu.memory_space<semaphore_mem>> -> memref<1x!tpu.dma_semaphore, #tpu.memory_space<semaphore_mem>>
    %dma_wait3A_209 = tpu.memref_squeeze %dma_wait3A_208 : memref<1x!tpu.dma_semaphore, #tpu.memory_space<semaphore_mem>> -> memref<!tpu.dma_semaphore, #tpu.memory_space<semaphore_mem>>
    tpu.wait_indirect_dma semaphore(%dma_wait3A_209 : memref<!tpu.dma_semaphore, #tpu.memory_space<semaphore_mem>>) src(%dma_wait3A_201 : memref<125x64xf32, #tpu.memory_space<vmem>>) dst(%dma_wait3A_207 : memref<10000x64xf32, #tpu.memory_space<vmem_shared>>)
    %dma_start3A_210 = arith.constant 5 : i32
    %dma_start3A_211 = arith.constant 0 : i32
    %dma_start3A_212 = arith.constant 0 : i32
    %dma_start3A_213 = arith.constant 0 : i32
    %dma_start3A_214 = arith.constant 0 : i32
    %dma_start3A_215 = tpu.memref_slice %arg8[%dma_start3A_211, %dma_start3A_213, %dma_start3A_214] : memref<5x125x64xf32, #tpu.memory_space<vmem>> -> memref<1x125x64xf32, #tpu.memory_space<vmem>>
    %dma_start3A_216 = tpu.memref_squeeze %dma_start3A_215 : memref<1x125x64xf32, #tpu.memory_space<vmem>> -> memref<125x64xf32, #tpu.memory_space<vmem>>
    %dma_start3A_217 = arith.constant 0 : i32
    %dma_start3A_218 = tpu.memref_slice %arg6[%dma_start3A_210, %dma_start3A_217] : memref<160x125xi32, #tpu.memory_space<vmem>> -> memref<1x125xi32, #tpu.memory_space<vmem>>
    %dma_start3A_219 = tpu.memref_squeeze %dma_start3A_218 : memref<1x125xi32, #tpu.memory_space<vmem>> -> memref<125xi32, #tpu.memory_space<vmem>>
    %dma_start3A_220 = arith.constant 0 : i32
    %dma_start3A_221 = arith.constant 0 : i32
    %dma_start3A_222 = tpu.memref_slice %arg2[%arg0, %dma_start3A_220, %dma_start3A_221] : memref<2x10000x64xf32, #tpu.memory_space<hbm>> -> memref<1x10000x64xf32, #tpu.memory_space<hbm>>
    %dma_start3A_223 = tpu.memref_squeeze %dma_start3A_222 : memref<1x10000x64xf32, #tpu.memory_space<hbm>> -> memref<10000x64xf32, #tpu.memory_space<hbm>>
    %dma_start3A_224 = arith.constant 0 : i32
    %dma_start3A_225 = arith.constant 0 : i32
    %dma_start3A_226 = tpu.memref_slice %dma_start3A_223[%dma_start3A_224, %dma_start3A_225] : memref<10000x64xf32, #tpu.memory_space<hbm>> -> memref<10000x64xf32, #tpu.memory_space<hbm>>
    %dma_start3A_227 = tpu.memref_slice %arg9[%dma_start3A_212] : memref<5x!tpu.dma_semaphore, #tpu.memory_space<semaphore_mem>> -> memref<1x!tpu.dma_semaphore, #tpu.memory_space<semaphore_mem>>
    %dma_start3A_228 = tpu.memref_squeeze %dma_start3A_227 : memref<1x!tpu.dma_semaphore, #tpu.memory_space<semaphore_mem>> -> memref<!tpu.dma_semaphore, #tpu.memory_space<semaphore_mem>>
    tpu.enqueue_indirect_dma source(%dma_start3A_226 : memref<10000x64xf32, #tpu.memory_space<hbm>>) target(%dma_start3A_216 : memref<125x64xf32, #tpu.memory_space<vmem>>) offsets(%dma_start3A_219 : memref<125xi32, #tpu.memory_space<vmem>>) semaphore(%dma_start3A_228 : memref<!tpu.dma_semaphore, #tpu.memory_space<semaphore_mem>>)
    %dma_wait3A_229 = arith.constant 0 : i32
    %dma_wait3A_230 = arith.constant 2 : i32
    %dma_wait3A_231 = arith.constant 2 : i32
    %dma_wait3A_232 = arith.constant 0 : i32
    %dma_wait3A_233 = arith.constant 0 : i32
    %dma_wait3A_234 = tpu.memref_slice %arg8[%dma_wait3A_230, %dma_wait3A_232, %dma_wait3A_233] : memref<5x125x64xf32, #tpu.memory_space<vmem>> -> memref<1x125x64xf32, #tpu.memory_space<vmem>>
    %dma_wait3A_235 = tpu.memref_squeeze %dma_wait3A_234 : memref<1x125x64xf32, #tpu.memory_space<vmem>> -> memref<125x64xf32, #tpu.memory_space<vmem>>
    %dma_wait3A_236 = arith.constant 0 : i32
    %dma_wait3A_237 = tpu.memref_slice %arg6[%dma_wait3A_229, %dma_wait3A_236] : memref<160x125xi32, #tpu.memory_space<vmem>> -> memref<1x125xi32, #tpu.memory_space<vmem>>
    %dma_wait3A_238 = tpu.memref_squeeze %dma_wait3A_237 : memref<1x125xi32, #tpu.memory_space<vmem>> -> memref<125xi32, #tpu.memory_space<vmem>>
    %dma_wait3A_239 = arith.constant 0 : i32
    %dma_wait3A_240 = arith.constant 0 : i32
    %dma_wait3A_241 = tpu.memref_slice %arg2[%arg0, %dma_wait3A_239, %dma_wait3A_240] : memref<2x10000x64xf32, #tpu.memory_space<hbm>> -> memref<1x10000x64xf32, #tpu.memory_space<hbm>>
    %dma_wait3A_242 = tpu.memref_squeeze %dma_wait3A_241 : memref<1x10000x64xf32, #tpu.memory_space<hbm>> -> memref<10000x64xf32, #tpu.memory_space<hbm>>
    %dma_wait3A_243 = arith.constant 0 : i32
    %dma_wait3A_244 = arith.constant 0 : i32
    %dma_wait3A_245 = tpu.memref_slice %dma_wait3A_242[%dma_wait3A_243, %dma_wait3A_244] : memref<10000x64xf32, #tpu.memory_space<hbm>> -> memref<10000x64xf32, #tpu.memory_space<hbm>>
    %dma_wait3A_246 = tpu.memref_slice %arg9[%dma_wait3A_231] : memref<5x!tpu.dma_semaphore, #tpu.memory_space<semaphore_mem>> -> memref<1x!tpu.dma_semaphore, #tpu.memory_space<semaphore_mem>>
    %dma_wait3A_247 = tpu.memref_squeeze %dma_wait3A_246 : memref<1x!tpu.dma_semaphore, #tpu.memory_space<semaphore_mem>> -> memref<!tpu.dma_semaphore, #tpu.memory_space<semaphore_mem>>
    tpu.wait_indirect_dma semaphore(%dma_wait3A_247 : memref<!tpu.dma_semaphore, #tpu.memory_space<semaphore_mem>>) src(%dma_wait3A_245 : memref<10000x64xf32, #tpu.memory_space<hbm>>) dst(%dma_wait3A_235 : memref<125x64xf32, #tpu.memory_space<vmem>>)
    %dma_start3A_248 = arith.constant 2 : i32
    %dma_start3A_249 = arith.constant 2 : i32
    %dma_start3A_250 = arith.constant 2 : i32
    %dma_start3A_251 = arith.constant 0 : i32
    %dma_start3A_252 = arith.constant 0 : i32
    %dma_start3A_253 = tpu.memref_slice %arg8[%dma_start3A_248, %dma_start3A_251, %dma_start3A_252] : memref<5x125x64xf32, #tpu.memory_space<vmem>> -> memref<1x125x64xf32, #tpu.memory_space<vmem>>
    %dma_start3A_254 = tpu.memref_squeeze %dma_start3A_253 : memref<1x125x64xf32, #tpu.memory_space<vmem>> -> memref<125x64xf32, #tpu.memory_space<vmem>>
    %dma_start3A_255 = arith.constant 0 : i32
    %dma_start3A_256 = tpu.memref_slice %arg7[%dma_start3A_249, %dma_start3A_255] : memref<160x125xi32, #tpu.memory_space<vmem>> -> memref<1x125xi32, #tpu.memory_space<vmem>>
    %dma_start3A_257 = tpu.memref_squeeze %dma_start3A_256 : memref<1x125xi32, #tpu.memory_space<vmem>> -> memref<125xi32, #tpu.memory_space<vmem>>
    %dma_start3A_258 = arith.constant 0 : i32
    %dma_start3A_259 = arith.constant 0 : i32
    %dma_start3A_260 = tpu.memref_slice %arg5[%dma_start3A_258, %dma_start3A_259] : memref<10000x64xf32, #tpu.memory_space<vmem_shared>> -> memref<10000x64xf32, #tpu.memory_space<vmem_shared>>
    %dma_start3A_261 = tpu.memref_slice %arg10[%dma_start3A_250] : memref<5x!tpu.dma_semaphore, #tpu.memory_space<semaphore_mem>> -> memref<1x!tpu.dma_semaphore, #tpu.memory_space<semaphore_mem>>
    %dma_start3A_262 = tpu.memref_squeeze %dma_start3A_261 : memref<1x!tpu.dma_semaphore, #tpu.memory_space<semaphore_mem>> -> memref<!tpu.dma_semaphore, #tpu.memory_space<semaphore_mem>>
    tpu.enqueue_indirect_dma source(%dma_start3A_254 : memref<125x64xf32, #tpu.memory_space<vmem>>) target(%dma_start3A_260 : memref<10000x64xf32, #tpu.memory_space<vmem_shared>>) offsets(%dma_start3A_257 : memref<125xi32, #tpu.memory_space<vmem>>) semaphore(%dma_start3A_262 : memref<!tpu.dma_semaphore, #tpu.memory_space<semaphore_mem>>) {add = true}
    %dma_wait3A_263 = arith.constant 1 : i32
    %dma_wait3A_264 = arith.constant 0 : i32
    %dma_wait3A_265 = arith.constant 1 : i32
    %dma_wait3A_266 = arith.constant 0 : i32
    %dma_wait3A_267 = arith.constant 0 : i32
    %dma_wait3A_268 = tpu.memref_slice %arg8[%dma_wait3A_263, %dma_wait3A_266, %dma_wait3A_267] : memref<5x125x64xf32, #tpu.memory_space<vmem>> -> memref<1x125x64xf32, #tpu.memory_space<vmem>>
    %dma_wait3A_269 = tpu.memref_squeeze %dma_wait3A_268 : memref<1x125x64xf32, #tpu.memory_space<vmem>> -> memref<125x64xf32, #tpu.memory_space<vmem>>
    %dma_wait3A_270 = arith.constant 0 : i32
    %dma_wait3A_271 = tpu.memref_slice %arg7[%dma_wait3A_264, %dma_wait3A_270] : memref<160x125xi32, #tpu.memory_space<vmem>> -> memref<1x125xi32, #tpu.memory_space<vmem>>
    %dma_wait3A_272 = tpu.memref_squeeze %dma_wait3A_271 : memref<1x125xi32, #tpu.memory_space<vmem>> -> memref<125xi32, #tpu.memory_space<vmem>>
    %dma_wait3A_273 = arith.constant 0 : i32
    %dma_wait3A_274 = arith.constant 0 : i32
    %dma_wait3A_275 = tpu.memref_slice %arg5[%dma_wait3A_273, %dma_wait3A_274] : memref<10000x64xf32, #tpu.memory_space<vmem_shared>> -> memref<10000x64xf32, #tpu.memory_space<vmem_shared>>
    %dma_wait3A_276 = tpu.memref_slice %arg10[%dma_wait3A_265] : memref<5x!tpu.dma_semaphore, #tpu.memory_space<semaphore_mem>> -> memref<1x!tpu.dma_semaphore, #tpu.memory_space<semaphore_mem>>
    %dma_wait3A_277 = tpu.memref_squeeze %dma_wait3A_276 : memref<1x!tpu.dma_semaphore, #tpu.memory_space<semaphore_mem>> -> memref<!tpu.dma_semaphore, #tpu.memory_space<semaphore_mem>>
    tpu.wait_indirect_dma semaphore(%dma_wait3A_277 : memref<!tpu.dma_semaphore, #tpu.memory_space<semaphore_mem>>) src(%dma_wait3A_269 : memref<125x64xf32, #tpu.memory_space<vmem>>) dst(%dma_wait3A_275 : memref<10000x64xf32, #tpu.memory_space<vmem_shared>>)
    %dma_start3A_278 = arith.constant 6 : i32
    %dma_start3A_279 = arith.constant 1 : i32
    %dma_start3A_280 = arith.constant 1 : i32
    %dma_start3A_281 = arith.constant 0 : i32
    %dma_start3A_282 = arith.constant 0 : i32
    %dma_start3A_283 = tpu.memref_slice %arg8[%dma_start3A_279, %dma_start3A_281, %dma_start3A_282] : memref<5x125x64xf32, #tpu.memory_space<vmem>> -> memref<1x125x64xf32, #tpu.memory_space<vmem>>
    %dma_start3A_284 = tpu.memref_squeeze %dma_start3A_283 : memref<1x125x64xf32, #tpu.memory_space<vmem>> -> memref<125x64xf32, #tpu.memory_space<vmem>>
    %dma_start3A_285 = arith.constant 0 : i32
    %dma_start3A_286 = tpu.memref_slice %arg6[%dma_start3A_278, %dma_start3A_285] : memref<160x125xi32, #tpu.memory_space<vmem>> -> memref<1x125xi32, #tpu.memory_space<vmem>>
    %dma_start3A_287 = tpu.memref_squeeze %dma_start3A_286 : memref<1x125xi32, #tpu.memory_space<vmem>> -> memref<125xi32, #tpu.memory_space<vmem>>
    %dma_start3A_288 = arith.constant 0 : i32
    %dma_start3A_289 = arith.constant 0 : i32
    %dma_start3A_290 = tpu.memref_slice %arg2[%arg0, %dma_start3A_288, %dma_start3A_289] : memref<2x10000x64xf32, #tpu.memory_space<hbm>> -> memref<1x10000x64xf32, #tpu.memory_space<hbm>>
    %dma_start3A_291 = tpu.memref_squeeze %dma_start3A_290 : memref<1x10000x64xf32, #tpu.memory_space<hbm>> -> memref<10000x64xf32, #tpu.memory_space<hbm>>
    %dma_start3A_292 = arith.constant 0 : i32
    %dma_start3A_293 = arith.constant 0 : i32
    %dma_start3A_294 = tpu.memref_slice %dma_start3A_291[%dma_start3A_292, %dma_start3A_293] : memref<10000x64xf32, #tpu.memory_space<hbm>> -> memref<10000x64xf32, #tpu.memory_space<hbm>>
    %dma_start3A_295 = tpu.memref_slice %arg9[%dma_start3A_280] : memref<5x!tpu.dma_semaphore, #tpu.memory_space<semaphore_mem>> -> memref<1x!tpu.dma_semaphore, #tpu.memory_space<semaphore_mem>>
    %dma_start3A_296 = tpu.memref_squeeze %dma_start3A_295 : memref<1x!tpu.dma_semaphore, #tpu.memory_space<semaphore_mem>> -> memref<!tpu.dma_semaphore, #tpu.memory_space<semaphore_mem>>
    tpu.enqueue_indirect_dma source(%dma_start3A_294 : memref<10000x64xf32, #tpu.memory_space<hbm>>) target(%dma_start3A_284 : memref<125x64xf32, #tpu.memory_space<vmem>>) offsets(%dma_start3A_287 : memref<125xi32, #tpu.memory_space<vmem>>) semaphore(%dma_start3A_296 : memref<!tpu.dma_semaphore, #tpu.memory_space<semaphore_mem>>)
    %dma_wait3A_297 = arith.constant 0 : i32
    %dma_wait3A_298 = arith.constant 3 : i32
    %dma_wait3A_299 = arith.constant 3 : i32
    %dma_wait3A_300 = arith.constant 0 : i32
    %dma_wait3A_301 = arith.constant 0 : i32
    %dma_wait3A_302 = tpu.memref_slice %arg8[%dma_wait3A_298, %dma_wait3A_300, %dma_wait3A_301] : memref<5x125x64xf32, #tpu.memory_space<vmem>> -> memref<1x125x64xf32, #tpu.memory_space<vmem>>
    %dma_wait3A_303 = tpu.memref_squeeze %dma_wait3A_302 : memref<1x125x64xf32, #tpu.memory_space<vmem>> -> memref<125x64xf32, #tpu.memory_space<vmem>>
    %dma_wait3A_304 = arith.constant 0 : i32
    %dma_wait3A_305 = tpu.memref_slice %arg6[%dma_wait3A_297, %dma_wait3A_304] : memref<160x125xi32, #tpu.memory_space<vmem>> -> memref<1x125xi32, #tpu.memory_space<vmem>>
    %dma_wait3A_306 = tpu.memref_squeeze %dma_wait3A_305 : memref<1x125xi32, #tpu.memory_space<vmem>> -> memref<125xi32, #tpu.memory_space<vmem>>
    %dma_wait3A_307 = arith.constant 0 : i32
    %dma_wait3A_308 = arith.constant 0 : i32
    %dma_wait3A_309 = tpu.memref_slice %arg2[%arg0, %dma_wait3A_307, %dma_wait3A_308] : memref<2x10000x64xf32, #tpu.memory_space<hbm>> -> memref<1x10000x64xf32, #tpu.memory_space<hbm>>
    %dma_wait3A_310 = tpu.memref_squeeze %dma_wait3A_309 : memref<1x10000x64xf32, #tpu.memory_space<hbm>> -> memref<10000x64xf32, #tpu.memory_space<hbm>>
    %dma_wait3A_311 = arith.constant 0 : i32
    %dma_wait3A_312 = arith.constant 0 : i32
    %dma_wait3A_313 = tpu.memref_slice %dma_wait3A_310[%dma_wait3A_311, %dma_wait3A_312] : memref<10000x64xf32, #tpu.memory_space<hbm>> -> memref<10000x64xf32, #tpu.memory_space<hbm>>
    %dma_wait3A_314 = tpu.memref_slice %arg9[%dma_wait3A_299] : memref<5x!tpu.dma_semaphore, #tpu.memory_space<semaphore_mem>> -> memref<1x!tpu.dma_semaphore, #tpu.memory_space<semaphore_mem>>
    %dma_wait3A_315 = tpu.memref_squeeze %dma_wait3A_314 : memref<1x!tpu.dma_semaphore, #tpu.memory_space<semaphore_mem>> -> memref<!tpu.dma_semaphore, #tpu.memory_space<semaphore_mem>>
    tpu.wait_indirect_dma semaphore(%dma_wait3A_315 : memref<!tpu.dma_semaphore, #tpu.memory_space<semaphore_mem>>) src(%dma_wait3A_313 : memref<10000x64xf32, #tpu.memory_space<hbm>>) dst(%dma_wait3A_303 : memref<125x64xf32, #tpu.memory_space<vmem>>)
    %dma_start3A_316 = arith.constant 3 : i32
    %dma_start3A_317 = arith.constant 3 : i32
    %dma_start3A_318 = arith.constant 3 : i32
    %dma_start3A_319 = arith.constant 0 : i32
    %dma_start3A_320 = arith.constant 0 : i32
    %dma_start3A_321 = tpu.memref_slice %arg8[%dma_start3A_316, %dma_start3A_319, %dma_start3A_320] : memref<5x125x64xf32, #tpu.memory_space<vmem>> -> memref<1x125x64xf32, #tpu.memory_space<vmem>>
    %dma_start3A_322 = tpu.memref_squeeze %dma_start3A_321 : memref<1x125x64xf32, #tpu.memory_space<vmem>> -> memref<125x64xf32, #tpu.memory_space<vmem>>
    %dma_start3A_323 = arith.constant 0 : i32
    %dma_start3A_324 = tpu.memref_slice %arg7[%dma_start3A_317, %dma_start3A_323] : memref<160x125xi32, #tpu.memory_space<vmem>> -> memref<1x125xi32, #tpu.memory_space<vmem>>
    %dma_start3A_325 = tpu.memref_squeeze %dma_start3A_324 : memref<1x125xi32, #tpu.memory_space<vmem>> -> memref<125xi32, #tpu.memory_space<vmem>>
    %dma_start3A_326 = arith.constant 0 : i32
    %dma_start3A_327 = arith.constant 0 : i32
    %dma_start3A_328 = tpu.memref_slice %arg5[%dma_start3A_326, %dma_start3A_327] : memref<10000x64xf32, #tpu.memory_space<vmem_shared>> -> memref<10000x64xf32, #tpu.memory_space<vmem_shared>>
    %dma_start3A_329 = tpu.memref_slice %arg10[%dma_start3A_318] : memref<5x!tpu.dma_semaphore, #tpu.memory_space<semaphore_mem>> -> memref<1x!tpu.dma_semaphore, #tpu.memory_space<semaphore_mem>>
    %dma_start3A_330 = tpu.memref_squeeze %dma_start3A_329 : memref<1x!tpu.dma_semaphore, #tpu.memory_space<semaphore_mem>> -> memref<!tpu.dma_semaphore, #tpu.memory_space<semaphore_mem>>
    tpu.enqueue_indirect_dma source(%dma_start3A_322 : memref<125x64xf32, #tpu.memory_space<vmem>>) target(%dma_start3A_328 : memref<10000x64xf32, #tpu.memory_space<vmem_shared>>) offsets(%dma_start3A_325 : memref<125xi32, #tpu.memory_space<vmem>>) semaphore(%dma_start3A_330 : memref<!tpu.dma_semaphore, #tpu.memory_space<semaphore_mem>>) {add = true}
    %dma_wait3A_331 = arith.constant 2 : i32
    %dma_wait3A_332 = arith.constant 0 : i32
    %dma_wait3A_333 = arith.constant 2 : i32
    %dma_wait3A_334 = arith.constant 0 : i32
    %dma_wait3A_335 = arith.constant 0 : i32
    %dma_wait3A_336 = tpu.memref_slice %arg8[%dma_wait3A_331, %dma_wait3A_334, %dma_wait3A_335] : memref<5x125x64xf32, #tpu.memory_space<vmem>> -> memref<1x125x64xf32, #tpu.memory_space<vmem>>
    %dma_wait3A_337 = tpu.memref_squeeze %dma_wait3A_336 : memref<1x125x64xf32, #tpu.memory_space<vmem>> -> memref<125x64xf32, #tpu.memory_space<vmem>>
    %dma_wait3A_338 = arith.constant 0 : i32
    %dma_wait3A_339 = tpu.memref_slice %arg7[%dma_wait3A_332, %dma_wait3A_338] : memref<160x125xi32, #tpu.memory_space<vmem>> -> memref<1x125xi32, #tpu.memory_space<vmem>>
    %dma_wait3A_340 = tpu.memref_squeeze %dma_wait3A_339 : memref<1x125xi32, #tpu.memory_space<vmem>> -> memref<125xi32, #tpu.memory_space<vmem>>
    %dma_wait3A_341 = arith.constant 0 : i32
    %dma_wait3A_342 = arith.constant 0 : i32
    %dma_wait3A_343 = tpu.memref_slice %arg5[%dma_wait3A_341, %dma_wait3A_342] : memref<10000x64xf32, #tpu.memory_space<vmem_shared>> -> memref<10000x64xf32, #tpu.memory_space<vmem_shared>>
    %dma_wait3A_344 = tpu.memref_slice %arg10[%dma_wait3A_333] : memref<5x!tpu.dma_semaphore, #tpu.memory_space<semaphore_mem>> -> memref<1x!tpu.dma_semaphore, #tpu.memory_space<semaphore_mem>>
    %dma_wait3A_345 = tpu.memref_squeeze %dma_wait3A_344 : memref<1x!tpu.dma_semaphore, #tpu.memory_space<semaphore_mem>> -> memref<!tpu.dma_semaphore, #tpu.memory_space<semaphore_mem>>
    tpu.wait_indirect_dma semaphore(%dma_wait3A_345 : memref<!tpu.dma_semaphore, #tpu.memory_space<semaphore_mem>>) src(%dma_wait3A_337 : memref<125x64xf32, #tpu.memory_space<vmem>>) dst(%dma_wait3A_343 : memref<10000x64xf32, #tpu.memory_space<vmem_shared>>)
    %dma_start3A_346 = arith.constant 7 : i32
    %dma_start3A_347 = arith.constant 2 : i32
    %dma_start3A_348 = arith.constant 2 : i32
    %dma_start3A_349 = arith.constant 0 : i32
    %dma_start3A_350 = arith.constant 0 : i32
    %dma_start3A_351 = tpu.memref_slice %arg8[%dma_start3A_347, %dma_start3A_349, %dma_start3A_350] : memref<5x125x64xf32, #tpu.memory_space<vmem>> -> memref<1x125x64xf32, #tpu.memory_space<vmem>>
    %dma_start3A_352 = tpu.memref_squeeze %dma_start3A_351 : memref<1x125x64xf32, #tpu.memory_space<vmem>> -> memref<125x64xf32, #tpu.memory_space<vmem>>
    %dma_start3A_353 = arith.constant 0 : i32
    %dma_start3A_354 = tpu.memref_slice %arg6[%dma_start3A_346, %dma_start3A_353] : memref<160x125xi32, #tpu.memory_space<vmem>> -> memref<1x125xi32, #tpu.memory_space<vmem>>
    %dma_start3A_355 = tpu.memref_squeeze %dma_start3A_354 : memref<1x125xi32, #tpu.memory_space<vmem>> -> memref<125xi32, #tpu.memory_space<vmem>>
    %dma_start3A_356 = arith.constant 0 : i32
    %dma_start3A_357 = arith.constant 0 : i32
    %dma_start3A_358 = tpu.memref_slice %arg2[%arg0, %dma_start3A_356, %dma_start3A_357] : memref<2x10000x64xf32, #tpu.memory_space<hbm>> -> memref<1x10000x64xf32, #tpu.memory_space<hbm>>
    %dma_start3A_359 = tpu.memref_squeeze %dma_start3A_358 : memref<1x10000x64xf32, #tpu.memory_space<hbm>> -> memref<10000x64xf32, #tpu.memory_space<hbm>>
    %dma_start3A_360 = arith.constant 0 : i32
    %dma_start3A_361 = arith.constant 0 : i32
    %dma_start3A_362 = tpu.memref_slice %dma_start3A_359[%dma_start3A_360, %dma_start3A_361] : memref<10000x64xf32, #tpu.memory_space<hbm>> -> memref<10000x64xf32, #tpu.memory_space<hbm>>
    %dma_start3A_363 = tpu.memref_slice %arg9[%dma_start3A_348] : memref<5x!tpu.dma_semaphore, #tpu.memory_space<semaphore_mem>> -> memref<1x!tpu.dma_semaphore, #tpu.memory_space<semaphore_mem>>
    %dma_start3A_364 = tpu.memref_squeeze %dma_start3A_363 : memref<1x!tpu.dma_semaphore, #tpu.memory_space<semaphore_mem>> -> memref<!tpu.dma_semaphore, #tpu.memory_space<semaphore_mem>>
    tpu.enqueue_indirect_dma source(%dma_start3A_362 : memref<10000x64xf32, #tpu.memory_space<hbm>>) target(%dma_start3A_352 : memref<125x64xf32, #tpu.memory_space<vmem>>) offsets(%dma_start3A_355 : memref<125xi32, #tpu.memory_space<vmem>>) semaphore(%dma_start3A_364 : memref<!tpu.dma_semaphore, #tpu.memory_space<semaphore_mem>>)
    %dma_wait3A_365 = arith.constant 0 : i32
    %dma_wait3A_366 = arith.constant 4 : i32
    %dma_wait3A_367 = arith.constant 4 : i32
    %dma_wait3A_368 = arith.constant 0 : i32
    %dma_wait3A_369 = arith.constant 0 : i32
    %dma_wait3A_370 = tpu.memref_slice %arg8[%dma_wait3A_366, %dma_wait3A_368, %dma_wait3A_369] : memref<5x125x64xf32, #tpu.memory_space<vmem>> -> memref<1x125x64xf32, #tpu.memory_space<vmem>>
    %dma_wait3A_371 = tpu.memref_squeeze %dma_wait3A_370 : memref<1x125x64xf32, #tpu.memory_space<vmem>> -> memref<125x64xf32, #tpu.memory_space<vmem>>
    %dma_wait3A_372 = arith.constant 0 : i32
    %dma_wait3A_373 = tpu.memref_slice %arg6[%dma_wait3A_365, %dma_wait3A_372] : memref<160x125xi32, #tpu.memory_space<vmem>> -> memref<1x125xi32, #tpu.memory_space<vmem>>
    %dma_wait3A_374 = tpu.memref_squeeze %dma_wait3A_373 : memref<1x125xi32, #tpu.memory_space<vmem>> -> memref<125xi32, #tpu.memory_space<vmem>>
    %dma_wait3A_375 = arith.constant 0 : i32
    %dma_wait3A_376 = arith.constant 0 : i32
    %dma_wait3A_377 = tpu.memref_slice %arg2[%arg0, %dma_wait3A_375, %dma_wait3A_376] : memref<2x10000x64xf32, #tpu.memory_space<hbm>> -> memref<1x10000x64xf32, #tpu.memory_space<hbm>>
    %dma_wait3A_378 = tpu.memref_squeeze %dma_wait3A_377 : memref<1x10000x64xf32, #tpu.memory_space<hbm>> -> memref<10000x64xf32, #tpu.memory_space<hbm>>
    %dma_wait3A_379 = arith.constant 0 : i32
    %dma_wait3A_380 = arith.constant 0 : i32
    %dma_wait3A_381 = tpu.memref_slice %dma_wait3A_378[%dma_wait3A_379, %dma_wait3A_380] : memref<10000x64xf32, #tpu.memory_space<hbm>> -> memref<10000x64xf32, #tpu.memory_space<hbm>>
    %dma_wait3A_382 = tpu.memref_slice %arg9[%dma_wait3A_367] : memref<5x!tpu.dma_semaphore, #tpu.memory_space<semaphore_mem>> -> memref<1x!tpu.dma_semaphore, #tpu.memory_space<semaphore_mem>>
    %dma_wait3A_383 = tpu.memref_squeeze %dma_wait3A_382 : memref<1x!tpu.dma_semaphore, #tpu.memory_space<semaphore_mem>> -> memref<!tpu.dma_semaphore, #tpu.memory_space<semaphore_mem>>
    tpu.wait_indirect_dma semaphore(%dma_wait3A_383 : memref<!tpu.dma_semaphore, #tpu.memory_space<semaphore_mem>>) src(%dma_wait3A_381 : memref<10000x64xf32, #tpu.memory_space<hbm>>) dst(%dma_wait3A_371 : memref<125x64xf32, #tpu.memory_space<vmem>>)
    %dma_start3A_384 = arith.constant 4 : i32
    %dma_start3A_385 = arith.constant 4 : i32
    %dma_start3A_386 = arith.constant 4 : i32
    %dma_start3A_387 = arith.constant 0 : i32
    %dma_start3A_388 = arith.constant 0 : i32
    %dma_start3A_389 = tpu.memref_slice %arg8[%dma_start3A_384, %dma_start3A_387, %dma_start3A_388] : memref<5x125x64xf32, #tpu.memory_space<vmem>> -> memref<1x125x64xf32, #tpu.memory_space<vmem>>
    %dma_start3A_390 = tpu.memref_squeeze %dma_start3A_389 : memref<1x125x64xf32, #tpu.memory_space<vmem>> -> memref<125x64xf32, #tpu.memory_space<vmem>>
    %dma_start3A_391 = arith.constant 0 : i32
    %dma_start3A_392 = tpu.memref_slice %arg7[%dma_start3A_385, %dma_start3A_391] : memref<160x125xi32, #tpu.memory_space<vmem>> -> memref<1x125xi32, #tpu.memory_space<vmem>>
    %dma_start3A_393 = tpu.memref_squeeze %dma_start3A_392 : memref<1x125xi32, #tpu.memory_space<vmem>> -> memref<125xi32, #tpu.memory_space<vmem>>
    %dma_start3A_394 = arith.constant 0 : i32
    %dma_start3A_395 = arith.constant 0 : i32
    %dma_start3A_396 = tpu.memref_slice %arg5[%dma_start3A_394, %dma_start3A_395] : memref<10000x64xf32, #tpu.memory_space<vmem_shared>> -> memref<10000x64xf32, #tpu.memory_space<vmem_shared>>
    %dma_start3A_397 = tpu.memref_slice %arg10[%dma_start3A_386] : memref<5x!tpu.dma_semaphore, #tpu.memory_space<semaphore_mem>> -> memref<1x!tpu.dma_semaphore, #tpu.memory_space<semaphore_mem>>
    %dma_start3A_398 = tpu.memref_squeeze %dma_start3A_397 : memref<1x!tpu.dma_semaphore, #tpu.memory_space<semaphore_mem>> -> memref<!tpu.dma_semaphore, #tpu.memory_space<semaphore_mem>>
    tpu.enqueue_indirect_dma source(%dma_start3A_390 : memref<125x64xf32, #tpu.memory_space<vmem>>) target(%dma_start3A_396 : memref<10000x64xf32, #tpu.memory_space<vmem_shared>>) offsets(%dma_start3A_393 : memref<125xi32, #tpu.memory_space<vmem>>) semaphore(%dma_start3A_398 : memref<!tpu.dma_semaphore, #tpu.memory_space<semaphore_mem>>) {add = true}
    %dma_wait3A_399 = arith.constant 3 : i32
    %dma_wait3A_400 = arith.constant 0 : i32
    %dma_wait3A_401 = arith.constant 3 : i32
    %dma_wait3A_402 = arith.constant 0 : i32
    %dma_wait3A_403 = arith.constant 0 : i32
    %dma_wait3A_404 = tpu.memref_slice %arg8[%dma_wait3A_399, %dma_wait3A_402, %dma_wait3A_403] : memref<5x125x64xf32, #tpu.memory_space<vmem>> -> memref<1x125x64xf32, #tpu.memory_space<vmem>>
    %dma_wait3A_405 = tpu.memref_squeeze %dma_wait3A_404 : memref<1x125x64xf32, #tpu.memory_space<vmem>> -> memref<125x64xf32, #tpu.memory_space<vmem>>
    %dma_wait3A_406 = arith.constant 0 : i32
    %dma_wait3A_407 = tpu.memref_slice %arg7[%dma_wait3A_400, %dma_wait3A_406] : memref<160x125xi32, #tpu.memory_space<vmem>> -> memref<1x125xi32, #tpu.memory_space<vmem>>
    %dma_wait3A_408 = tpu.memref_squeeze %dma_wait3A_407 : memref<1x125xi32, #tpu.memory_space<vmem>> -> memref<125xi32, #tpu.memory_space<vmem>>
    %dma_wait3A_409 = arith.constant 0 : i32
    %dma_wait3A_410 = arith.constant 0 : i32
    %dma_wait3A_411 = tpu.memref_slice %arg5[%dma_wait3A_409, %dma_wait3A_410] : memref<10000x64xf32, #tpu.memory_space<vmem_shared>> -> memref<10000x64xf32, #tpu.memory_space<vmem_shared>>
    %dma_wait3A_412 = tpu.memref_slice %arg10[%dma_wait3A_401] : memref<5x!tpu.dma_semaphore, #tpu.memory_space<semaphore_mem>> -> memref<1x!tpu.dma_semaphore, #tpu.memory_space<semaphore_mem>>
    %dma_wait3A_413 = tpu.memref_squeeze %dma_wait3A_412 : memref<1x!tpu.dma_semaphore, #tpu.memory_space<semaphore_mem>> -> memref<!tpu.dma_semaphore, #tpu.memory_space<semaphore_mem>>
    tpu.wait_indirect_dma semaphore(%dma_wait3A_413 : memref<!tpu.dma_semaphore, #tpu.memory_space<semaphore_mem>>) src(%dma_wait3A_405 : memref<125x64xf32, #tpu.memory_space<vmem>>) dst(%dma_wait3A_411 : memref<10000x64xf32, #tpu.memory_space<vmem_shared>>)
    %dma_start3A_414 = arith.constant 8 : i32
    %dma_start3A_415 = arith.constant 3 : i32
    %dma_start3A_416 = arith.constant 3 : i32
    %dma_start3A_417 = arith.constant 0 : i32
    %dma_start3A_418 = arith.constant 0 : i32
    %dma_start3A_419 = tpu.memref_slice %arg8[%dma_start3A_415, %dma_start3A_417, %dma_start3A_418] : memref<5x125x64xf32, #tpu.memory_space<vmem>> -> memref<1x125x64xf32, #tpu.memory_space<vmem>>
    %dma_start3A_420 = tpu.memref_squeeze %dma_start3A_419 : memref<1x125x64xf32, #tpu.memory_space<vmem>> -> memref<125x64xf32, #tpu.memory_space<vmem>>
    %dma_start3A_421 = arith.constant 0 : i32
    %dma_start3A_422 = tpu.memref_slice %arg6[%dma_start3A_414, %dma_start3A_421] : memref<160x125xi32, #tpu.memory_space<vmem>> -> memref<1x125xi32, #tpu.memory_space<vmem>>
    %dma_start3A_423 = tpu.memref_squeeze %dma_start3A_422 : memref<1x125xi32, #tpu.memory_space<vmem>> -> memref<125xi32, #tpu.memory_space<vmem>>
    %dma_start3A_424 = arith.constant 0 : i32
    %dma_start3A_425 = arith.constant 0 : i32
    %dma_start3A_426 = tpu.memref_slice %arg2[%arg0, %dma_start3A_424, %dma_start3A_425] : memref<2x10000x64xf32, #tpu.memory_space<hbm>> -> memref<1x10000x64xf32, #tpu.memory_space<hbm>>
    %dma_start3A_427 = tpu.memref_squeeze %dma_start3A_426 : memref<1x10000x64xf32, #tpu.memory_space<hbm>> -> memref<10000x64xf32, #tpu.memory_space<hbm>>
    %dma_start3A_428 = arith.constant 0 : i32
    %dma_start3A_429 = arith.constant 0 : i32
    %dma_start3A_430 = tpu.memref_slice %dma_start3A_427[%dma_start3A_428, %dma_start3A_429] : memref<10000x64xf32, #tpu.memory_space<hbm>> -> memref<10000x64xf32, #tpu.memory_space<hbm>>
    %dma_start3A_431 = tpu.memref_slice %arg9[%dma_start3A_416] : memref<5x!tpu.dma_semaphore, #tpu.memory_space<semaphore_mem>> -> memref<1x!tpu.dma_semaphore, #tpu.memory_space<semaphore_mem>>
    %dma_start3A_432 = tpu.memref_squeeze %dma_start3A_431 : memref<1x!tpu.dma_semaphore, #tpu.memory_space<semaphore_mem>> -> memref<!tpu.dma_semaphore, #tpu.memory_space<semaphore_mem>>
    tpu.enqueue_indirect_dma source(%dma_start3A_430 : memref<10000x64xf32, #tpu.memory_space<hbm>>) target(%dma_start3A_420 : memref<125x64xf32, #tpu.memory_space<vmem>>) offsets(%dma_start3A_423 : memref<125xi32, #tpu.memory_space<vmem>>) semaphore(%dma_start3A_432 : memref<!tpu.dma_semaphore, #tpu.memory_space<semaphore_mem>>)
    %scan3A_433 = arith.constant 0 : i32
    %scan3A_434 = arith.constant 1 : i32
    %scan3A_435 = arith.constant 30 : i32
    %scan3A_436 = arith.addi %scan3A_434, %scan3A_435 : i32
    %scan3A_437 = arith.constant 1 : i32
    scf.for %scan3A_769 = %scan3A_434 to %scan3A_436 step %scan3A_437  : i32 {
      %mul3A_770 = arith.constant 5 : i32
      %mul3A_771 = arith.muli %scan3A_769, %mul3A_770 : i32
      %add3A_772 = arith.constant 0 : i32
      %add3A_773 = arith.addi %mul3A_771, %add3A_772 : i32
      %dma_wait3A_774 = arith.constant 0 : i32
      %dma_wait3A_775 = arith.constant 0 : i32
      %dma_wait3A_776 = arith.constant 0 : i32
      %dma_wait3A_777 = arith.constant 0 : i32
      %dma_wait3A_778 = arith.constant 0 : i32
      %dma_wait3A_779 = tpu.memref_slice %arg8[%dma_wait3A_775, %dma_wait3A_777, %dma_wait3A_778] : memref<5x125x64xf32, #tpu.memory_space<vmem>> -> memref<1x125x64xf32, #tpu.memory_space<vmem>>
      %dma_wait3A_780 = tpu.memref_squeeze %dma_wait3A_779 : memref<1x125x64xf32, #tpu.memory_space<vmem>> -> memref<125x64xf32, #tpu.memory_space<vmem>>
      %dma_wait3A_781 = arith.constant 0 : i32
      %dma_wait3A_782 = tpu.memref_slice %arg6[%dma_wait3A_774, %dma_wait3A_781] : memref<160x125xi32, #tpu.memory_space<vmem>> -> memref<1x125xi32, #tpu.memory_space<vmem>>
      %dma_wait3A_783 = tpu.memref_squeeze %dma_wait3A_782 : memref<1x125xi32, #tpu.memory_space<vmem>> -> memref<125xi32, #tpu.memory_space<vmem>>
      %dma_wait3A_784 = arith.constant 0 : i32
      %dma_wait3A_785 = arith.constant 0 : i32
      %dma_wait3A_786 = tpu.memref_slice %arg2[%arg0, %dma_wait3A_784, %dma_wait3A_785] : memref<2x10000x64xf32, #tpu.memory_space<hbm>> -> memref<1x10000x64xf32, #tpu.memory_space<hbm>>
      %dma_wait3A_787 = tpu.memref_squeeze %dma_wait3A_786 : memref<1x10000x64xf32, #tpu.memory_space<hbm>> -> memref<10000x64xf32, #tpu.memory_space<hbm>>
      %dma_wait3A_788 = arith.constant 0 : i32
      %dma_wait3A_789 = arith.constant 0 : i32
      %dma_wait3A_790 = tpu.memref_slice %dma_wait3A_787[%dma_wait3A_788, %dma_wait3A_789] : memref<10000x64xf32, #tpu.memory_space<hbm>> -> memref<10000x64xf32, #tpu.memory_space<hbm>>
      %dma_wait3A_791 = tpu.memref_slice %arg9[%dma_wait3A_776] : memref<5x!tpu.dma_semaphore, #tpu.memory_space<semaphore_mem>> -> memref<1x!tpu.dma_semaphore, #tpu.memory_space<semaphore_mem>>
      %dma_wait3A_792 = tpu.memref_squeeze %dma_wait3A_791 : memref<1x!tpu.dma_semaphore, #tpu.memory_space<semaphore_mem>> -> memref<!tpu.dma_semaphore, #tpu.memory_space<semaphore_mem>>
      tpu.wait_indirect_dma semaphore(%dma_wait3A_792 : memref<!tpu.dma_semaphore, #tpu.memory_space<semaphore_mem>>) src(%dma_wait3A_790 : memref<10000x64xf32, #tpu.memory_space<hbm>>) dst(%dma_wait3A_780 : memref<125x64xf32, #tpu.memory_space<vmem>>)
      %dma_start3A_793 = arith.constant 0 : i32
      %dma_start3A_794 = arith.constant 0 : i32
      %dma_start3A_795 = arith.constant 0 : i32
      %dma_start3A_796 = arith.constant 0 : i32
      %dma_start3A_797 = tpu.memref_slice %arg8[%dma_start3A_793, %dma_start3A_795, %dma_start3A_796] : memref<5x125x64xf32, #tpu.memory_space<vmem>> -> memref<1x125x64xf32, #tpu.memory_space<vmem>>
      %dma_start3A_798 = tpu.memref_squeeze %dma_start3A_797 : memref<1x125x64xf32, #tpu.memory_space<vmem>> -> memref<125x64xf32, #tpu.memory_space<vmem>>
      %dma_start3A_799 = arith.constant 0 : i32
      %dma_start3A_800 = tpu.memref_slice %arg7[%add3A_773, %dma_start3A_799] : memref<160x125xi32, #tpu.memory_space<vmem>> -> memref<1x125xi32, #tpu.memory_space<vmem>>
      %dma_start3A_801 = tpu.memref_squeeze %dma_start3A_800 : memref<1x125xi32, #tpu.memory_space<vmem>> -> memref<125xi32, #tpu.memory_space<vmem>>
      %dma_start3A_802 = arith.constant 0 : i32
      %dma_start3A_803 = arith.constant 0 : i32
      %dma_start3A_804 = tpu.memref_slice %arg5[%dma_start3A_802, %dma_start3A_803] : memref<10000x64xf32, #tpu.memory_space<vmem_shared>> -> memref<10000x64xf32, #tpu.memory_space<vmem_shared>>
      %dma_start3A_805 = tpu.memref_slice %arg10[%dma_start3A_794] : memref<5x!tpu.dma_semaphore, #tpu.memory_space<semaphore_mem>> -> memref<1x!tpu.dma_semaphore, #tpu.memory_space<semaphore_mem>>
      %dma_start3A_806 = tpu.memref_squeeze %dma_start3A_805 : memref<1x!tpu.dma_semaphore, #tpu.memory_space<semaphore_mem>> -> memref<!tpu.dma_semaphore, #tpu.memory_space<semaphore_mem>>
      tpu.enqueue_indirect_dma source(%dma_start3A_798 : memref<125x64xf32, #tpu.memory_space<vmem>>) target(%dma_start3A_804 : memref<10000x64xf32, #tpu.memory_space<vmem_shared>>) offsets(%dma_start3A_801 : memref<125xi32, #tpu.memory_space<vmem>>) semaphore(%dma_start3A_806 : memref<!tpu.dma_semaphore, #tpu.memory_space<semaphore_mem>>) {add = true}
      %dma_wait3A_807 = arith.constant 4 : i32
      %dma_wait3A_808 = arith.constant 0 : i32
      %dma_wait3A_809 = arith.constant 4 : i32
      %dma_wait3A_810 = arith.constant 0 : i32
      %dma_wait3A_811 = arith.constant 0 : i32
      %dma_wait3A_812 = tpu.memref_slice %arg8[%dma_wait3A_807, %dma_wait3A_810, %dma_wait3A_811] : memref<5x125x64xf32, #tpu.memory_space<vmem>> -> memref<1x125x64xf32, #tpu.memory_space<vmem>>
      %dma_wait3A_813 = tpu.memref_squeeze %dma_wait3A_812 : memref<1x125x64xf32, #tpu.memory_space<vmem>> -> memref<125x64xf32, #tpu.memory_space<vmem>>
      %dma_wait3A_814 = arith.constant 0 : i32
      %dma_wait3A_815 = tpu.memref_slice %arg7[%dma_wait3A_808, %dma_wait3A_814] : memref<160x125xi32, #tpu.memory_space<vmem>> -> memref<1x125xi32, #tpu.memory_space<vmem>>
      %dma_wait3A_816 = tpu.memref_squeeze %dma_wait3A_815 : memref<1x125xi32, #tpu.memory_space<vmem>> -> memref<125xi32, #tpu.memory_space<vmem>>
      %dma_wait3A_817 = arith.constant 0 : i32
      %dma_wait3A_818 = arith.constant 0 : i32
      %dma_wait3A_819 = tpu.memref_slice %arg5[%dma_wait3A_817, %dma_wait3A_818] : memref<10000x64xf32, #tpu.memory_space<vmem_shared>> -> memref<10000x64xf32, #tpu.memory_space<vmem_shared>>
      %dma_wait3A_820 = tpu.memref_slice %arg10[%dma_wait3A_809] : memref<5x!tpu.dma_semaphore, #tpu.memory_space<semaphore_mem>> -> memref<1x!tpu.dma_semaphore, #tpu.memory_space<semaphore_mem>>
      %dma_wait3A_821 = tpu.memref_squeeze %dma_wait3A_820 : memref<1x!tpu.dma_semaphore, #tpu.memory_space<semaphore_mem>> -> memref<!tpu.dma_semaphore, #tpu.memory_space<semaphore_mem>>
      tpu.wait_indirect_dma semaphore(%dma_wait3A_821 : memref<!tpu.dma_semaphore, #tpu.memory_space<semaphore_mem>>) src(%dma_wait3A_813 : memref<125x64xf32, #tpu.memory_space<vmem>>) dst(%dma_wait3A_819 : memref<10000x64xf32, #tpu.memory_space<vmem_shared>>)
      %add3A_822 = arith.constant 5 : i32
      %add3A_823 = arith.addi %add3A_773, %add3A_822 : i32
      %sub3A = arith.constant 1 : i32
      %sub3A_824 = arith.subi %add3A_823, %sub3A : i32
      %dma_start3A_825 = arith.constant 4 : i32
      %dma_start3A_826 = arith.constant 4 : i32
      %dma_start3A_827 = arith.constant 0 : i32
      %dma_start3A_828 = arith.constant 0 : i32
      %dma_start3A_829 = tpu.memref_slice %arg8[%dma_start3A_825, %dma_start3A_827, %dma_start3A_828] : memref<5x125x64xf32, #tpu.memory_space<vmem>> -> memref<1x125x64xf32, #tpu.memory_space<vmem>>
      %dma_start3A_830 = tpu.memref_squeeze %dma_start3A_829 : memref<1x125x64xf32, #tpu.memory_space<vmem>> -> memref<125x64xf32, #tpu.memory_space<vmem>>
      %dma_start3A_831 = arith.constant 0 : i32
      %dma_start3A_832 = tpu.memref_slice %arg6[%sub3A_824, %dma_start3A_831] : memref<160x125xi32, #tpu.memory_space<vmem>> -> memref<1x125xi32, #tpu.memory_space<vmem>>
      %dma_start3A_833 = tpu.memref_squeeze %dma_start3A_832 : memref<1x125xi32, #tpu.memory_space<vmem>> -> memref<125xi32, #tpu.memory_space<vmem>>
      %dma_start3A_834 = arith.constant 0 : i32
      %dma_start3A_835 = arith.constant 0 : i32
      %dma_start3A_836 = tpu.memref_slice %arg2[%arg0, %dma_start3A_834, %dma_start3A_835] : memref<2x10000x64xf32, #tpu.memory_space<hbm>> -> memref<1x10000x64xf32, #tpu.memory_space<hbm>>
      %dma_start3A_837 = tpu.memref_squeeze %dma_start3A_836 : memref<1x10000x64xf32, #tpu.memory_space<hbm>> -> memref<10000x64xf32, #tpu.memory_space<hbm>>
      %dma_start3A_838 = arith.constant 0 : i32
      %dma_start3A_839 = arith.constant 0 : i32
      %dma_start3A_840 = tpu.memref_slice %dma_start3A_837[%dma_start3A_838, %dma_start3A_839] : memref<10000x64xf32, #tpu.memory_space<hbm>> -> memref<10000x64xf32, #tpu.memory_space<hbm>>
      %dma_start3A_841 = tpu.memref_slice %arg9[%dma_start3A_826] : memref<5x!tpu.dma_semaphore, #tpu.memory_space<semaphore_mem>> -> memref<1x!tpu.dma_semaphore, #tpu.memory_space<semaphore_mem>>
      %dma_start3A_842 = tpu.memref_squeeze %dma_start3A_841 : memref<1x!tpu.dma_semaphore, #tpu.memory_space<semaphore_mem>> -> memref<!tpu.dma_semaphore, #tpu.memory_space<semaphore_mem>>
      tpu.enqueue_indirect_dma source(%dma_start3A_840 : memref<10000x64xf32, #tpu.memory_space<hbm>>) target(%dma_start3A_830 : memref<125x64xf32, #tpu.memory_space<vmem>>) offsets(%dma_start3A_833 : memref<125xi32, #tpu.memory_space<vmem>>) semaphore(%dma_start3A_842 : memref<!tpu.dma_semaphore, #tpu.memory_space<semaphore_mem>>)
      %mul3A_843 = arith.constant 5 : i32
      %mul3A_844 = arith.muli %scan3A_769, %mul3A_843 : i32
      %add3A_845 = arith.constant 1 : i32
      %add3A_846 = arith.addi %mul3A_844, %add3A_845 : i32
      %dma_wait3A_847 = arith.constant 0 : i32
      %dma_wait3A_848 = arith.constant 1 : i32
      %dma_wait3A_849 = arith.constant 1 : i32
      %dma_wait3A_850 = arith.constant 0 : i32
      %dma_wait3A_851 = arith.constant 0 : i32
      %dma_wait3A_852 = tpu.memref_slice %arg8[%dma_wait3A_848, %dma_wait3A_850, %dma_wait3A_851] : memref<5x125x64xf32, #tpu.memory_space<vmem>> -> memref<1x125x64xf32, #tpu.memory_space<vmem>>
      %dma_wait3A_853 = tpu.memref_squeeze %dma_wait3A_852 : memref<1x125x64xf32, #tpu.memory_space<vmem>> -> memref<125x64xf32, #tpu.memory_space<vmem>>
      %dma_wait3A_854 = arith.constant 0 : i32
      %dma_wait3A_855 = tpu.memref_slice %arg6[%dma_wait3A_847, %dma_wait3A_854] : memref<160x125xi32, #tpu.memory_space<vmem>> -> memref<1x125xi32, #tpu.memory_space<vmem>>
      %dma_wait3A_856 = tpu.memref_squeeze %dma_wait3A_855 : memref<1x125xi32, #tpu.memory_space<vmem>> -> memref<125xi32, #tpu.memory_space<vmem>>
      %dma_wait3A_857 = arith.constant 0 : i32
      %dma_wait3A_858 = arith.constant 0 : i32
      %dma_wait3A_859 = tpu.memref_slice %arg2[%arg0, %dma_wait3A_857, %dma_wait3A_858] : memref<2x10000x64xf32, #tpu.memory_space<hbm>> -> memref<1x10000x64xf32, #tpu.memory_space<hbm>>
      %dma_wait3A_860 = tpu.memref_squeeze %dma_wait3A_859 : memref<1x10000x64xf32, #tpu.memory_space<hbm>> -> memref<10000x64xf32, #tpu.memory_space<hbm>>
      %dma_wait3A_861 = arith.constant 0 : i32
      %dma_wait3A_862 = arith.constant 0 : i32
      %dma_wait3A_863 = tpu.memref_slice %dma_wait3A_860[%dma_wait3A_861, %dma_wait3A_862] : memref<10000x64xf32, #tpu.memory_space<hbm>> -> memref<10000x64xf32, #tpu.memory_space<hbm>>
      %dma_wait3A_864 = tpu.memref_slice %arg9[%dma_wait3A_849] : memref<5x!tpu.dma_semaphore, #tpu.memory_space<semaphore_mem>> -> memref<1x!tpu.dma_semaphore, #tpu.memory_space<semaphore_mem>>
      %dma_wait3A_865 = tpu.memref_squeeze %dma_wait3A_864 : memref<1x!tpu.dma_semaphore, #tpu.memory_space<semaphore_mem>> -> memref<!tpu.dma_semaphore, #tpu.memory_space<semaphore_mem>>
      tpu.wait_indirect_dma semaphore(%dma_wait3A_865 : memref<!tpu.dma_semaphore, #tpu.memory_space<semaphore_mem>>) src(%dma_wait3A_863 : memref<10000x64xf32, #tpu.memory_space<hbm>>) dst(%dma_wait3A_853 : memref<125x64xf32, #tpu.memory_space<vmem>>)
      %dma_start3A_866 = arith.constant 1 : i32
      %dma_start3A_867 = arith.constant 1 : i32
      %dma_start3A_868 = arith.constant 0 : i32
      %dma_start3A_869 = arith.constant 0 : i32
      %dma_start3A_870 = tpu.memref_slice %arg8[%dma_start3A_866, %dma_start3A_868, %dma_start3A_869] : memref<5x125x64xf32, #tpu.memory_space<vmem>> -> memref<1x125x64xf32, #tpu.memory_space<vmem>>
      %dma_start3A_871 = tpu.memref_squeeze %dma_start3A_870 : memref<1x125x64xf32, #tpu.memory_space<vmem>> -> memref<125x64xf32, #tpu.memory_space<vmem>>
      %dma_start3A_872 = arith.constant 0 : i32
      %dma_start3A_873 = tpu.memref_slice %arg7[%add3A_846, %dma_start3A_872] : memref<160x125xi32, #tpu.memory_space<vmem>> -> memref<1x125xi32, #tpu.memory_space<vmem>>
      %dma_start3A_874 = tpu.memref_squeeze %dma_start3A_873 : memref<1x125xi32, #tpu.memory_space<vmem>> -> memref<125xi32, #tpu.memory_space<vmem>>
      %dma_start3A_875 = arith.constant 0 : i32
      %dma_start3A_876 = arith.constant 0 : i32
      %dma_start3A_877 = tpu.memref_slice %arg5[%dma_start3A_875, %dma_start3A_876] : memref<10000x64xf32, #tpu.memory_space<vmem_shared>> -> memref<10000x64xf32, #tpu.memory_space<vmem_shared>>
      %dma_start3A_878 = tpu.memref_slice %arg10[%dma_start3A_867] : memref<5x!tpu.dma_semaphore, #tpu.memory_space<semaphore_mem>> -> memref<1x!tpu.dma_semaphore, #tpu.memory_space<semaphore_mem>>
      %dma_start3A_879 = tpu.memref_squeeze %dma_start3A_878 : memref<1x!tpu.dma_semaphore, #tpu.memory_space<semaphore_mem>> -> memref<!tpu.dma_semaphore, #tpu.memory_space<semaphore_mem>>
      tpu.enqueue_indirect_dma source(%dma_start3A_871 : memref<125x64xf32, #tpu.memory_space<vmem>>) target(%dma_start3A_877 : memref<10000x64xf32, #tpu.memory_space<vmem_shared>>) offsets(%dma_start3A_874 : memref<125xi32, #tpu.memory_space<vmem>>) semaphore(%dma_start3A_879 : memref<!tpu.dma_semaphore, #tpu.memory_space<semaphore_mem>>) {add = true}
      %dma_wait3A_880 = arith.constant 0 : i32
      %dma_wait3A_881 = arith.constant 0 : i32
      %dma_wait3A_882 = arith.constant 0 : i32
      %dma_wait3A_883 = arith.constant 0 : i32
      %dma_wait3A_884 = arith.constant 0 : i32
      %dma_wait3A_885 = tpu.memref_slice %arg8[%dma_wait3A_880, %dma_wait3A_883, %dma_wait3A_884] : memref<5x125x64xf32, #tpu.memory_space<vmem>> -> memref<1x125x64xf32, #tpu.memory_space<vmem>>
      %dma_wait3A_886 = tpu.memref_squeeze %dma_wait3A_885 : memref<1x125x64xf32, #tpu.memory_space<vmem>> -> memref<125x64xf32, #tpu.memory_space<vmem>>
      %dma_wait3A_887 = arith.constant 0 : i32
      %dma_wait3A_888 = tpu.memref_slice %arg7[%dma_wait3A_881, %dma_wait3A_887] : memref<160x125xi32, #tpu.memory_space<vmem>> -> memref<1x125xi32, #tpu.memory_space<vmem>>
      %dma_wait3A_889 = tpu.memref_squeeze %dma_wait3A_888 : memref<1x125xi32, #tpu.memory_space<vmem>> -> memref<125xi32, #tpu.memory_space<vmem>>
      %dma_wait3A_890 = arith.constant 0 : i32
      %dma_wait3A_891 = arith.constant 0 : i32
      %dma_wait3A_892 = tpu.memref_slice %arg5[%dma_wait3A_890, %dma_wait3A_891] : memref<10000x64xf32, #tpu.memory_space<vmem_shared>> -> memref<10000x64xf32, #tpu.memory_space<vmem_shared>>
      %dma_wait3A_893 = tpu.memref_slice %arg10[%dma_wait3A_882] : memref<5x!tpu.dma_semaphore, #tpu.memory_space<semaphore_mem>> -> memref<1x!tpu.dma_semaphore, #tpu.memory_space<semaphore_mem>>
      %dma_wait3A_894 = tpu.memref_squeeze %dma_wait3A_893 : memref<1x!tpu.dma_semaphore, #tpu.memory_space<semaphore_mem>> -> memref<!tpu.dma_semaphore, #tpu.memory_space<semaphore_mem>>
      tpu.wait_indirect_dma semaphore(%dma_wait3A_894 : memref<!tpu.dma_semaphore, #tpu.memory_space<semaphore_mem>>) src(%dma_wait3A_886 : memref<125x64xf32, #tpu.memory_space<vmem>>) dst(%dma_wait3A_892 : memref<10000x64xf32, #tpu.memory_space<vmem_shared>>)
      %add3A_895 = arith.constant 5 : i32
      %add3A_896 = arith.addi %add3A_846, %add3A_895 : i32
      %sub3A_897 = arith.constant 1 : i32
      %sub3A_898 = arith.subi %add3A_896, %sub3A_897 : i32
      %dma_start3A_899 = arith.constant 0 : i32
      %dma_start3A_900 = arith.constant 0 : i32
      %dma_start3A_901 = arith.constant 0 : i32
      %dma_start3A_902 = arith.constant 0 : i32
      %dma_start3A_903 = tpu.memref_slice %arg8[%dma_start3A_899, %dma_start3A_901, %dma_start3A_902] : memref<5x125x64xf32, #tpu.memory_space<vmem>> -> memref<1x125x64xf32, #tpu.memory_space<vmem>>
      %dma_start3A_904 = tpu.memref_squeeze %dma_start3A_903 : memref<1x125x64xf32, #tpu.memory_space<vmem>> -> memref<125x64xf32, #tpu.memory_space<vmem>>
      %dma_start3A_905 = arith.constant 0 : i32
      %dma_start3A_906 = tpu.memref_slice %arg6[%sub3A_898, %dma_start3A_905] : memref<160x125xi32, #tpu.memory_space<vmem>> -> memref<1x125xi32, #tpu.memory_space<vmem>>
      %dma_start3A_907 = tpu.memref_squeeze %dma_start3A_906 : memref<1x125xi32, #tpu.memory_space<vmem>> -> memref<125xi32, #tpu.memory_space<vmem>>
      %dma_start3A_908 = arith.constant 0 : i32
      %dma_start3A_909 = arith.constant 0 : i32
      %dma_start3A_910 = tpu.memref_slice %arg2[%arg0, %dma_start3A_908, %dma_start3A_909] : memref<2x10000x64xf32, #tpu.memory_space<hbm>> -> memref<1x10000x64xf32, #tpu.memory_space<hbm>>
      %dma_start3A_911 = tpu.memref_squeeze %dma_start3A_910 : memref<1x10000x64xf32, #tpu.memory_space<hbm>> -> memref<10000x64xf32, #tpu.memory_space<hbm>>
      %dma_start3A_912 = arith.constant 0 : i32
      %dma_start3A_913 = arith.constant 0 : i32
      %dma_start3A_914 = tpu.memref_slice %dma_start3A_911[%dma_start3A_912, %dma_start3A_913] : memref<10000x64xf32, #tpu.memory_space<hbm>> -> memref<10000x64xf32, #tpu.memory_space<hbm>>
      %dma_start3A_915 = tpu.memref_slice %arg9[%dma_start3A_900] : memref<5x!tpu.dma_semaphore, #tpu.memory_space<semaphore_mem>> -> memref<1x!tpu.dma_semaphore, #tpu.memory_space<semaphore_mem>>
      %dma_start3A_916 = tpu.memref_squeeze %dma_start3A_915 : memref<1x!tpu.dma_semaphore, #tpu.memory_space<semaphore_mem>> -> memref<!tpu.dma_semaphore, #tpu.memory_space<semaphore_mem>>
      tpu.enqueue_indirect_dma source(%dma_start3A_914 : memref<10000x64xf32, #tpu.memory_space<hbm>>) target(%dma_start3A_904 : memref<125x64xf32, #tpu.memory_space<vmem>>) offsets(%dma_start3A_907 : memref<125xi32, #tpu.memory_space<vmem>>) semaphore(%dma_start3A_916 : memref<!tpu.dma_semaphore, #tpu.memory_space<semaphore_mem>>)
      %mul3A_917 = arith.constant 5 : i32
      %mul3A_918 = arith.muli %scan3A_769, %mul3A_917 : i32
      %add3A_919 = arith.constant 2 : i32
      %add3A_920 = arith.addi %mul3A_918, %add3A_919 : i32
      %dma_wait3A_921 = arith.constant 0 : i32
      %dma_wait3A_922 = arith.constant 2 : i32
      %dma_wait3A_923 = arith.constant 2 : i32
      %dma_wait3A_924 = arith.constant 0 : i32
      %dma_wait3A_925 = arith.constant 0 : i32
      %dma_wait3A_926 = tpu.memref_slice %arg8[%dma_wait3A_922, %dma_wait3A_924, %dma_wait3A_925] : memref<5x125x64xf32, #tpu.memory_space<vmem>> -> memref<1x125x64xf32, #tpu.memory_space<vmem>>
      %dma_wait3A_927 = tpu.memref_squeeze %dma_wait3A_926 : memref<1x125x64xf32, #tpu.memory_space<vmem>> -> memref<125x64xf32, #tpu.memory_space<vmem>>
      %dma_wait3A_928 = arith.constant 0 : i32
      %dma_wait3A_929 = tpu.memref_slice %arg6[%dma_wait3A_921, %dma_wait3A_928] : memref<160x125xi32, #tpu.memory_space<vmem>> -> memref<1x125xi32, #tpu.memory_space<vmem>>
      %dma_wait3A_930 = tpu.memref_squeeze %dma_wait3A_929 : memref<1x125xi32, #tpu.memory_space<vmem>> -> memref<125xi32, #tpu.memory_space<vmem>>
      %dma_wait3A_931 = arith.constant 0 : i32
      %dma_wait3A_932 = arith.constant 0 : i32
      %dma_wait3A_933 = tpu.memref_slice %arg2[%arg0, %dma_wait3A_931, %dma_wait3A_932] : memref<2x10000x64xf32, #tpu.memory_space<hbm>> -> memref<1x10000x64xf32, #tpu.memory_space<hbm>>
      %dma_wait3A_934 = tpu.memref_squeeze %dma_wait3A_933 : memref<1x10000x64xf32, #tpu.memory_space<hbm>> -> memref<10000x64xf32, #tpu.memory_space<hbm>>
      %dma_wait3A_935 = arith.constant 0 : i32
      %dma_wait3A_936 = arith.constant 0 : i32
      %dma_wait3A_937 = tpu.memref_slice %dma_wait3A_934[%dma_wait3A_935, %dma_wait3A_936] : memref<10000x64xf32, #tpu.memory_space<hbm>> -> memref<10000x64xf32, #tpu.memory_space<hbm>>
      %dma_wait3A_938 = tpu.memref_slice %arg9[%dma_wait3A_923] : memref<5x!tpu.dma_semaphore, #tpu.memory_space<semaphore_mem>> -> memref<1x!tpu.dma_semaphore, #tpu.memory_space<semaphore_mem>>
      %dma_wait3A_939 = tpu.memref_squeeze %dma_wait3A_938 : memref<1x!tpu.dma_semaphore, #tpu.memory_space<semaphore_mem>> -> memref<!tpu.dma_semaphore, #tpu.memory_space<semaphore_mem>>
      tpu.wait_indirect_dma semaphore(%dma_wait3A_939 : memref<!tpu.dma_semaphore, #tpu.memory_space<semaphore_mem>>) src(%dma_wait3A_937 : memref<10000x64xf32, #tpu.memory_space<hbm>>) dst(%dma_wait3A_927 : memref<125x64xf32, #tpu.memory_space<vmem>>)
      %dma_start3A_940 = arith.constant 2 : i32
      %dma_start3A_941 = arith.constant 2 : i32
      %dma_start3A_942 = arith.constant 0 : i32
      %dma_start3A_943 = arith.constant 0 : i32
      %dma_start3A_944 = tpu.memref_slice %arg8[%dma_start3A_940, %dma_start3A_942, %dma_start3A_943] : memref<5x125x64xf32, #tpu.memory_space<vmem>> -> memref<1x125x64xf32, #tpu.memory_space<vmem>>
      %dma_start3A_945 = tpu.memref_squeeze %dma_start3A_944 : memref<1x125x64xf32, #tpu.memory_space<vmem>> -> memref<125x64xf32, #tpu.memory_space<vmem>>
      %dma_start3A_946 = arith.constant 0 : i32
      %dma_start3A_947 = tpu.memref_slice %arg7[%add3A_920, %dma_start3A_946] : memref<160x125xi32, #tpu.memory_space<vmem>> -> memref<1x125xi32, #tpu.memory_space<vmem>>
      %dma_start3A_948 = tpu.memref_squeeze %dma_start3A_947 : memref<1x125xi32, #tpu.memory_space<vmem>> -> memref<125xi32, #tpu.memory_space<vmem>>
      %dma_start3A_949 = arith.constant 0 : i32
      %dma_start3A_950 = arith.constant 0 : i32
      %dma_start3A_951 = tpu.memref_slice %arg5[%dma_start3A_949, %dma_start3A_950] : memref<10000x64xf32, #tpu.memory_space<vmem_shared>> -> memref<10000x64xf32, #tpu.memory_space<vmem_shared>>
      %dma_start3A_952 = tpu.memref_slice %arg10[%dma_start3A_941] : memref<5x!tpu.dma_semaphore, #tpu.memory_space<semaphore_mem>> -> memref<1x!tpu.dma_semaphore, #tpu.memory_space<semaphore_mem>>
      %dma_start3A_953 = tpu.memref_squeeze %dma_start3A_952 : memref<1x!tpu.dma_semaphore, #tpu.memory_space<semaphore_mem>> -> memref<!tpu.dma_semaphore, #tpu.memory_space<semaphore_mem>>
      tpu.enqueue_indirect_dma source(%dma_start3A_945 : memref<125x64xf32, #tpu.memory_space<vmem>>) target(%dma_start3A_951 : memref<10000x64xf32, #tpu.memory_space<vmem_shared>>) offsets(%dma_start3A_948 : memref<125xi32, #tpu.memory_space<vmem>>) semaphore(%dma_start3A_953 : memref<!tpu.dma_semaphore, #tpu.memory_space<semaphore_mem>>) {add = true}
      %dma_wait3A_954 = arith.constant 1 : i32
      %dma_wait3A_955 = arith.constant 0 : i32
      %dma_wait3A_956 = arith.constant 1 : i32
      %dma_wait3A_957 = arith.constant 0 : i32
      %dma_wait3A_958 = arith.constant 0 : i32
      %dma_wait3A_959 = tpu.memref_slice %arg8[%dma_wait3A_954, %dma_wait3A_957, %dma_wait3A_958] : memref<5x125x64xf32, #tpu.memory_space<vmem>> -> memref<1x125x64xf32, #tpu.memory_space<vmem>>
      %dma_wait3A_960 = tpu.memref_squeeze %dma_wait3A_959 : memref<1x125x64xf32, #tpu.memory_space<vmem>> -> memref<125x64xf32, #tpu.memory_space<vmem>>
      %dma_wait3A_961 = arith.constant 0 : i32
      %dma_wait3A_962 = tpu.memref_slice %arg7[%dma_wait3A_955, %dma_wait3A_961] : memref<160x125xi32, #tpu.memory_space<vmem>> -> memref<1x125xi32, #tpu.memory_space<vmem>>
      %dma_wait3A_963 = tpu.memref_squeeze %dma_wait3A_962 : memref<1x125xi32, #tpu.memory_space<vmem>> -> memref<125xi32, #tpu.memory_space<vmem>>
      %dma_wait3A_964 = arith.constant 0 : i32
      %dma_wait3A_965 = arith.constant 0 : i32
      %dma_wait3A_966 = tpu.memref_slice %arg5[%dma_wait3A_964, %dma_wait3A_965] : memref<10000x64xf32, #tpu.memory_space<vmem_shared>> -> memref<10000x64xf32, #tpu.memory_space<vmem_shared>>
      %dma_wait3A_967 = tpu.memref_slice %arg10[%dma_wait3A_956] : memref<5x!tpu.dma_semaphore, #tpu.memory_space<semaphore_mem>> -> memref<1x!tpu.dma_semaphore, #tpu.memory_space<semaphore_mem>>
      %dma_wait3A_968 = tpu.memref_squeeze %dma_wait3A_967 : memref<1x!tpu.dma_semaphore, #tpu.memory_space<semaphore_mem>> -> memref<!tpu.dma_semaphore, #tpu.memory_space<semaphore_mem>>
      tpu.wait_indirect_dma semaphore(%dma_wait3A_968 : memref<!tpu.dma_semaphore, #tpu.memory_space<semaphore_mem>>) src(%dma_wait3A_960 : memref<125x64xf32, #tpu.memory_space<vmem>>) dst(%dma_wait3A_966 : memref<10000x64xf32, #tpu.memory_space<vmem_shared>>)
      %add3A_969 = arith.constant 5 : i32
      %add3A_970 = arith.addi %add3A_920, %add3A_969 : i32
      %sub3A_971 = arith.constant 1 : i32
      %sub3A_972 = arith.subi %add3A_970, %sub3A_971 : i32
      %dma_start3A_973 = arith.constant 1 : i32
      %dma_start3A_974 = arith.constant 1 : i32
      %dma_start3A_975 = arith.constant 0 : i32
      %dma_start3A_976 = arith.constant 0 : i32
      %dma_start3A_977 = tpu.memref_slice %arg8[%dma_start3A_973, %dma_start3A_975, %dma_start3A_976] : memref<5x125x64xf32, #tpu.memory_space<vmem>> -> memref<1x125x64xf32, #tpu.memory_space<vmem>>
      %dma_start3A_978 = tpu.memref_squeeze %dma_start3A_977 : memref<1x125x64xf32, #tpu.memory_space<vmem>> -> memref<125x64xf32, #tpu.memory_space<vmem>>
      %dma_start3A_979 = arith.constant 0 : i32
      %dma_start3A_980 = tpu.memref_slice %arg6[%sub3A_972, %dma_start3A_979] : memref<160x125xi32, #tpu.memory_space<vmem>> -> memref<1x125xi32, #tpu.memory_space<vmem>>
      %dma_start3A_981 = tpu.memref_squeeze %dma_start3A_980 : memref<1x125xi32, #tpu.memory_space<vmem>> -> memref<125xi32, #tpu.memory_space<vmem>>
      %dma_start3A_982 = arith.constant 0 : i32
      %dma_start3A_983 = arith.constant 0 : i32
      %dma_start3A_984 = tpu.memref_slice %arg2[%arg0, %dma_start3A_982, %dma_start3A_983] : memref<2x10000x64xf32, #tpu.memory_space<hbm>> -> memref<1x10000x64xf32, #tpu.memory_space<hbm>>
      %dma_start3A_985 = tpu.memref_squeeze %dma_start3A_984 : memref<1x10000x64xf32, #tpu.memory_space<hbm>> -> memref<10000x64xf32, #tpu.memory_space<hbm>>
      %dma_start3A_986 = arith.constant 0 : i32
      %dma_start3A_987 = arith.constant 0 : i32
      %dma_start3A_988 = tpu.memref_slice %dma_start3A_985[%dma_start3A_986, %dma_start3A_987] : memref<10000x64xf32, #tpu.memory_space<hbm>> -> memref<10000x64xf32, #tpu.memory_space<hbm>>
      %dma_start3A_989 = tpu.memref_slice %arg9[%dma_start3A_974] : memref<5x!tpu.dma_semaphore, #tpu.memory_space<semaphore_mem>> -> memref<1x!tpu.dma_semaphore, #tpu.memory_space<semaphore_mem>>
      %dma_start3A_990 = tpu.memref_squeeze %dma_start3A_989 : memref<1x!tpu.dma_semaphore, #tpu.memory_space<semaphore_mem>> -> memref<!tpu.dma_semaphore, #tpu.memory_space<semaphore_mem>>
      tpu.enqueue_indirect_dma source(%dma_start3A_988 : memref<10000x64xf32, #tpu.memory_space<hbm>>) target(%dma_start3A_978 : memref<125x64xf32, #tpu.memory_space<vmem>>) offsets(%dma_start3A_981 : memref<125xi32, #tpu.memory_space<vmem>>) semaphore(%dma_start3A_990 : memref<!tpu.dma_semaphore, #tpu.memory_space<semaphore_mem>>)
      %mul3A_991 = arith.constant 5 : i32
      %mul3A_992 = arith.muli %scan3A_769, %mul3A_991 : i32
      %add3A_993 = arith.constant 3 : i32
      %add3A_994 = arith.addi %mul3A_992, %add3A_993 : i32
      %dma_wait3A_995 = arith.constant 0 : i32
      %dma_wait3A_996 = arith.constant 3 : i32
      %dma_wait3A_997 = arith.constant 3 : i32
      %dma_wait3A_998 = arith.constant 0 : i32
      %dma_wait3A_999 = arith.constant 0 : i32
      %dma_wait3A_1000 = tpu.memref_slice %arg8[%dma_wait3A_996, %dma_wait3A_998, %dma_wait3A_999] : memref<5x125x64xf32, #tpu.memory_space<vmem>> -> memref<1x125x64xf32, #tpu.memory_space<vmem>>
      %dma_wait3A_1001 = tpu.memref_squeeze %dma_wait3A_1000 : memref<1x125x64xf32, #tpu.memory_space<vmem>> -> memref<125x64xf32, #tpu.memory_space<vmem>>
      %dma_wait3A_1002 = arith.constant 0 : i32
      %dma_wait3A_1003 = tpu.memref_slice %arg6[%dma_wait3A_995, %dma_wait3A_1002] : memref<160x125xi32, #tpu.memory_space<vmem>> -> memref<1x125xi32, #tpu.memory_space<vmem>>
      %dma_wait3A_1004 = tpu.memref_squeeze %dma_wait3A_1003 : memref<1x125xi32, #tpu.memory_space<vmem>> -> memref<125xi32, #tpu.memory_space<vmem>>
      %dma_wait3A_1005 = arith.constant 0 : i32
      %dma_wait3A_1006 = arith.constant 0 : i32
      %dma_wait3A_1007 = tpu.memref_slice %arg2[%arg0, %dma_wait3A_1005, %dma_wait3A_1006] : memref<2x10000x64xf32, #tpu.memory_space<hbm>> -> memref<1x10000x64xf32, #tpu.memory_space<hbm>>
      %dma_wait3A_1008 = tpu.memref_squeeze %dma_wait3A_1007 : memref<1x10000x64xf32, #tpu.memory_space<hbm>> -> memref<10000x64xf32, #tpu.memory_space<hbm>>
      %dma_wait3A_1009 = arith.constant 0 : i32
      %dma_wait3A_1010 = arith.constant 0 : i32
      %dma_wait3A_1011 = tpu.memref_slice %dma_wait3A_1008[%dma_wait3A_1009, %dma_wait3A_1010] : memref<10000x64xf32, #tpu.memory_space<hbm>> -> memref<10000x64xf32, #tpu.memory_space<hbm>>
      %dma_wait3A_1012 = tpu.memref_slice %arg9[%dma_wait3A_997] : memref<5x!tpu.dma_semaphore, #tpu.memory_space<semaphore_mem>> -> memref<1x!tpu.dma_semaphore, #tpu.memory_space<semaphore_mem>>
      %dma_wait3A_1013 = tpu.memref_squeeze %dma_wait3A_1012 : memref<1x!tpu.dma_semaphore, #tpu.memory_space<semaphore_mem>> -> memref<!tpu.dma_semaphore, #tpu.memory_space<semaphore_mem>>
      tpu.wait_indirect_dma semaphore(%dma_wait3A_1013 : memref<!tpu.dma_semaphore, #tpu.memory_space<semaphore_mem>>) src(%dma_wait3A_1011 : memref<10000x64xf32, #tpu.memory_space<hbm>>) dst(%dma_wait3A_1001 : memref<125x64xf32, #tpu.memory_space<vmem>>)
      %dma_start3A_1014 = arith.constant 3 : i32
      %dma_start3A_1015 = arith.constant 3 : i32
      %dma_start3A_1016 = arith.constant 0 : i32
      %dma_start3A_1017 = arith.constant 0 : i32
      %dma_start3A_1018 = tpu.memref_slice %arg8[%dma_start3A_1014, %dma_start3A_1016, %dma_start3A_1017] : memref<5x125x64xf32, #tpu.memory_space<vmem>> -> memref<1x125x64xf32, #tpu.memory_space<vmem>>
      %dma_start3A_1019 = tpu.memref_squeeze %dma_start3A_1018 : memref<1x125x64xf32, #tpu.memory_space<vmem>> -> memref<125x64xf32, #tpu.memory_space<vmem>>
      %dma_start3A_1020 = arith.constant 0 : i32
      %dma_start3A_1021 = tpu.memref_slice %arg7[%add3A_994, %dma_start3A_1020] : memref<160x125xi32, #tpu.memory_space<vmem>> -> memref<1x125xi32, #tpu.memory_space<vmem>>
      %dma_start3A_1022 = tpu.memref_squeeze %dma_start3A_1021 : memref<1x125xi32, #tpu.memory_space<vmem>> -> memref<125xi32, #tpu.memory_space<vmem>>
      %dma_start3A_1023 = arith.constant 0 : i32
      %dma_start3A_1024 = arith.constant 0 : i32
      %dma_start3A_1025 = tpu.memref_slice %arg5[%dma_start3A_1023, %dma_start3A_1024] : memref<10000x64xf32, #tpu.memory_space<vmem_shared>> -> memref<10000x64xf32, #tpu.memory_space<vmem_shared>>
      %dma_start3A_1026 = tpu.memref_slice %arg10[%dma_start3A_1015] : memref<5x!tpu.dma_semaphore, #tpu.memory_space<semaphore_mem>> -> memref<1x!tpu.dma_semaphore, #tpu.memory_space<semaphore_mem>>
      %dma_start3A_1027 = tpu.memref_squeeze %dma_start3A_1026 : memref<1x!tpu.dma_semaphore, #tpu.memory_space<semaphore_mem>> -> memref<!tpu.dma_semaphore, #tpu.memory_space<semaphore_mem>>
      tpu.enqueue_indirect_dma source(%dma_start3A_1019 : memref<125x64xf32, #tpu.memory_space<vmem>>) target(%dma_start3A_1025 : memref<10000x64xf32, #tpu.memory_space<vmem_shared>>) offsets(%dma_start3A_1022 : memref<125xi32, #tpu.memory_space<vmem>>) semaphore(%dma_start3A_1027 : memref<!tpu.dma_semaphore, #tpu.memory_space<semaphore_mem>>) {add = true}
      %dma_wait3A_1028 = arith.constant 2 : i32
      %dma_wait3A_1029 = arith.constant 0 : i32
      %dma_wait3A_1030 = arith.constant 2 : i32
      %dma_wait3A_1031 = arith.constant 0 : i32
      %dma_wait3A_1032 = arith.constant 0 : i32
      %dma_wait3A_1033 = tpu.memref_slice %arg8[%dma_wait3A_1028, %dma_wait3A_1031, %dma_wait3A_1032] : memref<5x125x64xf32, #tpu.memory_space<vmem>> -> memref<1x125x64xf32, #tpu.memory_space<vmem>>
      %dma_wait3A_1034 = tpu.memref_squeeze %dma_wait3A_1033 : memref<1x125x64xf32, #tpu.memory_space<vmem>> -> memref<125x64xf32, #tpu.memory_space<vmem>>
      %dma_wait3A_1035 = arith.constant 0 : i32
      %dma_wait3A_1036 = tpu.memref_slice %arg7[%dma_wait3A_1029, %dma_wait3A_1035] : memref<160x125xi32, #tpu.memory_space<vmem>> -> memref<1x125xi32, #tpu.memory_space<vmem>>
      %dma_wait3A_1037 = tpu.memref_squeeze %dma_wait3A_1036 : memref<1x125xi32, #tpu.memory_space<vmem>> -> memref<125xi32, #tpu.memory_space<vmem>>
      %dma_wait3A_1038 = arith.constant 0 : i32
      %dma_wait3A_1039 = arith.constant 0 : i32
      %dma_wait3A_1040 = tpu.memref_slice %arg5[%dma_wait3A_1038, %dma_wait3A_1039] : memref<10000x64xf32, #tpu.memory_space<vmem_shared>> -> memref<10000x64xf32, #tpu.memory_space<vmem_shared>>
      %dma_wait3A_1041 = tpu.memref_slice %arg10[%dma_wait3A_1030] : memref<5x!tpu.dma_semaphore, #tpu.memory_space<semaphore_mem>> -> memref<1x!tpu.dma_semaphore, #tpu.memory_space<semaphore_mem>>
      %dma_wait3A_1042 = tpu.memref_squeeze %dma_wait3A_1041 : memref<1x!tpu.dma_semaphore, #tpu.memory_space<semaphore_mem>> -> memref<!tpu.dma_semaphore, #tpu.memory_space<semaphore_mem>>
      tpu.wait_indirect_dma semaphore(%dma_wait3A_1042 : memref<!tpu.dma_semaphore, #tpu.memory_space<semaphore_mem>>) src(%dma_wait3A_1034 : memref<125x64xf32, #tpu.memory_space<vmem>>) dst(%dma_wait3A_1040 : memref<10000x64xf32, #tpu.memory_space<vmem_shared>>)
      %add3A_1043 = arith.constant 5 : i32
      %add3A_1044 = arith.addi %add3A_994, %add3A_1043 : i32
      %sub3A_1045 = arith.constant 1 : i32
      %sub3A_1046 = arith.subi %add3A_1044, %sub3A_1045 : i32
      %dma_start3A_1047 = arith.constant 2 : i32
      %dma_start3A_1048 = arith.constant 2 : i32
      %dma_start3A_1049 = arith.constant 0 : i32
      %dma_start3A_1050 = arith.constant 0 : i32
      %dma_start3A_1051 = tpu.memref_slice %arg8[%dma_start3A_1047, %dma_start3A_1049, %dma_start3A_1050] : memref<5x125x64xf32, #tpu.memory_space<vmem>> -> memref<1x125x64xf32, #tpu.memory_space<vmem>>
      %dma_start3A_1052 = tpu.memref_squeeze %dma_start3A_1051 : memref<1x125x64xf32, #tpu.memory_space<vmem>> -> memref<125x64xf32, #tpu.memory_space<vmem>>
      %dma_start3A_1053 = arith.constant 0 : i32
      %dma_start3A_1054 = tpu.memref_slice %arg6[%sub3A_1046, %dma_start3A_1053] : memref<160x125xi32, #tpu.memory_space<vmem>> -> memref<1x125xi32, #tpu.memory_space<vmem>>
      %dma_start3A_1055 = tpu.memref_squeeze %dma_start3A_1054 : memref<1x125xi32, #tpu.memory_space<vmem>> -> memref<125xi32, #tpu.memory_space<vmem>>
      %dma_start3A_1056 = arith.constant 0 : i32
      %dma_start3A_1057 = arith.constant 0 : i32
      %dma_start3A_1058 = tpu.memref_slice %arg2[%arg0, %dma_start3A_1056, %dma_start3A_1057] : memref<2x10000x64xf32, #tpu.memory_space<hbm>> -> memref<1x10000x64xf32, #tpu.memory_space<hbm>>
      %dma_start3A_1059 = tpu.memref_squeeze %dma_start3A_1058 : memref<1x10000x64xf32, #tpu.memory_space<hbm>> -> memref<10000x64xf32, #tpu.memory_space<hbm>>
      %dma_start3A_1060 = arith.constant 0 : i32
      %dma_start3A_1061 = arith.constant 0 : i32
      %dma_start3A_1062 = tpu.memref_slice %dma_start3A_1059[%dma_start3A_1060, %dma_start3A_1061] : memref<10000x64xf32, #tpu.memory_space<hbm>> -> memref<10000x64xf32, #tpu.memory_space<hbm>>
      %dma_start3A_1063 = tpu.memref_slice %arg9[%dma_start3A_1048] : memref<5x!tpu.dma_semaphore, #tpu.memory_space<semaphore_mem>> -> memref<1x!tpu.dma_semaphore, #tpu.memory_space<semaphore_mem>>
      %dma_start3A_1064 = tpu.memref_squeeze %dma_start3A_1063 : memref<1x!tpu.dma_semaphore, #tpu.memory_space<semaphore_mem>> -> memref<!tpu.dma_semaphore, #tpu.memory_space<semaphore_mem>>
      tpu.enqueue_indirect_dma source(%dma_start3A_1062 : memref<10000x64xf32, #tpu.memory_space<hbm>>) target(%dma_start3A_1052 : memref<125x64xf32, #tpu.memory_space<vmem>>) offsets(%dma_start3A_1055 : memref<125xi32, #tpu.memory_space<vmem>>) semaphore(%dma_start3A_1064 : memref<!tpu.dma_semaphore, #tpu.memory_space<semaphore_mem>>)
      %mul3A_1065 = arith.constant 5 : i32
      %mul3A_1066 = arith.muli %scan3A_769, %mul3A_1065 : i32
      %add3A_1067 = arith.constant 4 : i32
      %add3A_1068 = arith.addi %mul3A_1066, %add3A_1067 : i32
      %dma_wait3A_1069 = arith.constant 0 : i32
      %dma_wait3A_1070 = arith.constant 4 : i32
      %dma_wait3A_1071 = arith.constant 4 : i32
      %dma_wait3A_1072 = arith.constant 0 : i32
      %dma_wait3A_1073 = arith.constant 0 : i32
      %dma_wait3A_1074 = tpu.memref_slice %arg8[%dma_wait3A_1070, %dma_wait3A_1072, %dma_wait3A_1073] : memref<5x125x64xf32, #tpu.memory_space<vmem>> -> memref<1x125x64xf32, #tpu.memory_space<vmem>>
      %dma_wait3A_1075 = tpu.memref_squeeze %dma_wait3A_1074 : memref<1x125x64xf32, #tpu.memory_space<vmem>> -> memref<125x64xf32, #tpu.memory_space<vmem>>
      %dma_wait3A_1076 = arith.constant 0 : i32
      %dma_wait3A_1077 = tpu.memref_slice %arg6[%dma_wait3A_1069, %dma_wait3A_1076] : memref<160x125xi32, #tpu.memory_space<vmem>> -> memref<1x125xi32, #tpu.memory_space<vmem>>
      %dma_wait3A_1078 = tpu.memref_squeeze %dma_wait3A_1077 : memref<1x125xi32, #tpu.memory_space<vmem>> -> memref<125xi32, #tpu.memory_space<vmem>>
      %dma_wait3A_1079 = arith.constant 0 : i32
      %dma_wait3A_1080 = arith.constant 0 : i32
      %dma_wait3A_1081 = tpu.memref_slice %arg2[%arg0, %dma_wait3A_1079, %dma_wait3A_1080] : memref<2x10000x64xf32, #tpu.memory_space<hbm>> -> memref<1x10000x64xf32, #tpu.memory_space<hbm>>
      %dma_wait3A_1082 = tpu.memref_squeeze %dma_wait3A_1081 : memref<1x10000x64xf32, #tpu.memory_space<hbm>> -> memref<10000x64xf32, #tpu.memory_space<hbm>>
      %dma_wait3A_1083 = arith.constant 0 : i32
      %dma_wait3A_1084 = arith.constant 0 : i32
      %dma_wait3A_1085 = tpu.memref_slice %dma_wait3A_1082[%dma_wait3A_1083, %dma_wait3A_1084] : memref<10000x64xf32, #tpu.memory_space<hbm>> -> memref<10000x64xf32, #tpu.memory_space<hbm>>
      %dma_wait3A_1086 = tpu.memref_slice %arg9[%dma_wait3A_1071] : memref<5x!tpu.dma_semaphore, #tpu.memory_space<semaphore_mem>> -> memref<1x!tpu.dma_semaphore, #tpu.memory_space<semaphore_mem>>
      %dma_wait3A_1087 = tpu.memref_squeeze %dma_wait3A_1086 : memref<1x!tpu.dma_semaphore, #tpu.memory_space<semaphore_mem>> -> memref<!tpu.dma_semaphore, #tpu.memory_space<semaphore_mem>>
      tpu.wait_indirect_dma semaphore(%dma_wait3A_1087 : memref<!tpu.dma_semaphore, #tpu.memory_space<semaphore_mem>>) src(%dma_wait3A_1085 : memref<10000x64xf32, #tpu.memory_space<hbm>>) dst(%dma_wait3A_1075 : memref<125x64xf32, #tpu.memory_space<vmem>>)
      %dma_start3A_1088 = arith.constant 4 : i32
      %dma_start3A_1089 = arith.constant 4 : i32
      %dma_start3A_1090 = arith.constant 0 : i32
      %dma_start3A_1091 = arith.constant 0 : i32
      %dma_start3A_1092 = tpu.memref_slice %arg8[%dma_start3A_1088, %dma_start3A_1090, %dma_start3A_1091] : memref<5x125x64xf32, #tpu.memory_space<vmem>> -> memref<1x125x64xf32, #tpu.memory_space<vmem>>
      %dma_start3A_1093 = tpu.memref_squeeze %dma_start3A_1092 : memref<1x125x64xf32, #tpu.memory_space<vmem>> -> memref<125x64xf32, #tpu.memory_space<vmem>>
      %dma_start3A_1094 = arith.constant 0 : i32
      %dma_start3A_1095 = tpu.memref_slice %arg7[%add3A_1068, %dma_start3A_1094] : memref<160x125xi32, #tpu.memory_space<vmem>> -> memref<1x125xi32, #tpu.memory_space<vmem>>
      %dma_start3A_1096 = tpu.memref_squeeze %dma_start3A_1095 : memref<1x125xi32, #tpu.memory_space<vmem>> -> memref<125xi32, #tpu.memory_space<vmem>>
      %dma_start3A_1097 = arith.constant 0 : i32
      %dma_start3A_1098 = arith.constant 0 : i32
      %dma_start3A_1099 = tpu.memref_slice %arg5[%dma_start3A_1097, %dma_start3A_1098] : memref<10000x64xf32, #tpu.memory_space<vmem_shared>> -> memref<10000x64xf32, #tpu.memory_space<vmem_shared>>
      %dma_start3A_1100 = tpu.memref_slice %arg10[%dma_start3A_1089] : memref<5x!tpu.dma_semaphore, #tpu.memory_space<semaphore_mem>> -> memref<1x!tpu.dma_semaphore, #tpu.memory_space<semaphore_mem>>
      %dma_start3A_1101 = tpu.memref_squeeze %dma_start3A_1100 : memref<1x!tpu.dma_semaphore, #tpu.memory_space<semaphore_mem>> -> memref<!tpu.dma_semaphore, #tpu.memory_space<semaphore_mem>>
      tpu.enqueue_indirect_dma source(%dma_start3A_1093 : memref<125x64xf32, #tpu.memory_space<vmem>>) target(%dma_start3A_1099 : memref<10000x64xf32, #tpu.memory_space<vmem_shared>>) offsets(%dma_start3A_1096 : memref<125xi32, #tpu.memory_space<vmem>>) semaphore(%dma_start3A_1101 : memref<!tpu.dma_semaphore, #tpu.memory_space<semaphore_mem>>) {add = true}
      %dma_wait3A_1102 = arith.constant 3 : i32
      %dma_wait3A_1103 = arith.constant 0 : i32
      %dma_wait3A_1104 = arith.constant 3 : i32
      %dma_wait3A_1105 = arith.constant 0 : i32
      %dma_wait3A_1106 = arith.constant 0 : i32
      %dma_wait3A_1107 = tpu.memref_slice %arg8[%dma_wait3A_1102, %dma_wait3A_1105, %dma_wait3A_1106] : memref<5x125x64xf32, #tpu.memory_space<vmem>> -> memref<1x125x64xf32, #tpu.memory_space<vmem>>
      %dma_wait3A_1108 = tpu.memref_squeeze %dma_wait3A_1107 : memref<1x125x64xf32, #tpu.memory_space<vmem>> -> memref<125x64xf32, #tpu.memory_space<vmem>>
      %dma_wait3A_1109 = arith.constant 0 : i32
      %dma_wait3A_1110 = tpu.memref_slice %arg7[%dma_wait3A_1103, %dma_wait3A_1109] : memref<160x125xi32, #tpu.memory_space<vmem>> -> memref<1x125xi32, #tpu.memory_space<vmem>>
      %dma_wait3A_1111 = tpu.memref_squeeze %dma_wait3A_1110 : memref<1x125xi32, #tpu.memory_space<vmem>> -> memref<125xi32, #tpu.memory_space<vmem>>
      %dma_wait3A_1112 = arith.constant 0 : i32
      %dma_wait3A_1113 = arith.constant 0 : i32
      %dma_wait3A_1114 = tpu.memref_slice %arg5[%dma_wait3A_1112, %dma_wait3A_1113] : memref<10000x64xf32, #tpu.memory_space<vmem_shared>> -> memref<10000x64xf32, #tpu.memory_space<vmem_shared>>
      %dma_wait3A_1115 = tpu.memref_slice %arg10[%dma_wait3A_1104] : memref<5x!tpu.dma_semaphore, #tpu.memory_space<semaphore_mem>> -> memref<1x!tpu.dma_semaphore, #tpu.memory_space<semaphore_mem>>
      %dma_wait3A_1116 = tpu.memref_squeeze %dma_wait3A_1115 : memref<1x!tpu.dma_semaphore, #tpu.memory_space<semaphore_mem>> -> memref<!tpu.dma_semaphore, #tpu.memory_space<semaphore_mem>>
      tpu.wait_indirect_dma semaphore(%dma_wait3A_1116 : memref<!tpu.dma_semaphore, #tpu.memory_space<semaphore_mem>>) src(%dma_wait3A_1108 : memref<125x64xf32, #tpu.memory_space<vmem>>) dst(%dma_wait3A_1114 : memref<10000x64xf32, #tpu.memory_space<vmem_shared>>)
      %add3A_1117 = arith.constant 5 : i32
      %add3A_1118 = arith.addi %add3A_1068, %add3A_1117 : i32
      %sub3A_1119 = arith.constant 1 : i32
      %sub3A_1120 = arith.subi %add3A_1118, %sub3A_1119 : i32
      %dma_start3A_1121 = arith.constant 3 : i32
      %dma_start3A_1122 = arith.constant 3 : i32
      %dma_start3A_1123 = arith.constant 0 : i32
      %dma_start3A_1124 = arith.constant 0 : i32
      %dma_start3A_1125 = tpu.memref_slice %arg8[%dma_start3A_1121, %dma_start3A_1123, %dma_start3A_1124] : memref<5x125x64xf32, #tpu.memory_space<vmem>> -> memref<1x125x64xf32, #tpu.memory_space<vmem>>
      %dma_start3A_1126 = tpu.memref_squeeze %dma_start3A_1125 : memref<1x125x64xf32, #tpu.memory_space<vmem>> -> memref<125x64xf32, #tpu.memory_space<vmem>>
      %dma_start3A_1127 = arith.constant 0 : i32
      %dma_start3A_1128 = tpu.memref_slice %arg6[%sub3A_1120, %dma_start3A_1127] : memref<160x125xi32, #tpu.memory_space<vmem>> -> memref<1x125xi32, #tpu.memory_space<vmem>>
      %dma_start3A_1129 = tpu.memref_squeeze %dma_start3A_1128 : memref<1x125xi32, #tpu.memory_space<vmem>> -> memref<125xi32, #tpu.memory_space<vmem>>
      %dma_start3A_1130 = arith.constant 0 : i32
      %dma_start3A_1131 = arith.constant 0 : i32
      %dma_start3A_1132 = tpu.memref_slice %arg2[%arg0, %dma_start3A_1130, %dma_start3A_1131] : memref<2x10000x64xf32, #tpu.memory_space<hbm>> -> memref<1x10000x64xf32, #tpu.memory_space<hbm>>
      %dma_start3A_1133 = tpu.memref_squeeze %dma_start3A_1132 : memref<1x10000x64xf32, #tpu.memory_space<hbm>> -> memref<10000x64xf32, #tpu.memory_space<hbm>>
      %dma_start3A_1134 = arith.constant 0 : i32
      %dma_start3A_1135 = arith.constant 0 : i32
      %dma_start3A_1136 = tpu.memref_slice %dma_start3A_1133[%dma_start3A_1134, %dma_start3A_1135] : memref<10000x64xf32, #tpu.memory_space<hbm>> -> memref<10000x64xf32, #tpu.memory_space<hbm>>
      %dma_start3A_1137 = tpu.memref_slice %arg9[%dma_start3A_1122] : memref<5x!tpu.dma_semaphore, #tpu.memory_space<semaphore_mem>> -> memref<1x!tpu.dma_semaphore, #tpu.memory_space<semaphore_mem>>
      %dma_start3A_1138 = tpu.memref_squeeze %dma_start3A_1137 : memref<1x!tpu.dma_semaphore, #tpu.memory_space<semaphore_mem>> -> memref<!tpu.dma_semaphore, #tpu.memory_space<semaphore_mem>>
      tpu.enqueue_indirect_dma source(%dma_start3A_1136 : memref<10000x64xf32, #tpu.memory_space<hbm>>) target(%dma_start3A_1126 : memref<125x64xf32, #tpu.memory_space<vmem>>) offsets(%dma_start3A_1129 : memref<125xi32, #tpu.memory_space<vmem>>) semaphore(%dma_start3A_1138 : memref<!tpu.dma_semaphore, #tpu.memory_space<semaphore_mem>>)
    }
    %scan3A_438 = arith.constant 30 : i32
    %dma_wait3A_439 = arith.constant 0 : i32
    %dma_wait3A_440 = arith.constant 0 : i32
    %dma_wait3A_441 = arith.constant 0 : i32
    %dma_wait3A_442 = arith.constant 0 : i32
    %dma_wait3A_443 = arith.constant 0 : i32
    %dma_wait3A_444 = tpu.memref_slice %arg8[%dma_wait3A_440, %dma_wait3A_442, %dma_wait3A_443] : memref<5x125x64xf32, #tpu.memory_space<vmem>> -> memref<1x125x64xf32, #tpu.memory_space<vmem>>
    %dma_wait3A_445 = tpu.memref_squeeze %dma_wait3A_444 : memref<1x125x64xf32, #tpu.memory_space<vmem>> -> memref<125x64xf32, #tpu.memory_space<vmem>>
    %dma_wait3A_446 = arith.constant 0 : i32
    %dma_wait3A_447 = tpu.memref_slice %arg6[%dma_wait3A_439, %dma_wait3A_446] : memref<160x125xi32, #tpu.memory_space<vmem>> -> memref<1x125xi32, #tpu.memory_space<vmem>>
    %dma_wait3A_448 = tpu.memref_squeeze %dma_wait3A_447 : memref<1x125xi32, #tpu.memory_space<vmem>> -> memref<125xi32, #tpu.memory_space<vmem>>
    %dma_wait3A_449 = arith.constant 0 : i32
    %dma_wait3A_450 = arith.constant 0 : i32
    %dma_wait3A_451 = tpu.memref_slice %arg2[%arg0, %dma_wait3A_449, %dma_wait3A_450] : memref<2x10000x64xf32, #tpu.memory_space<hbm>> -> memref<1x10000x64xf32, #tpu.memory_space<hbm>>
    %dma_wait3A_452 = tpu.memref_squeeze %dma_wait3A_451 : memref<1x10000x64xf32, #tpu.memory_space<hbm>> -> memref<10000x64xf32, #tpu.memory_space<hbm>>
    %dma_wait3A_453 = arith.constant 0 : i32
    %dma_wait3A_454 = arith.constant 0 : i32
    %dma_wait3A_455 = tpu.memref_slice %dma_wait3A_452[%dma_wait3A_453, %dma_wait3A_454] : memref<10000x64xf32, #tpu.memory_space<hbm>> -> memref<10000x64xf32, #tpu.memory_space<hbm>>
    %dma_wait3A_456 = tpu.memref_slice %arg9[%dma_wait3A_441] : memref<5x!tpu.dma_semaphore, #tpu.memory_space<semaphore_mem>> -> memref<1x!tpu.dma_semaphore, #tpu.memory_space<semaphore_mem>>
    %dma_wait3A_457 = tpu.memref_squeeze %dma_wait3A_456 : memref<1x!tpu.dma_semaphore, #tpu.memory_space<semaphore_mem>> -> memref<!tpu.dma_semaphore, #tpu.memory_space<semaphore_mem>>
    tpu.wait_indirect_dma semaphore(%dma_wait3A_457 : memref<!tpu.dma_semaphore, #tpu.memory_space<semaphore_mem>>) src(%dma_wait3A_455 : memref<10000x64xf32, #tpu.memory_space<hbm>>) dst(%dma_wait3A_445 : memref<125x64xf32, #tpu.memory_space<vmem>>)
    %dma_start3A_458 = arith.constant 0 : i32
    %dma_start3A_459 = arith.constant 155 : i32
    %dma_start3A_460 = arith.constant 0 : i32
    %dma_start3A_461 = arith.constant 0 : i32
    %dma_start3A_462 = arith.constant 0 : i32
    %dma_start3A_463 = tpu.memref_slice %arg8[%dma_start3A_458, %dma_start3A_461, %dma_start3A_462] : memref<5x125x64xf32, #tpu.memory_space<vmem>> -> memref<1x125x64xf32, #tpu.memory_space<vmem>>
    %dma_start3A_464 = tpu.memref_squeeze %dma_start3A_463 : memref<1x125x64xf32, #tpu.memory_space<vmem>> -> memref<125x64xf32, #tpu.memory_space<vmem>>
    %dma_start3A_465 = arith.constant 0 : i32
    %dma_start3A_466 = tpu.memref_slice %arg7[%dma_start3A_459, %dma_start3A_465] : memref<160x125xi32, #tpu.memory_space<vmem>> -> memref<1x125xi32, #tpu.memory_space<vmem>>
    %dma_start3A_467 = tpu.memref_squeeze %dma_start3A_466 : memref<1x125xi32, #tpu.memory_space<vmem>> -> memref<125xi32, #tpu.memory_space<vmem>>
    %dma_start3A_468 = arith.constant 0 : i32
    %dma_start3A_469 = arith.constant 0 : i32
    %dma_start3A_470 = tpu.memref_slice %arg5[%dma_start3A_468, %dma_start3A_469] : memref<10000x64xf32, #tpu.memory_space<vmem_shared>> -> memref<10000x64xf32, #tpu.memory_space<vmem_shared>>
    %dma_start3A_471 = tpu.memref_slice %arg10[%dma_start3A_460] : memref<5x!tpu.dma_semaphore, #tpu.memory_space<semaphore_mem>> -> memref<1x!tpu.dma_semaphore, #tpu.memory_space<semaphore_mem>>
    %dma_start3A_472 = tpu.memref_squeeze %dma_start3A_471 : memref<1x!tpu.dma_semaphore, #tpu.memory_space<semaphore_mem>> -> memref<!tpu.dma_semaphore, #tpu.memory_space<semaphore_mem>>
    tpu.enqueue_indirect_dma source(%dma_start3A_464 : memref<125x64xf32, #tpu.memory_space<vmem>>) target(%dma_start3A_470 : memref<10000x64xf32, #tpu.memory_space<vmem_shared>>) offsets(%dma_start3A_467 : memref<125xi32, #tpu.memory_space<vmem>>) semaphore(%dma_start3A_472 : memref<!tpu.dma_semaphore, #tpu.memory_space<semaphore_mem>>) {add = true}
    %dma_wait3A_473 = arith.constant 4 : i32
    %dma_wait3A_474 = arith.constant 0 : i32
    %dma_wait3A_475 = arith.constant 4 : i32
    %dma_wait3A_476 = arith.constant 0 : i32
    %dma_wait3A_477 = arith.constant 0 : i32
    %dma_wait3A_478 = tpu.memref_slice %arg8[%dma_wait3A_473, %dma_wait3A_476, %dma_wait3A_477] : memref<5x125x64xf32, #tpu.memory_space<vmem>> -> memref<1x125x64xf32, #tpu.memory_space<vmem>>
    %dma_wait3A_479 = tpu.memref_squeeze %dma_wait3A_478 : memref<1x125x64xf32, #tpu.memory_space<vmem>> -> memref<125x64xf32, #tpu.memory_space<vmem>>
    %dma_wait3A_480 = arith.constant 0 : i32
    %dma_wait3A_481 = tpu.memref_slice %arg7[%dma_wait3A_474, %dma_wait3A_480] : memref<160x125xi32, #tpu.memory_space<vmem>> -> memref<1x125xi32, #tpu.memory_space<vmem>>
    %dma_wait3A_482 = tpu.memref_squeeze %dma_wait3A_481 : memref<1x125xi32, #tpu.memory_space<vmem>> -> memref<125xi32, #tpu.memory_space<vmem>>
    %dma_wait3A_483 = arith.constant 0 : i32
    %dma_wait3A_484 = arith.constant 0 : i32
    %dma_wait3A_485 = tpu.memref_slice %arg5[%dma_wait3A_483, %dma_wait3A_484] : memref<10000x64xf32, #tpu.memory_space<vmem_shared>> -> memref<10000x64xf32, #tpu.memory_space<vmem_shared>>
    %dma_wait3A_486 = tpu.memref_slice %arg10[%dma_wait3A_475] : memref<5x!tpu.dma_semaphore, #tpu.memory_space<semaphore_mem>> -> memref<1x!tpu.dma_semaphore, #tpu.memory_space<semaphore_mem>>
    %dma_wait3A_487 = tpu.memref_squeeze %dma_wait3A_486 : memref<1x!tpu.dma_semaphore, #tpu.memory_space<semaphore_mem>> -> memref<!tpu.dma_semaphore, #tpu.memory_space<semaphore_mem>>
    tpu.wait_indirect_dma semaphore(%dma_wait3A_487 : memref<!tpu.dma_semaphore, #tpu.memory_space<semaphore_mem>>) src(%dma_wait3A_479 : memref<125x64xf32, #tpu.memory_space<vmem>>) dst(%dma_wait3A_485 : memref<10000x64xf32, #tpu.memory_space<vmem_shared>>)
    %dma_start3A_488 = arith.constant 159 : i32
    %dma_start3A_489 = arith.constant 4 : i32
    %dma_start3A_490 = arith.constant 4 : i32
    %dma_start3A_491 = arith.constant 0 : i32
    %dma_start3A_492 = arith.constant 0 : i32
    %dma_start3A_493 = tpu.memref_slice %arg8[%dma_start3A_489, %dma_start3A_491, %dma_start3A_492] : memref<5x125x64xf32, #tpu.memory_space<vmem>> -> memref<1x125x64xf32, #tpu.memory_space<vmem>>
    %dma_start3A_494 = tpu.memref_squeeze %dma_start3A_493 : memref<1x125x64xf32, #tpu.memory_space<vmem>> -> memref<125x64xf32, #tpu.memory_space<vmem>>
    %dma_start3A_495 = arith.constant 0 : i32
    %dma_start3A_496 = tpu.memref_slice %arg6[%dma_start3A_488, %dma_start3A_495] : memref<160x125xi32, #tpu.memory_space<vmem>> -> memref<1x125xi32, #tpu.memory_space<vmem>>
    %dma_start3A_497 = tpu.memref_squeeze %dma_start3A_496 : memref<1x125xi32, #tpu.memory_space<vmem>> -> memref<125xi32, #tpu.memory_space<vmem>>
    %dma_start3A_498 = arith.constant 0 : i32
    %dma_start3A_499 = arith.constant 0 : i32
    %dma_start3A_500 = tpu.memref_slice %arg2[%arg0, %dma_start3A_498, %dma_start3A_499] : memref<2x10000x64xf32, #tpu.memory_space<hbm>> -> memref<1x10000x64xf32, #tpu.memory_space<hbm>>
    %dma_start3A_501 = tpu.memref_squeeze %dma_start3A_500 : memref<1x10000x64xf32, #tpu.memory_space<hbm>> -> memref<10000x64xf32, #tpu.memory_space<hbm>>
    %dma_start3A_502 = arith.constant 0 : i32
    %dma_start3A_503 = arith.constant 0 : i32
    %dma_start3A_504 = tpu.memref_slice %dma_start3A_501[%dma_start3A_502, %dma_start3A_503] : memref<10000x64xf32, #tpu.memory_space<hbm>> -> memref<10000x64xf32, #tpu.memory_space<hbm>>
    %dma_start3A_505 = tpu.memref_slice %arg9[%dma_start3A_490] : memref<5x!tpu.dma_semaphore, #tpu.memory_space<semaphore_mem>> -> memref<1x!tpu.dma_semaphore, #tpu.memory_space<semaphore_mem>>
    %dma_start3A_506 = tpu.memref_squeeze %dma_start3A_505 : memref<1x!tpu.dma_semaphore, #tpu.memory_space<semaphore_mem>> -> memref<!tpu.dma_semaphore, #tpu.memory_space<semaphore_mem>>
    tpu.enqueue_indirect_dma source(%dma_start3A_504 : memref<10000x64xf32, #tpu.memory_space<hbm>>) target(%dma_start3A_494 : memref<125x64xf32, #tpu.memory_space<vmem>>) offsets(%dma_start3A_497 : memref<125xi32, #tpu.memory_space<vmem>>) semaphore(%dma_start3A_506 : memref<!tpu.dma_semaphore, #tpu.memory_space<semaphore_mem>>)
    %dma_wait3A_507 = arith.constant 0 : i32
    %dma_wait3A_508 = arith.constant 1 : i32
    %dma_wait3A_509 = arith.constant 1 : i32
    %dma_wait3A_510 = arith.constant 0 : i32
    %dma_wait3A_511 = arith.constant 0 : i32
    %dma_wait3A_512 = tpu.memref_slice %arg8[%dma_wait3A_508, %dma_wait3A_510, %dma_wait3A_511] : memref<5x125x64xf32, #tpu.memory_space<vmem>> -> memref<1x125x64xf32, #tpu.memory_space<vmem>>
    %dma_wait3A_513 = tpu.memref_squeeze %dma_wait3A_512 : memref<1x125x64xf32, #tpu.memory_space<vmem>> -> memref<125x64xf32, #tpu.memory_space<vmem>>
    %dma_wait3A_514 = arith.constant 0 : i32
    %dma_wait3A_515 = tpu.memref_slice %arg6[%dma_wait3A_507, %dma_wait3A_514] : memref<160x125xi32, #tpu.memory_space<vmem>> -> memref<1x125xi32, #tpu.memory_space<vmem>>
    %dma_wait3A_516 = tpu.memref_squeeze %dma_wait3A_515 : memref<1x125xi32, #tpu.memory_space<vmem>> -> memref<125xi32, #tpu.memory_space<vmem>>
    %dma_wait3A_517 = arith.constant 0 : i32
    %dma_wait3A_518 = arith.constant 0 : i32
    %dma_wait3A_519 = tpu.memref_slice %arg2[%arg0, %dma_wait3A_517, %dma_wait3A_518] : memref<2x10000x64xf32, #tpu.memory_space<hbm>> -> memref<1x10000x64xf32, #tpu.memory_space<hbm>>
    %dma_wait3A_520 = tpu.memref_squeeze %dma_wait3A_519 : memref<1x10000x64xf32, #tpu.memory_space<hbm>> -> memref<10000x64xf32, #tpu.memory_space<hbm>>
    %dma_wait3A_521 = arith.constant 0 : i32
    %dma_wait3A_522 = arith.constant 0 : i32
    %dma_wait3A_523 = tpu.memref_slice %dma_wait3A_520[%dma_wait3A_521, %dma_wait3A_522] : memref<10000x64xf32, #tpu.memory_space<hbm>> -> memref<10000x64xf32, #tpu.memory_space<hbm>>
    %dma_wait3A_524 = tpu.memref_slice %arg9[%dma_wait3A_509] : memref<5x!tpu.dma_semaphore, #tpu.memory_space<semaphore_mem>> -> memref<1x!tpu.dma_semaphore, #tpu.memory_space<semaphore_mem>>
    %dma_wait3A_525 = tpu.memref_squeeze %dma_wait3A_524 : memref<1x!tpu.dma_semaphore, #tpu.memory_space<semaphore_mem>> -> memref<!tpu.dma_semaphore, #tpu.memory_space<semaphore_mem>>
    tpu.wait_indirect_dma semaphore(%dma_wait3A_525 : memref<!tpu.dma_semaphore, #tpu.memory_space<semaphore_mem>>) src(%dma_wait3A_523 : memref<10000x64xf32, #tpu.memory_space<hbm>>) dst(%dma_wait3A_513 : memref<125x64xf32, #tpu.memory_space<vmem>>)
    %dma_start3A_526 = arith.constant 1 : i32
    %dma_start3A_527 = arith.constant 156 : i32
    %dma_start3A_528 = arith.constant 1 : i32
    %dma_start3A_529 = arith.constant 0 : i32
    %dma_start3A_530 = arith.constant 0 : i32
    %dma_start3A_531 = tpu.memref_slice %arg8[%dma_start3A_526, %dma_start3A_529, %dma_start3A_530] : memref<5x125x64xf32, #tpu.memory_space<vmem>> -> memref<1x125x64xf32, #tpu.memory_space<vmem>>
    %dma_start3A_532 = tpu.memref_squeeze %dma_start3A_531 : memref<1x125x64xf32, #tpu.memory_space<vmem>> -> memref<125x64xf32, #tpu.memory_space<vmem>>
    %dma_start3A_533 = arith.constant 0 : i32
    %dma_start3A_534 = tpu.memref_slice %arg7[%dma_start3A_527, %dma_start3A_533] : memref<160x125xi32, #tpu.memory_space<vmem>> -> memref<1x125xi32, #tpu.memory_space<vmem>>
    %dma_start3A_535 = tpu.memref_squeeze %dma_start3A_534 : memref<1x125xi32, #tpu.memory_space<vmem>> -> memref<125xi32, #tpu.memory_space<vmem>>
    %dma_start3A_536 = arith.constant 0 : i32
    %dma_start3A_537 = arith.constant 0 : i32
    %dma_start3A_538 = tpu.memref_slice %arg5[%dma_start3A_536, %dma_start3A_537] : memref<10000x64xf32, #tpu.memory_space<vmem_shared>> -> memref<10000x64xf32, #tpu.memory_space<vmem_shared>>
    %dma_start3A_539 = tpu.memref_slice %arg10[%dma_start3A_528] : memref<5x!tpu.dma_semaphore, #tpu.memory_space<semaphore_mem>> -> memref<1x!tpu.dma_semaphore, #tpu.memory_space<semaphore_mem>>
    %dma_start3A_540 = tpu.memref_squeeze %dma_start3A_539 : memref<1x!tpu.dma_semaphore, #tpu.memory_space<semaphore_mem>> -> memref<!tpu.dma_semaphore, #tpu.memory_space<semaphore_mem>>
    tpu.enqueue_indirect_dma source(%dma_start3A_532 : memref<125x64xf32, #tpu.memory_space<vmem>>) target(%dma_start3A_538 : memref<10000x64xf32, #tpu.memory_space<vmem_shared>>) offsets(%dma_start3A_535 : memref<125xi32, #tpu.memory_space<vmem>>) semaphore(%dma_start3A_540 : memref<!tpu.dma_semaphore, #tpu.memory_space<semaphore_mem>>) {add = true}
    %dma_wait3A_541 = arith.constant 0 : i32
    %dma_wait3A_542 = arith.constant 2 : i32
    %dma_wait3A_543 = arith.constant 2 : i32
    %dma_wait3A_544 = arith.constant 0 : i32
    %dma_wait3A_545 = arith.constant 0 : i32
    %dma_wait3A_546 = tpu.memref_slice %arg8[%dma_wait3A_542, %dma_wait3A_544, %dma_wait3A_545] : memref<5x125x64xf32, #tpu.memory_space<vmem>> -> memref<1x125x64xf32, #tpu.memory_space<vmem>>
    %dma_wait3A_547 = tpu.memref_squeeze %dma_wait3A_546 : memref<1x125x64xf32, #tpu.memory_space<vmem>> -> memref<125x64xf32, #tpu.memory_space<vmem>>
    %dma_wait3A_548 = arith.constant 0 : i32
    %dma_wait3A_549 = tpu.memref_slice %arg6[%dma_wait3A_541, %dma_wait3A_548] : memref<160x125xi32, #tpu.memory_space<vmem>> -> memref<1x125xi32, #tpu.memory_space<vmem>>
    %dma_wait3A_550 = tpu.memref_squeeze %dma_wait3A_549 : memref<1x125xi32, #tpu.memory_space<vmem>> -> memref<125xi32, #tpu.memory_space<vmem>>
    %dma_wait3A_551 = arith.constant 0 : i32
    %dma_wait3A_552 = arith.constant 0 : i32
    %dma_wait3A_553 = tpu.memref_slice %arg2[%arg0, %dma_wait3A_551, %dma_wait3A_552] : memref<2x10000x64xf32, #tpu.memory_space<hbm>> -> memref<1x10000x64xf32, #tpu.memory_space<hbm>>
    %dma_wait3A_554 = tpu.memref_squeeze %dma_wait3A_553 : memref<1x10000x64xf32, #tpu.memory_space<hbm>> -> memref<10000x64xf32, #tpu.memory_space<hbm>>
    %dma_wait3A_555 = arith.constant 0 : i32
    %dma_wait3A_556 = arith.constant 0 : i32
    %dma_wait3A_557 = tpu.memref_slice %dma_wait3A_554[%dma_wait3A_555, %dma_wait3A_556] : memref<10000x64xf32, #tpu.memory_space<hbm>> -> memref<10000x64xf32, #tpu.memory_space<hbm>>
    %dma_wait3A_558 = tpu.memref_slice %arg9[%dma_wait3A_543] : memref<5x!tpu.dma_semaphore, #tpu.memory_space<semaphore_mem>> -> memref<1x!tpu.dma_semaphore, #tpu.memory_space<semaphore_mem>>
    %dma_wait3A_559 = tpu.memref_squeeze %dma_wait3A_558 : memref<1x!tpu.dma_semaphore, #tpu.memory_space<semaphore_mem>> -> memref<!tpu.dma_semaphore, #tpu.memory_space<semaphore_mem>>
    tpu.wait_indirect_dma semaphore(%dma_wait3A_559 : memref<!tpu.dma_semaphore, #tpu.memory_space<semaphore_mem>>) src(%dma_wait3A_557 : memref<10000x64xf32, #tpu.memory_space<hbm>>) dst(%dma_wait3A_547 : memref<125x64xf32, #tpu.memory_space<vmem>>)
    %dma_start3A_560 = arith.constant 2 : i32
    %dma_start3A_561 = arith.constant 157 : i32
    %dma_start3A_562 = arith.constant 2 : i32
    %dma_start3A_563 = arith.constant 0 : i32
    %dma_start3A_564 = arith.constant 0 : i32
    %dma_start3A_565 = tpu.memref_slice %arg8[%dma_start3A_560, %dma_start3A_563, %dma_start3A_564] : memref<5x125x64xf32, #tpu.memory_space<vmem>> -> memref<1x125x64xf32, #tpu.memory_space<vmem>>
    %dma_start3A_566 = tpu.memref_squeeze %dma_start3A_565 : memref<1x125x64xf32, #tpu.memory_space<vmem>> -> memref<125x64xf32, #tpu.memory_space<vmem>>
    %dma_start3A_567 = arith.constant 0 : i32
    %dma_start3A_568 = tpu.memref_slice %arg7[%dma_start3A_561, %dma_start3A_567] : memref<160x125xi32, #tpu.memory_space<vmem>> -> memref<1x125xi32, #tpu.memory_space<vmem>>
    %dma_start3A_569 = tpu.memref_squeeze %dma_start3A_568 : memref<1x125xi32, #tpu.memory_space<vmem>> -> memref<125xi32, #tpu.memory_space<vmem>>
    %dma_start3A_570 = arith.constant 0 : i32
    %dma_start3A_571 = arith.constant 0 : i32
    %dma_start3A_572 = tpu.memref_slice %arg5[%dma_start3A_570, %dma_start3A_571] : memref<10000x64xf32, #tpu.memory_space<vmem_shared>> -> memref<10000x64xf32, #tpu.memory_space<vmem_shared>>
    %dma_start3A_573 = tpu.memref_slice %arg10[%dma_start3A_562] : memref<5x!tpu.dma_semaphore, #tpu.memory_space<semaphore_mem>> -> memref<1x!tpu.dma_semaphore, #tpu.memory_space<semaphore_mem>>
    %dma_start3A_574 = tpu.memref_squeeze %dma_start3A_573 : memref<1x!tpu.dma_semaphore, #tpu.memory_space<semaphore_mem>> -> memref<!tpu.dma_semaphore, #tpu.memory_space<semaphore_mem>>
    tpu.enqueue_indirect_dma source(%dma_start3A_566 : memref<125x64xf32, #tpu.memory_space<vmem>>) target(%dma_start3A_572 : memref<10000x64xf32, #tpu.memory_space<vmem_shared>>) offsets(%dma_start3A_569 : memref<125xi32, #tpu.memory_space<vmem>>) semaphore(%dma_start3A_574 : memref<!tpu.dma_semaphore, #tpu.memory_space<semaphore_mem>>) {add = true}
    %dma_wait3A_575 = arith.constant 0 : i32
    %dma_wait3A_576 = arith.constant 3 : i32
    %dma_wait3A_577 = arith.constant 3 : i32
    %dma_wait3A_578 = arith.constant 0 : i32
    %dma_wait3A_579 = arith.constant 0 : i32
    %dma_wait3A_580 = tpu.memref_slice %arg8[%dma_wait3A_576, %dma_wait3A_578, %dma_wait3A_579] : memref<5x125x64xf32, #tpu.memory_space<vmem>> -> memref<1x125x64xf32, #tpu.memory_space<vmem>>
    %dma_wait3A_581 = tpu.memref_squeeze %dma_wait3A_580 : memref<1x125x64xf32, #tpu.memory_space<vmem>> -> memref<125x64xf32, #tpu.memory_space<vmem>>
    %dma_wait3A_582 = arith.constant 0 : i32
    %dma_wait3A_583 = tpu.memref_slice %arg6[%dma_wait3A_575, %dma_wait3A_582] : memref<160x125xi32, #tpu.memory_space<vmem>> -> memref<1x125xi32, #tpu.memory_space<vmem>>
    %dma_wait3A_584 = tpu.memref_squeeze %dma_wait3A_583 : memref<1x125xi32, #tpu.memory_space<vmem>> -> memref<125xi32, #tpu.memory_space<vmem>>
    %dma_wait3A_585 = arith.constant 0 : i32
    %dma_wait3A_586 = arith.constant 0 : i32
    %dma_wait3A_587 = tpu.memref_slice %arg2[%arg0, %dma_wait3A_585, %dma_wait3A_586] : memref<2x10000x64xf32, #tpu.memory_space<hbm>> -> memref<1x10000x64xf32, #tpu.memory_space<hbm>>
    %dma_wait3A_588 = tpu.memref_squeeze %dma_wait3A_587 : memref<1x10000x64xf32, #tpu.memory_space<hbm>> -> memref<10000x64xf32, #tpu.memory_space<hbm>>
    %dma_wait3A_589 = arith.constant 0 : i32
    %dma_wait3A_590 = arith.constant 0 : i32
    %dma_wait3A_591 = tpu.memref_slice %dma_wait3A_588[%dma_wait3A_589, %dma_wait3A_590] : memref<10000x64xf32, #tpu.memory_space<hbm>> -> memref<10000x64xf32, #tpu.memory_space<hbm>>
    %dma_wait3A_592 = tpu.memref_slice %arg9[%dma_wait3A_577] : memref<5x!tpu.dma_semaphore, #tpu.memory_space<semaphore_mem>> -> memref<1x!tpu.dma_semaphore, #tpu.memory_space<semaphore_mem>>
    %dma_wait3A_593 = tpu.memref_squeeze %dma_wait3A_592 : memref<1x!tpu.dma_semaphore, #tpu.memory_space<semaphore_mem>> -> memref<!tpu.dma_semaphore, #tpu.memory_space<semaphore_mem>>
    tpu.wait_indirect_dma semaphore(%dma_wait3A_593 : memref<!tpu.dma_semaphore, #tpu.memory_space<semaphore_mem>>) src(%dma_wait3A_591 : memref<10000x64xf32, #tpu.memory_space<hbm>>) dst(%dma_wait3A_581 : memref<125x64xf32, #tpu.memory_space<vmem>>)
    %dma_start3A_594 = arith.constant 3 : i32
    %dma_start3A_595 = arith.constant 158 : i32
    %dma_start3A_596 = arith.constant 3 : i32
    %dma_start3A_597 = arith.constant 0 : i32
    %dma_start3A_598 = arith.constant 0 : i32
    %dma_start3A_599 = tpu.memref_slice %arg8[%dma_start3A_594, %dma_start3A_597, %dma_start3A_598] : memref<5x125x64xf32, #tpu.memory_space<vmem>> -> memref<1x125x64xf32, #tpu.memory_space<vmem>>
    %dma_start3A_600 = tpu.memref_squeeze %dma_start3A_599 : memref<1x125x64xf32, #tpu.memory_space<vmem>> -> memref<125x64xf32, #tpu.memory_space<vmem>>
    %dma_start3A_601 = arith.constant 0 : i32
    %dma_start3A_602 = tpu.memref_slice %arg7[%dma_start3A_595, %dma_start3A_601] : memref<160x125xi32, #tpu.memory_space<vmem>> -> memref<1x125xi32, #tpu.memory_space<vmem>>
    %dma_start3A_603 = tpu.memref_squeeze %dma_start3A_602 : memref<1x125xi32, #tpu.memory_space<vmem>> -> memref<125xi32, #tpu.memory_space<vmem>>
    %dma_start3A_604 = arith.constant 0 : i32
    %dma_start3A_605 = arith.constant 0 : i32
    %dma_start3A_606 = tpu.memref_slice %arg5[%dma_start3A_604, %dma_start3A_605] : memref<10000x64xf32, #tpu.memory_space<vmem_shared>> -> memref<10000x64xf32, #tpu.memory_space<vmem_shared>>
    %dma_start3A_607 = tpu.memref_slice %arg10[%dma_start3A_596] : memref<5x!tpu.dma_semaphore, #tpu.memory_space<semaphore_mem>> -> memref<1x!tpu.dma_semaphore, #tpu.memory_space<semaphore_mem>>
    %dma_start3A_608 = tpu.memref_squeeze %dma_start3A_607 : memref<1x!tpu.dma_semaphore, #tpu.memory_space<semaphore_mem>> -> memref<!tpu.dma_semaphore, #tpu.memory_space<semaphore_mem>>
    tpu.enqueue_indirect_dma source(%dma_start3A_600 : memref<125x64xf32, #tpu.memory_space<vmem>>) target(%dma_start3A_606 : memref<10000x64xf32, #tpu.memory_space<vmem_shared>>) offsets(%dma_start3A_603 : memref<125xi32, #tpu.memory_space<vmem>>) semaphore(%dma_start3A_608 : memref<!tpu.dma_semaphore, #tpu.memory_space<semaphore_mem>>) {add = true}
    %dma_wait3A_609 = arith.constant 0 : i32
    %dma_wait3A_610 = arith.constant 4 : i32
    %dma_wait3A_611 = arith.constant 4 : i32
    %dma_wait3A_612 = arith.constant 0 : i32
    %dma_wait3A_613 = arith.constant 0 : i32
    %dma_wait3A_614 = tpu.memref_slice %arg8[%dma_wait3A_610, %dma_wait3A_612, %dma_wait3A_613] : memref<5x125x64xf32, #tpu.memory_space<vmem>> -> memref<1x125x64xf32, #tpu.memory_space<vmem>>
    %dma_wait3A_615 = tpu.memref_squeeze %dma_wait3A_614 : memref<1x125x64xf32, #tpu.memory_space<vmem>> -> memref<125x64xf32, #tpu.memory_space<vmem>>
    %dma_wait3A_616 = arith.constant 0 : i32
    %dma_wait3A_617 = tpu.memref_slice %arg6[%dma_wait3A_609, %dma_wait3A_616] : memref<160x125xi32, #tpu.memory_space<vmem>> -> memref<1x125xi32, #tpu.memory_space<vmem>>
    %dma_wait3A_618 = tpu.memref_squeeze %dma_wait3A_617 : memref<1x125xi32, #tpu.memory_space<vmem>> -> memref<125xi32, #tpu.memory_space<vmem>>
    %dma_wait3A_619 = arith.constant 0 : i32
    %dma_wait3A_620 = arith.constant 0 : i32
    %dma_wait3A_621 = tpu.memref_slice %arg2[%arg0, %dma_wait3A_619, %dma_wait3A_620] : memref<2x10000x64xf32, #tpu.memory_space<hbm>> -> memref<1x10000x64xf32, #tpu.memory_space<hbm>>
    %dma_wait3A_622 = tpu.memref_squeeze %dma_wait3A_621 : memref<1x10000x64xf32, #tpu.memory_space<hbm>> -> memref<10000x64xf32, #tpu.memory_space<hbm>>
    %dma_wait3A_623 = arith.constant 0 : i32
    %dma_wait3A_624 = arith.constant 0 : i32
    %dma_wait3A_625 = tpu.memref_slice %dma_wait3A_622[%dma_wait3A_623, %dma_wait3A_624] : memref<10000x64xf32, #tpu.memory_space<hbm>> -> memref<10000x64xf32, #tpu.memory_space<hbm>>
    %dma_wait3A_626 = tpu.memref_slice %arg9[%dma_wait3A_611] : memref<5x!tpu.dma_semaphore, #tpu.memory_space<semaphore_mem>> -> memref<1x!tpu.dma_semaphore, #tpu.memory_space<semaphore_mem>>
    %dma_wait3A_627 = tpu.memref_squeeze %dma_wait3A_626 : memref<1x!tpu.dma_semaphore, #tpu.memory_space<semaphore_mem>> -> memref<!tpu.dma_semaphore, #tpu.memory_space<semaphore_mem>>
    tpu.wait_indirect_dma semaphore(%dma_wait3A_627 : memref<!tpu.dma_semaphore, #tpu.memory_space<semaphore_mem>>) src(%dma_wait3A_625 : memref<10000x64xf32, #tpu.memory_space<hbm>>) dst(%dma_wait3A_615 : memref<125x64xf32, #tpu.memory_space<vmem>>)
    %dma_start3A_628 = arith.constant 4 : i32
    %dma_start3A_629 = arith.constant 159 : i32
    %dma_start3A_630 = arith.constant 4 : i32
    %dma_start3A_631 = arith.constant 0 : i32
    %dma_start3A_632 = arith.constant 0 : i32
    %dma_start3A_633 = tpu.memref_slice %arg8[%dma_start3A_628, %dma_start3A_631, %dma_start3A_632] : memref<5x125x64xf32, #tpu.memory_space<vmem>> -> memref<1x125x64xf32, #tpu.memory_space<vmem>>
    %dma_start3A_634 = tpu.memref_squeeze %dma_start3A_633 : memref<1x125x64xf32, #tpu.memory_space<vmem>> -> memref<125x64xf32, #tpu.memory_space<vmem>>
    %dma_start3A_635 = arith.constant 0 : i32
    %dma_start3A_636 = tpu.memref_slice %arg7[%dma_start3A_629, %dma_start3A_635] : memref<160x125xi32, #tpu.memory_space<vmem>> -> memref<1x125xi32, #tpu.memory_space<vmem>>
    %dma_start3A_637 = tpu.memref_squeeze %dma_start3A_636 : memref<1x125xi32, #tpu.memory_space<vmem>> -> memref<125xi32, #tpu.memory_space<vmem>>
    %dma_start3A_638 = arith.constant 0 : i32
    %dma_start3A_639 = arith.constant 0 : i32
    %dma_start3A_640 = tpu.memref_slice %arg5[%dma_start3A_638, %dma_start3A_639] : memref<10000x64xf32, #tpu.memory_space<vmem_shared>> -> memref<10000x64xf32, #tpu.memory_space<vmem_shared>>
    %dma_start3A_641 = tpu.memref_slice %arg10[%dma_start3A_630] : memref<5x!tpu.dma_semaphore, #tpu.memory_space<semaphore_mem>> -> memref<1x!tpu.dma_semaphore, #tpu.memory_space<semaphore_mem>>
    %dma_start3A_642 = tpu.memref_squeeze %dma_start3A_641 : memref<1x!tpu.dma_semaphore, #tpu.memory_space<semaphore_mem>> -> memref<!tpu.dma_semaphore, #tpu.memory_space<semaphore_mem>>
    tpu.enqueue_indirect_dma source(%dma_start3A_634 : memref<125x64xf32, #tpu.memory_space<vmem>>) target(%dma_start3A_640 : memref<10000x64xf32, #tpu.memory_space<vmem_shared>>) offsets(%dma_start3A_637 : memref<125xi32, #tpu.memory_space<vmem>>) semaphore(%dma_start3A_642 : memref<!tpu.dma_semaphore, #tpu.memory_space<semaphore_mem>>) {add = true}
    %dma_wait3A_643 = arith.constant 0 : i32
    %dma_wait3A_644 = arith.constant 0 : i32
    %dma_wait3A_645 = arith.constant 0 : i32
    %dma_wait3A_646 = arith.constant 0 : i32
    %dma_wait3A_647 = arith.constant 0 : i32
    %dma_wait3A_648 = tpu.memref_slice %arg8[%dma_wait3A_643, %dma_wait3A_646, %dma_wait3A_647] : memref<5x125x64xf32, #tpu.memory_space<vmem>> -> memref<1x125x64xf32, #tpu.memory_space<vmem>>
    %dma_wait3A_649 = tpu.memref_squeeze %dma_wait3A_648 : memref<1x125x64xf32, #tpu.memory_space<vmem>> -> memref<125x64xf32, #tpu.memory_space<vmem>>
    %dma_wait3A_650 = arith.constant 0 : i32
    %dma_wait3A_651 = tpu.memref_slice %arg7[%dma_wait3A_644, %dma_wait3A_650] : memref<160x125xi32, #tpu.memory_space<vmem>> -> memref<1x125xi32, #tpu.memory_space<vmem>>
    %dma_wait3A_652 = tpu.memref_squeeze %dma_wait3A_651 : memref<1x125xi32, #tpu.memory_space<vmem>> -> memref<125xi32, #tpu.memory_space<vmem>>
    %dma_wait3A_653 = arith.constant 0 : i32
    %dma_wait3A_654 = arith.constant 0 : i32
    %dma_wait3A_655 = tpu.memref_slice %arg5[%dma_wait3A_653, %dma_wait3A_654] : memref<10000x64xf32, #tpu.memory_space<vmem_shared>> -> memref<10000x64xf32, #tpu.memory_space<vmem_shared>>
    %dma_wait3A_656 = tpu.memref_slice %arg10[%dma_wait3A_645] : memref<5x!tpu.dma_semaphore, #tpu.memory_space<semaphore_mem>> -> memref<1x!tpu.dma_semaphore, #tpu.memory_space<semaphore_mem>>
    %dma_wait3A_657 = tpu.memref_squeeze %dma_wait3A_656 : memref<1x!tpu.dma_semaphore, #tpu.memory_space<semaphore_mem>> -> memref<!tpu.dma_semaphore, #tpu.memory_space<semaphore_mem>>
    tpu.wait_indirect_dma semaphore(%dma_wait3A_657 : memref<!tpu.dma_semaphore, #tpu.memory_space<semaphore_mem>>) src(%dma_wait3A_649 : memref<125x64xf32, #tpu.memory_space<vmem>>) dst(%dma_wait3A_655 : memref<10000x64xf32, #tpu.memory_space<vmem_shared>>)
    %dma_wait3A_658 = arith.constant 1 : i32
    %dma_wait3A_659 = arith.constant 0 : i32
    %dma_wait3A_660 = arith.constant 1 : i32
    %dma_wait3A_661 = arith.constant 0 : i32
    %dma_wait3A_662 = arith.constant 0 : i32
    %dma_wait3A_663 = tpu.memref_slice %arg8[%dma_wait3A_658, %dma_wait3A_661, %dma_wait3A_662] : memref<5x125x64xf32, #tpu.memory_space<vmem>> -> memref<1x125x64xf32, #tpu.memory_space<vmem>>
    %dma_wait3A_664 = tpu.memref_squeeze %dma_wait3A_663 : memref<1x125x64xf32, #tpu.memory_space<vmem>> -> memref<125x64xf32, #tpu.memory_space<vmem>>
    %dma_wait3A_665 = arith.constant 0 : i32
    %dma_wait3A_666 = tpu.memref_slice %arg7[%dma_wait3A_659, %dma_wait3A_665] : memref<160x125xi32, #tpu.memory_space<vmem>> -> memref<1x125xi32, #tpu.memory_space<vmem>>
    %dma_wait3A_667 = tpu.memref_squeeze %dma_wait3A_666 : memref<1x125xi32, #tpu.memory_space<vmem>> -> memref<125xi32, #tpu.memory_space<vmem>>
    %dma_wait3A_668 = arith.constant 0 : i32
    %dma_wait3A_669 = arith.constant 0 : i32
    %dma_wait3A_670 = tpu.memref_slice %arg5[%dma_wait3A_668, %dma_wait3A_669] : memref<10000x64xf32, #tpu.memory_space<vmem_shared>> -> memref<10000x64xf32, #tpu.memory_space<vmem_shared>>
    %dma_wait3A_671 = tpu.memref_slice %arg10[%dma_wait3A_660] : memref<5x!tpu.dma_semaphore, #tpu.memory_space<semaphore_mem>> -> memref<1x!tpu.dma_semaphore, #tpu.memory_space<semaphore_mem>>
    %dma_wait3A_672 = tpu.memref_squeeze %dma_wait3A_671 : memref<1x!tpu.dma_semaphore, #tpu.memory_space<semaphore_mem>> -> memref<!tpu.dma_semaphore, #tpu.memory_space<semaphore_mem>>
    tpu.wait_indirect_dma semaphore(%dma_wait3A_672 : memref<!tpu.dma_semaphore, #tpu.memory_space<semaphore_mem>>) src(%dma_wait3A_664 : memref<125x64xf32, #tpu.memory_space<vmem>>) dst(%dma_wait3A_670 : memref<10000x64xf32, #tpu.memory_space<vmem_shared>>)
    %dma_wait3A_673 = arith.constant 2 : i32
    %dma_wait3A_674 = arith.constant 0 : i32
    %dma_wait3A_675 = arith.constant 2 : i32
    %dma_wait3A_676 = arith.constant 0 : i32
    %dma_wait3A_677 = arith.constant 0 : i32
    %dma_wait3A_678 = tpu.memref_slice %arg8[%dma_wait3A_673, %dma_wait3A_676, %dma_wait3A_677] : memref<5x125x64xf32, #tpu.memory_space<vmem>> -> memref<1x125x64xf32, #tpu.memory_space<vmem>>
    %dma_wait3A_679 = tpu.memref_squeeze %dma_wait3A_678 : memref<1x125x64xf32, #tpu.memory_space<vmem>> -> memref<125x64xf32, #tpu.memory_space<vmem>>
    %dma_wait3A_680 = arith.constant 0 : i32
    %dma_wait3A_681 = tpu.memref_slice %arg7[%dma_wait3A_674, %dma_wait3A_680] : memref<160x125xi32, #tpu.memory_space<vmem>> -> memref<1x125xi32, #tpu.memory_space<vmem>>
    %dma_wait3A_682 = tpu.memref_squeeze %dma_wait3A_681 : memref<1x125xi32, #tpu.memory_space<vmem>> -> memref<125xi32, #tpu.memory_space<vmem>>
    %dma_wait3A_683 = arith.constant 0 : i32
    %dma_wait3A_684 = arith.constant 0 : i32
    %dma_wait3A_685 = tpu.memref_slice %arg5[%dma_wait3A_683, %dma_wait3A_684] : memref<10000x64xf32, #tpu.memory_space<vmem_shared>> -> memref<10000x64xf32, #tpu.memory_space<vmem_shared>>
    %dma_wait3A_686 = tpu.memref_slice %arg10[%dma_wait3A_675] : memref<5x!tpu.dma_semaphore, #tpu.memory_space<semaphore_mem>> -> memref<1x!tpu.dma_semaphore, #tpu.memory_space<semaphore_mem>>
    %dma_wait3A_687 = tpu.memref_squeeze %dma_wait3A_686 : memref<1x!tpu.dma_semaphore, #tpu.memory_space<semaphore_mem>> -> memref<!tpu.dma_semaphore, #tpu.memory_space<semaphore_mem>>
    tpu.wait_indirect_dma semaphore(%dma_wait3A_687 : memref<!tpu.dma_semaphore, #tpu.memory_space<semaphore_mem>>) src(%dma_wait3A_679 : memref<125x64xf32, #tpu.memory_space<vmem>>) dst(%dma_wait3A_685 : memref<10000x64xf32, #tpu.memory_space<vmem_shared>>)
    %dma_wait3A_688 = arith.constant 3 : i32
    %dma_wait3A_689 = arith.constant 0 : i32
    %dma_wait3A_690 = arith.constant 3 : i32
    %dma_wait3A_691 = arith.constant 0 : i32
    %dma_wait3A_692 = arith.constant 0 : i32
    %dma_wait3A_693 = tpu.memref_slice %arg8[%dma_wait3A_688, %dma_wait3A_691, %dma_wait3A_692] : memref<5x125x64xf32, #tpu.memory_space<vmem>> -> memref<1x125x64xf32, #tpu.memory_space<vmem>>
    %dma_wait3A_694 = tpu.memref_squeeze %dma_wait3A_693 : memref<1x125x64xf32, #tpu.memory_space<vmem>> -> memref<125x64xf32, #tpu.memory_space<vmem>>
    %dma_wait3A_695 = arith.constant 0 : i32
    %dma_wait3A_696 = tpu.memref_slice %arg7[%dma_wait3A_689, %dma_wait3A_695] : memref<160x125xi32, #tpu.memory_space<vmem>> -> memref<1x125xi32, #tpu.memory_space<vmem>>
    %dma_wait3A_697 = tpu.memref_squeeze %dma_wait3A_696 : memref<1x125xi32, #tpu.memory_space<vmem>> -> memref<125xi32, #tpu.memory_space<vmem>>
    %dma_wait3A_698 = arith.constant 0 : i32
    %dma_wait3A_699 = arith.constant 0 : i32
    %dma_wait3A_700 = tpu.memref_slice %arg5[%dma_wait3A_698, %dma_wait3A_699] : memref<10000x64xf32, #tpu.memory_space<vmem_shared>> -> memref<10000x64xf32, #tpu.memory_space<vmem_shared>>
    %dma_wait3A_701 = tpu.memref_slice %arg10[%dma_wait3A_690] : memref<5x!tpu.dma_semaphore, #tpu.memory_space<semaphore_mem>> -> memref<1x!tpu.dma_semaphore, #tpu.memory_space<semaphore_mem>>
    %dma_wait3A_702 = tpu.memref_squeeze %dma_wait3A_701 : memref<1x!tpu.dma_semaphore, #tpu.memory_space<semaphore_mem>> -> memref<!tpu.dma_semaphore, #tpu.memory_space<semaphore_mem>>
    tpu.wait_indirect_dma semaphore(%dma_wait3A_702 : memref<!tpu.dma_semaphore, #tpu.memory_space<semaphore_mem>>) src(%dma_wait3A_694 : memref<125x64xf32, #tpu.memory_space<vmem>>) dst(%dma_wait3A_700 : memref<10000x64xf32, #tpu.memory_space<vmem_shared>>)
    %dma_wait3A_703 = arith.constant 4 : i32
    %dma_wait3A_704 = arith.constant 0 : i32
    %dma_wait3A_705 = arith.constant 4 : i32
    %dma_wait3A_706 = arith.constant 0 : i32
    %dma_wait3A_707 = arith.constant 0 : i32
    %dma_wait3A_708 = tpu.memref_slice %arg8[%dma_wait3A_703, %dma_wait3A_706, %dma_wait3A_707] : memref<5x125x64xf32, #tpu.memory_space<vmem>> -> memref<1x125x64xf32, #tpu.memory_space<vmem>>
    %dma_wait3A_709 = tpu.memref_squeeze %dma_wait3A_708 : memref<1x125x64xf32, #tpu.memory_space<vmem>> -> memref<125x64xf32, #tpu.memory_space<vmem>>
    %dma_wait3A_710 = arith.constant 0 : i32
    %dma_wait3A_711 = tpu.memref_slice %arg7[%dma_wait3A_704, %dma_wait3A_710] : memref<160x125xi32, #tpu.memory_space<vmem>> -> memref<1x125xi32, #tpu.memory_space<vmem>>
    %dma_wait3A_712 = tpu.memref_squeeze %dma_wait3A_711 : memref<1x125xi32, #tpu.memory_space<vmem>> -> memref<125xi32, #tpu.memory_space<vmem>>
    %dma_wait3A_713 = arith.constant 0 : i32
    %dma_wait3A_714 = arith.constant 0 : i32
    %dma_wait3A_715 = tpu.memref_slice %arg5[%dma_wait3A_713, %dma_wait3A_714] : memref<10000x64xf32, #tpu.memory_space<vmem_shared>> -> memref<10000x64xf32, #tpu.memory_space<vmem_shared>>
    %dma_wait3A_716 = tpu.memref_slice %arg10[%dma_wait3A_705] : memref<5x!tpu.dma_semaphore, #tpu.memory_space<semaphore_mem>> -> memref<1x!tpu.dma_semaphore, #tpu.memory_space<semaphore_mem>>
    %dma_wait3A_717 = tpu.memref_squeeze %dma_wait3A_716 : memref<1x!tpu.dma_semaphore, #tpu.memory_space<semaphore_mem>> -> memref<!tpu.dma_semaphore, #tpu.memory_space<semaphore_mem>>
    tpu.wait_indirect_dma semaphore(%dma_wait3A_717 : memref<!tpu.dma_semaphore, #tpu.memory_space<semaphore_mem>>) src(%dma_wait3A_709 : memref<125x64xf32, #tpu.memory_space<vmem>>) dst(%dma_wait3A_715 : memref<10000x64xf32, #tpu.memory_space<vmem_shared>>)
    %barrier3A_718 = arith.constant 0 : index
    tpu.barrier barrier_id(%barrier3A_718)
    %mul3A_719 = arith.constant 625 : i32
    %mul3A_720 = arith.muli %arg1, %mul3A_719 : i32
    %add3A_721 = arith.constant 0 : i32
    %add3A_722 = arith.addi %mul3A_720, %add3A_721 : i32
    %run_scoped3A_723 = arith.constant 0 : i32
    "tpu.region"() ({
      %run_scoped3A_769 = tpu.sem_alloc : memref<!tpu.dma_semaphore, #tpu.memory_space<semaphore_mem>>
      %dma_start3A_770 = arith.constant 0 : i32
      %dma_start3A_771 = arith.constant 0 : i32
      %dma_start3A_772 = tpu.memref_slice %arg8[%run_scoped3A_723, %dma_start3A_770, %dma_start3A_771] : memref<5x125x64xf32, #tpu.memory_space<vmem>> -> memref<1x125x64xf32, #tpu.memory_space<vmem>>
      %dma_start3A_773 = tpu.memref_squeeze %dma_start3A_772 : memref<1x125x64xf32, #tpu.memory_space<vmem>> -> memref<125x64xf32, #tpu.memory_space<vmem>>
      %dma_start3A_774 = arith.constant 0 : i32
      %dma_start3A_775 = tpu.memref_slice %arg5[%add3A_722, %dma_start3A_774] : memref<10000x64xf32, #tpu.memory_space<vmem_shared>> -> memref<125x64xf32, #tpu.memory_space<vmem_shared>>
      %dma_start3A_776 = arith.constant 0 : i32
      %dma_start3A_777 = arith.constant 0 : i32
      %dma_start3A_778 = tpu.memref_slice %arg8[%run_scoped3A_723, %dma_start3A_776, %dma_start3A_777] : memref<5x125x64xf32, #tpu.memory_space<vmem>> -> memref<1x125x64xf32, #tpu.memory_space<vmem>>
      %dma_start3A_779 = tpu.memref_squeeze %dma_start3A_778 : memref<1x125x64xf32, #tpu.memory_space<vmem>> -> memref<125x64xf32, #tpu.memory_space<vmem>>
      %dma_start3A_780 = arith.constant 0 : i32
      %dma_start3A_781 = tpu.memref_slice %arg5[%add3A_722, %dma_start3A_780] : memref<10000x64xf32, #tpu.memory_space<vmem_shared>> -> memref<125x64xf32, #tpu.memory_space<vmem_shared>>
      tpu.enqueue_dma source(%dma_start3A_781 : memref<125x64xf32, #tpu.memory_space<vmem_shared>>) target(%dma_start3A_779 : memref<125x64xf32, #tpu.memory_space<vmem>>) target_semaphore(%run_scoped3A_769 : memref<!tpu.dma_semaphore, #tpu.memory_space<semaphore_mem>>)
      %dma_wait3A_782 = arith.constant 0 : i32
      %dma_wait3A_783 = arith.constant 0 : i32
      %dma_wait3A_784 = tpu.memref_slice %arg8[%run_scoped3A_723, %dma_wait3A_782, %dma_wait3A_783] : memref<5x125x64xf32, #tpu.memory_space<vmem>> -> memref<1x125x64xf32, #tpu.memory_space<vmem>>
      %dma_wait3A_785 = tpu.memref_squeeze %dma_wait3A_784 : memref<1x125x64xf32, #tpu.memory_space<vmem>> -> memref<125x64xf32, #tpu.memory_space<vmem>>
      %dma_wait3A_786 = arith.constant 0 : i32
      %dma_wait3A_787 = tpu.memref_slice %arg5[%add3A_722, %dma_wait3A_786] : memref<10000x64xf32, #tpu.memory_space<vmem_shared>> -> memref<125x64xf32, #tpu.memory_space<vmem_shared>>
      %dma_wait3A_788 = arith.constant 0 : i32
      %dma_wait3A_789 = arith.constant 0 : i32
      %dma_wait3A_790 = tpu.memref_slice %arg8[%run_scoped3A_723, %dma_wait3A_788, %dma_wait3A_789] : memref<5x125x64xf32, #tpu.memory_space<vmem>> -> memref<1x125x64xf32, #tpu.memory_space<vmem>>
      %dma_wait3A_791 = tpu.memref_squeeze %dma_wait3A_790 : memref<1x125x64xf32, #tpu.memory_space<vmem>> -> memref<125x64xf32, #tpu.memory_space<vmem>>
      %dma_wait3A_792 = arith.constant 0 : i32
      %dma_wait3A_793 = tpu.memref_slice %arg5[%add3A_722, %dma_wait3A_792] : memref<10000x64xf32, #tpu.memory_space<vmem_shared>> -> memref<125x64xf32, #tpu.memory_space<vmem_shared>>
      tpu.wait_dma2 semaphore(%run_scoped3A_769 : memref<!tpu.dma_semaphore, #tpu.memory_space<semaphore_mem>>) src(%dma_wait3A_793 : memref<125x64xf32, #tpu.memory_space<vmem_shared>>) dst(%dma_wait3A_791 : memref<125x64xf32, #tpu.memory_space<vmem>>)
      tpu.yield
    }) : () -> ()
    %mul3A_724 = arith.constant 625 : i32
    %mul3A_725 = arith.muli %arg1, %mul3A_724 : i32
    %add3A_726 = arith.constant 0 : i32
    %add3A_727 = arith.addi %mul3A_725, %add3A_726 : i32
    %run_scoped3A_728 = arith.constant 0 : i32
    "tpu.region"() ({
      %run_scoped3A_769 = tpu.sem_alloc : memref<!tpu.dma_semaphore, #tpu.memory_space<semaphore_mem>>
      %dma_start3A_770 = arith.constant 0 : i32
      %dma_start3A_771 = arith.constant 0 : i32
      %dma_start3A_772 = tpu.memref_slice %arg8[%run_scoped3A_728, %dma_start3A_770, %dma_start3A_771] : memref<5x125x64xf32, #tpu.memory_space<vmem>> -> memref<1x125x64xf32, #tpu.memory_space<vmem>>
      %dma_start3A_773 = tpu.memref_squeeze %dma_start3A_772 : memref<1x125x64xf32, #tpu.memory_space<vmem>> -> memref<125x64xf32, #tpu.memory_space<vmem>>
      %dma_start3A_774 = arith.constant 0 : i32
      %dma_start3A_775 = tpu.memref_slice %arg4[%arg0, %add3A_727, %dma_start3A_774] : memref<2x10000x64xf32, #tpu.memory_space<hbm>> -> memref<1x125x64xf32, #tpu.memory_space<hbm>>
      %dma_start3A_776 = tpu.memref_squeeze %dma_start3A_775 : memref<1x125x64xf32, #tpu.memory_space<hbm>> -> memref<125x64xf32, #tpu.memory_space<hbm>>
      %dma_start3A_777 = arith.constant 0 : i32
      %dma_start3A_778 = tpu.memref_slice %arg4[%arg0, %add3A_727, %dma_start3A_777] : memref<2x10000x64xf32, #tpu.memory_space<hbm>> -> memref<1x125x64xf32, #tpu.memory_space<hbm>>
      %dma_start3A_779 = tpu.memref_squeeze %dma_start3A_778 : memref<1x125x64xf32, #tpu.memory_space<hbm>> -> memref<125x64xf32, #tpu.memory_space<hbm>>
      %dma_start3A_780 = arith.constant 0 : i32
      %dma_start3A_781 = arith.constant 0 : i32
      %dma_start3A_782 = tpu.memref_slice %arg8[%run_scoped3A_728, %dma_start3A_780, %dma_start3A_781] : memref<5x125x64xf32, #tpu.memory_space<vmem>> -> memref<1x125x64xf32, #tpu.memory_space<vmem>>
      %dma_start3A_783 = tpu.memref_squeeze %dma_start3A_782 : memref<1x125x64xf32, #tpu.memory_space<vmem>> -> memref<125x64xf32, #tpu.memory_space<vmem>>
      tpu.enqueue_dma source(%dma_start3A_783 : memref<125x64xf32, #tpu.memory_space<vmem>>) target(%dma_start3A_779 : memref<125x64xf32, #tpu.memory_space<hbm>>) target_semaphore(%run_scoped3A_769 : memref<!tpu.dma_semaphore, #tpu.memory_space<semaphore_mem>>)
      %dma_wait3A_784 = arith.constant 0 : i32
      %dma_wait3A_785 = arith.constant 0 : i32
      %dma_wait3A_786 = tpu.memref_slice %arg8[%run_scoped3A_728, %dma_wait3A_784, %dma_wait3A_785] : memref<5x125x64xf32, #tpu.memory_space<vmem>> -> memref<1x125x64xf32, #tpu.memory_space<vmem>>
      %dma_wait3A_787 = tpu.memref_squeeze %dma_wait3A_786 : memref<1x125x64xf32, #tpu.memory_space<vmem>> -> memref<125x64xf32, #tpu.memory_space<vmem>>
      %dma_wait3A_788 = arith.constant 0 : i32
      %dma_wait3A_789 = tpu.memref_slice %arg4[%arg0, %add3A_727, %dma_wait3A_788] : memref<2x10000x64xf32, #tpu.memory_space<hbm>> -> memref<1x125x64xf32, #tpu.memory_space<hbm>>
      %dma_wait3A_790 = tpu.memref_squeeze %dma_wait3A_789 : memref<1x125x64xf32, #tpu.memory_space<hbm>> -> memref<125x64xf32, #tpu.memory_space<hbm>>
      %dma_wait3A_791 = arith.constant 0 : i32
      %dma_wait3A_792 = tpu.memref_slice %arg4[%arg0, %add3A_727, %dma_wait3A_791] : memref<2x10000x64xf32, #tpu.memory_space<hbm>> -> memref<1x125x64xf32, #tpu.memory_space<hbm>>
      %dma_wait3A_793 = tpu.memref_squeeze %dma_wait3A_792 : memref<1x125x64xf32, #tpu.memory_space<hbm>> -> memref<125x64xf32, #tpu.memory_space<hbm>>
      %dma_wait3A_794 = arith.constant 0 : i32
      %dma_wait3A_795 = arith.constant 0 : i32
      %dma_wait3A_796 = tpu.memref_slice %arg8[%run_scoped3A_728, %dma_wait3A_794, %dma_wait3A_795] : memref<5x125x64xf32, #tpu.memory_space<vmem>> -> memref<1x125x64xf32, #tpu.memory_space<vmem>>
      %dma_wait3A_797 = tpu.memref_squeeze %dma_wait3A_796 : memref<1x125x64xf32, #tpu.memory_space<vmem>> -> memref<125x64xf32, #tpu.memory_space<vmem>>
      tpu.wait_dma2 semaphore(%run_scoped3A_769 : memref<!tpu.dma_semaphore, #tpu.memory_space<semaphore_mem>>) src(%dma_wait3A_797 : memref<125x64xf32, #tpu.memory_space<vmem>>) dst(%dma_wait3A_793 : memref<125x64xf32, #tpu.memory_space<hbm>>)
      tpu.yield
    }) : () -> ()
    %mul3A_729 = arith.constant 625 : i32
    %mul3A_730 = arith.muli %arg1, %mul3A_729 : i32
    %add3A_731 = arith.constant 125 : i32
    %add3A_732 = arith.addi %mul3A_730, %add3A_731 : i32
    %run_scoped3A_733 = arith.constant 0 : i32
    "tpu.region"() ({
      %run_scoped3A_769 = tpu.sem_alloc : memref<!tpu.dma_semaphore, #tpu.memory_space<semaphore_mem>>
      %dma_start3A_770 = arith.constant 0 : i32
      %dma_start3A_771 = arith.constant 0 : i32
      %dma_start3A_772 = tpu.memref_slice %arg8[%run_scoped3A_733, %dma_start3A_770, %dma_start3A_771] : memref<5x125x64xf32, #tpu.memory_space<vmem>> -> memref<1x125x64xf32, #tpu.memory_space<vmem>>
      %dma_start3A_773 = tpu.memref_squeeze %dma_start3A_772 : memref<1x125x64xf32, #tpu.memory_space<vmem>> -> memref<125x64xf32, #tpu.memory_space<vmem>>
      %dma_start3A_774 = arith.constant 0 : i32
      %dma_start3A_775 = tpu.memref_slice %arg5[%add3A_732, %dma_start3A_774] : memref<10000x64xf32, #tpu.memory_space<vmem_shared>> -> memref<125x64xf32, #tpu.memory_space<vmem_shared>>
      %dma_start3A_776 = arith.constant 0 : i32
      %dma_start3A_777 = arith.constant 0 : i32
      %dma_start3A_778 = tpu.memref_slice %arg8[%run_scoped3A_733, %dma_start3A_776, %dma_start3A_777] : memref<5x125x64xf32, #tpu.memory_space<vmem>> -> memref<1x125x64xf32, #tpu.memory_space<vmem>>
      %dma_start3A_779 = tpu.memref_squeeze %dma_start3A_778 : memref<1x125x64xf32, #tpu.memory_space<vmem>> -> memref<125x64xf32, #tpu.memory_space<vmem>>
      %dma_start3A_780 = arith.constant 0 : i32
      %dma_start3A_781 = tpu.memref_slice %arg5[%add3A_732, %dma_start3A_780] : memref<10000x64xf32, #tpu.memory_space<vmem_shared>> -> memref<125x64xf32, #tpu.memory_space<vmem_shared>>
      tpu.enqueue_dma source(%dma_start3A_781 : memref<125x64xf32, #tpu.memory_space<vmem_shared>>) target(%dma_start3A_779 : memref<125x64xf32, #tpu.memory_space<vmem>>) target_semaphore(%run_scoped3A_769 : memref<!tpu.dma_semaphore, #tpu.memory_space<semaphore_mem>>)
      %dma_wait3A_782 = arith.constant 0 : i32
      %dma_wait3A_783 = arith.constant 0 : i32
      %dma_wait3A_784 = tpu.memref_slice %arg8[%run_scoped3A_733, %dma_wait3A_782, %dma_wait3A_783] : memref<5x125x64xf32, #tpu.memory_space<vmem>> -> memref<1x125x64xf32, #tpu.memory_space<vmem>>
      %dma_wait3A_785 = tpu.memref_squeeze %dma_wait3A_784 : memref<1x125x64xf32, #tpu.memory_space<vmem>> -> memref<125x64xf32, #tpu.memory_space<vmem>>
      %dma_wait3A_786 = arith.constant 0 : i32
      %dma_wait3A_787 = tpu.memref_slice %arg5[%add3A_732, %dma_wait3A_786] : memref<10000x64xf32, #tpu.memory_space<vmem_shared>> -> memref<125x64xf32, #tpu.memory_space<vmem_shared>>
      %dma_wait3A_788 = arith.constant 0 : i32
      %dma_wait3A_789 = arith.constant 0 : i32
      %dma_wait3A_790 = tpu.memref_slice %arg8[%run_scoped3A_733, %dma_wait3A_788, %dma_wait3A_789] : memref<5x125x64xf32, #tpu.memory_space<vmem>> -> memref<1x125x64xf32, #tpu.memory_space<vmem>>
      %dma_wait3A_791 = tpu.memref_squeeze %dma_wait3A_790 : memref<1x125x64xf32, #tpu.memory_space<vmem>> -> memref<125x64xf32, #tpu.memory_space<vmem>>
      %dma_wait3A_792 = arith.constant 0 : i32
      %dma_wait3A_793 = tpu.memref_slice %arg5[%add3A_732, %dma_wait3A_792] : memref<10000x64xf32, #tpu.memory_space<vmem_shared>> -> memref<125x64xf32, #tpu.memory_space<vmem_shared>>
      tpu.wait_dma2 semaphore(%run_scoped3A_769 : memref<!tpu.dma_semaphore, #tpu.memory_space<semaphore_mem>>) src(%dma_wait3A_793 : memref<125x64xf32, #tpu.memory_space<vmem_shared>>) dst(%dma_wait3A_791 : memref<125x64xf32, #tpu.memory_space<vmem>>)
      tpu.yield
    }) : () -> ()
    %mul3A_734 = arith.constant 625 : i32
    %mul3A_735 = arith.muli %arg1, %mul3A_734 : i32
    %add3A_736 = arith.constant 125 : i32
    %add3A_737 = arith.addi %mul3A_735, %add3A_736 : i32
    %run_scoped3A_738 = arith.constant 0 : i32
    "tpu.region"() ({
      %run_scoped3A_769 = tpu.sem_alloc : memref<!tpu.dma_semaphore, #tpu.memory_space<semaphore_mem>>
      %dma_start3A_770 = arith.constant 0 : i32
      %dma_start3A_771 = arith.constant 0 : i32
      %dma_start3A_772 = tpu.memref_slice %arg8[%run_scoped3A_738, %dma_start3A_770, %dma_start3A_771] : memref<5x125x64xf32, #tpu.memory_space<vmem>> -> memref<1x125x64xf32, #tpu.memory_space<vmem>>
      %dma_start3A_773 = tpu.memref_squeeze %dma_start3A_772 : memref<1x125x64xf32, #tpu.memory_space<vmem>> -> memref<125x64xf32, #tpu.memory_space<vmem>>
      %dma_start3A_774 = arith.constant 0 : i32
      %dma_start3A_775 = tpu.memref_slice %arg4[%arg0, %add3A_737, %dma_start3A_774] : memref<2x10000x64xf32, #tpu.memory_space<hbm>> -> memref<1x125x64xf32, #tpu.memory_space<hbm>>
      %dma_start3A_776 = tpu.memref_squeeze %dma_start3A_775 : memref<1x125x64xf32, #tpu.memory_space<hbm>> -> memref<125x64xf32, #tpu.memory_space<hbm>>
      %dma_start3A_777 = arith.constant 0 : i32
      %dma_start3A_778 = tpu.memref_slice %arg4[%arg0, %add3A_737, %dma_start3A_777] : memref<2x10000x64xf32, #tpu.memory_space<hbm>> -> memref<1x125x64xf32, #tpu.memory_space<hbm>>
      %dma_start3A_779 = tpu.memref_squeeze %dma_start3A_778 : memref<1x125x64xf32, #tpu.memory_space<hbm>> -> memref<125x64xf32, #tpu.memory_space<hbm>>
      %dma_start3A_780 = arith.constant 0 : i32
      %dma_start3A_781 = arith.constant 0 : i32
      %dma_start3A_782 = tpu.memref_slice %arg8[%run_scoped3A_738, %dma_start3A_780, %dma_start3A_781] : memref<5x125x64xf32, #tpu.memory_space<vmem>> -> memref<1x125x64xf32, #tpu.memory_space<vmem>>
      %dma_start3A_783 = tpu.memref_squeeze %dma_start3A_782 : memref<1x125x64xf32, #tpu.memory_space<vmem>> -> memref<125x64xf32, #tpu.memory_space<vmem>>
      tpu.enqueue_dma source(%dma_start3A_783 : memref<125x64xf32, #tpu.memory_space<vmem>>) target(%dma_start3A_779 : memref<125x64xf32, #tpu.memory_space<hbm>>) target_semaphore(%run_scoped3A_769 : memref<!tpu.dma_semaphore, #tpu.memory_space<semaphore_mem>>)
      %dma_wait3A_784 = arith.constant 0 : i32
      %dma_wait3A_785 = arith.constant 0 : i32
      %dma_wait3A_786 = tpu.memref_slice %arg8[%run_scoped3A_738, %dma_wait3A_784, %dma_wait3A_785] : memref<5x125x64xf32, #tpu.memory_space<vmem>> -> memref<1x125x64xf32, #tpu.memory_space<vmem>>
      %dma_wait3A_787 = tpu.memref_squeeze %dma_wait3A_786 : memref<1x125x64xf32, #tpu.memory_space<vmem>> -> memref<125x64xf32, #tpu.memory_space<vmem>>
      %dma_wait3A_788 = arith.constant 0 : i32
      %dma_wait3A_789 = tpu.memref_slice %arg4[%arg0, %add3A_737, %dma_wait3A_788] : memref<2x10000x64xf32, #tpu.memory_space<hbm>> -> memref<1x125x64xf32, #tpu.memory_space<hbm>>
      %dma_wait3A_790 = tpu.memref_squeeze %dma_wait3A_789 : memref<1x125x64xf32, #tpu.memory_space<hbm>> -> memref<125x64xf32, #tpu.memory_space<hbm>>
      %dma_wait3A_791 = arith.constant 0 : i32
      %dma_wait3A_792 = tpu.memref_slice %arg4[%arg0, %add3A_737, %dma_wait3A_791] : memref<2x10000x64xf32, #tpu.memory_space<hbm>> -> memref<1x125x64xf32, #tpu.memory_space<hbm>>
      %dma_wait3A_793 = tpu.memref_squeeze %dma_wait3A_792 : memref<1x125x64xf32, #tpu.memory_space<hbm>> -> memref<125x64xf32, #tpu.memory_space<hbm>>
      %dma_wait3A_794 = arith.constant 0 : i32
      %dma_wait3A_795 = arith.constant 0 : i32
      %dma_wait3A_796 = tpu.memref_slice %arg8[%run_scoped3A_738, %dma_wait3A_794, %dma_wait3A_795] : memref<5x125x64xf32, #tpu.memory_space<vmem>> -> memref<1x125x64xf32, #tpu.memory_space<vmem>>
      %dma_wait3A_797 = tpu.memref_squeeze %dma_wait3A_796 : memref<1x125x64xf32, #tpu.memory_space<vmem>> -> memref<125x64xf32, #tpu.memory_space<vmem>>
      tpu.wait_dma2 semaphore(%run_scoped3A_769 : memref<!tpu.dma_semaphore, #tpu.memory_space<semaphore_mem>>) src(%dma_wait3A_797 : memref<125x64xf32, #tpu.memory_space<vmem>>) dst(%dma_wait3A_793 : memref<125x64xf32, #tpu.memory_space<hbm>>)
      tpu.yield
    }) : () -> ()
    %mul3A_739 = arith.constant 625 : i32
    %mul3A_740 = arith.muli %arg1, %mul3A_739 : i32
    %add3A_741 = arith.constant 250 : i32
    %add3A_742 = arith.addi %mul3A_740, %add3A_741 : i32
    %run_scoped3A_743 = arith.constant 0 : i32
    "tpu.region"() ({
      %run_scoped3A_769 = tpu.sem_alloc : memref<!tpu.dma_semaphore, #tpu.memory_space<semaphore_mem>>
      %dma_start3A_770 = arith.constant 0 : i32
      %dma_start3A_771 = arith.constant 0 : i32
      %dma_start3A_772 = tpu.memref_slice %arg8[%run_scoped3A_743, %dma_start3A_770, %dma_start3A_771] : memref<5x125x64xf32, #tpu.memory_space<vmem>> -> memref<1x125x64xf32, #tpu.memory_space<vmem>>
      %dma_start3A_773 = tpu.memref_squeeze %dma_start3A_772 : memref<1x125x64xf32, #tpu.memory_space<vmem>> -> memref<125x64xf32, #tpu.memory_space<vmem>>
      %dma_start3A_774 = arith.constant 0 : i32
      %dma_start3A_775 = tpu.memref_slice %arg5[%add3A_742, %dma_start3A_774] : memref<10000x64xf32, #tpu.memory_space<vmem_shared>> -> memref<125x64xf32, #tpu.memory_space<vmem_shared>>
      %dma_start3A_776 = arith.constant 0 : i32
      %dma_start3A_777 = arith.constant 0 : i32
      %dma_start3A_778 = tpu.memref_slice %arg8[%run_scoped3A_743, %dma_start3A_776, %dma_start3A_777] : memref<5x125x64xf32, #tpu.memory_space<vmem>> -> memref<1x125x64xf32, #tpu.memory_space<vmem>>
      %dma_start3A_779 = tpu.memref_squeeze %dma_start3A_778 : memref<1x125x64xf32, #tpu.memory_space<vmem>> -> memref<125x64xf32, #tpu.memory_space<vmem>>
      %dma_start3A_780 = arith.constant 0 : i32
      %dma_start3A_781 = tpu.memref_slice %arg5[%add3A_742, %dma_start3A_780] : memref<10000x64xf32, #tpu.memory_space<vmem_shared>> -> memref<125x64xf32, #tpu.memory_space<vmem_shared>>
      tpu.enqueue_dma source(%dma_start3A_781 : memref<125x64xf32, #tpu.memory_space<vmem_shared>>) target(%dma_start3A_779 : memref<125x64xf32, #tpu.memory_space<vmem>>) target_semaphore(%run_scoped3A_769 : memref<!tpu.dma_semaphore, #tpu.memory_space<semaphore_mem>>)
      %dma_wait3A_782 = arith.constant 0 : i32
      %dma_wait3A_783 = arith.constant 0 : i32
      %dma_wait3A_784 = tpu.memref_slice %arg8[%run_scoped3A_743, %dma_wait3A_782, %dma_wait3A_783] : memref<5x125x64xf32, #tpu.memory_space<vmem>> -> memref<1x125x64xf32, #tpu.memory_space<vmem>>
      %dma_wait3A_785 = tpu.memref_squeeze %dma_wait3A_784 : memref<1x125x64xf32, #tpu.memory_space<vmem>> -> memref<125x64xf32, #tpu.memory_space<vmem>>
      %dma_wait3A_786 = arith.constant 0 : i32
      %dma_wait3A_787 = tpu.memref_slice %arg5[%add3A_742, %dma_wait3A_786] : memref<10000x64xf32, #tpu.memory_space<vmem_shared>> -> memref<125x64xf32, #tpu.memory_space<vmem_shared>>
      %dma_wait3A_788 = arith.constant 0 : i32
      %dma_wait3A_789 = arith.constant 0 : i32
      %dma_wait3A_790 = tpu.memref_slice %arg8[%run_scoped3A_743, %dma_wait3A_788, %dma_wait3A_789] : memref<5x125x64xf32, #tpu.memory_space<vmem>> -> memref<1x125x64xf32, #tpu.memory_space<vmem>>
      %dma_wait3A_791 = tpu.memref_squeeze %dma_wait3A_790 : memref<1x125x64xf32, #tpu.memory_space<vmem>> -> memref<125x64xf32, #tpu.memory_space<vmem>>
      %dma_wait3A_792 = arith.constant 0 : i32
      %dma_wait3A_793 = tpu.memref_slice %arg5[%add3A_742, %dma_wait3A_792] : memref<10000x64xf32, #tpu.memory_space<vmem_shared>> -> memref<125x64xf32, #tpu.memory_space<vmem_shared>>
      tpu.wait_dma2 semaphore(%run_scoped3A_769 : memref<!tpu.dma_semaphore, #tpu.memory_space<semaphore_mem>>) src(%dma_wait3A_793 : memref<125x64xf32, #tpu.memory_space<vmem_shared>>) dst(%dma_wait3A_791 : memref<125x64xf32, #tpu.memory_space<vmem>>)
      tpu.yield
    }) : () -> ()
    %mul3A_744 = arith.constant 625 : i32
    %mul3A_745 = arith.muli %arg1, %mul3A_744 : i32
    %add3A_746 = arith.constant 250 : i32
    %add3A_747 = arith.addi %mul3A_745, %add3A_746 : i32
    %run_scoped3A_748 = arith.constant 0 : i32
    "tpu.region"() ({
      %run_scoped3A_769 = tpu.sem_alloc : memref<!tpu.dma_semaphore, #tpu.memory_space<semaphore_mem>>
      %dma_start3A_770 = arith.constant 0 : i32
      %dma_start3A_771 = arith.constant 0 : i32
      %dma_start3A_772 = tpu.memref_slice %arg8[%run_scoped3A_748, %dma_start3A_770, %dma_start3A_771] : memref<5x125x64xf32, #tpu.memory_space<vmem>> -> memref<1x125x64xf32, #tpu.memory_space<vmem>>
      %dma_start3A_773 = tpu.memref_squeeze %dma_start3A_772 : memref<1x125x64xf32, #tpu.memory_space<vmem>> -> memref<125x64xf32, #tpu.memory_space<vmem>>
      %dma_start3A_774 = arith.constant 0 : i32
      %dma_start3A_775 = tpu.memref_slice %arg4[%arg0, %add3A_747, %dma_start3A_774] : memref<2x10000x64xf32, #tpu.memory_space<hbm>> -> memref<1x125x64xf32, #tpu.memory_space<hbm>>
      %dma_start3A_776 = tpu.memref_squeeze %dma_start3A_775 : memref<1x125x64xf32, #tpu.memory_space<hbm>> -> memref<125x64xf32, #tpu.memory_space<hbm>>
      %dma_start3A_777 = arith.constant 0 : i32
      %dma_start3A_778 = tpu.memref_slice %arg4[%arg0, %add3A_747, %dma_start3A_777] : memref<2x10000x64xf32, #tpu.memory_space<hbm>> -> memref<1x125x64xf32, #tpu.memory_space<hbm>>
      %dma_start3A_779 = tpu.memref_squeeze %dma_start3A_778 : memref<1x125x64xf32, #tpu.memory_space<hbm>> -> memref<125x64xf32, #tpu.memory_space<hbm>>
      %dma_start3A_780 = arith.constant 0 : i32
      %dma_start3A_781 = arith.constant 0 : i32
      %dma_start3A_782 = tpu.memref_slice %arg8[%run_scoped3A_748, %dma_start3A_780, %dma_start3A_781] : memref<5x125x64xf32, #tpu.memory_space<vmem>> -> memref<1x125x64xf32, #tpu.memory_space<vmem>>
      %dma_start3A_783 = tpu.memref_squeeze %dma_start3A_782 : memref<1x125x64xf32, #tpu.memory_space<vmem>> -> memref<125x64xf32, #tpu.memory_space<vmem>>
      tpu.enqueue_dma source(%dma_start3A_783 : memref<125x64xf32, #tpu.memory_space<vmem>>) target(%dma_start3A_779 : memref<125x64xf32, #tpu.memory_space<hbm>>) target_semaphore(%run_scoped3A_769 : memref<!tpu.dma_semaphore, #tpu.memory_space<semaphore_mem>>)
      %dma_wait3A_784 = arith.constant 0 : i32
      %dma_wait3A_785 = arith.constant 0 : i32
      %dma_wait3A_786 = tpu.memref_slice %arg8[%run_scoped3A_748, %dma_wait3A_784, %dma_wait3A_785] : memref<5x125x64xf32, #tpu.memory_space<vmem>> -> memref<1x125x64xf32, #tpu.memory_space<vmem>>
      %dma_wait3A_787 = tpu.memref_squeeze %dma_wait3A_786 : memref<1x125x64xf32, #tpu.memory_space<vmem>> -> memref<125x64xf32, #tpu.memory_space<vmem>>
      %dma_wait3A_788 = arith.constant 0 : i32
      %dma_wait3A_789 = tpu.memref_slice %arg4[%arg0, %add3A_747, %dma_wait3A_788] : memref<2x10000x64xf32, #tpu.memory_space<hbm>> -> memref<1x125x64xf32, #tpu.memory_space<hbm>>
      %dma_wait3A_790 = tpu.memref_squeeze %dma_wait3A_789 : memref<1x125x64xf32, #tpu.memory_space<hbm>> -> memref<125x64xf32, #tpu.memory_space<hbm>>
      %dma_wait3A_791 = arith.constant 0 : i32
      %dma_wait3A_792 = tpu.memref_slice %arg4[%arg0, %add3A_747, %dma_wait3A_791] : memref<2x10000x64xf32, #tpu.memory_space<hbm>> -> memref<1x125x64xf32, #tpu.memory_space<hbm>>
      %dma_wait3A_793 = tpu.memref_squeeze %dma_wait3A_792 : memref<1x125x64xf32, #tpu.memory_space<hbm>> -> memref<125x64xf32, #tpu.memory_space<hbm>>
      %dma_wait3A_794 = arith.constant 0 : i32
      %dma_wait3A_795 = arith.constant 0 : i32
      %dma_wait3A_796 = tpu.memref_slice %arg8[%run_scoped3A_748, %dma_wait3A_794, %dma_wait3A_795] : memref<5x125x64xf32, #tpu.memory_space<vmem>> -> memref<1x125x64xf32, #tpu.memory_space<vmem>>
      %dma_wait3A_797 = tpu.memref_squeeze %dma_wait3A_796 : memref<1x125x64xf32, #tpu.memory_space<vmem>> -> memref<125x64xf32, #tpu.memory_space<vmem>>
      tpu.wait_dma2 semaphore(%run_scoped3A_769 : memref<!tpu.dma_semaphore, #tpu.memory_space<semaphore_mem>>) src(%dma_wait3A_797 : memref<125x64xf32, #tpu.memory_space<vmem>>) dst(%dma_wait3A_793 : memref<125x64xf32, #tpu.memory_space<hbm>>)
      tpu.yield
    }) : () -> ()
    %mul3A_749 = arith.constant 625 : i32
    %mul3A_750 = arith.muli %arg1, %mul3A_749 : i32
    %add3A_751 = arith.constant 375 : i32
    %add3A_752 = arith.addi %mul3A_750, %add3A_751 : i32
    %run_scoped3A_753 = arith.constant 0 : i32
    "tpu.region"() ({
      %run_scoped3A_769 = tpu.sem_alloc : memref<!tpu.dma_semaphore, #tpu.memory_space<semaphore_mem>>
      %dma_start3A_770 = arith.constant 0 : i32
      %dma_start3A_771 = arith.constant 0 : i32
      %dma_start3A_772 = tpu.memref_slice %arg8[%run_scoped3A_753, %dma_start3A_770, %dma_start3A_771] : memref<5x125x64xf32, #tpu.memory_space<vmem>> -> memref<1x125x64xf32, #tpu.memory_space<vmem>>
      %dma_start3A_773 = tpu.memref_squeeze %dma_start3A_772 : memref<1x125x64xf32, #tpu.memory_space<vmem>> -> memref<125x64xf32, #tpu.memory_space<vmem>>
      %dma_start3A_774 = arith.constant 0 : i32
      %dma_start3A_775 = tpu.memref_slice %arg5[%add3A_752, %dma_start3A_774] : memref<10000x64xf32, #tpu.memory_space<vmem_shared>> -> memref<125x64xf32, #tpu.memory_space<vmem_shared>>
      %dma_start3A_776 = arith.constant 0 : i32
      %dma_start3A_777 = arith.constant 0 : i32
      %dma_start3A_778 = tpu.memref_slice %arg8[%run_scoped3A_753, %dma_start3A_776, %dma_start3A_777] : memref<5x125x64xf32, #tpu.memory_space<vmem>> -> memref<1x125x64xf32, #tpu.memory_space<vmem>>
      %dma_start3A_779 = tpu.memref_squeeze %dma_start3A_778 : memref<1x125x64xf32, #tpu.memory_space<vmem>> -> memref<125x64xf32, #tpu.memory_space<vmem>>
      %dma_start3A_780 = arith.constant 0 : i32
      %dma_start3A_781 = tpu.memref_slice %arg5[%add3A_752, %dma_start3A_780] : memref<10000x64xf32, #tpu.memory_space<vmem_shared>> -> memref<125x64xf32, #tpu.memory_space<vmem_shared>>
      tpu.enqueue_dma source(%dma_start3A_781 : memref<125x64xf32, #tpu.memory_space<vmem_shared>>) target(%dma_start3A_779 : memref<125x64xf32, #tpu.memory_space<vmem>>) target_semaphore(%run_scoped3A_769 : memref<!tpu.dma_semaphore, #tpu.memory_space<semaphore_mem>>)
      %dma_wait3A_782 = arith.constant 0 : i32
      %dma_wait3A_783 = arith.constant 0 : i32
      %dma_wait3A_784 = tpu.memref_slice %arg8[%run_scoped3A_753, %dma_wait3A_782, %dma_wait3A_783] : memref<5x125x64xf32, #tpu.memory_space<vmem>> -> memref<1x125x64xf32, #tpu.memory_space<vmem>>
      %dma_wait3A_785 = tpu.memref_squeeze %dma_wait3A_784 : memref<1x125x64xf32, #tpu.memory_space<vmem>> -> memref<125x64xf32, #tpu.memory_space<vmem>>
      %dma_wait3A_786 = arith.constant 0 : i32
      %dma_wait3A_787 = tpu.memref_slice %arg5[%add3A_752, %dma_wait3A_786] : memref<10000x64xf32, #tpu.memory_space<vmem_shared>> -> memref<125x64xf32, #tpu.memory_space<vmem_shared>>
      %dma_wait3A_788 = arith.constant 0 : i32
      %dma_wait3A_789 = arith.constant 0 : i32
      %dma_wait3A_790 = tpu.memref_slice %arg8[%run_scoped3A_753, %dma_wait3A_788, %dma_wait3A_789] : memref<5x125x64xf32, #tpu.memory_space<vmem>> -> memref<1x125x64xf32, #tpu.memory_space<vmem>>
      %dma_wait3A_791 = tpu.memref_squeeze %dma_wait3A_790 : memref<1x125x64xf32, #tpu.memory_space<vmem>> -> memref<125x64xf32, #tpu.memory_space<vmem>>
      %dma_wait3A_792 = arith.constant 0 : i32
      %dma_wait3A_793 = tpu.memref_slice %arg5[%add3A_752, %dma_wait3A_792] : memref<10000x64xf32, #tpu.memory_space<vmem_shared>> -> memref<125x64xf32, #tpu.memory_space<vmem_shared>>
      tpu.wait_dma2 semaphore(%run_scoped3A_769 : memref<!tpu.dma_semaphore, #tpu.memory_space<semaphore_mem>>) src(%dma_wait3A_793 : memref<125x64xf32, #tpu.memory_space<vmem_shared>>) dst(%dma_wait3A_791 : memref<125x64xf32, #tpu.memory_space<vmem>>)
      tpu.yield
    }) : () -> ()
    %mul3A_754 = arith.constant 625 : i32
    %mul3A_755 = arith.muli %arg1, %mul3A_754 : i32
    %add3A_756 = arith.constant 375 : i32
    %add3A_757 = arith.addi %mul3A_755, %add3A_756 : i32
    %run_scoped3A_758 = arith.constant 0 : i32
    "tpu.region"() ({
      %run_scoped3A_769 = tpu.sem_alloc : memref<!tpu.dma_semaphore, #tpu.memory_space<semaphore_mem>>
      %dma_start3A_770 = arith.constant 0 : i32
      %dma_start3A_771 = arith.constant 0 : i32
      %dma_start3A_772 = tpu.memref_slice %arg8[%run_scoped3A_758, %dma_start3A_770, %dma_start3A_771] : memref<5x125x64xf32, #tpu.memory_space<vmem>> -> memref<1x125x64xf32, #tpu.memory_space<vmem>>
      %dma_start3A_773 = tpu.memref_squeeze %dma_start3A_772 : memref<1x125x64xf32, #tpu.memory_space<vmem>> -> memref<125x64xf32, #tpu.memory_space<vmem>>
      %dma_start3A_774 = arith.constant 0 : i32
      %dma_start3A_775 = tpu.memref_slice %arg4[%arg0, %add3A_757, %dma_start3A_774] : memref<2x10000x64xf32, #tpu.memory_space<hbm>> -> memref<1x125x64xf32, #tpu.memory_space<hbm>>
      %dma_start3A_776 = tpu.memref_squeeze %dma_start3A_775 : memref<1x125x64xf32, #tpu.memory_space<hbm>> -> memref<125x64xf32, #tpu.memory_space<hbm>>
      %dma_start3A_777 = arith.constant 0 : i32
      %dma_start3A_778 = tpu.memref_slice %arg4[%arg0, %add3A_757, %dma_start3A_777] : memref<2x10000x64xf32, #tpu.memory_space<hbm>> -> memref<1x125x64xf32, #tpu.memory_space<hbm>>
      %dma_start3A_779 = tpu.memref_squeeze %dma_start3A_778 : memref<1x125x64xf32, #tpu.memory_space<hbm>> -> memref<125x64xf32, #tpu.memory_space<hbm>>
      %dma_start3A_780 = arith.constant 0 : i32
      %dma_start3A_781 = arith.constant 0 : i32
      %dma_start3A_782 = tpu.memref_slice %arg8[%run_scoped3A_758, %dma_start3A_780, %dma_start3A_781] : memref<5x125x64xf32, #tpu.memory_space<vmem>> -> memref<1x125x64xf32, #tpu.memory_space<vmem>>
      %dma_start3A_783 = tpu.memref_squeeze %dma_start3A_782 : memref<1x125x64xf32, #tpu.memory_space<vmem>> -> memref<125x64xf32, #tpu.memory_space<vmem>>
      tpu.enqueue_dma source(%dma_start3A_783 : memref<125x64xf32, #tpu.memory_space<vmem>>) target(%dma_start3A_779 : memref<125x64xf32, #tpu.memory_space<hbm>>) target_semaphore(%run_scoped3A_769 : memref<!tpu.dma_semaphore, #tpu.memory_space<semaphore_mem>>)
      %dma_wait3A_784 = arith.constant 0 : i32
      %dma_wait3A_785 = arith.constant 0 : i32
      %dma_wait3A_786 = tpu.memref_slice %arg8[%run_scoped3A_758, %dma_wait3A_784, %dma_wait3A_785] : memref<5x125x64xf32, #tpu.memory_space<vmem>> -> memref<1x125x64xf32, #tpu.memory_space<vmem>>
      %dma_wait3A_787 = tpu.memref_squeeze %dma_wait3A_786 : memref<1x125x64xf32, #tpu.memory_space<vmem>> -> memref<125x64xf32, #tpu.memory_space<vmem>>
      %dma_wait3A_788 = arith.constant 0 : i32
      %dma_wait3A_789 = tpu.memref_slice %arg4[%arg0, %add3A_757, %dma_wait3A_788] : memref<2x10000x64xf32, #tpu.memory_space<hbm>> -> memref<1x125x64xf32, #tpu.memory_space<hbm>>
      %dma_wait3A_790 = tpu.memref_squeeze %dma_wait3A_789 : memref<1x125x64xf32, #tpu.memory_space<hbm>> -> memref<125x64xf32, #tpu.memory_space<hbm>>
      %dma_wait3A_791 = arith.constant 0 : i32
      %dma_wait3A_792 = tpu.memref_slice %arg4[%arg0, %add3A_757, %dma_wait3A_791] : memref<2x10000x64xf32, #tpu.memory_space<hbm>> -> memref<1x125x64xf32, #tpu.memory_space<hbm>>
      %dma_wait3A_793 = tpu.memref_squeeze %dma_wait3A_792 : memref<1x125x64xf32, #tpu.memory_space<hbm>> -> memref<125x64xf32, #tpu.memory_space<hbm>>
      %dma_wait3A_794 = arith.constant 0 : i32
      %dma_wait3A_795 = arith.constant 0 : i32
      %dma_wait3A_796 = tpu.memref_slice %arg8[%run_scoped3A_758, %dma_wait3A_794, %dma_wait3A_795] : memref<5x125x64xf32, #tpu.memory_space<vmem>> -> memref<1x125x64xf32, #tpu.memory_space<vmem>>
      %dma_wait3A_797 = tpu.memref_squeeze %dma_wait3A_796 : memref<1x125x64xf32, #tpu.memory_space<vmem>> -> memref<125x64xf32, #tpu.memory_space<vmem>>
      tpu.wait_dma2 semaphore(%run_scoped3A_769 : memref<!tpu.dma_semaphore, #tpu.memory_space<semaphore_mem>>) src(%dma_wait3A_797 : memref<125x64xf32, #tpu.memory_space<vmem>>) dst(%dma_wait3A_793 : memref<125x64xf32, #tpu.memory_space<hbm>>)
      tpu.yield
    }) : () -> ()
    %mul3A_759 = arith.constant 625 : i32
    %mul3A_760 = arith.muli %arg1, %mul3A_759 : i32
    %add3A_761 = arith.constant 500 : i32
    %add3A_762 = arith.addi %mul3A_760, %add3A_761 : i32
    %run_scoped3A_763 = arith.constant 0 : i32
    "tpu.region"() ({
      %run_scoped3A_769 = tpu.sem_alloc : memref<!tpu.dma_semaphore, #tpu.memory_space<semaphore_mem>>
      %dma_start3A_770 = arith.constant 0 : i32
      %dma_start3A_771 = arith.constant 0 : i32
      %dma_start3A_772 = tpu.memref_slice %arg8[%run_scoped3A_763, %dma_start3A_770, %dma_start3A_771] : memref<5x125x64xf32, #tpu.memory_space<vmem>> -> memref<1x125x64xf32, #tpu.memory_space<vmem>>
      %dma_start3A_773 = tpu.memref_squeeze %dma_start3A_772 : memref<1x125x64xf32, #tpu.memory_space<vmem>> -> memref<125x64xf32, #tpu.memory_space<vmem>>
      %dma_start3A_774 = arith.constant 0 : i32
      %dma_start3A_775 = tpu.memref_slice %arg5[%add3A_762, %dma_start3A_774] : memref<10000x64xf32, #tpu.memory_space<vmem_shared>> -> memref<125x64xf32, #tpu.memory_space<vmem_shared>>
      %dma_start3A_776 = arith.constant 0 : i32
      %dma_start3A_777 = arith.constant 0 : i32
      %dma_start3A_778 = tpu.memref_slice %arg8[%run_scoped3A_763, %dma_start3A_776, %dma_start3A_777] : memref<5x125x64xf32, #tpu.memory_space<vmem>> -> memref<1x125x64xf32, #tpu.memory_space<vmem>>
      %dma_start3A_779 = tpu.memref_squeeze %dma_start3A_778 : memref<1x125x64xf32, #tpu.memory_space<vmem>> -> memref<125x64xf32, #tpu.memory_space<vmem>>
      %dma_start3A_780 = arith.constant 0 : i32
      %dma_start3A_781 = tpu.memref_slice %arg5[%add3A_762, %dma_start3A_780] : memref<10000x64xf32, #tpu.memory_space<vmem_shared>> -> memref<125x64xf32, #tpu.memory_space<vmem_shared>>
      tpu.enqueue_dma source(%dma_start3A_781 : memref<125x64xf32, #tpu.memory_space<vmem_shared>>) target(%dma_start3A_779 : memref<125x64xf32, #tpu.memory_space<vmem>>) target_semaphore(%run_scoped3A_769 : memref<!tpu.dma_semaphore, #tpu.memory_space<semaphore_mem>>)
      %dma_wait3A_782 = arith.constant 0 : i32
      %dma_wait3A_783 = arith.constant 0 : i32
      %dma_wait3A_784 = tpu.memref_slice %arg8[%run_scoped3A_763, %dma_wait3A_782, %dma_wait3A_783] : memref<5x125x64xf32, #tpu.memory_space<vmem>> -> memref<1x125x64xf32, #tpu.memory_space<vmem>>
      %dma_wait3A_785 = tpu.memref_squeeze %dma_wait3A_784 : memref<1x125x64xf32, #tpu.memory_space<vmem>> -> memref<125x64xf32, #tpu.memory_space<vmem>>
      %dma_wait3A_786 = arith.constant 0 : i32
      %dma_wait3A_787 = tpu.memref_slice %arg5[%add3A_762, %dma_wait3A_786] : memref<10000x64xf32, #tpu.memory_space<vmem_shared>> -> memref<125x64xf32, #tpu.memory_space<vmem_shared>>
      %dma_wait3A_788 = arith.constant 0 : i32
      %dma_wait3A_789 = arith.constant 0 : i32
      %dma_wait3A_790 = tpu.memref_slice %arg8[%run_scoped3A_763, %dma_wait3A_788, %dma_wait3A_789] : memref<5x125x64xf32, #tpu.memory_space<vmem>> -> memref<1x125x64xf32, #tpu.memory_space<vmem>>
      %dma_wait3A_791 = tpu.memref_squeeze %dma_wait3A_790 : memref<1x125x64xf32, #tpu.memory_space<vmem>> -> memref<125x64xf32, #tpu.memory_space<vmem>>
      %dma_wait3A_792 = arith.constant 0 : i32
      %dma_wait3A_793 = tpu.memref_slice %arg5[%add3A_762, %dma_wait3A_792] : memref<10000x64xf32, #tpu.memory_space<vmem_shared>> -> memref<125x64xf32, #tpu.memory_space<vmem_shared>>
      tpu.wait_dma2 semaphore(%run_scoped3A_769 : memref<!tpu.dma_semaphore, #tpu.memory_space<semaphore_mem>>) src(%dma_wait3A_793 : memref<125x64xf32, #tpu.memory_space<vmem_shared>>) dst(%dma_wait3A_791 : memref<125x64xf32, #tpu.memory_space<vmem>>)
      tpu.yield
    }) : () -> ()
    %mul3A_764 = arith.constant 625 : i32
    %mul3A_765 = arith.muli %arg1, %mul3A_764 : i32
    %add3A_766 = arith.constant 500 : i32
    %add3A_767 = arith.addi %mul3A_765, %add3A_766 : i32
    %run_scoped3A_768 = arith.constant 0 : i32
    "tpu.region"() ({
      %run_scoped3A_769 = tpu.sem_alloc : memref<!tpu.dma_semaphore, #tpu.memory_space<semaphore_mem>>
      %dma_start3A_770 = arith.constant 0 : i32
      %dma_start3A_771 = arith.constant 0 : i32
      %dma_start3A_772 = tpu.memref_slice %arg8[%run_scoped3A_768, %dma_start3A_770, %dma_start3A_771] : memref<5x125x64xf32, #tpu.memory_space<vmem>> -> memref<1x125x64xf32, #tpu.memory_space<vmem>>
      %dma_start3A_773 = tpu.memref_squeeze %dma_start3A_772 : memref<1x125x64xf32, #tpu.memory_space<vmem>> -> memref<125x64xf32, #tpu.memory_space<vmem>>
      %dma_start3A_774 = arith.constant 0 : i32
      %dma_start3A_775 = tpu.memref_slice %arg4[%arg0, %add3A_767, %dma_start3A_774] : memref<2x10000x64xf32, #tpu.memory_space<hbm>> -> memref<1x125x64xf32, #tpu.memory_space<hbm>>
      %dma_start3A_776 = tpu.memref_squeeze %dma_start3A_775 : memref<1x125x64xf32, #tpu.memory_space<hbm>> -> memref<125x64xf32, #tpu.memory_space<hbm>>
      %dma_start3A_777 = arith.constant 0 : i32
      %dma_start3A_778 = tpu.memref_slice %arg4[%arg0, %add3A_767, %dma_start3A_777] : memref<2x10000x64xf32, #tpu.memory_space<hbm>> -> memref<1x125x64xf32, #tpu.memory_space<hbm>>
      %dma_start3A_779 = tpu.memref_squeeze %dma_start3A_778 : memref<1x125x64xf32, #tpu.memory_space<hbm>> -> memref<125x64xf32, #tpu.memory_space<hbm>>
      %dma_start3A_780 = arith.constant 0 : i32
      %dma_start3A_781 = arith.constant 0 : i32
      %dma_start3A_782 = tpu.memref_slice %arg8[%run_scoped3A_768, %dma_start3A_780, %dma_start3A_781] : memref<5x125x64xf32, #tpu.memory_space<vmem>> -> memref<1x125x64xf32, #tpu.memory_space<vmem>>
      %dma_start3A_783 = tpu.memref_squeeze %dma_start3A_782 : memref<1x125x64xf32, #tpu.memory_space<vmem>> -> memref<125x64xf32, #tpu.memory_space<vmem>>
      tpu.enqueue_dma source(%dma_start3A_783 : memref<125x64xf32, #tpu.memory_space<vmem>>) target(%dma_start3A_779 : memref<125x64xf32, #tpu.memory_space<hbm>>) target_semaphore(%run_scoped3A_769 : memref<!tpu.dma_semaphore, #tpu.memory_space<semaphore_mem>>)
      %dma_wait3A_784 = arith.constant 0 : i32
      %dma_wait3A_785 = arith.constant 0 : i32
      %dma_wait3A_786 = tpu.memref_slice %arg8[%run_scoped3A_768, %dma_wait3A_784, %dma_wait3A_785] : memref<5x125x64xf32, #tpu.memory_space<vmem>> -> memref<1x125x64xf32, #tpu.memory_space<vmem>>
      %dma_wait3A_787 = tpu.memref_squeeze %dma_wait3A_786 : memref<1x125x64xf32, #tpu.memory_space<vmem>> -> memref<125x64xf32, #tpu.memory_space<vmem>>
      %dma_wait3A_788 = arith.constant 0 : i32
      %dma_wait3A_789 = tpu.memref_slice %arg4[%arg0, %add3A_767, %dma_wait3A_788] : memref<2x10000x64xf32, #tpu.memory_space<hbm>> -> memref<1x125x64xf32, #tpu.memory_space<hbm>>
      %dma_wait3A_790 = tpu.memref_squeeze %dma_wait3A_789 : memref<1x125x64xf32, #tpu.memory_space<hbm>> -> memref<125x64xf32, #tpu.memory_space<hbm>>
      %dma_wait3A_791 = arith.constant 0 : i32
      %dma_wait3A_792 = tpu.memref_slice %arg4[%arg0, %add3A_767, %dma_wait3A_791] : memref<2x10000x64xf32, #tpu.memory_space<hbm>> -> memref<1x125x64xf32, #tpu.memory_space<hbm>>
      %dma_wait3A_793 = tpu.memref_squeeze %dma_wait3A_792 : memref<1x125x64xf32, #tpu.memory_space<hbm>> -> memref<125x64xf32, #tpu.memory_space<hbm>>
      %dma_wait3A_794 = arith.constant 0 : i32
      %dma_wait3A_795 = arith.constant 0 : i32
      %dma_wait3A_796 = tpu.memref_slice %arg8[%run_scoped3A_768, %dma_wait3A_794, %dma_wait3A_795] : memref<5x125x64xf32, #tpu.memory_space<vmem>> -> memref<1x125x64xf32, #tpu.memory_space<vmem>>
      %dma_wait3A_797 = tpu.memref_squeeze %dma_wait3A_796 : memref<1x125x64xf32, #tpu.memory_space<vmem>> -> memref<125x64xf32, #tpu.memory_space<vmem>>
      tpu.wait_dma2 semaphore(%run_scoped3A_769 : memref<!tpu.dma_semaphore, #tpu.memory_space<semaphore_mem>>) src(%dma_wait3A_797 : memref<125x64xf32, #tpu.memory_space<vmem>>) dst(%dma_wait3A_793 : memref<125x64xf32, #tpu.memory_space<hbm>>)
      tpu.yield
    }) : () -> ()
    return
  }
}

module attributes {stable_mosaic.version = 14 : i64} {
  func.func @_norm_body(%arg0: memref<32x2x10000xf32, #tpu.memory_space<vmem>>, %arg1: memref<2x10000xf32, #tpu.memory_space<vmem>>) attributes {dimension_semantics = [], scalar_prefetch = 0 : i64, scratch_operands = 0 : i64, tpu.core_type = #tpu.core_type<tc>} {
    %get3A = arith.constant 0 : index
    %get3A_0 = arith.constant 0 : index
    %get3A_1 = arith.constant 0 : index
    %get3A_2 = vector.load %arg0[%get3A, %get3A_0, %get3A_1] : memref<32x2x10000xf32, #tpu.memory_space<vmem>>, vector<1x2x10000xf32>
    %get3A_3 = vector.shape_cast %get3A_2 : vector<1x2x10000xf32> to vector<2x10000xf32>
    %get3A_4 = arith.constant 1 : index
    %get3A_5 = arith.constant 0 : index
    %get3A_6 = arith.constant 0 : index
    %get3A_7 = vector.load %arg0[%get3A_4, %get3A_5, %get3A_6] : memref<32x2x10000xf32, #tpu.memory_space<vmem>>, vector<1x2x10000xf32>
    %get3A_8 = vector.shape_cast %get3A_7 : vector<1x2x10000xf32> to vector<2x10000xf32>
    %add3A = arith.addf %get3A_3, %get3A_8 : vector<2x10000xf32>
    %get3A_9 = arith.constant 2 : index
    %get3A_10 = arith.constant 0 : index
    %get3A_11 = arith.constant 0 : index
    %get3A_12 = vector.load %arg0[%get3A_9, %get3A_10, %get3A_11] : memref<32x2x10000xf32, #tpu.memory_space<vmem>>, vector<1x2x10000xf32>
    %get3A_13 = vector.shape_cast %get3A_12 : vector<1x2x10000xf32> to vector<2x10000xf32>
    %add3A_14 = arith.addf %add3A, %get3A_13 : vector<2x10000xf32>
    %get3A_15 = arith.constant 3 : index
    %get3A_16 = arith.constant 0 : index
    %get3A_17 = arith.constant 0 : index
    %get3A_18 = vector.load %arg0[%get3A_15, %get3A_16, %get3A_17] : memref<32x2x10000xf32, #tpu.memory_space<vmem>>, vector<1x2x10000xf32>
    %get3A_19 = vector.shape_cast %get3A_18 : vector<1x2x10000xf32> to vector<2x10000xf32>
    %add3A_20 = arith.addf %add3A_14, %get3A_19 : vector<2x10000xf32>
    %get3A_21 = arith.constant 4 : index
    %get3A_22 = arith.constant 0 : index
    %get3A_23 = arith.constant 0 : index
    %get3A_24 = vector.load %arg0[%get3A_21, %get3A_22, %get3A_23] : memref<32x2x10000xf32, #tpu.memory_space<vmem>>, vector<1x2x10000xf32>
    %get3A_25 = vector.shape_cast %get3A_24 : vector<1x2x10000xf32> to vector<2x10000xf32>
    %add3A_26 = arith.addf %add3A_20, %get3A_25 : vector<2x10000xf32>
    %get3A_27 = arith.constant 5 : index
    %get3A_28 = arith.constant 0 : index
    %get3A_29 = arith.constant 0 : index
    %get3A_30 = vector.load %arg0[%get3A_27, %get3A_28, %get3A_29] : memref<32x2x10000xf32, #tpu.memory_space<vmem>>, vector<1x2x10000xf32>
    %get3A_31 = vector.shape_cast %get3A_30 : vector<1x2x10000xf32> to vector<2x10000xf32>
    %add3A_32 = arith.addf %add3A_26, %get3A_31 : vector<2x10000xf32>
    %get3A_33 = arith.constant 6 : index
    %get3A_34 = arith.constant 0 : index
    %get3A_35 = arith.constant 0 : index
    %get3A_36 = vector.load %arg0[%get3A_33, %get3A_34, %get3A_35] : memref<32x2x10000xf32, #tpu.memory_space<vmem>>, vector<1x2x10000xf32>
    %get3A_37 = vector.shape_cast %get3A_36 : vector<1x2x10000xf32> to vector<2x10000xf32>
    %add3A_38 = arith.addf %add3A_32, %get3A_37 : vector<2x10000xf32>
    %get3A_39 = arith.constant 7 : index
    %get3A_40 = arith.constant 0 : index
    %get3A_41 = arith.constant 0 : index
    %get3A_42 = vector.load %arg0[%get3A_39, %get3A_40, %get3A_41] : memref<32x2x10000xf32, #tpu.memory_space<vmem>>, vector<1x2x10000xf32>
    %get3A_43 = vector.shape_cast %get3A_42 : vector<1x2x10000xf32> to vector<2x10000xf32>
    %add3A_44 = arith.addf %add3A_38, %get3A_43 : vector<2x10000xf32>
    %get3A_45 = arith.constant 8 : index
    %get3A_46 = arith.constant 0 : index
    %get3A_47 = arith.constant 0 : index
    %get3A_48 = vector.load %arg0[%get3A_45, %get3A_46, %get3A_47] : memref<32x2x10000xf32, #tpu.memory_space<vmem>>, vector<1x2x10000xf32>
    %get3A_49 = vector.shape_cast %get3A_48 : vector<1x2x10000xf32> to vector<2x10000xf32>
    %add3A_50 = arith.addf %add3A_44, %get3A_49 : vector<2x10000xf32>
    %get3A_51 = arith.constant 9 : index
    %get3A_52 = arith.constant 0 : index
    %get3A_53 = arith.constant 0 : index
    %get3A_54 = vector.load %arg0[%get3A_51, %get3A_52, %get3A_53] : memref<32x2x10000xf32, #tpu.memory_space<vmem>>, vector<1x2x10000xf32>
    %get3A_55 = vector.shape_cast %get3A_54 : vector<1x2x10000xf32> to vector<2x10000xf32>
    %add3A_56 = arith.addf %add3A_50, %get3A_55 : vector<2x10000xf32>
    %get3A_57 = arith.constant 10 : index
    %get3A_58 = arith.constant 0 : index
    %get3A_59 = arith.constant 0 : index
    %get3A_60 = vector.load %arg0[%get3A_57, %get3A_58, %get3A_59] : memref<32x2x10000xf32, #tpu.memory_space<vmem>>, vector<1x2x10000xf32>
    %get3A_61 = vector.shape_cast %get3A_60 : vector<1x2x10000xf32> to vector<2x10000xf32>
    %add3A_62 = arith.addf %add3A_56, %get3A_61 : vector<2x10000xf32>
    %get3A_63 = arith.constant 11 : index
    %get3A_64 = arith.constant 0 : index
    %get3A_65 = arith.constant 0 : index
    %get3A_66 = vector.load %arg0[%get3A_63, %get3A_64, %get3A_65] : memref<32x2x10000xf32, #tpu.memory_space<vmem>>, vector<1x2x10000xf32>
    %get3A_67 = vector.shape_cast %get3A_66 : vector<1x2x10000xf32> to vector<2x10000xf32>
    %add3A_68 = arith.addf %add3A_62, %get3A_67 : vector<2x10000xf32>
    %get3A_69 = arith.constant 12 : index
    %get3A_70 = arith.constant 0 : index
    %get3A_71 = arith.constant 0 : index
    %get3A_72 = vector.load %arg0[%get3A_69, %get3A_70, %get3A_71] : memref<32x2x10000xf32, #tpu.memory_space<vmem>>, vector<1x2x10000xf32>
    %get3A_73 = vector.shape_cast %get3A_72 : vector<1x2x10000xf32> to vector<2x10000xf32>
    %add3A_74 = arith.addf %add3A_68, %get3A_73 : vector<2x10000xf32>
    %get3A_75 = arith.constant 13 : index
    %get3A_76 = arith.constant 0 : index
    %get3A_77 = arith.constant 0 : index
    %get3A_78 = vector.load %arg0[%get3A_75, %get3A_76, %get3A_77] : memref<32x2x10000xf32, #tpu.memory_space<vmem>>, vector<1x2x10000xf32>
    %get3A_79 = vector.shape_cast %get3A_78 : vector<1x2x10000xf32> to vector<2x10000xf32>
    %add3A_80 = arith.addf %add3A_74, %get3A_79 : vector<2x10000xf32>
    %get3A_81 = arith.constant 14 : index
    %get3A_82 = arith.constant 0 : index
    %get3A_83 = arith.constant 0 : index
    %get3A_84 = vector.load %arg0[%get3A_81, %get3A_82, %get3A_83] : memref<32x2x10000xf32, #tpu.memory_space<vmem>>, vector<1x2x10000xf32>
    %get3A_85 = vector.shape_cast %get3A_84 : vector<1x2x10000xf32> to vector<2x10000xf32>
    %add3A_86 = arith.addf %add3A_80, %get3A_85 : vector<2x10000xf32>
    %get3A_87 = arith.constant 15 : index
    %get3A_88 = arith.constant 0 : index
    %get3A_89 = arith.constant 0 : index
    %get3A_90 = vector.load %arg0[%get3A_87, %get3A_88, %get3A_89] : memref<32x2x10000xf32, #tpu.memory_space<vmem>>, vector<1x2x10000xf32>
    %get3A_91 = vector.shape_cast %get3A_90 : vector<1x2x10000xf32> to vector<2x10000xf32>
    %add3A_92 = arith.addf %add3A_86, %get3A_91 : vector<2x10000xf32>
    %get3A_93 = arith.constant 16 : index
    %get3A_94 = arith.constant 0 : index
    %get3A_95 = arith.constant 0 : index
    %get3A_96 = vector.load %arg0[%get3A_93, %get3A_94, %get3A_95] : memref<32x2x10000xf32, #tpu.memory_space<vmem>>, vector<1x2x10000xf32>
    %get3A_97 = vector.shape_cast %get3A_96 : vector<1x2x10000xf32> to vector<2x10000xf32>
    %add3A_98 = arith.addf %add3A_92, %get3A_97 : vector<2x10000xf32>
    %get3A_99 = arith.constant 17 : index
    %get3A_100 = arith.constant 0 : index
    %get3A_101 = arith.constant 0 : index
    %get3A_102 = vector.load %arg0[%get3A_99, %get3A_100, %get3A_101] : memref<32x2x10000xf32, #tpu.memory_space<vmem>>, vector<1x2x10000xf32>
    %get3A_103 = vector.shape_cast %get3A_102 : vector<1x2x10000xf32> to vector<2x10000xf32>
    %add3A_104 = arith.addf %add3A_98, %get3A_103 : vector<2x10000xf32>
    %get3A_105 = arith.constant 18 : index
    %get3A_106 = arith.constant 0 : index
    %get3A_107 = arith.constant 0 : index
    %get3A_108 = vector.load %arg0[%get3A_105, %get3A_106, %get3A_107] : memref<32x2x10000xf32, #tpu.memory_space<vmem>>, vector<1x2x10000xf32>
    %get3A_109 = vector.shape_cast %get3A_108 : vector<1x2x10000xf32> to vector<2x10000xf32>
    %add3A_110 = arith.addf %add3A_104, %get3A_109 : vector<2x10000xf32>
    %get3A_111 = arith.constant 19 : index
    %get3A_112 = arith.constant 0 : index
    %get3A_113 = arith.constant 0 : index
    %get3A_114 = vector.load %arg0[%get3A_111, %get3A_112, %get3A_113] : memref<32x2x10000xf32, #tpu.memory_space<vmem>>, vector<1x2x10000xf32>
    %get3A_115 = vector.shape_cast %get3A_114 : vector<1x2x10000xf32> to vector<2x10000xf32>
    %add3A_116 = arith.addf %add3A_110, %get3A_115 : vector<2x10000xf32>
    %get3A_117 = arith.constant 20 : index
    %get3A_118 = arith.constant 0 : index
    %get3A_119 = arith.constant 0 : index
    %get3A_120 = vector.load %arg0[%get3A_117, %get3A_118, %get3A_119] : memref<32x2x10000xf32, #tpu.memory_space<vmem>>, vector<1x2x10000xf32>
    %get3A_121 = vector.shape_cast %get3A_120 : vector<1x2x10000xf32> to vector<2x10000xf32>
    %add3A_122 = arith.addf %add3A_116, %get3A_121 : vector<2x10000xf32>
    %get3A_123 = arith.constant 21 : index
    %get3A_124 = arith.constant 0 : index
    %get3A_125 = arith.constant 0 : index
    %get3A_126 = vector.load %arg0[%get3A_123, %get3A_124, %get3A_125] : memref<32x2x10000xf32, #tpu.memory_space<vmem>>, vector<1x2x10000xf32>
    %get3A_127 = vector.shape_cast %get3A_126 : vector<1x2x10000xf32> to vector<2x10000xf32>
    %add3A_128 = arith.addf %add3A_122, %get3A_127 : vector<2x10000xf32>
    %get3A_129 = arith.constant 22 : index
    %get3A_130 = arith.constant 0 : index
    %get3A_131 = arith.constant 0 : index
    %get3A_132 = vector.load %arg0[%get3A_129, %get3A_130, %get3A_131] : memref<32x2x10000xf32, #tpu.memory_space<vmem>>, vector<1x2x10000xf32>
    %get3A_133 = vector.shape_cast %get3A_132 : vector<1x2x10000xf32> to vector<2x10000xf32>
    %add3A_134 = arith.addf %add3A_128, %get3A_133 : vector<2x10000xf32>
    %get3A_135 = arith.constant 23 : index
    %get3A_136 = arith.constant 0 : index
    %get3A_137 = arith.constant 0 : index
    %get3A_138 = vector.load %arg0[%get3A_135, %get3A_136, %get3A_137] : memref<32x2x10000xf32, #tpu.memory_space<vmem>>, vector<1x2x10000xf32>
    %get3A_139 = vector.shape_cast %get3A_138 : vector<1x2x10000xf32> to vector<2x10000xf32>
    %add3A_140 = arith.addf %add3A_134, %get3A_139 : vector<2x10000xf32>
    %get3A_141 = arith.constant 24 : index
    %get3A_142 = arith.constant 0 : index
    %get3A_143 = arith.constant 0 : index
    %get3A_144 = vector.load %arg0[%get3A_141, %get3A_142, %get3A_143] : memref<32x2x10000xf32, #tpu.memory_space<vmem>>, vector<1x2x10000xf32>
    %get3A_145 = vector.shape_cast %get3A_144 : vector<1x2x10000xf32> to vector<2x10000xf32>
    %add3A_146 = arith.addf %add3A_140, %get3A_145 : vector<2x10000xf32>
    %get3A_147 = arith.constant 25 : index
    %get3A_148 = arith.constant 0 : index
    %get3A_149 = arith.constant 0 : index
    %get3A_150 = vector.load %arg0[%get3A_147, %get3A_148, %get3A_149] : memref<32x2x10000xf32, #tpu.memory_space<vmem>>, vector<1x2x10000xf32>
    %get3A_151 = vector.shape_cast %get3A_150 : vector<1x2x10000xf32> to vector<2x10000xf32>
    %add3A_152 = arith.addf %add3A_146, %get3A_151 : vector<2x10000xf32>
    %get3A_153 = arith.constant 26 : index
    %get3A_154 = arith.constant 0 : index
    %get3A_155 = arith.constant 0 : index
    %get3A_156 = vector.load %arg0[%get3A_153, %get3A_154, %get3A_155] : memref<32x2x10000xf32, #tpu.memory_space<vmem>>, vector<1x2x10000xf32>
    %get3A_157 = vector.shape_cast %get3A_156 : vector<1x2x10000xf32> to vector<2x10000xf32>
    %add3A_158 = arith.addf %add3A_152, %get3A_157 : vector<2x10000xf32>
    %get3A_159 = arith.constant 27 : index
    %get3A_160 = arith.constant 0 : index
    %get3A_161 = arith.constant 0 : index
    %get3A_162 = vector.load %arg0[%get3A_159, %get3A_160, %get3A_161] : memref<32x2x10000xf32, #tpu.memory_space<vmem>>, vector<1x2x10000xf32>
    %get3A_163 = vector.shape_cast %get3A_162 : vector<1x2x10000xf32> to vector<2x10000xf32>
    %add3A_164 = arith.addf %add3A_158, %get3A_163 : vector<2x10000xf32>
    %get3A_165 = arith.constant 28 : index
    %get3A_166 = arith.constant 0 : index
    %get3A_167 = arith.constant 0 : index
    %get3A_168 = vector.load %arg0[%get3A_165, %get3A_166, %get3A_167] : memref<32x2x10000xf32, #tpu.memory_space<vmem>>, vector<1x2x10000xf32>
    %get3A_169 = vector.shape_cast %get3A_168 : vector<1x2x10000xf32> to vector<2x10000xf32>
    %add3A_170 = arith.addf %add3A_164, %get3A_169 : vector<2x10000xf32>
    %get3A_171 = arith.constant 29 : index
    %get3A_172 = arith.constant 0 : index
    %get3A_173 = arith.constant 0 : index
    %get3A_174 = vector.load %arg0[%get3A_171, %get3A_172, %get3A_173] : memref<32x2x10000xf32, #tpu.memory_space<vmem>>, vector<1x2x10000xf32>
    %get3A_175 = vector.shape_cast %get3A_174 : vector<1x2x10000xf32> to vector<2x10000xf32>
    %add3A_176 = arith.addf %add3A_170, %get3A_175 : vector<2x10000xf32>
    %get3A_177 = arith.constant 30 : index
    %get3A_178 = arith.constant 0 : index
    %get3A_179 = arith.constant 0 : index
    %get3A_180 = vector.load %arg0[%get3A_177, %get3A_178, %get3A_179] : memref<32x2x10000xf32, #tpu.memory_space<vmem>>, vector<1x2x10000xf32>
    %get3A_181 = vector.shape_cast %get3A_180 : vector<1x2x10000xf32> to vector<2x10000xf32>
    %add3A_182 = arith.addf %add3A_176, %get3A_181 : vector<2x10000xf32>
    %get3A_183 = arith.constant 31 : index
    %get3A_184 = arith.constant 0 : index
    %get3A_185 = arith.constant 0 : index
    %get3A_186 = vector.load %arg0[%get3A_183, %get3A_184, %get3A_185] : memref<32x2x10000xf32, #tpu.memory_space<vmem>>, vector<1x2x10000xf32>
    %get3A_187 = vector.shape_cast %get3A_186 : vector<1x2x10000xf32> to vector<2x10000xf32>
    %add3A_188 = arith.addf %add3A_182, %get3A_187 : vector<2x10000xf32>
    %max3A = arith.constant 1.000000e+00 : f32
    %max3A_189 = vector.broadcast %max3A : f32 to vector<2x10000xf32>
    %max3A_190 = arith.maximumf %add3A_188, %max3A_189 : vector<2x10000xf32>
    %sqrt3A = math.sqrt %max3A_190 : vector<2x10000xf32>
    %div3A = arith.constant 1.000000e+00 : f32
    %div3A_191 = vector.broadcast %div3A : f32 to vector<2x10000xf32>
    %div3A_192 = arith.divf %div3A_191, %sqrt3A : vector<2x10000xf32>
    %swap3A = arith.constant 0 : index
    %swap3A_193 = arith.constant 0 : index
    %swap3A_194 = vector.load %arg1[%swap3A, %swap3A_193] : memref<2x10000xf32, #tpu.memory_space<vmem>>, vector<2x10000xf32>
    tpu.vector_store %arg1[%swap3A, %swap3A_193], %div3A_192 {strides = array<i32>} : memref<2x10000xf32, #tpu.memory_space<vmem>>, vector<2x10000xf32>,
    return
  }
}

module attributes {stable_mosaic.version = 14 : i64} {
  func.func @_mm1_body(%arg0: memref<10000x128xf32, #tpu.memory_space<vmem>>, %arg1: memref<128x128xf32, #tpu.memory_space<vmem>>, %arg2: memref<2x10000xf32, #tpu.memory_space<vmem>>, %arg3: memref<2x10000x64xf32, #tpu.memory_space<vmem>>) attributes {dimension_semantics = [], scalar_prefetch = 0 : i64, scratch_operands = 0 : i64, tpu.core_type = #tpu.core_type<tc>} {
    %get3A = arith.constant 0 : index
    %get3A_0 = arith.constant 0 : index
    %get3A_1 = vector.load %arg2[%get3A, %get3A_0] : memref<2x10000xf32, #tpu.memory_space<vmem>>, vector<1x10000xf32>
    %transpose3A = tpu.transpose %get3A_1, [1, 0] : vector<1x10000xf32> -> vector<10000x1xf32>
    %get3A_2 = arith.constant 0 : index
    %get3A_3 = arith.constant 0 : index
    %get3A_4 = vector.load %arg0[%get3A_2, %get3A_3] : memref<10000x128xf32, #tpu.memory_space<vmem>>, vector<10000x128xf32>
    %get3A_5 = arith.constant 0 : index
    %get3A_6 = arith.constant 0 : index
    %get3A_7 = vector.load %arg1[%get3A_5, %get3A_6] : memref<128x128xf32, #tpu.memory_space<vmem>>, vector<128x128xf32>
    %dot_general3A = arith.constant dense<0.000000e+00> : vector<10000x128xf32>
    %dot_general3A_8 = tpu.matmul %get3A_4, %get3A_7, %dot_general3A {dimension_numbers = #tpu.dot_dimension_numbers<[1], [0], [0], [1], [0, 0, 1, 1], [], []>, precision = #tpu.contract_precision<fp32>, transpose_lhs_hint = false} : vector<10000x128xf32>, vector<128x128xf32>, vector<10000x128xf32> -> vector<10000x128xf32>
    %mul3A = vector.broadcast %transpose3A : vector<10000x1xf32> to vector<10000x128xf32>
    %mul3A_9 = arith.mulf %dot_general3A_8, %mul3A : vector<10000x128xf32>
    %slice3A = vector.extract_strided_slice %mul3A_9 {offsets = [0, 0], sizes = [10000, 64], strides = [1, 1]} : vector<10000x128xf32> to vector<10000x64xf32>
    %swap3A = arith.constant 0 : index
    %swap3A_10 = arith.constant 0 : index
    %swap3A_11 = arith.constant 0 : index
    %swap3A_12 = vector.load %arg3[%swap3A, %swap3A_10, %swap3A_11] : memref<2x10000x64xf32, #tpu.memory_space<vmem>>, vector<1x10000x64xf32>
    %swap3A_13 = vector.shape_cast %swap3A_12 : vector<1x10000x64xf32> to vector<10000x64xf32>
    %swap3A_14 = vector.shape_cast %slice3A : vector<10000x64xf32> to vector<1x10000x64xf32>
    tpu.vector_store %arg3[%swap3A, %swap3A_10, %swap3A_11], %swap3A_14 {strides = array<i32>} : memref<2x10000x64xf32, #tpu.memory_space<vmem>>, vector<1x10000x64xf32>,
    %slice3A_15 = vector.extract_strided_slice %mul3A_9 {offsets = [0, 64], sizes = [10000, 64], strides = [1, 1]} : vector<10000x128xf32> to vector<10000x64xf32>
    %swap3A_16 = arith.constant 1 : index
    %swap3A_17 = arith.constant 0 : index
    %swap3A_18 = arith.constant 0 : index
    %swap3A_19 = vector.load %arg3[%swap3A_16, %swap3A_17, %swap3A_18] : memref<2x10000x64xf32, #tpu.memory_space<vmem>>, vector<1x10000x64xf32>
    %swap3A_20 = vector.shape_cast %swap3A_19 : vector<1x10000x64xf32> to vector<10000x64xf32>
    %swap3A_21 = vector.shape_cast %slice3A_15 : vector<10000x64xf32> to vector<1x10000x64xf32>
    tpu.vector_store %arg3[%swap3A_16, %swap3A_17, %swap3A_18], %swap3A_21 {strides = array<i32>} : memref<2x10000x64xf32, #tpu.memory_space<vmem>>, vector<1x10000x64xf32>,
    return
  }
}

module attributes {stable_mosaic.version = 14 : i64} {
  func.func @_tcb_body(%arg0: memref<2x10000x64xf32, #tpu.memory_space<vmem>>, %arg1: memref<2x10000xf32, #tpu.memory_space<vmem>>, %arg2: memref<1x128xf32, #tpu.memory_space<vmem>>, %arg3: memref<128x128xf32, #tpu.memory_space<vmem>>, %arg4: memref<2x10000x64xf32, #tpu.memory_space<vmem>>) attributes {dimension_semantics = [], scalar_prefetch = 0 : i64, scratch_operands = 0 : i64, tpu.core_type = #tpu.core_type<tc>} {
    %get3A = arith.constant 0 : index
    %get3A_0 = arith.constant 0 : index
    %get3A_1 = vector.load %arg1[%get3A, %get3A_0] : memref<2x10000xf32, #tpu.memory_space<vmem>>, vector<1x10000xf32>
    %transpose3A = tpu.transpose %get3A_1, [1, 0] : vector<1x10000xf32> -> vector<10000x1xf32>
    %get3A_2 = arith.constant 1 : index
    %get3A_3 = arith.constant 0 : index
    %get3A_4 = vector.load %arg1[%get3A_2, %get3A_3] : memref<2x10000xf32, #tpu.memory_space<vmem>>, vector<1x10000xf32>
    %transpose3A_5 = tpu.transpose %get3A_4, [1, 0] : vector<1x10000xf32> -> vector<10000x1xf32>
    %get3A_6 = arith.constant 0 : index
    %get3A_7 = arith.constant 0 : index
    %get3A_8 = arith.constant 0 : index
    %get3A_9 = vector.load %arg0[%get3A_6, %get3A_7, %get3A_8] : memref<2x10000x64xf32, #tpu.memory_space<vmem>>, vector<1x10000x64xf32>
    %get3A_10 = vector.shape_cast %get3A_9 : vector<1x10000x64xf32> to vector<10000x64xf32>
    %get3A_11 = arith.constant 1 : index
    %get3A_12 = arith.constant 0 : index
    %get3A_13 = arith.constant 0 : index
    %get3A_14 = vector.load %arg0[%get3A_11, %get3A_12, %get3A_13] : memref<2x10000x64xf32, #tpu.memory_space<vmem>>, vector<1x10000x64xf32>
    %get3A_15 = vector.shape_cast %get3A_14 : vector<1x10000x64xf32> to vector<10000x64xf32>
    %concatenate3A = tpu.concatenate %get3A_10, %get3A_15 in 1 : vector<10000x64xf32>, vector<10000x64xf32> -> vector<10000x128xf32>
    %mul3A = vector.broadcast %transpose3A_5 : vector<10000x1xf32> to vector<10000x128xf32>
    %mul3A_16 = arith.mulf %concatenate3A, %mul3A : vector<10000x128xf32>
    %get3A_17 = arith.constant 0 : index
    %get3A_18 = arith.constant 0 : index
    %get3A_19 = vector.load %arg2[%get3A_17, %get3A_18] : memref<1x128xf32, #tpu.memory_space<vmem>>, vector<1x128xf32>
    %add3A = vector.broadcast %get3A_19 : vector<1x128xf32> to vector<10000x128xf32>
    %add3A_20 = arith.addf %mul3A_16, %add3A : vector<10000x128xf32>
    %max3A = arith.constant 0.000000e+00 : f32
    %max3A_21 = vector.broadcast %max3A : f32 to vector<10000x128xf32>
    %max3A_22 = arith.maximumf %add3A_20, %max3A_21 : vector<10000x128xf32>
    %get3A_23 = arith.constant 0 : index
    %get3A_24 = arith.constant 0 : index
    %get3A_25 = vector.load %arg3[%get3A_23, %get3A_24] : memref<128x128xf32, #tpu.memory_space<vmem>>, vector<128x128xf32>
    %dot_general3A = arith.constant dense<0.000000e+00> : vector<10000x128xf32>
    %dot_general3A_26 = tpu.matmul %max3A_22, %get3A_25, %dot_general3A {dimension_numbers = #tpu.dot_dimension_numbers<[1], [0], [0], [1], [0, 0, 1, 1], [], []>, precision = #tpu.contract_precision<fp32>, transpose_lhs_hint = false} : vector<10000x128xf32>, vector<128x128xf32>, vector<10000x128xf32> -> vector<10000x128xf32>
    %mul3A_27 = vector.broadcast %transpose3A : vector<10000x1xf32> to vector<10000x128xf32>
    %mul3A_28 = arith.mulf %dot_general3A_26, %mul3A_27 : vector<10000x128xf32>
    %slice3A = vector.extract_strided_slice %mul3A_28 {offsets = [0, 0], sizes = [10000, 64], strides = [1, 1]} : vector<10000x128xf32> to vector<10000x64xf32>
    %swap3A = arith.constant 0 : index
    %swap3A_29 = arith.constant 0 : index
    %swap3A_30 = arith.constant 0 : index
    %swap3A_31 = vector.load %arg4[%swap3A, %swap3A_29, %swap3A_30] : memref<2x10000x64xf32, #tpu.memory_space<vmem>>, vector<1x10000x64xf32>
    %swap3A_32 = vector.shape_cast %swap3A_31 : vector<1x10000x64xf32> to vector<10000x64xf32>
    %swap3A_33 = vector.shape_cast %slice3A : vector<10000x64xf32> to vector<1x10000x64xf32>
    tpu.vector_store %arg4[%swap3A, %swap3A_29, %swap3A_30], %swap3A_33 {strides = array<i32>} : memref<2x10000x64xf32, #tpu.memory_space<vmem>>, vector<1x10000x64xf32>,
    %slice3A_34 = vector.extract_strided_slice %mul3A_28 {offsets = [0, 64], sizes = [10000, 64], strides = [1, 1]} : vector<10000x128xf32> to vector<10000x64xf32>
    %swap3A_35 = arith.constant 1 : index
    %swap3A_36 = arith.constant 0 : index
    %swap3A_37 = arith.constant 0 : index
    %swap3A_38 = vector.load %arg4[%swap3A_35, %swap3A_36, %swap3A_37] : memref<2x10000x64xf32, #tpu.memory_space<vmem>>, vector<1x10000x64xf32>
    %swap3A_39 = vector.shape_cast %swap3A_38 : vector<1x10000x64xf32> to vector<10000x64xf32>
    %swap3A_40 = vector.shape_cast %slice3A_34 : vector<10000x64xf32> to vector<1x10000x64xf32>
    tpu.vector_store %arg4[%swap3A_35, %swap3A_36, %swap3A_37], %swap3A_40 {strides = array<i32>} : memref<2x10000x64xf32, #tpu.memory_space<vmem>>, vector<1x10000x64xf32>,
    return
  }
}

module attributes {stable_mosaic.version = 14 : i64} {
  func.func @_tcc_body(%arg0: memref<2x10000x64xf32, #tpu.memory_space<vmem>>, %arg1: memref<2x10000xf32, #tpu.memory_space<vmem>>, %arg2: memref<1x128xf32, #tpu.memory_space<vmem>>, %arg3: memref<128x128xf32, #tpu.memory_space<vmem>>, %arg4: memref<1x128xf32, #tpu.memory_space<vmem>>, %arg5: memref<128x128xf32, #tpu.memory_space<vmem>>, %arg6: memref<1x128xf32, #tpu.memory_space<vmem>>, %arg7: memref<128x1xf32, #tpu.memory_space<vmem>>, %arg8: memref<1x1xf32, #tpu.memory_space<vmem>>, %arg9: memref<1x1xf32, #tpu.memory_space<vmem>>) attributes {dimension_semantics = [], scalar_prefetch = 0 : i64, scratch_operands = 0 : i64, tpu.core_type = #tpu.core_type<tc>} {
    %get3A = arith.constant 1 : index
    %get3A_0 = arith.constant 0 : index
    %get3A_1 = vector.load %arg1[%get3A, %get3A_0] : memref<2x10000xf32, #tpu.memory_space<vmem>>, vector<1x10000xf32>
    %transpose3A = tpu.transpose %get3A_1, [1, 0] : vector<1x10000xf32> -> vector<10000x1xf32>
    %get3A_2 = arith.constant 0 : index
    %get3A_3 = arith.constant 0 : index
    %get3A_4 = arith.constant 0 : index
    %get3A_5 = vector.load %arg0[%get3A_2, %get3A_3, %get3A_4] : memref<2x10000x64xf32, #tpu.memory_space<vmem>>, vector<1x10000x64xf32>
    %get3A_6 = vector.shape_cast %get3A_5 : vector<1x10000x64xf32> to vector<10000x64xf32>
    %get3A_7 = arith.constant 1 : index
    %get3A_8 = arith.constant 0 : index
    %get3A_9 = arith.constant 0 : index
    %get3A_10 = vector.load %arg0[%get3A_7, %get3A_8, %get3A_9] : memref<2x10000x64xf32, #tpu.memory_space<vmem>>, vector<1x10000x64xf32>
    %get3A_11 = vector.shape_cast %get3A_10 : vector<1x10000x64xf32> to vector<10000x64xf32>
    %concatenate3A = tpu.concatenate %get3A_6, %get3A_11 in 1 : vector<10000x64xf32>, vector<10000x64xf32> -> vector<10000x128xf32>
    %mul3A = vector.broadcast %transpose3A : vector<10000x1xf32> to vector<10000x128xf32>
    %mul3A_12 = arith.mulf %concatenate3A, %mul3A : vector<10000x128xf32>
    %get3A_13 = arith.constant 0 : index
    %get3A_14 = arith.constant 0 : index
    %get3A_15 = vector.load %arg2[%get3A_13, %get3A_14] : memref<1x128xf32, #tpu.memory_space<vmem>>, vector<1x128xf32>
    %add3A = vector.broadcast %get3A_15 : vector<1x128xf32> to vector<10000x128xf32>
    %add3A_16 = arith.addf %mul3A_12, %add3A : vector<10000x128xf32>
    %max3A = arith.constant 0.000000e+00 : f32
    %max3A_17 = vector.broadcast %max3A : f32 to vector<10000x128xf32>
    %max3A_18 = arith.maximumf %add3A_16, %max3A_17 : vector<10000x128xf32>
    %reduce_sum3A = arith.constant dense<0.000000e+00> : vector<128xf32>
    %reduce_sum3A_19 = vector.multi_reduction <add>, %max3A_18, %reduce_sum3A [0] : vector<10000x128xf32> to vector<128xf32>
    %broadcast_in_dim3A = vector.shape_cast %reduce_sum3A_19 : vector<128xf32> to vector<1x128xf32>
    %div3A = arith.constant 1.000000e+04 : f32
    %div3A_20 = vector.broadcast %div3A : f32 to vector<1x128xf32>
    %div3A_21 = arith.divf %broadcast_in_dim3A, %div3A_20 : vector<1x128xf32>
    %get3A_22 = arith.constant 0 : index
    %get3A_23 = arith.constant 0 : index
    %get3A_24 = vector.load %arg3[%get3A_22, %get3A_23] : memref<128x128xf32, #tpu.memory_space<vmem>>, vector<128x128xf32>
    %dot_general3A = arith.constant dense<0.000000e+00> : vector<1x128xf32>
    %dot_general3A_25 = tpu.matmul %div3A_21, %get3A_24, %dot_general3A {dimension_numbers = #tpu.dot_dimension_numbers<[1], [0], [0], [1], [0, 0, 1, 1], [], []>, precision = #tpu.contract_precision<fp32>, transpose_lhs_hint = false} : vector<1x128xf32>, vector<128x128xf32>, vector<1x128xf32> -> vector<1x128xf32>
    %get3A_26 = arith.constant 0 : index
    %get3A_27 = arith.constant 0 : index
    %get3A_28 = vector.load %arg4[%get3A_26, %get3A_27] : memref<1x128xf32, #tpu.memory_space<vmem>>, vector<1x128xf32>
    %add3A_29 = arith.addf %dot_general3A_25, %get3A_28 : vector<1x128xf32>
    %max3A_30 = arith.constant 0.000000e+00 : f32
    %max3A_31 = vector.broadcast %max3A_30 : f32 to vector<1x128xf32>
    %max3A_32 = arith.maximumf %add3A_29, %max3A_31 : vector<1x128xf32>
    %get3A_33 = arith.constant 0 : index
    %get3A_34 = arith.constant 0 : index
    %get3A_35 = vector.load %arg5[%get3A_33, %get3A_34] : memref<128x128xf32, #tpu.memory_space<vmem>>, vector<128x128xf32>
    %dot_general3A_36 = arith.constant dense<0.000000e+00> : vector<1x128xf32>
    %dot_general3A_37 = tpu.matmul %max3A_32, %get3A_35, %dot_general3A_36 {dimension_numbers = #tpu.dot_dimension_numbers<[1], [0], [0], [1], [0, 0, 1, 1], [], []>, precision = #tpu.contract_precision<fp32>, transpose_lhs_hint = false} : vector<1x128xf32>, vector<128x128xf32>, vector<1x128xf32> -> vector<1x128xf32>
    %get3A_38 = arith.constant 0 : index
    %get3A_39 = arith.constant 0 : index
    %get3A_40 = vector.load %arg6[%get3A_38, %get3A_39] : memref<1x128xf32, #tpu.memory_space<vmem>>, vector<1x128xf32>
    %add3A_41 = arith.addf %dot_general3A_37, %get3A_40 : vector<1x128xf32>
    %max3A_42 = arith.constant 0.000000e+00 : f32
    %max3A_43 = vector.broadcast %max3A_42 : f32 to vector<1x128xf32>
    %max3A_44 = arith.maximumf %add3A_41, %max3A_43 : vector<1x128xf32>
    %get3A_45 = arith.constant 0 : index
    %get3A_46 = arith.constant 0 : index
    %get3A_47 = vector.load %arg7[%get3A_45, %get3A_46] : memref<128x1xf32, #tpu.memory_space<vmem>>, vector<128x1xf32>
    %dot_general3A_48 = arith.constant dense<0.000000e+00> : vector<1x1xf32>
    %dot_general3A_49 = tpu.matmul %max3A_44, %get3A_47, %dot_general3A_48 {dimension_numbers = #tpu.dot_dimension_numbers<[1], [0], [0], [1], [0, 0, 1, 1], [], []>, precision = #tpu.contract_precision<fp32>, transpose_lhs_hint = false} : vector<1x128xf32>, vector<128x1xf32>, vector<1x1xf32> -> vector<1x1xf32>
    %get3A_50 = arith.constant 0 : index
    %get3A_51 = arith.constant 0 : index
    %get3A_52 = vector.load %arg8[%get3A_50, %get3A_51] : memref<1x1xf32, #tpu.memory_space<vmem>>, vector<1x1xf32>
    %add3A_53 = arith.addf %dot_general3A_49, %get3A_52 : vector<1x1xf32>
    %swap3A = arith.constant 0 : index
    %swap3A_54 = arith.constant 0 : index
    %swap3A_55 = vector.load %arg9[%swap3A, %swap3A_54] : memref<1x1xf32, #tpu.memory_space<vmem>>, vector<1x1xf32>
    tpu.vector_store %arg9[%swap3A, %swap3A_54], %add3A_53 {strides = array<i32>} : memref<1x1xf32, #tpu.memory_space<vmem>>, vector<1x1xf32>,
    return
  }
}

</mosaic_0001>

<sc_bundles>
// kernel: kernel.12.cloned.1.call-start
scs
__scs_entry_jumppad:
0x0: {  	(pc) =	sbr.rel $0x88, $3  }
0x1: {  	(tag) =	ssettag $0x0;
	lr =	simm.s32 $0x1  }
0x2: {  	[smem:$0x3F95] =	sst lr;
	_ =	strace $0xD0000000  }
0x3: {  	_ = 	snop  }
0x4: {  	_ = 	snop  }
0x5: {  	_ = 	snop  }
0x6: {  	_ = 	snop  }
0x7: {  	_ = 	snop  }
__scs_overlays_trampoline_lowered:
0x8: {  	[smem:$0x3FA4] =	sst s0  }
0x9: {  	[smem:$0x3FA5] =	sst s1  }
0xa: {  	[smem:$0x3FA6] =	sst s2  }
0xb: {  	[smem:$0x3FA7] =	sst s3  }
0xc: {  	[smem:$0x3FA8] =	sst s4  }
0xd: {  	[smem:$0x3FA9] =	sst s5  }
0xe: {  	[smem:$0x3FAA] =	sst s6  }
0xf: {  	[smem:$0x3FAB] =	sst s7  }
0x10: {  	[smem:$0x3FAC] =	sst s8  }
0x11: {  	[smem:$0x3FAD] =	sst s9;
	s0 =	simm.s32 @!p0 $0x0  }
0x12: {  	s1 =	sld [smem:$0x3F93];
	s0 =	simm.s32 @p0 $0x1  }
0x13: {  	[smem:$0x3FAE] =	sst s0;
	s0 =	simm.s32 @!p1 $0x0  }
0x14: {  	s2 =	sld [smem:$0x3F92];
	s0 =	simm.s32 @p1 $0x1  }
0x15: {  	[smem:$0x3FAF] =	sst s0;
	s0 =	simm.s32 @!p2 $0x0  }
0x16: {  	s3 =	sld [smem:$0x3FDB];
	s0 =	simm.s32 @p2 $0x1  }
0x17: {  	s4 =	simm.s32 $0x1BF5;
	[smem:$0x3FB1] =	sst s0  }
0x18: {  	s0 =	sld [smem:$0x3F94];
	_ =	swait.ge [sflag:s4], $0x0  }
0x19: {  	s7 =	sld [smem:$0x3F95]  }
0x1a: {  	s8 =	sadd.s32 $0xFFFFE003, lr  }
0x1b: {  	s9 =	sadd.s32 $0xFFFFFEF7, lr;
	s5 =	simm.s32 $0xFFFFFFFF;
	p2 =	slt.u32 s8, $0xFFFFF086  }
0x1c: {  	p1 =	slt.u32 s9, $0xF7A;
	s5 =	simm.s32 @!p2 $0x0  }
0x1d: {  	s5 =	simm.s32 @p1 $0x1;
	p0 =	seq.s32 s7, s2  }
0x1e: {  	s7 =	smul.u32 @!p0 $0xF7A, s2;
	p2 =	seq.s32 @!p0 s5, $0x0  }
0x1f: {  	s9 =	smul.u32 $0xF7A, s1;
	s8 =	simm.s32 @!p0 $0x1BF5;
	p2 =	por !p2, p0  }
0x20: {  	[sflag:s8] =	ssyncset.s32 @!p0 $0xFFFFF086;
	s6 =	sadd.s32 @!p0 s3, s7;
	s7 =	simm.s32 @!p0 $0x108  }
0x21: {  	s3 =	sadd.s32 s3, s9;
	s6 =	sadd.s32 @!p0 $0x88, s6;
	s7 =	simm.s32 @p2 $0x1082  }
0x22: {  	[simem:s7], [sflag:s8] =	dma.local @!p0 [hbm:s6], $0xF7A  }
0x23: {  	s9 =	sor.u32 $0xD0000000, s2;
	s6 =	simm.s32 $0x108;
	_ =	swait.ge @!p0 [sflag:s8], $0x0  }
0x24: {  	s3 =	sadd.s32 $0x88, s3;
	s6 =	simm.s32 @!p1 $0x1082;
	[sflag:s4] =	ssyncset.s32 $0xFFFFF086  }
0x25: {  	[simem:s6], [sflag:s4] =	dma.local [hbm:s3], $0xF7A  }
0x26: {  	[smem:$0x3F95] =	sst s1;
	(tag) =	ssettag s2;
	_ =	strace s9  }
0x27: {  	s1 =	sld [smem:$0x3FA5]  }
0x28: {  	s2 =	sld [smem:$0x3FA6]  }
0x29: {  	s4 =	sld [smem:$0x3FA8]  }
0x2a: {  	p0 =	seq.s32 s5, $0x0;
	s5 =	sld [smem:$0x3FA9]  }
0x2b: {  	s6 =	sld [smem:$0x3FAA]  }
0x2c: {  	s7 =	sld [smem:$0x3FAB]  }
0x2d: {  	s3 =	simm.s32 $0x108;
	s8 =	sld [smem:$0x3FAC]  }
0x2e: {  	s3 =	simm.s32 @!p0 $0x1082;
	s9 =	sld [smem:$0x3FAD]  }
0x2f: {  	lr =	sadd.s32 s0, s3;
	s0 =	sld [smem:$0x3FA4]  }
0x30: {  	s3 =	sld [smem:$0x3FA7]  }
0x31: {  	[smem:$0x3FB0] =	sst s10  }
0x32: {  	s10 =	sld [smem:$0x3FAE];
	_ =	sdelay $0x3  }
0x33: {  	p0 =	seq.s32 s10, $0x1;
	s10 =	sld [smem:$0x3FB0];
	_ =	sdelay $0x3  }
0x34: {  	[smem:$0x3FB0] =	sst s10  }
0x35: {  	s10 =	sld [smem:$0x3FAF];
	_ =	sdelay $0x3  }
0x36: {  	p1 =	seq.s32 s10, $0x1;
	s10 =	sld [smem:$0x3FB0];
	_ =	sdelay $0x3  }
0x37: {  	[smem:$0x3FB0] =	sst s10  }
0x38: {  	s10 =	sld [smem:$0x3FB1]  }
0x39: {  	_ = 	snop;
	(pc) =	sbr.ind lr, $3  }
0x3a: {  	_ = 	snop  }
0x3b: {  	_ = 	snop  }
0x3c: {  	p2 =	seq.s32 s10, $0x1;
	s10 =	sld [smem:$0x3FB0]  }
0x3d: {  	_ =	shalt  }
0x3e: {  	_ =	shalt  }
0x3f: {  	_ =	shalt  }
0x40: {  	_ =	shalt  }
0x41: {  	_ =	shalt  }
0x42: {  	_ =	shalt  }
0x43: {  	_ =	shalt  }
0x44: {  	_ =	shalt  }
0x45: {  	_ =	shalt  }
0x46: {  	_ =	shalt  }
0x47: {  	_ =	shalt  }
0x48: {  	_ =	shalt  }
0x49: {  	_ =	shalt  }
0x4a: {  	_ =	shalt  }
0x4b: {  	_ =	shalt  }
0x4c: {  	_ =	shalt  }
0x4d: {  	_ =	shalt  }
0x4e: {  	_ =	shalt  }
0x4f: {  	_ =	shalt  }
0x50: {  	_ =	shalt  }
0x51: {  	_ =	shalt  }
0x52: {  	_ =	shalt  }
0x53: {  	_ =	shalt  }
0x54: {  	_ =	shalt  }
0x55: {  	_ =	shalt  }
0x56: {  	_ =	shalt  }
0x57: {  	_ =	shalt  }
0x58: {  	_ =	shalt  }
0x59: {  	_ =	shalt  }
0x5a: {  	_ =	shalt  }
0x5b: {  	_ =	shalt  }
0x5c: {  	_ =	shalt  }
0x5d: {  	_ =	shalt  }
0x5e: {  	_ =	shalt  }
0x5f: {  	_ =	shalt  }
0x60: {  	_ =	shalt  }
0x61: {  	_ =	shalt  }
0x62: {  	_ =	shalt  }
0x63: {  	_ =	shalt  }
0x64: {  	_ =	shalt  }
0x65: {  	_ =	shalt  }
0x66: {  	_ =	shalt  }
0x67: {  	_ =	shalt  }
0x68: {  	_ =	shalt  }
0x69: {  	_ =	shalt  }
0x6a: {  	_ =	shalt  }
0x6b: {  	_ =	shalt  }
0x6c: {  	_ =	shalt  }
0x6d: {  	_ =	shalt  }
0x6e: {  	_ =	shalt  }
0x6f: {  	_ =	shalt  }
0x70: {  	_ =	shalt  }
0x71: {  	_ =	shalt  }
0x72: {  	_ =	shalt  }
0x73: {  	_ =	shalt  }
0x74: {  	_ =	shalt  }
0x75: {  	_ =	shalt  }
0x76: {  	_ =	shalt  }
0x77: {  	_ =	shalt  }
0x78: {  	_ =	shalt  }
0x79: {  	_ =	shalt  }
0x7a: {  	_ =	shalt  }
0x7b: {  	_ =	shalt  }
0x7c: {  	_ =	shalt  }
0x7d: {  	_ =	shalt  }
0x7e: {  	_ =	shalt  }
0x7f: {  	_ =	shalt  }
0x80: {  	_ =	shalt  }
0x81: {  	_ =	shalt  }
0x82: {  	_ =	shalt  }
0x83: {  	_ =	shalt  }
0x84: {  	_ =	shalt  }
0x85: {  	_ =	shalt  }
0x86: {  	_ =	shalt  }
0x87: {  	_ =	shalt  }
.Lfunc_end0:
.L_simem_size_0:
called_computation.1_lowered:
.L_overlay_start_0:
0x88: {  	s2 =	sld [smem:$0x3FD9]  }
0x89: {  	s3 =	sld [smem:$0x3FFE];
	_ =	sdelay $0x1  }
0x8a: {  	s1 =	srdreg.scid  }
0x8b: {  	s0 =	sand.u32 $0x1, s1  }
0x8c: {  	s16 =	sshll.u32 s0, $0xA;
	s2 =	sadd.s32 s3, s2  }
0x8d: {  	s2 =	sadd.s32 s2, s16  }
0x8e: {  	[smem:$0x3FBC] =	sst s2  }
0x8f: {  	_ = 	snop  }
0x90: {  	(tm) =	ssettm $0x1  }
0x91: {  	s17 =	sld [smem:$0x3FFB];
	_ =	sdelay $0x3  }
0x92: {  	_ =	strace s17  }
0x93: {  	s2 =	sld [smem:$0x3FFC];
	_ =	sdelay $0x3  }
0x94: {  	_ =	strace s2  }
0x95: {  	s2 =	sld [smem:$0x3FFD];
	_ =	sdelay $0x3  }
0x96: {  	_ =	strace s2  }
0x97: {  	_ =	strace $0x8FFFFFFF  }
0x98: {  	s18 =	sld [smem:$0x3FDB];
	_ =	sdelay $0x1  }
0x99: {  	s19 =	simm.s32 $_scs_section_size  }
0x9a: {  	s4 =	simm.s32 $_size__tile_overlayer_lowered;
	s5 =	simm.s32 $_tile_overlayer_lowered  }
0x9b: {  	s22 =	simm.s32 $0x1BFF;
	s21 =	sshll.u32 s5, $0x1;
	s2 =	sadd.s32 s19, s18  }
0x9c: {  	s6 =	simm.s32 $0x0;
	s20 =	sshll.u32 s4, $0x1;
	s4 =	sadd.s32 s21, s2  }
0x9d: {  	[timem:s6], [sflag:s22] =	dma.local [hbm:s4], s20  }
0x9e: {  	_ =	swait.ge [sflag:s22], s20  }
0x9f: {  	s3 =	ssub.s32 $0x0, s20;
	[sflag:s22] =	ssyncset.done $0x0  }
0xa0: {  	[sflag:s22] =	ssyncadd.s32 s3;
	_ =	sdelay $0x1  }
0xa1: {  	s23 =	simm.s32 $0x1B8B  }
0xa2: {  	_ =	swait.ge [sflag:s23], $0x1  }
0xa3: {  	[sflag:s23] =	ssyncset.done $0x0  }
0xa4: {  	s25 =	simm.s32 $0x1B8E;
	s24 =	sld [smem:$0x3FFE];
	[sflag:s23] =	ssyncadd.s32 $0xFFFFFFFF  }
0xa5: {  	s26 =	simm.s32 $execute0_lowered;
	[smem:$0x3FD2] =	sst s25  }
0xa6: {  	s4 =	sshll.u32 s26, $0x1;
	_ =	strace $0x80000049;
	[dreg:$0x1] =	wrdreg $0xFFFFFFFF  }
0xa7: {  	s28 =	simm.s32 $_size_execute0_lowered;
	s2 =	sadd.s32 s2, s4;
	[dreg:$0x0] =	wrdreg $0x0  }
0xa8: {  	s4 =	sshll.u32 s28, $0x1;
	[dreg:$0x2] =	wrdreg s2  }
0xa9: {  	[dreg:$0x3] =	wrdreg s4  }
0xaa: {  	[dreg:$0x4] =	wrdreg $0xC0  }
0xab: {  	_ =	task [dreg:s6], $0x5FFFF  }
0xac: {  	[dreg:$0x1] =	wrdreg $0xFFFFFFFF  }
0xad: {  	[dreg:$0x0] =	wrdreg $0x60  }
0xae: {  	[dreg:$0x2] =	wrdreg s24  }
0xaf: {  	[dreg:$0x3] =	wrdreg $0x0  }
0xb0: {  	[dreg:$0x4] =	wrdreg $0x9  }
0xb1: {  	_ =	task.clear_ibuf [dreg:s6], $0x5FFFF;
	_ =	strace $0x90000049  }
0xb2: {  	s29 =	simm.s32 $0x9;
	_ =	strace $0x8000004B  }
0xb3: {  	_ =	swait.ge [sflag:s29], $0x1  }
0xb4: {  	[sflag:s29] =	ssyncadd.s32 $0xFFFFFFFF  }
0xb5: {  	_ =	strace $0x9000004B  }
0xb6: {  	_ =	sfence  }
0xb7: {  	s30 =	sld [smem:$0x0];
	_ =	sdelay $0x2  }
0xb8: {  	s31 =	sshll.u32 s1, $0xD;
	s1 =	sshrl.u32 s1, $0x2  }
0xb9: {  	s3 =	sand.u32 $0x4000, s31;
	s1 =	sadd.s32 s1, s30  }
0xba: {  	s0 =	sor.u32 s3, s0;
	s1 =	sshll.u32 s1, $0x11  }
0xbb: {  	s0 =	sor.u32 s1, s0  }
0xbc: {  	s0 =	sadd.s32 $0x8F2B, s0  }
0xbd: {  	[sflag:s0] =	ssyncadd.remote.s32 $0x1  }
0xbe: {  	_ =	sfence.sel $0xFFFF  }
0xbf: {  	[dreg:$0x0] =	wrdreg $0xFFFFFFFF;
	(pc) =	sbr.abs _section_cstart, $3  }
0xc0: {  	[dreg:$0x1] =	wrdreg $0xFFFFFFFF  }
0xc1: {  	_ =	task.clear_ibuf [dreg:s6], $0x2FFFF;
	_ =	strace $0x9FFFFFFF  }
0xc2: {  	(tm) =	ssettm $0x7FFFFFFF  }
0xc3: {  	_ =	shalt  }
tec
execute0_lowered:
.L_overlay_start_1:
0x0: {  	(tag) =	ssettag $0x1  }
0x1: {  	s0 =	srdreg.scid;
	s1 =	rddreg [dreg:$0x0]  }
0x2: {  	s2 =	rddreg [dreg:$0x1];
	s3 =	simm.s32 $0x0;
	s8 =	stileid.u32  }
0x3: {  	s19 =	simm.s32 $0xB;
	s29 =	simm.s32 $0x19A00;
	s30 =	simm.s32 $0x1  }
0x4: {  	s31 =	simm.s32 $0x3;
	s28 =	simm.s32 $0x7;
	s6 =	smul.u32 $0x5000, s8  }
0x5: {  	s18 =	simm.s32 $0x0;
	s0 =	sand.u32 $0x1, s0;
	s10 =	smul.u32 $0x9C40, s8  }
0x6: {  	[smem:$0x7FF] =	sst s3;
	s4 =	smul.u32 $0x9C400, s0;
	s0 =	ssub.s32 $0x2, s0  }
0x7: {  	_ =	strace $0x8000004A;
	s6 =	sshrl.u32 s6, $0x3;
	s7 =	sshrl.u32 s0, $0x1  }
0x8: {  	s11 =	sadd.s32 $0x1F40, s10;
	s12 =	sadd.s32 $0x3E80, s10;
	s13 =	sadd.s32 $0x5DC0, s10  }
0x9: {  	s14 =	sadd.s32 $0x7D00, s10;
	s5 =	sshrl.u32 s4, $0x3;
	s6 =	sadd.s32 s6, s1  }
0xa: {  	s0 =	ssub.s32 s0, s7;
	s7 =	sadd.s32 s11, s2;
	s8 =	sadd.s32 s12, s2  }
0xb: {  	s9 =	sadd.s32 s13, s2;
	s15 =	sadd.s32 s10, s4;
	s11 =	sadd.s32 s4, s11  }
0xc: {  	s24 =	sadd.s32 s4, s12;
	s25 =	sadd.s32 s4, s13;
	s4 =	sadd.s32 s4, s14  }
0xd: {  	s13 =	simm.s32 $0xA;
	s5 =	sadd.s32 s5, s1;
	s1 =	sadd.s32 $0x3DC00, s1  }
0xe: {  	s21 =	sadd.s32 $0x29C00, s6;
	s6 =	sadd.s32 $0x33C00, s6;
	s15 =	sshrl.u32 s15, $0x3  }
0xf: {  	s16 =	sshrl.u32 s11, $0x3;
	s12 =	sshrl.u32 s25, $0x3;
	s4 =	sshrl.u32 s4, $0x3  }
0x10: {  	s17 =	smax.u32 s0, $0x1;
	s0 =	simm.s32 $0x1B940;
	[dreg:$0x3] =	wrdreg s21  }
0x11: {  	s25 =	simm.s32 $0x6;
	[dreg:$0x4] =	wrdreg s6;
	s6 =	sadd.s32 s10, s2  }
0x12: {  	s10 =	sadd.s32 s14, s2;
	s11 =	sadd.s32 $0x2800, s5;
	s22 =	sadd.s32 s1, s15  }
0x13: {  	s23 =	sadd.s32 s1, s16;
	s5 =	sshrl.u32 s24, $0x3;
	s26 =	sadd.s32 s1, s12  }
0x14: {  	s16 =	sadd.s32 s1, s4;
	s21 =	simm.s32 $0x13C40;
	[dreg:$0x5] =	wrdreg s22  }
0x15: {  	s24 =	simm.s32 $0x15B80;
	s4 =	simm.s32 $0x8;
	[dreg:$0x6] =	wrdreg s23  }
0x16: {  	s12 =	simm.s32 $0x9;
	s5 =	sadd.s32 s1, s5;
	[dreg:$0x8] =	wrdreg s26  }
0x17: {  	s22 =	simm.s32 $0x7D;
	s26 =	simm.s32 $0x17AC0;
	s1 =	simm.s32 $0x2  }
0x18: {  	v0 =	vimm.f32 $0.0e+00;
	s23 =	simm.s32 $0x4;
	[dreg:$0x7] =	wrdreg s5;
	s5 =	simm.s32 $0x5  }
.LBB2_1:
0x19: {  	s14 =	rddreg [dreg:$0x3];
	s15 =	simm.s32 $0x9C40  }
0x1a: {  	[tilespmem:s15], [sflag:$0xB] =	stream.linear.gather [hbm4b:s14+s3], $0x5000, $0x38;
	[tilespmem:$0x1D880] =	vst v63  }
0x1b: {  	_ =	swait.ge [sflag:s19], $0x5000  }
0x1c: {  	[sflag:s19] =	ssyncset.done $0x0  }
0x1d: {  	s20 =	simm.s32 $0xEC40;
	s15 =	rddreg [dreg:$0x4];
	[sflag:s19] =	ssyncadd.s32 $0xFFFFB000  }
0x1e: {  	[tilespmem:s20], [sflag:$0xB] =	stream.linear.gather [hbm4b:s15+s3], $0x5000, $0x38;
	[tilespmem:$0x1D880] =	vst v63  }
0x1f: {  	_ =	swait.ge [sflag:s19], $0x5000  }
0x20: {  	[sflag:s19] =	ssyncset.done $0x0  }
0x21: {  	s14 =	simm.s32 $0x0;
	s20 =	simm.s32 $0x100;
	[sflag:s19] =	ssyncadd.s32 $0xFFFFB000  }
.LBB2_2:
0x22: {  	p0 =	sne.s32 s20, $0x7C00;
	[tilespmem:s14+$0x13C70] =	vst v0;
	s15 =	smov.u32 s20;
	s20 =	sadd.s32 $0x100, s20  }
.Ltmp0:
0x23: {  	[tilespmem:s14+$0x13C60] =	vst v0;
	(pc) =	sbr.rel @p0 .LBB2_2-.Ltmp0, $3  }
0x24: {  	[tilespmem:s14+$0x13C40] =	vst v0  }
0x25: {  	[tilespmem:s14+$0x13C50] =	vst v0;
	_ =	sdelay $0x1  }
0x26: {  	s14 =	sshra.s32 s15, $0x2  }
0x27: {  	[tilespmem:s14+$0x13C70] =	vst v0  }
0x28: {  	[tilespmem:s14+$0x13C60] =	vst v0  }
0x29: {  	[tilespmem:s14+$0x13C40] =	vst v0  }
0x2a: {  	[tilespmem:s14+$0x13C50] =	vst v0  }
0x2b: {  	[spmem:s6] =	stream.linear.scatter [tilespmem:s21], [sflag:$0xB], $0x1F40, $0x38;
	[tilespmem:$0x1D880] =	vst v63  }
0x2c: {  	_ =	swait.ge [sflag:s19], $0x1F40  }
0x2d: {  	[sflag:s19] =	ssyncset.done $0x0  }
0x2e: {  	[sflag:s19] =	ssyncadd.s32 $0xFFFFE0C0  }
0x2f: {  	[spmem:s7] =	stream.linear.scatter [tilespmem:s21], [sflag:$0xB], $0x1F40, $0x38;
	[tilespmem:$0x1D880] =	vst v63  }
0x30: {  	_ =	swait.ge [sflag:s19], $0x1F40  }
0x31: {  	[sflag:s19] =	ssyncset.done $0x0  }
0x32: {  	[sflag:s19] =	ssyncadd.s32 $0xFFFFE0C0  }
0x33: {  	[spmem:s8] =	stream.linear.scatter [tilespmem:s21], [sflag:$0xB], $0x1F40, $0x38;
	[tilespmem:$0x1D880] =	vst v63  }
0x34: {  	_ =	swait.ge [sflag:s19], $0x1F40  }
0x35: {  	[sflag:s19] =	ssyncset.done $0x0  }
0x36: {  	[sflag:s19] =	ssyncadd.s32 $0xFFFFE0C0  }
0x37: {  	[spmem:s9] =	stream.linear.scatter [tilespmem:s21], [sflag:$0xB], $0x1F40, $0x38;
	[tilespmem:$0x1D880] =	vst v63  }
0x38: {  	_ =	swait.ge [sflag:s19], $0x1F40  }
0x39: {  	[sflag:s19] =	ssyncset.done $0x0  }
0x3a: {  	[sflag:s19] =	ssyncadd.s32 $0xFFFFE0C0  }
0x3b: {  	[spmem:s10] =	stream.linear.scatter [tilespmem:s21], [sflag:$0xB], $0x1F40, $0x38;
	[tilespmem:$0x1D880] =	vst v63  }
0x3c: {  	_ =	swait.ge [sflag:s19], $0x1F40  }
0x3d: {  	[sflag:s19] =	ssyncset.done $0x0  }
0x3e: {  	[sflag:s19] =	ssyncadd.s32 $0xFFFFE0C0  }
0x3f: {  	s20 =	simm.s32 $0x9C40;
	[bflag:$0x0] =	sbarrier.arrive $0xFFFF  }
0x40: {  	[tilespmem:s21], [sflag:$0x1] =	stream.indirect.gather [hbm4b:s11+s22], $0x40, s20, s22, $0xb8;
	[tilespmem:$0x1D880] =	vst v63  }
0x41: {  	s15 =	simm.s32 $0x9CC0  }
0x42: {  	[tilespmem:s24], [sflag:$0x2] =	stream.indirect.gather [hbm4b:s11+s22], $0x40, s15, s22, $0xb8;
	[tilespmem:$0x1D880] =	vst v63  }
0x43: {  	s20 =	simm.s32 $0x9D40  }
0x44: {  	[tilespmem:s26], [sflag:$0x3] =	stream.indirect.gather [hbm4b:s11+s22], $0x40, s20, s22, $0xb8;
	[tilespmem:$0x1D880] =	vst v63  }
0x45: {  	s15 =	simm.s32 $0x9DC0  }
0x46: {  	[tilespmem:s29], [sflag:$0x4] =	stream.indirect.gather [hbm4b:s11+s22], $0x40, s15, s22, $0xb8;
	[tilespmem:$0x1D880] =	vst v63  }
0x47: {  	_ =	swait.ge [sflag:s30], $0x1F40  }
0x48: {  	[sflag:s30] =	ssyncset.done $0x0  }
0x49: {  	s20 =	simm.s32 $0xEC40;
	[sflag:s30] =	ssyncadd.s32 $0xFFFFE0C0  }
0x4a: {  	[spmem:s2] =	stream.indirect.scatter.add.f32 [tilespmem:s21], [sflag:$0x6], $0x40, s20, s22, $0xb8;
	[tilespmem:$0x1D880] =	vst v63  }
0x4b: {  	s15 =	simm.s32 $0x9E40  }
0x4c: {  	[tilespmem:s0], [sflag:$0x5] =	stream.indirect.gather [hbm4b:s11+s22], $0x40, s15, s22, $0xb8;
	[tilespmem:$0x1D880] =	vst v63  }
0x4d: {  	_ =	swait.ge [sflag:s1], $0x1F40  }
0x4e: {  	[sflag:s1] =	ssyncset.done $0x0  }
0x4f: {  	s20 =	simm.s32 $0xECC0;
	[sflag:s1] =	ssyncadd.s32 $0xFFFFE0C0  }
0x50: {  	[spmem:s2] =	stream.indirect.scatter.add.f32 [tilespmem:s24], [sflag:$0x7], $0x40, s20, s22, $0xb8;
	[tilespmem:$0x1D880] =	vst v63  }
0x51: {  	_ =	swait.ge [sflag:s25], $0x1F40  }
0x52: {  	[sflag:s25] =	ssyncset.done $0x0  }
0x53: {  	s15 =	simm.s32 $0x9EC0;
	[sflag:s25] =	ssyncadd.s32 $0xFFFFE0C0  }
0x54: {  	[tilespmem:s21], [sflag:$0x1] =	stream.indirect.gather [hbm4b:s11+s22], $0x40, s15, s22, $0xb8;
	[tilespmem:$0x1D880] =	vst v63  }
0x55: {  	_ =	swait.ge [sflag:s31], $0x1F40  }
0x56: {  	[sflag:s31] =	ssyncset.done $0x0  }
0x57: {  	s20 =	simm.s32 $0xED40;
	[sflag:s31] =	ssyncadd.s32 $0xFFFFE0C0  }
0x58: {  	[spmem:s2] =	stream.indirect.scatter.add.f32 [tilespmem:s26], [sflag:$0x8], $0x40, s20, s22, $0xb8;
	[tilespmem:$0x1D880] =	vst v63  }
0x59: {  	_ =	swait.ge [sflag:s28], $0x1F40  }
0x5a: {  	[sflag:s28] =	ssyncset.done $0x0  }
0x5b: {  	s15 =	simm.s32 $0x9F40;
	[sflag:s28] =	ssyncadd.s32 $0xFFFFE0C0  }
0x5c: {  	[tilespmem:s24], [sflag:$0x2] =	stream.indirect.gather [hbm4b:s11+s22], $0x40, s15, s22, $0xb8;
	[tilespmem:$0x1D880] =	vst v63  }
0x5d: {  	_ =	swait.ge [sflag:s23], $0x1F40  }
0x5e: {  	[sflag:s23] =	ssyncset.done $0x0  }
0x5f: {  	s20 =	simm.s32 $0xEDC0;
	[sflag:s23] =	ssyncadd.s32 $0xFFFFE0C0  }
0x60: {  	[spmem:s2] =	stream.indirect.scatter.add.f32 [tilespmem:s29], [sflag:$0x9], $0x40, s20, s22, $0xb8;
	[tilespmem:$0x1D880] =	vst v63  }
0x61: {  	_ =	swait.ge [sflag:s4], $0x1F40  }
0x62: {  	[sflag:s4] =	ssyncset.done $0x0  }
0x63: {  	s15 =	simm.s32 $0x9FC0;
	[sflag:s4] =	ssyncadd.s32 $0xFFFFE0C0  }
0x64: {  	[tilespmem:s26], [sflag:$0x3] =	stream.indirect.gather [hbm4b:s11+s22], $0x40, s15, s22, $0xb8;
	[tilespmem:$0x1D880] =	vst v63  }
0x65: {  	_ =	swait.ge [sflag:s5], $0x1F40  }
0x66: {  	[sflag:s5] =	ssyncset.done $0x0  }
0x67: {  	s20 =	simm.s32 $0xEE40;
	[sflag:s5] =	ssyncadd.s32 $0xFFFFE0C0  }
0x68: {  	[spmem:s2] =	stream.indirect.scatter.add.f32 [tilespmem:s0], [sflag:$0xA], $0x40, s20, s22, $0xb8;
	[tilespmem:$0x1D880] =	vst v63  }
0x69: {  	_ =	swait.ge [sflag:s12], $0x1F40  }
0x6a: {  	[sflag:s12] =	ssyncset.done $0x0  }
0x6b: {  	s15 =	simm.s32 $0xA040;
	[sflag:s12] =	ssyncadd.s32 $0xFFFFE0C0  }
0x6c: {  	[tilespmem:s29], [sflag:$0x4] =	stream.indirect.gather [hbm4b:s11+s22], $0x40, s15, s22, $0xb8;
	[tilespmem:$0x1D880] =	vst v63  }
0x6d: {  	_ =	swait.ge [sflag:s30], $0x1F40  }
0x6e: {  	[sflag:s30] =	ssyncset.done $0x0  }
0x6f: {  	s20 =	simm.s32 $0xEEC0;
	[sflag:s30] =	ssyncadd.s32 $0xFFFFE0C0  }
0x70: {  	[spmem:s2] =	stream.indirect.scatter.add.f32 [tilespmem:s21], [sflag:$0x6], $0x40, s20, s22, $0xb8;
	[tilespmem:$0x1D880] =	vst v63  }
0x71: {  	_ =	swait.ge [sflag:s13], $0x1F40  }
0x72: {  	[sflag:s13] =	ssyncset.done $0x0  }
0x73: {  	s15 =	simm.s32 $0xA0C0;
	[sflag:s13] =	ssyncadd.s32 $0xFFFFE0C0  }
0x74: {  	[tilespmem:s0], [sflag:$0x5] =	stream.indirect.gather [hbm4b:s11+s22], $0x40, s15, s22, $0xb8;
	[tilespmem:$0x1D880] =	vst v63  }
0x75: {  	_ =	swait.ge [sflag:s1], $0x1F40  }
0x76: {  	[sflag:s1] =	ssyncset.done $0x0  }
0x77: {  	s20 =	simm.s32 $0xEF40;
	[sflag:s1] =	ssyncadd.s32 $0xFFFFE0C0  }
0x78: {  	[spmem:s2] =	stream.indirect.scatter.add.f32 [tilespmem:s24], [sflag:$0x7], $0x40, s20, s22, $0xb8;
	[tilespmem:$0x1D880] =	vst v63  }
0x79: {  	_ =	swait.ge [sflag:s25], $0x1F40  }
0x7a: {  	[sflag:s25] =	ssyncset.done $0x0  }
0x7b: {  	s15 =	simm.s32 $0xA140;
	[sflag:s25] =	ssyncadd.s32 $0xFFFFE0C0  }
0x7c: {  	[tilespmem:s21], [sflag:$0x1] =	stream.indirect.gather [hbm4b:s11+s22], $0x40, s15, s22, $0xb8;
	[tilespmem:$0x1D880] =	vst v63  }
0x7d: {  	_ =	swait.ge [sflag:s31], $0x1F40  }
0x7e: {  	[sflag:s31] =	ssyncset.done $0x0  }
0x7f: {  	s20 =	simm.s32 $0xEFC0;
	[sflag:s31] =	ssyncadd.s32 $0xFFFFE0C0  }
0x80: {  	[spmem:s2] =	stream.indirect.scatter.add.f32 [tilespmem:s26], [sflag:$0x8], $0x40, s20, s22, $0xb8;
	[tilespmem:$0x1D880] =	vst v63  }
0x81: {  	_ =	swait.ge [sflag:s28], $0x1F40  }
0x82: {  	[sflag:s28] =	ssyncset.done $0x0  }
0x83: {  	s15 =	simm.s32 $0xA1C0;
	[sflag:s28] =	ssyncadd.s32 $0xFFFFE0C0  }
0x84: {  	[tilespmem:s24], [sflag:$0x2] =	stream.indirect.gather [hbm4b:s11+s22], $0x40, s15, s22, $0xb8;
	[tilespmem:$0x1D880] =	vst v63  }
0x85: {  	_ =	swait.ge [sflag:s23], $0x1F40  }
0x86: {  	[sflag:s23] =	ssyncset.done $0x0  }
0x87: {  	s20 =	simm.s32 $0xF040;
	[sflag:s23] =	ssyncadd.s32 $0xFFFFE0C0  }
0x88: {  	[spmem:s2] =	stream.indirect.scatter.add.f32 [tilespmem:s29], [sflag:$0x9], $0x40, s20, s22, $0xb8;
	[tilespmem:$0x1D880] =	vst v63  }
0x89: {  	_ =	swait.ge [sflag:s4], $0x1F40  }
0x8a: {  	[sflag:s4] =	ssyncset.done $0x0  }
0x8b: {  	s15 =	simm.s32 $0xA240;
	[sflag:s4] =	ssyncadd.s32 $0xFFFFE0C0  }
0x8c: {  	[tilespmem:s26], [sflag:$0x3] =	stream.indirect.gather [hbm4b:s11+s22], $0x40, s15, s22, $0xb8;
	[tilespmem:$0x1D880] =	vst v63  }
0x8d: {  	_ =	swait.ge [sflag:s5], $0x1F40  }
0x8e: {  	[sflag:s5] =	ssyncset.done $0x0  }
0x8f: {  	s20 =	simm.s32 $0xF0C0;
	[sflag:s5] =	ssyncadd.s32 $0xFFFFE0C0  }
0x90: {  	[spmem:s2] =	stream.indirect.scatter.add.f32 [tilespmem:s0], [sflag:$0xA], $0x40, s20, s22, $0xb8;
	[tilespmem:$0x1D880] =	vst v63  }
0x91: {  	_ =	swait.ge [sflag:s12], $0x1F40  }
0x92: {  	[sflag:s12] =	ssyncset.done $0x0  }
0x93: {  	s14 =	simm.s32 $0xA00;
	s20 =	simm.s32 $0xA2C0;
	[sflag:s12] =	ssyncadd.s32 $0xFFFFE0C0  }
.LBB2_4:
0x94: {  	[tilespmem:s29], [sflag:$0x4] =	stream.indirect.gather [hbm4b:s11+s22], $0x40, s20, s22, $0xb8;
	[tilespmem:$0x1D880] =	vst v63  }
0x95: {  	s15 =	smov.u32 s14  }
0x96: {  	p0 =	sne.s32 s14, $0x12200;
	s14 =	sadd.s32 $0xA00, s14;
	_ =	swait.ge [sflag:s30], $0x1F40  }
0x97: {  	s20 =	sshra.s32 s15, $0x2;
	[sflag:s30] =	ssyncset.done $0x0  }
0x98: {  	s15 =	sadd.s32 $0xEEC0, s20;
	[sflag:s30] =	ssyncadd.s32 $0xFFFFE0C0  }
0x99: {  	[spmem:s2] =	stream.indirect.scatter.add.f32 [tilespmem:s21], [sflag:$0x6], $0x40, s15, s22, $0xb8;
	[tilespmem:$0x1D880] =	vst v63  }
0x9a: {  	_ =	swait.ge [sflag:s13], $0x1F40  }
0x9b: {  	[sflag:s13] =	ssyncset.done $0x0  }
0x9c: {  	s15 =	sadd.s32 $0xA0C0, s20;
	[sflag:s13] =	ssyncadd.s32 $0xFFFFE0C0  }
0x9d: {  	[tilespmem:s0], [sflag:$0x5] =	stream.indirect.gather [hbm4b:s11+s22], $0x40, s15, s22, $0xb8;
	[tilespmem:$0x1D880] =	vst v63  }
0x9e: {  	_ =	swait.ge [sflag:s1], $0x1F40  }
0x9f: {  	[sflag:s1] =	ssyncset.done $0x0  }
0xa0: {  	s15 =	sadd.s32 $0xEF40, s20;
	[sflag:s1] =	ssyncadd.s32 $0xFFFFE0C0  }
0xa1: {  	[spmem:s2] =	stream.indirect.scatter.add.f32 [tilespmem:s24], [sflag:$0x7], $0x40, s15, s22, $0xb8;
	[tilespmem:$0x1D880] =	vst v63  }
0xa2: {  	_ =	swait.ge [sflag:s25], $0x1F40  }
0xa3: {  	[sflag:s25] =	ssyncset.done $0x0  }
0xa4: {  	s15 =	sadd.s32 $0xA140, s20;
	[sflag:s25] =	ssyncadd.s32 $0xFFFFE0C0  }
0xa5: {  	[tilespmem:s21], [sflag:$0x1] =	stream.indirect.gather [hbm4b:s11+s22], $0x40, s15, s22, $0xb8;
	[tilespmem:$0x1D880] =	vst v63  }
0xa6: {  	_ =	swait.ge [sflag:s31], $0x1F40  }
0xa7: {  	[sflag:s31] =	ssyncset.done $0x0  }
0xa8: {  	s15 =	sadd.s32 $0xEFC0, s20;
	[sflag:s31] =	ssyncadd.s32 $0xFFFFE0C0  }
0xa9: {  	[spmem:s2] =	stream.indirect.scatter.add.f32 [tilespmem:s26], [sflag:$0x8], $0x40, s15, s22, $0xb8;
	[tilespmem:$0x1D880] =	vst v63  }
0xaa: {  	_ =	swait.ge [sflag:s28], $0x1F40  }
0xab: {  	[sflag:s28] =	ssyncset.done $0x0  }
0xac: {  	s15 =	sadd.s32 $0xA1C0, s20;
	[sflag:s28] =	ssyncadd.s32 $0xFFFFE0C0  }
0xad: {  	[tilespmem:s24], [sflag:$0x2] =	stream.indirect.gather [hbm4b:s11+s22], $0x40, s15, s22, $0xb8;
	[tilespmem:$0x1D880] =	vst v63  }
0xae: {  	_ =	swait.ge [sflag:s23], $0x1F40  }
0xaf: {  	[sflag:s23] =	ssyncset.done $0x0  }
0xb0: {  	s15 =	sadd.s32 $0xF040, s20;
	[sflag:s23] =	ssyncadd.s32 $0xFFFFE0C0  }
0xb1: {  	[spmem:s2] =	stream.indirect.scatter.add.f32 [tilespmem:s29], [sflag:$0x9], $0x40, s15, s22, $0xb8;
	[tilespmem:$0x1D880] =	vst v63  }
0xb2: {  	_ =	swait.ge [sflag:s4], $0x1F40  }
0xb3: {  	[sflag:s4] =	ssyncset.done $0x0  }
0xb4: {  	s15 =	sadd.s32 $0xA240, s20;
	[sflag:s4] =	ssyncadd.s32 $0xFFFFE0C0  }
0xb5: {  	[tilespmem:s26], [sflag:$0x3] =	stream.indirect.gather [hbm4b:s11+s22], $0x40, s15, s22, $0xb8;
	[tilespmem:$0x1D880] =	vst v63  }
0xb6: {  	_ =	swait.ge [sflag:s5], $0x1F40  }
0xb7: {  	[sflag:s5] =	ssyncset.done $0x0  }
.Ltmp1:
0xb8: {  	s15 =	sadd.s32 $0xF0C0, s20;
	[sflag:s5] =	ssyncadd.s32 $0xFFFFE0C0;
	(pc) =	sbr.rel @p0 .LBB2_4-.Ltmp1, $4  }
0xb9: {  	[spmem:s2] =	stream.indirect.scatter.add.f32 [tilespmem:s0], [sflag:$0xA], $0x40, s15, s22, $0xb8;
	[tilespmem:$0x1D880] =	vst v63  }
0xba: {  	_ =	swait.ge [sflag:s12], $0x1F40  }
0xbb: {  	[sflag:s12] =	ssyncset.done $0x0  }
0xbc: {  	s20 =	sadd.s32 $0xA2C0, s20;
	[sflag:s12] =	ssyncadd.s32 $0xFFFFE0C0  }
0xbd: {  	[tilespmem:s29], [sflag:$0x4] =	stream.indirect.gather [hbm4b:s11+s22], $0x40, s20, s22, $0xb8;
	[tilespmem:$0x1D880] =	vst v63  }
0xbe: {  	_ =	swait.ge [sflag:s30], $0x1F40  }
0xbf: {  	[sflag:s30] =	ssyncset.done $0x0  }
0xc0: {  	s14 =	simm.s32 $0x139C0;
	[sflag:s30] =	ssyncadd.s32 $0xFFFFE0C0  }
0xc1: {  	[spmem:s2] =	stream.indirect.scatter.add.f32 [tilespmem:s21], [sflag:$0x6], $0x40, s14, s22, $0xb8;
	[tilespmem:$0x1D880] =	vst v63  }
0xc2: {  	_ =	swait.ge [sflag:s13], $0x1F40  }
0xc3: {  	[sflag:s13] =	ssyncset.done $0x0  }
0xc4: {  	s20 =	simm.s32 $0xEBC0;
	[sflag:s13] =	ssyncadd.s32 $0xFFFFE0C0  }
0xc5: {  	[tilespmem:s0], [sflag:$0x5] =	stream.indirect.gather [hbm4b:s11+s22], $0x40, s20, s22, $0xb8;
	[tilespmem:$0x1D880] =	vst v63  }
0xc6: {  	_ =	swait.ge [sflag:s1], $0x1F40  }
0xc7: {  	[sflag:s1] =	ssyncset.done $0x0  }
0xc8: {  	s15 =	simm.s32 $0x13A40;
	[sflag:s1] =	ssyncadd.s32 $0xFFFFE0C0  }
0xc9: {  	[spmem:s2] =	stream.indirect.scatter.add.f32 [tilespmem:s24], [sflag:$0x7], $0x40, s15, s22, $0xb8;
	[tilespmem:$0x1D880] =	vst v63  }
0xca: {  	_ =	swait.ge [sflag:s31], $0x1F40  }
0xcb: {  	[sflag:s31] =	ssyncset.done $0x0  }
0xcc: {  	s20 =	simm.s32 $0x13AC0;
	[sflag:s31] =	ssyncadd.s32 $0xFFFFE0C0  }
0xcd: {  	[spmem:s2] =	stream.indirect.scatter.add.f32 [tilespmem:s26], [sflag:$0x8], $0x40, s20, s22, $0xb8;
	[tilespmem:$0x1D880] =	vst v63  }
0xce: {  	_ =	swait.ge [sflag:s23], $0x1F40  }
0xcf: {  	[sflag:s23] =	ssyncset.done $0x0  }
0xd0: {  	s15 =	simm.s32 $0x13B40;
	[sflag:s23] =	ssyncadd.s32 $0xFFFFE0C0  }
0xd1: {  	[spmem:s2] =	stream.indirect.scatter.add.f32 [tilespmem:s29], [sflag:$0x9], $0x40, s15, s22, $0xb8;
	[tilespmem:$0x1D880] =	vst v63  }
0xd2: {  	_ =	swait.ge [sflag:s5], $0x1F40  }
0xd3: {  	[sflag:s5] =	ssyncset.done $0x0  }
0xd4: {  	s20 =	simm.s32 $0x13BC0;
	[sflag:s5] =	ssyncadd.s32 $0xFFFFE0C0  }
0xd5: {  	[spmem:s2] =	stream.indirect.scatter.add.f32 [tilespmem:s0], [sflag:$0xA], $0x40, s20, s22, $0xb8;
	[tilespmem:$0x1D880] =	vst v63  }
0xd6: {  	_ =	swait.ge [sflag:s25], $0x1F40  }
0xd7: {  	[sflag:s25] =	ssyncset.done $0x0  }
0xd8: {  	[sflag:s25] =	ssyncadd.s32 $0xFFFFE0C0  }
0xd9: {  	_ =	swait.ge [sflag:s28], $0x1F40  }
0xda: {  	[sflag:s28] =	ssyncset.done $0x0  }
0xdb: {  	[sflag:s28] =	ssyncadd.s32 $0xFFFFE0C0  }
0xdc: {  	_ =	swait.ge [sflag:s4], $0x1F40  }
0xdd: {  	[sflag:s4] =	ssyncset.done $0x0  }
0xde: {  	[sflag:s4] =	ssyncadd.s32 $0xFFFFE0C0  }
0xdf: {  	_ =	swait.ge [sflag:s12], $0x1F40  }
0xe0: {  	[sflag:s12] =	ssyncset.done $0x0  }
0xe1: {  	[sflag:s12] =	ssyncadd.s32 $0xFFFFE0C0  }
0xe2: {  	_ =	swait.ge [sflag:s13], $0x1F40  }
0xe3: {  	[sflag:s13] =	ssyncset.done $0x0  }
0xe4: {  	[sflag:s13] =	ssyncadd.s32 $0xFFFFE0C0  }
0xe5: {  	[bflag:$0x0] =	sbarrier.arrive $0xFFFF  }
0xe6: {  	[tilespmem:s21], [sflag:$0xB] =	stream.linear.gather [spmem:s6], $0x1F40, $0x38;
	[tilespmem:$0x1D880] =	vst v63  }
0xe7: {  	_ =	swait.ge [sflag:s19], $0x1F40  }
0xe8: {  	[sflag:s19] =	ssyncset.done $0x0  }
0xe9: {  	s15 =	rddreg [dreg:$0x5];
	[sflag:s19] =	ssyncadd.s32 $0xFFFFE0C0  }
0xea: {  	[hbm4b:s15+s3] =	stream.linear.scatter [tilespmem:s21], [sflag:$0xB], $0x1F40, $0x38;
	[tilespmem:$0x1D880] =	vst v63  }
0xeb: {  	_ =	swait.ge [sflag:s19], $0x1F40  }
0xec: {  	[sflag:s19] =	ssyncset.done $0x0  }
0xed: {  	[sflag:s19] =	ssyncadd.s32 $0xFFFFE0C0  }
0xee: {  	[tilespmem:s21], [sflag:$0xB] =	stream.linear.gather [spmem:s7], $0x1F40, $0x38;
	[tilespmem:$0x1D880] =	vst v63  }
0xef: {  	_ =	swait.ge [sflag:s19], $0x1F40  }
0xf0: {  	[sflag:s19] =	ssyncset.done $0x0  }
0xf1: {  	s20 =	rddreg [dreg:$0x6];
	[sflag:s19] =	ssyncadd.s32 $0xFFFFE0C0  }
0xf2: {  	[hbm4b:s20+s3] =	stream.linear.scatter [tilespmem:s21], [sflag:$0xB], $0x1F40, $0x38;
	[tilespmem:$0x1D880] =	vst v63  }
0xf3: {  	_ =	swait.ge [sflag:s19], $0x1F40  }
0xf4: {  	[sflag:s19] =	ssyncset.done $0x0  }
0xf5: {  	[sflag:s19] =	ssyncadd.s32 $0xFFFFE0C0  }
0xf6: {  	[tilespmem:s21], [sflag:$0xB] =	stream.linear.gather [spmem:s8], $0x1F40, $0x38;
	[tilespmem:$0x1D880] =	vst v63  }
0xf7: {  	_ =	swait.ge [sflag:s19], $0x1F40  }
0xf8: {  	[sflag:s19] =	ssyncset.done $0x0  }
0xf9: {  	s15 =	rddreg [dreg:$0x7];
	[sflag:s19] =	ssyncadd.s32 $0xFFFFE0C0  }
0xfa: {  	[hbm4b:s15+s3] =	stream.linear.scatter [tilespmem:s21], [sflag:$0xB], $0x1F40, $0x38;
	[tilespmem:$0x1D880] =	vst v63  }
0xfb: {  	_ =	swait.ge [sflag:s19], $0x1F40  }
0xfc: {  	[sflag:s19] =	ssyncset.done $0x0  }
0xfd: {  	[sflag:s19] =	ssyncadd.s32 $0xFFFFE0C0  }
0xfe: {  	[tilespmem:s21], [sflag:$0xB] =	stream.linear.gather [spmem:s9], $0x1F40, $0x38;
	[tilespmem:$0x1D880] =	vst v63  }
0xff: {  	_ =	swait.ge [sflag:s19], $0x1F40  }
0x100: {  	[sflag:s19] =	ssyncset.done $0x0  }
0x101: {  	s20 =	rddreg [dreg:$0x8];
	[sflag:s19] =	ssyncadd.s32 $0xFFFFE0C0  }
0x102: {  	[hbm4b:s20+s3] =	stream.linear.scatter [tilespmem:s21], [sflag:$0xB], $0x1F40, $0x38;
	[tilespmem:$0x1D880] =	vst v63  }
0x103: {  	_ =	swait.ge [sflag:s19], $0x1F40  }
0x104: {  	[sflag:s19] =	ssyncset.done $0x0  }
0x105: {  	[sflag:s19] =	ssyncadd.s32 $0xFFFFE0C0  }
0x106: {  	[tilespmem:s21], [sflag:$0xB] =	stream.linear.gather [spmem:s10], $0x1F40, $0x38;
	[tilespmem:$0x1D880] =	vst v63  }
0x107: {  	s18 =	sadd.s32 $0x1, s18;
	_ =	swait.ge [sflag:s19], $0x1F40  }
0x108: {  	p0 =	sne.s32 s18, s17;
	[sflag:s19] =	ssyncset.done $0x0  }
.Ltmp2:
0x109: {  	[sflag:s19] =	ssyncadd.s32 $0xFFFFE0C0;
	(pc) =	sbr.rel @p0 .LBB2_1-.Ltmp2, $4  }
0x10a: {  	[hbm4b:s16+s3] =	stream.linear.scatter [tilespmem:s21], [sflag:$0xB], $0x1F40, $0x38;
	[tilespmem:$0x1D880] =	vst v63  }
0x10b: {  	_ =	swait.ge [sflag:s19], $0x1F40  }
0x10c: {  	[sflag:s19] =	ssyncset.done $0x0  }
0x10d: {  	[sflag:s19] =	ssyncadd.s32 $0xFFFFE0C0  }
0x10e: {  	_ =	sfence.sel $0x180000  }
0x10f: {  	[bflag:$0x0] =	sbarrier.arrive $0xFFFF  }
0x110: {  	_ =	strace $0x9000004A  }
0x111: {  	s0 =	stileid.u32;
	[bflag:$0x2] =	sbarrier.arrive $0xFFFF  }
0x112: {  	p0 =	sne.s32 s0, $0x0;
	s0 =	rddreg [dreg:$0x2]  }
0x113: {  	s0 =	sadd.s32 @!p0 $0x100000, s0  }
0x114: {  	[sflag:s0] =	ssyncadd.tile.s32 @!p0 $0x1;
	_ =	shalt  }
.Lfunc_end2:
_tile_overlayer_lowered:
.L_overlay_start_2:
0x115: {  	(tag) =	ssettag $0x2  }
0x116: {  	s0 =	rddreg [dreg:$0x0];
	s2 =	stileid.u32  }
0x117: {  	s1 =	rddreg [dreg:$0x1];
	p0 =	sne.s32 s2, $0x0  }
0x118: {  	s3 =	rddreg [dreg:$0x2];
	[bflag:$0x3] =	sbarrier.arrive $0xFFFF;
	s2 =	simm.s32 @!p0 $0x1C0B  }
0x119: {  	[timem:s3], [sflag:s2] =	dma.local @!p0 [hbm:s0], s1  }
0x11a: {  	s0 =	simm.s32 @!p0 $0xB  }
0x11b: {  	_ =	swait.ge @!p0 [sflag:s0], s1  }
0x11c: {  	s1 =	ssub.s32 @!p0 $0x0, s1;
	[sflag:s0] =	ssyncset.done @!p0 $0x0  }
0x11d: {  	[sflag:s0] =	ssyncadd.s32 @!p0 s1  }
0x11e: {  	[bflag:$0x3] =	sbarrier.arrive $0xFFFF  }
0x11f: {  	_ =	shalt  }

// kernel: kernel.15.cloned.1.call-start
scs
__scs_entry_jumppad:
0x0: {  	(pc) =	sbr.rel $0x88, $3  }
0x1: {  	(tag) =	ssettag $0x0;
	lr =	simm.s32 $0x1  }
0x2: {  	[smem:$0x3F95] =	sst lr;
	_ =	strace $0xD0000000  }
0x3: {  	_ = 	snop  }
0x4: {  	_ = 	snop  }
0x5: {  	_ = 	snop  }
0x6: {  	_ = 	snop  }
0x7: {  	_ = 	snop  }
__scs_overlays_trampoline_lowered:
0x8: {  	[smem:$0x3FA4] =	sst s0  }
0x9: {  	[smem:$0x3FA5] =	sst s1  }
0xa: {  	[smem:$0x3FA6] =	sst s2  }
0xb: {  	[smem:$0x3FA7] =	sst s3  }
0xc: {  	[smem:$0x3FA8] =	sst s4  }
0xd: {  	[smem:$0x3FA9] =	sst s5  }
0xe: {  	[smem:$0x3FAA] =	sst s6  }
0xf: {  	[smem:$0x3FAB] =	sst s7  }
0x10: {  	[smem:$0x3FAC] =	sst s8  }
0x11: {  	[smem:$0x3FAD] =	sst s9;
	s0 =	simm.s32 @!p0 $0x0  }
0x12: {  	s1 =	sld [smem:$0x3F93];
	s0 =	simm.s32 @p0 $0x1  }
0x13: {  	[smem:$0x3FAE] =	sst s0;
	s0 =	simm.s32 @!p1 $0x0  }
0x14: {  	s2 =	sld [smem:$0x3F92];
	s0 =	simm.s32 @p1 $0x1  }
0x15: {  	[smem:$0x3FAF] =	sst s0;
	s0 =	simm.s32 @!p2 $0x0  }
0x16: {  	s3 =	sld [smem:$0x3FDB];
	s0 =	simm.s32 @p2 $0x1  }
0x17: {  	s4 =	simm.s32 $0x1BF5;
	[smem:$0x3FB1] =	sst s0  }
0x18: {  	s0 =	sld [smem:$0x3F94];
	_ =	swait.ge [sflag:s4], $0x0  }
0x19: {  	s7 =	sld [smem:$0x3F95]  }
0x1a: {  	s8 =	sadd.s32 $0xFFFFE003, lr  }
0x1b: {  	s9 =	sadd.s32 $0xFFFFFEF7, lr;
	s5 =	simm.s32 $0xFFFFFFFF;
	p2 =	slt.u32 s8, $0xFFFFF086  }
0x1c: {  	p1 =	slt.u32 s9, $0xF7A;
	s5 =	simm.s32 @!p2 $0x0  }
0x1d: {  	s5 =	simm.s32 @p1 $0x1;
	p0 =	seq.s32 s7, s2  }
0x1e: {  	s7 =	smul.u32 @!p0 $0xF7A, s2;
	p2 =	seq.s32 @!p0 s5, $0x0  }
0x1f: {  	s9 =	smul.u32 $0xF7A, s1;
	s8 =	simm.s32 @!p0 $0x1BF5;
	p2 =	por !p2, p0  }
0x20: {  	[sflag:s8] =	ssyncset.s32 @!p0 $0xFFFFF086;
	s6 =	sadd.s32 @!p0 s3, s7;
	s7 =	simm.s32 @!p0 $0x108  }
0x21: {  	s3 =	sadd.s32 s3, s9;
	s6 =	sadd.s32 @!p0 $0x88, s6;
	s7 =	simm.s32 @p2 $0x1082  }
0x22: {  	[simem:s7], [sflag:s8] =	dma.local @!p0 [hbm:s6], $0xF7A  }
0x23: {  	s9 =	sor.u32 $0xD0000000, s2;
	s6 =	simm.s32 $0x108;
	_ =	swait.ge @!p0 [sflag:s8], $0x0  }
0x24: {  	s3 =	sadd.s32 $0x88, s3;
	s6 =	simm.s32 @!p1 $0x1082;
	[sflag:s4] =	ssyncset.s32 $0xFFFFF086  }
0x25: {  	[simem:s6], [sflag:s4] =	dma.local [hbm:s3], $0xF7A  }
0x26: {  	[smem:$0x3F95] =	sst s1;
	(tag) =	ssettag s2;
	_ =	strace s9  }
0x27: {  	s1 =	sld [smem:$0x3FA5]  }
0x28: {  	s2 =	sld [smem:$0x3FA6]  }
0x29: {  	s4 =	sld [smem:$0x3FA8]  }
0x2a: {  	p0 =	seq.s32 s5, $0x0;
	s5 =	sld [smem:$0x3FA9]  }
0x2b: {  	s6 =	sld [smem:$0x3FAA]  }
0x2c: {  	s7 =	sld [smem:$0x3FAB]  }
0x2d: {  	s3 =	simm.s32 $0x108;
	s8 =	sld [smem:$0x3FAC]  }
0x2e: {  	s3 =	simm.s32 @!p0 $0x1082;
	s9 =	sld [smem:$0x3FAD]  }
0x2f: {  	lr =	sadd.s32 s0, s3;
	s0 =	sld [smem:$0x3FA4]  }
0x30: {  	s3 =	sld [smem:$0x3FA7]  }
0x31: {  	[smem:$0x3FB0] =	sst s10  }
0x32: {  	s10 =	sld [smem:$0x3FAE];
	_ =	sdelay $0x3  }
0x33: {  	p0 =	seq.s32 s10, $0x1;
	s10 =	sld [smem:$0x3FB0];
	_ =	sdelay $0x3  }
0x34: {  	[smem:$0x3FB0] =	sst s10  }
0x35: {  	s10 =	sld [smem:$0x3FAF];
	_ =	sdelay $0x3  }
0x36: {  	p1 =	seq.s32 s10, $0x1;
	s10 =	sld [smem:$0x3FB0];
	_ =	sdelay $0x3  }
0x37: {  	[smem:$0x3FB0] =	sst s10  }
0x38: {  	s10 =	sld [smem:$0x3FB1]  }
0x39: {  	_ = 	snop;
	(pc) =	sbr.ind lr, $3  }
0x3a: {  	_ = 	snop  }
0x3b: {  	_ = 	snop  }
0x3c: {  	p2 =	seq.s32 s10, $0x1;
	s10 =	sld [smem:$0x3FB0]  }
0x3d: {  	_ =	shalt  }
0x3e: {  	_ =	shalt  }
0x3f: {  	_ =	shalt  }
0x40: {  	_ =	shalt  }
0x41: {  	_ =	shalt  }
0x42: {  	_ =	shalt  }
0x43: {  	_ =	shalt  }
0x44: {  	_ =	shalt  }
0x45: {  	_ =	shalt  }
0x46: {  	_ =	shalt  }
0x47: {  	_ =	shalt  }
0x48: {  	_ =	shalt  }
0x49: {  	_ =	shalt  }
0x4a: {  	_ =	shalt  }
0x4b: {  	_ =	shalt  }
0x4c: {  	_ =	shalt  }
0x4d: {  	_ =	shalt  }
0x4e: {  	_ =	shalt  }
0x4f: {  	_ =	shalt  }
0x50: {  	_ =	shalt  }
0x51: {  	_ =	shalt  }
0x52: {  	_ =	shalt  }
0x53: {  	_ =	shalt  }
0x54: {  	_ =	shalt  }
0x55: {  	_ =	shalt  }
0x56: {  	_ =	shalt  }
0x57: {  	_ =	shalt  }
0x58: {  	_ =	shalt  }
0x59: {  	_ =	shalt  }
0x5a: {  	_ =	shalt  }
0x5b: {  	_ =	shalt  }
0x5c: {  	_ =	shalt  }
0x5d: {  	_ =	shalt  }
0x5e: {  	_ =	shalt  }
0x5f: {  	_ =	shalt  }
0x60: {  	_ =	shalt  }
0x61: {  	_ =	shalt  }
0x62: {  	_ =	shalt  }
0x63: {  	_ =	shalt  }
0x64: {  	_ =	shalt  }
0x65: {  	_ =	shalt  }
0x66: {  	_ =	shalt  }
0x67: {  	_ =	shalt  }
0x68: {  	_ =	shalt  }
0x69: {  	_ =	shalt  }
0x6a: {  	_ =	shalt  }
0x6b: {  	_ =	shalt  }
0x6c: {  	_ =	shalt  }
0x6d: {  	_ =	shalt  }
0x6e: {  	_ =	shalt  }
0x6f: {  	_ =	shalt  }
0x70: {  	_ =	shalt  }
0x71: {  	_ =	shalt  }
0x72: {  	_ =	shalt  }
0x73: {  	_ =	shalt  }
0x74: {  	_ =	shalt  }
0x75: {  	_ =	shalt  }
0x76: {  	_ =	shalt  }
0x77: {  	_ =	shalt  }
0x78: {  	_ =	shalt  }
0x79: {  	_ =	shalt  }
0x7a: {  	_ =	shalt  }
0x7b: {  	_ =	shalt  }
0x7c: {  	_ =	shalt  }
0x7d: {  	_ =	shalt  }
0x7e: {  	_ =	shalt  }
0x7f: {  	_ =	shalt  }
0x80: {  	_ =	shalt  }
0x81: {  	_ =	shalt  }
0x82: {  	_ =	shalt  }
0x83: {  	_ =	shalt  }
0x84: {  	_ =	shalt  }
0x85: {  	_ =	shalt  }
0x86: {  	_ =	shalt  }
0x87: {  	_ =	shalt  }
.Lfunc_end0:
.L_simem_size_0:
called_computation.2_lowered:
.L_overlay_start_0:
0x88: {  	s2 =	sld [smem:$0x3FD9]  }
0x89: {  	s3 =	sld [smem:$0x3FFE];
	_ =	sdelay $0x1  }
0x8a: {  	s1 =	srdreg.scid  }
0x8b: {  	s0 =	sand.u32 $0x1, s1  }
0x8c: {  	s16 =	sshll.u32 s0, $0xA;
	s2 =	sadd.s32 s3, s2  }
0x8d: {  	s2 =	sadd.s32 s2, s16  }
0x8e: {  	[smem:$0x3FBC] =	sst s2  }
0x8f: {  	_ = 	snop  }
0x90: {  	(tm) =	ssettm $0x1  }
0x91: {  	s17 =	sld [smem:$0x3FFB];
	_ =	sdelay $0x3  }
0x92: {  	_ =	strace s17  }
0x93: {  	s2 =	sld [smem:$0x3FFC];
	_ =	sdelay $0x3  }
0x94: {  	_ =	strace s2  }
0x95: {  	s2 =	sld [smem:$0x3FFD];
	_ =	sdelay $0x3  }
0x96: {  	_ =	strace s2  }
0x97: {  	_ =	strace $0x8FFFFFFF  }
0x98: {  	s18 =	sld [smem:$0x3FDB];
	_ =	sdelay $0x1  }
0x99: {  	s19 =	simm.s32 $_scs_section_size  }
0x9a: {  	s4 =	simm.s32 $_size__tile_overlayer_lowered;
	s5 =	simm.s32 $_tile_overlayer_lowered  }
0x9b: {  	s22 =	simm.s32 $0x1BFF;
	s21 =	sshll.u32 s5, $0x1;
	s2 =	sadd.s32 s19, s18  }
0x9c: {  	s6 =	simm.s32 $0x0;
	s20 =	sshll.u32 s4, $0x1;
	s4 =	sadd.s32 s21, s2  }
0x9d: {  	[timem:s6], [sflag:s22] =	dma.local [hbm:s4], s20  }
0x9e: {  	_ =	swait.ge [sflag:s22], s20  }
0x9f: {  	s3 =	ssub.s32 $0x0, s20;
	[sflag:s22] =	ssyncset.done $0x0  }
0xa0: {  	[sflag:s22] =	ssyncadd.s32 s3;
	_ =	sdelay $0x1  }
0xa1: {  	s23 =	simm.s32 $0x1B8B  }
0xa2: {  	_ =	swait.ge [sflag:s23], $0x1  }
0xa3: {  	[sflag:s23] =	ssyncset.done $0x0  }
0xa4: {  	s25 =	simm.s32 $0x1B8E;
	s24 =	sld [smem:$0x3FFE];
	[sflag:s23] =	ssyncadd.s32 $0xFFFFFFFF  }
0xa5: {  	s26 =	simm.s32 $execute0_lowered;
	[smem:$0x3FD2] =	sst s25  }
0xa6: {  	s4 =	sshll.u32 s26, $0x1;
	_ =	strace $0x8000004C;
	[dreg:$0x1] =	wrdreg $0xFFFFFFFF  }
0xa7: {  	s28 =	simm.s32 $_size_execute0_lowered;
	s2 =	sadd.s32 s2, s4;
	[dreg:$0x0] =	wrdreg $0x0  }
0xa8: {  	s4 =	sshll.u32 s28, $0x1;
	[dreg:$0x2] =	wrdreg s2  }
0xa9: {  	[dreg:$0x3] =	wrdreg s4  }
0xaa: {  	[dreg:$0x4] =	wrdreg $0xC0  }
0xab: {  	_ =	task [dreg:s6], $0x5FFFF  }
0xac: {  	[dreg:$0x1] =	wrdreg $0xFFFFFFFF  }
0xad: {  	[dreg:$0x0] =	wrdreg $0x60  }
0xae: {  	[dreg:$0x2] =	wrdreg s24  }
0xaf: {  	[dreg:$0x3] =	wrdreg $0x0  }
0xb0: {  	[dreg:$0x4] =	wrdreg $0x9  }
0xb1: {  	_ =	task.clear_ibuf [dreg:s6], $0x5FFFF;
	_ =	strace $0x9000004C  }
0xb2: {  	s29 =	simm.s32 $0x9;
	_ =	strace $0x8000004E  }
0xb3: {  	_ =	swait.ge [sflag:s29], $0x1  }
0xb4: {  	[sflag:s29] =	ssyncadd.s32 $0xFFFFFFFF  }
0xb5: {  	_ =	strace $0x9000004E  }
0xb6: {  	_ =	sfence  }
0xb7: {  	s30 =	sld [smem:$0x0];
	_ =	sdelay $0x2  }
0xb8: {  	s31 =	sshll.u32 s1, $0xD;
	s1 =	sshrl.u32 s1, $0x2  }
0xb9: {  	s3 =	sand.u32 $0x4000, s31;
	s1 =	sadd.s32 s1, s30  }
0xba: {  	s0 =	sor.u32 s3, s0;
	s1 =	sshll.u32 s1, $0x11  }
0xbb: {  	s0 =	sor.u32 s1, s0  }
0xbc: {  	s0 =	sadd.s32 $0x8F2B, s0  }
0xbd: {  	[sflag:s0] =	ssyncadd.remote.s32 $0x1  }
0xbe: {  	_ =	sfence.sel $0xFFFF  }
0xbf: {  	[dreg:$0x0] =	wrdreg $0xFFFFFFFF;
	(pc) =	sbr.abs _section_cstart, $3  }
0xc0: {  	[dreg:$0x1] =	wrdreg $0xFFFFFFFF  }
0xc1: {  	_ =	task.clear_ibuf [dreg:s6], $0x2FFFF;
	_ =	strace $0x9FFFFFFF  }
0xc2: {  	(tm) =	ssettm $0x7FFFFFFF  }
0xc3: {  	_ =	shalt  }
tec
execute0_lowered:
.L_overlay_start_1:
0x0: {  	(tag) =	ssettag $0x1  }
0x1: {  	s0 =	srdreg.scid;
	s1 =	rddreg [dreg:$0x0]  }
0x2: {  	s2 =	rddreg [dreg:$0x1];
	s3 =	simm.s32 $0x0;
	s8 =	stileid.u32  }
0x3: {  	s19 =	simm.s32 $0xB;
	s29 =	simm.s32 $0x19A00;
	s30 =	simm.s32 $0x1  }
0x4: {  	s31 =	simm.s32 $0x3;
	s28 =	simm.s32 $0x7;
	s6 =	smul.u32 $0x5000, s8  }
0x5: {  	s18 =	simm.s32 $0x0;
	s0 =	sand.u32 $0x1, s0;
	s10 =	smul.u32 $0x9C40, s8  }
0x6: {  	[smem:$0x7FF] =	sst s3;
	s4 =	smul.u32 $0x9C400, s0;
	s0 =	ssub.s32 $0x2, s0  }
0x7: {  	_ =	strace $0x8000004D;
	s6 =	sshrl.u32 s6, $0x3;
	s7 =	sshrl.u32 s0, $0x1  }
0x8: {  	s11 =	sadd.s32 $0x1F40, s10;
	s12 =	sadd.s32 $0x3E80, s10;
	s13 =	sadd.s32 $0x5DC0, s10  }
0x9: {  	s14 =	sadd.s32 $0x7D00, s10;
	s5 =	sshrl.u32 s4, $0x3;
	s6 =	sadd.s32 s6, s1  }
0xa: {  	s0 =	ssub.s32 s0, s7;
	s7 =	sadd.s32 s11, s2;
	s8 =	sadd.s32 s12, s2  }
0xb: {  	s9 =	sadd.s32 s13, s2;
	s15 =	sadd.s32 s10, s4;
	s11 =	sadd.s32 s4, s11  }
0xc: {  	s24 =	sadd.s32 s4, s12;
	s25 =	sadd.s32 s4, s13;
	s4 =	sadd.s32 s4, s14  }
0xd: {  	s13 =	simm.s32 $0xA;
	s5 =	sadd.s32 s5, s1;
	s1 =	sadd.s32 $0x3DC00, s1  }
0xe: {  	s21 =	sadd.s32 $0x29C00, s6;
	s6 =	sadd.s32 $0x33C00, s6;
	s15 =	sshrl.u32 s15, $0x3  }
0xf: {  	s16 =	sshrl.u32 s11, $0x3;
	s12 =	sshrl.u32 s25, $0x3;
	s4 =	sshrl.u32 s4, $0x3  }
0x10: {  	s17 =	smax.u32 s0, $0x1;
	s0 =	simm.s32 $0x1B940;
	[dreg:$0x3] =	wrdreg s21  }
0x11: {  	s25 =	simm.s32 $0x6;
	[dreg:$0x4] =	wrdreg s6;
	s6 =	sadd.s32 s10, s2  }
0x12: {  	s10 =	sadd.s32 s14, s2;
	s11 =	sadd.s32 $0x2800, s5;
	s22 =	sadd.s32 s1, s15  }
0x13: {  	s23 =	sadd.s32 s1, s16;
	s5 =	sshrl.u32 s24, $0x3;
	s26 =	sadd.s32 s1, s12  }
0x14: {  	s16 =	sadd.s32 s1, s4;
	s21 =	simm.s32 $0x13C40;
	[dreg:$0x5] =	wrdreg s22  }
0x15: {  	s24 =	simm.s32 $0x15B80;
	s4 =	simm.s32 $0x8;
	[dreg:$0x6] =	wrdreg s23  }
0x16: {  	s12 =	simm.s32 $0x9;
	s5 =	sadd.s32 s1, s5;
	[dreg:$0x8] =	wrdreg s26  }
0x17: {  	s22 =	simm.s32 $0x7D;
	s26 =	simm.s32 $0x17AC0;
	s1 =	simm.s32 $0x2  }
0x18: {  	v0 =	vimm.f32 $0.0e+00;
	s23 =	simm.s32 $0x4;
	[dreg:$0x7] =	wrdreg s5;
	s5 =	simm.s32 $0x5  }
.LBB2_1:
0x19: {  	s14 =	rddreg [dreg:$0x3];
	s15 =	simm.s32 $0x9C40  }
0x1a: {  	[tilespmem:s15], [sflag:$0xB] =	stream.linear.gather [hbm4b:s14+s3], $0x5000, $0x38;
	[tilespmem:$0x1D880] =	vst v63  }
0x1b: {  	_ =	swait.ge [sflag:s19], $0x5000  }
0x1c: {  	[sflag:s19] =	ssyncset.done $0x0  }
0x1d: {  	s20 =	simm.s32 $0xEC40;
	s15 =	rddreg [dreg:$0x4];
	[sflag:s19] =	ssyncadd.s32 $0xFFFFB000  }
0x1e: {  	[tilespmem:s20], [sflag:$0xB] =	stream.linear.gather [hbm4b:s15+s3], $0x5000, $0x38;
	[tilespmem:$0x1D880] =	vst v63  }
0x1f: {  	_ =	swait.ge [sflag:s19], $0x5000  }
0x20: {  	[sflag:s19] =	ssyncset.done $0x0  }
0x21: {  	s14 =	simm.s32 $0x0;
	s20 =	simm.s32 $0x100;
	[sflag:s19] =	ssyncadd.s32 $0xFFFFB000  }
.LBB2_2:
0x22: {  	p0 =	sne.s32 s20, $0x7C00;
	[tilespmem:s14+$0x13C70] =	vst v0;
	s15 =	smov.u32 s20;
	s20 =	sadd.s32 $0x100, s20  }
.Ltmp0:
0x23: {  	[tilespmem:s14+$0x13C60] =	vst v0;
	(pc) =	sbr.rel @p0 .LBB2_2-.Ltmp0, $3  }
0x24: {  	[tilespmem:s14+$0x13C40] =	vst v0  }
0x25: {  	[tilespmem:s14+$0x13C50] =	vst v0;
	_ =	sdelay $0x1  }
0x26: {  	s14 =	sshra.s32 s15, $0x2  }
0x27: {  	[tilespmem:s14+$0x13C70] =	vst v0  }
0x28: {  	[tilespmem:s14+$0x13C60] =	vst v0  }
0x29: {  	[tilespmem:s14+$0x13C40] =	vst v0  }
0x2a: {  	[tilespmem:s14+$0x13C50] =	vst v0  }
0x2b: {  	[spmem:s6] =	stream.linear.scatter [tilespmem:s21], [sflag:$0xB], $0x1F40, $0x38;
	[tilespmem:$0x1D880] =	vst v63  }
0x2c: {  	_ =	swait.ge [sflag:s19], $0x1F40  }
0x2d: {  	[sflag:s19] =	ssyncset.done $0x0  }
0x2e: {  	[sflag:s19] =	ssyncadd.s32 $0xFFFFE0C0  }
0x2f: {  	[spmem:s7] =	stream.linear.scatter [tilespmem:s21], [sflag:$0xB], $0x1F40, $0x38;
	[tilespmem:$0x1D880] =	vst v63  }
0x30: {  	_ =	swait.ge [sflag:s19], $0x1F40  }
0x31: {  	[sflag:s19] =	ssyncset.done $0x0  }
0x32: {  	[sflag:s19] =	ssyncadd.s32 $0xFFFFE0C0  }
0x33: {  	[spmem:s8] =	stream.linear.scatter [tilespmem:s21], [sflag:$0xB], $0x1F40, $0x38;
	[tilespmem:$0x1D880] =	vst v63  }
0x34: {  	_ =	swait.ge [sflag:s19], $0x1F40  }
0x35: {  	[sflag:s19] =	ssyncset.done $0x0  }
0x36: {  	[sflag:s19] =	ssyncadd.s32 $0xFFFFE0C0  }
0x37: {  	[spmem:s9] =	stream.linear.scatter [tilespmem:s21], [sflag:$0xB], $0x1F40, $0x38;
	[tilespmem:$0x1D880] =	vst v63  }
0x38: {  	_ =	swait.ge [sflag:s19], $0x1F40  }
0x39: {  	[sflag:s19] =	ssyncset.done $0x0  }
0x3a: {  	[sflag:s19] =	ssyncadd.s32 $0xFFFFE0C0  }
0x3b: {  	[spmem:s10] =	stream.linear.scatter [tilespmem:s21], [sflag:$0xB], $0x1F40, $0x38;
	[tilespmem:$0x1D880] =	vst v63  }
0x3c: {  	_ =	swait.ge [sflag:s19], $0x1F40  }
0x3d: {  	[sflag:s19] =	ssyncset.done $0x0  }
0x3e: {  	[sflag:s19] =	ssyncadd.s32 $0xFFFFE0C0  }
0x3f: {  	s20 =	simm.s32 $0x9C40;
	[bflag:$0x0] =	sbarrier.arrive $0xFFFF  }
0x40: {  	[tilespmem:s21], [sflag:$0x1] =	stream.indirect.gather [hbm4b:s11+s22], $0x40, s20, s22, $0xb8;
	[tilespmem:$0x1D880] =	vst v63  }
0x41: {  	s15 =	simm.s32 $0x9CC0  }
0x42: {  	[tilespmem:s24], [sflag:$0x2] =	stream.indirect.gather [hbm4b:s11+s22], $0x40, s15, s22, $0xb8;
	[tilespmem:$0x1D880] =	vst v63  }
0x43: {  	s20 =	simm.s32 $0x9D40  }
0x44: {  	[tilespmem:s26], [sflag:$0x3] =	stream.indirect.gather [hbm4b:s11+s22], $0x40, s20, s22, $0xb8;
	[tilespmem:$0x1D880] =	vst v63  }
0x45: {  	s15 =	simm.s32 $0x9DC0  }
0x46: {  	[tilespmem:s29], [sflag:$0x4] =	stream.indirect.gather [hbm4b:s11+s22], $0x40, s15, s22, $0xb8;
	[tilespmem:$0x1D880] =	vst v63  }
0x47: {  	_ =	swait.ge [sflag:s30], $0x1F40  }
0x48: {  	[sflag:s30] =	ssyncset.done $0x0  }
0x49: {  	s20 =	simm.s32 $0xEC40;
	[sflag:s30] =	ssyncadd.s32 $0xFFFFE0C0  }
0x4a: {  	[spmem:s2] =	stream.indirect.scatter.add.f32 [tilespmem:s21], [sflag:$0x6], $0x40, s20, s22, $0xb8;
	[tilespmem:$0x1D880] =	vst v63  }
0x4b: {  	s15 =	simm.s32 $0x9E40  }
0x4c: {  	[tilespmem:s0], [sflag:$0x5] =	stream.indirect.gather [hbm4b:s11+s22], $0x40, s15, s22, $0xb8;
	[tilespmem:$0x1D880] =	vst v63  }
0x4d: {  	_ =	swait.ge [sflag:s1], $0x1F40  }
0x4e: {  	[sflag:s1] =	ssyncset.done $0x0  }
0x4f: {  	s20 =	simm.s32 $0xECC0;
	[sflag:s1] =	ssyncadd.s32 $0xFFFFE0C0  }
0x50: {  	[spmem:s2] =	stream.indirect.scatter.add.f32 [tilespmem:s24], [sflag:$0x7], $0x40, s20, s22, $0xb8;
	[tilespmem:$0x1D880] =	vst v63  }
0x51: {  	_ =	swait.ge [sflag:s25], $0x1F40  }
0x52: {  	[sflag:s25] =	ssyncset.done $0x0  }
0x53: {  	s15 =	simm.s32 $0x9EC0;
	[sflag:s25] =	ssyncadd.s32 $0xFFFFE0C0  }
0x54: {  	[tilespmem:s21], [sflag:$0x1] =	stream.indirect.gather [hbm4b:s11+s22], $0x40, s15, s22, $0xb8;
	[tilespmem:$0x1D880] =	vst v63  }
0x55: {  	_ =	swait.ge [sflag:s31], $0x1F40  }
0x56: {  	[sflag:s31] =	ssyncset.done $0x0  }
0x57: {  	s20 =	simm.s32 $0xED40;
	[sflag:s31] =	ssyncadd.s32 $0xFFFFE0C0  }
0x58: {  	[spmem:s2] =	stream.indirect.scatter.add.f32 [tilespmem:s26], [sflag:$0x8], $0x40, s20, s22, $0xb8;
	[tilespmem:$0x1D880] =	vst v63  }
0x59: {  	_ =	swait.ge [sflag:s28], $0x1F40  }
0x5a: {  	[sflag:s28] =	ssyncset.done $0x0  }
0x5b: {  	s15 =	simm.s32 $0x9F40;
	[sflag:s28] =	ssyncadd.s32 $0xFFFFE0C0  }
0x5c: {  	[tilespmem:s24], [sflag:$0x2] =	stream.indirect.gather [hbm4b:s11+s22], $0x40, s15, s22, $0xb8;
	[tilespmem:$0x1D880] =	vst v63  }
0x5d: {  	_ =	swait.ge [sflag:s23], $0x1F40  }
0x5e: {  	[sflag:s23] =	ssyncset.done $0x0  }
0x5f: {  	s20 =	simm.s32 $0xEDC0;
	[sflag:s23] =	ssyncadd.s32 $0xFFFFE0C0  }
0x60: {  	[spmem:s2] =	stream.indirect.scatter.add.f32 [tilespmem:s29], [sflag:$0x9], $0x40, s20, s22, $0xb8;
	[tilespmem:$0x1D880] =	vst v63  }
0x61: {  	_ =	swait.ge [sflag:s4], $0x1F40  }
0x62: {  	[sflag:s4] =	ssyncset.done $0x0  }
0x63: {  	s15 =	simm.s32 $0x9FC0;
	[sflag:s4] =	ssyncadd.s32 $0xFFFFE0C0  }
0x64: {  	[tilespmem:s26], [sflag:$0x3] =	stream.indirect.gather [hbm4b:s11+s22], $0x40, s15, s22, $0xb8;
	[tilespmem:$0x1D880] =	vst v63  }
0x65: {  	_ =	swait.ge [sflag:s5], $0x1F40  }
0x66: {  	[sflag:s5] =	ssyncset.done $0x0  }
0x67: {  	s20 =	simm.s32 $0xEE40;
	[sflag:s5] =	ssyncadd.s32 $0xFFFFE0C0  }
0x68: {  	[spmem:s2] =	stream.indirect.scatter.add.f32 [tilespmem:s0], [sflag:$0xA], $0x40, s20, s22, $0xb8;
	[tilespmem:$0x1D880] =	vst v63  }
0x69: {  	_ =	swait.ge [sflag:s12], $0x1F40  }
0x6a: {  	[sflag:s12] =	ssyncset.done $0x0  }
0x6b: {  	s15 =	simm.s32 $0xA040;
	[sflag:s12] =	ssyncadd.s32 $0xFFFFE0C0  }
0x6c: {  	[tilespmem:s29], [sflag:$0x4] =	stream.indirect.gather [hbm4b:s11+s22], $0x40, s15, s22, $0xb8;
	[tilespmem:$0x1D880] =	vst v63  }
0x6d: {  	_ =	swait.ge [sflag:s30], $0x1F40  }
0x6e: {  	[sflag:s30] =	ssyncset.done $0x0  }
0x6f: {  	s20 =	simm.s32 $0xEEC0;
	[sflag:s30] =	ssyncadd.s32 $0xFFFFE0C0  }
0x70: {  	[spmem:s2] =	stream.indirect.scatter.add.f32 [tilespmem:s21], [sflag:$0x6], $0x40, s20, s22, $0xb8;
	[tilespmem:$0x1D880] =	vst v63  }
0x71: {  	_ =	swait.ge [sflag:s13], $0x1F40  }
0x72: {  	[sflag:s13] =	ssyncset.done $0x0  }
0x73: {  	s15 =	simm.s32 $0xA0C0;
	[sflag:s13] =	ssyncadd.s32 $0xFFFFE0C0  }
0x74: {  	[tilespmem:s0], [sflag:$0x5] =	stream.indirect.gather [hbm4b:s11+s22], $0x40, s15, s22, $0xb8;
	[tilespmem:$0x1D880] =	vst v63  }
0x75: {  	_ =	swait.ge [sflag:s1], $0x1F40  }
0x76: {  	[sflag:s1] =	ssyncset.done $0x0  }
0x77: {  	s20 =	simm.s32 $0xEF40;
	[sflag:s1] =	ssyncadd.s32 $0xFFFFE0C0  }
0x78: {  	[spmem:s2] =	stream.indirect.scatter.add.f32 [tilespmem:s24], [sflag:$0x7], $0x40, s20, s22, $0xb8;
	[tilespmem:$0x1D880] =	vst v63  }
0x79: {  	_ =	swait.ge [sflag:s25], $0x1F40  }
0x7a: {  	[sflag:s25] =	ssyncset.done $0x0  }
0x7b: {  	s15 =	simm.s32 $0xA140;
	[sflag:s25] =	ssyncadd.s32 $0xFFFFE0C0  }
0x7c: {  	[tilespmem:s21], [sflag:$0x1] =	stream.indirect.gather [hbm4b:s11+s22], $0x40, s15, s22, $0xb8;
	[tilespmem:$0x1D880] =	vst v63  }
0x7d: {  	_ =	swait.ge [sflag:s31], $0x1F40  }
0x7e: {  	[sflag:s31] =	ssyncset.done $0x0  }
0x7f: {  	s20 =	simm.s32 $0xEFC0;
	[sflag:s31] =	ssyncadd.s32 $0xFFFFE0C0  }
0x80: {  	[spmem:s2] =	stream.indirect.scatter.add.f32 [tilespmem:s26], [sflag:$0x8], $0x40, s20, s22, $0xb8;
	[tilespmem:$0x1D880] =	vst v63  }
0x81: {  	_ =	swait.ge [sflag:s28], $0x1F40  }
0x82: {  	[sflag:s28] =	ssyncset.done $0x0  }
0x83: {  	s15 =	simm.s32 $0xA1C0;
	[sflag:s28] =	ssyncadd.s32 $0xFFFFE0C0  }
0x84: {  	[tilespmem:s24], [sflag:$0x2] =	stream.indirect.gather [hbm4b:s11+s22], $0x40, s15, s22, $0xb8;
	[tilespmem:$0x1D880] =	vst v63  }
0x85: {  	_ =	swait.ge [sflag:s23], $0x1F40  }
0x86: {  	[sflag:s23] =	ssyncset.done $0x0  }
0x87: {  	s20 =	simm.s32 $0xF040;
	[sflag:s23] =	ssyncadd.s32 $0xFFFFE0C0  }
0x88: {  	[spmem:s2] =	stream.indirect.scatter.add.f32 [tilespmem:s29], [sflag:$0x9], $0x40, s20, s22, $0xb8;
	[tilespmem:$0x1D880] =	vst v63  }
0x89: {  	_ =	swait.ge [sflag:s4], $0x1F40  }
0x8a: {  	[sflag:s4] =	ssyncset.done $0x0  }
0x8b: {  	s15 =	simm.s32 $0xA240;
	[sflag:s4] =	ssyncadd.s32 $0xFFFFE0C0  }
0x8c: {  	[tilespmem:s26], [sflag:$0x3] =	stream.indirect.gather [hbm4b:s11+s22], $0x40, s15, s22, $0xb8;
	[tilespmem:$0x1D880] =	vst v63  }
0x8d: {  	_ =	swait.ge [sflag:s5], $0x1F40  }
0x8e: {  	[sflag:s5] =	ssyncset.done $0x0  }
0x8f: {  	s20 =	simm.s32 $0xF0C0;
	[sflag:s5] =	ssyncadd.s32 $0xFFFFE0C0  }
0x90: {  	[spmem:s2] =	stream.indirect.scatter.add.f32 [tilespmem:s0], [sflag:$0xA], $0x40, s20, s22, $0xb8;
	[tilespmem:$0x1D880] =	vst v63  }
0x91: {  	_ =	swait.ge [sflag:s12], $0x1F40  }
0x92: {  	[sflag:s12] =	ssyncset.done $0x0  }
0x93: {  	s14 =	simm.s32 $0xA00;
	s20 =	simm.s32 $0xA2C0;
	[sflag:s12] =	ssyncadd.s32 $0xFFFFE0C0  }
.LBB2_4:
0x94: {  	[tilespmem:s29], [sflag:$0x4] =	stream.indirect.gather [hbm4b:s11+s22], $0x40, s20, s22, $0xb8;
	[tilespmem:$0x1D880] =	vst v63  }
0x95: {  	s15 =	smov.u32 s14  }
0x96: {  	p0 =	sne.s32 s14, $0x12200;
	s14 =	sadd.s32 $0xA00, s14;
	_ =	swait.ge [sflag:s30], $0x1F40  }
0x97: {  	s20 =	sshra.s32 s15, $0x2;
	[sflag:s30] =	ssyncset.done $0x0  }
0x98: {  	s15 =	sadd.s32 $0xEEC0, s20;
	[sflag:s30] =	ssyncadd.s32 $0xFFFFE0C0  }
0x99: {  	[spmem:s2] =	stream.indirect.scatter.add.f32 [tilespmem:s21], [sflag:$0x6], $0x40, s15, s22, $0xb8;
	[tilespmem:$0x1D880] =	vst v63  }
0x9a: {  	_ =	swait.ge [sflag:s13], $0x1F40  }
0x9b: {  	[sflag:s13] =	ssyncset.done $0x0  }
0x9c: {  	s15 =	sadd.s32 $0xA0C0, s20;
	[sflag:s13] =	ssyncadd.s32 $0xFFFFE0C0  }
0x9d: {  	[tilespmem:s0], [sflag:$0x5] =	stream.indirect.gather [hbm4b:s11+s22], $0x40, s15, s22, $0xb8;
	[tilespmem:$0x1D880] =	vst v63  }
0x9e: {  	_ =	swait.ge [sflag:s1], $0x1F40  }
0x9f: {  	[sflag:s1] =	ssyncset.done $0x0  }
0xa0: {  	s15 =	sadd.s32 $0xEF40, s20;
	[sflag:s1] =	ssyncadd.s32 $0xFFFFE0C0  }
0xa1: {  	[spmem:s2] =	stream.indirect.scatter.add.f32 [tilespmem:s24], [sflag:$0x7], $0x40, s15, s22, $0xb8;
	[tilespmem:$0x1D880] =	vst v63  }
0xa2: {  	_ =	swait.ge [sflag:s25], $0x1F40  }
0xa3: {  	[sflag:s25] =	ssyncset.done $0x0  }
0xa4: {  	s15 =	sadd.s32 $0xA140, s20;
	[sflag:s25] =	ssyncadd.s32 $0xFFFFE0C0  }
0xa5: {  	[tilespmem:s21], [sflag:$0x1] =	stream.indirect.gather [hbm4b:s11+s22], $0x40, s15, s22, $0xb8;
	[tilespmem:$0x1D880] =	vst v63  }
0xa6: {  	_ =	swait.ge [sflag:s31], $0x1F40  }
0xa7: {  	[sflag:s31] =	ssyncset.done $0x0  }
0xa8: {  	s15 =	sadd.s32 $0xEFC0, s20;
	[sflag:s31] =	ssyncadd.s32 $0xFFFFE0C0  }
0xa9: {  	[spmem:s2] =	stream.indirect.scatter.add.f32 [tilespmem:s26], [sflag:$0x8], $0x40, s15, s22, $0xb8;
	[tilespmem:$0x1D880] =	vst v63  }
0xaa: {  	_ =	swait.ge [sflag:s28], $0x1F40  }
0xab: {  	[sflag:s28] =	ssyncset.done $0x0  }
0xac: {  	s15 =	sadd.s32 $0xA1C0, s20;
	[sflag:s28] =	ssyncadd.s32 $0xFFFFE0C0  }
0xad: {  	[tilespmem:s24], [sflag:$0x2] =	stream.indirect.gather [hbm4b:s11+s22], $0x40, s15, s22, $0xb8;
	[tilespmem:$0x1D880] =	vst v63  }
0xae: {  	_ =	swait.ge [sflag:s23], $0x1F40  }
0xaf: {  	[sflag:s23] =	ssyncset.done $0x0  }
0xb0: {  	s15 =	sadd.s32 $0xF040, s20;
	[sflag:s23] =	ssyncadd.s32 $0xFFFFE0C0  }
0xb1: {  	[spmem:s2] =	stream.indirect.scatter.add.f32 [tilespmem:s29], [sflag:$0x9], $0x40, s15, s22, $0xb8;
	[tilespmem:$0x1D880] =	vst v63  }
0xb2: {  	_ =	swait.ge [sflag:s4], $0x1F40  }
0xb3: {  	[sflag:s4] =	ssyncset.done $0x0  }
0xb4: {  	s15 =	sadd.s32 $0xA240, s20;
	[sflag:s4] =	ssyncadd.s32 $0xFFFFE0C0  }
0xb5: {  	[tilespmem:s26], [sflag:$0x3] =	stream.indirect.gather [hbm4b:s11+s22], $0x40, s15, s22, $0xb8;
	[tilespmem:$0x1D880] =	vst v63  }
0xb6: {  	_ =	swait.ge [sflag:s5], $0x1F40  }
0xb7: {  	[sflag:s5] =	ssyncset.done $0x0  }
.Ltmp1:
0xb8: {  	s15 =	sadd.s32 $0xF0C0, s20;
	[sflag:s5] =	ssyncadd.s32 $0xFFFFE0C0;
	(pc) =	sbr.rel @p0 .LBB2_4-.Ltmp1, $4  }
0xb9: {  	[spmem:s2] =	stream.indirect.scatter.add.f32 [tilespmem:s0], [sflag:$0xA], $0x40, s15, s22, $0xb8;
	[tilespmem:$0x1D880] =	vst v63  }
0xba: {  	_ =	swait.ge [sflag:s12], $0x1F40  }
0xbb: {  	[sflag:s12] =	ssyncset.done $0x0  }
0xbc: {  	s20 =	sadd.s32 $0xA2C0, s20;
	[sflag:s12] =	ssyncadd.s32 $0xFFFFE0C0  }
0xbd: {  	[tilespmem:s29], [sflag:$0x4] =	stream.indirect.gather [hbm4b:s11+s22], $0x40, s20, s22, $0xb8;
	[tilespmem:$0x1D880] =	vst v63  }
0xbe: {  	_ =	swait.ge [sflag:s30], $0x1F40  }
0xbf: {  	[sflag:s30] =	ssyncset.done $0x0  }
0xc0: {  	s14 =	simm.s32 $0x139C0;
	[sflag:s30] =	ssyncadd.s32 $0xFFFFE0C0  }
0xc1: {  	[spmem:s2] =	stream.indirect.scatter.add.f32 [tilespmem:s21], [sflag:$0x6], $0x40, s14, s22, $0xb8;
	[tilespmem:$0x1D880] =	vst v63  }
0xc2: {  	_ =	swait.ge [sflag:s13], $0x1F40  }
0xc3: {  	[sflag:s13] =	ssyncset.done $0x0  }
0xc4: {  	s20 =	simm.s32 $0xEBC0;
	[sflag:s13] =	ssyncadd.s32 $0xFFFFE0C0  }
0xc5: {  	[tilespmem:s0], [sflag:$0x5] =	stream.indirect.gather [hbm4b:s11+s22], $0x40, s20, s22, $0xb8;
	[tilespmem:$0x1D880] =	vst v63  }
0xc6: {  	_ =	swait.ge [sflag:s1], $0x1F40  }
0xc7: {  	[sflag:s1] =	ssyncset.done $0x0  }
0xc8: {  	s15 =	simm.s32 $0x13A40;
	[sflag:s1] =	ssyncadd.s32 $0xFFFFE0C0  }
0xc9: {  	[spmem:s2] =	stream.indirect.scatter.add.f32 [tilespmem:s24], [sflag:$0x7], $0x40, s15, s22, $0xb8;
	[tilespmem:$0x1D880] =	vst v63  }
0xca: {  	_ =	swait.ge [sflag:s31], $0x1F40  }
0xcb: {  	[sflag:s31] =	ssyncset.done $0x0  }
0xcc: {  	s20 =	simm.s32 $0x13AC0;
	[sflag:s31] =	ssyncadd.s32 $0xFFFFE0C0  }
0xcd: {  	[spmem:s2] =	stream.indirect.scatter.add.f32 [tilespmem:s26], [sflag:$0x8], $0x40, s20, s22, $0xb8;
	[tilespmem:$0x1D880] =	vst v63  }
0xce: {  	_ =	swait.ge [sflag:s23], $0x1F40  }
0xcf: {  	[sflag:s23] =	ssyncset.done $0x0  }
0xd0: {  	s15 =	simm.s32 $0x13B40;
	[sflag:s23] =	ssyncadd.s32 $0xFFFFE0C0  }
0xd1: {  	[spmem:s2] =	stream.indirect.scatter.add.f32 [tilespmem:s29], [sflag:$0x9], $0x40, s15, s22, $0xb8;
	[tilespmem:$0x1D880] =	vst v63  }
0xd2: {  	_ =	swait.ge [sflag:s5], $0x1F40  }
0xd3: {  	[sflag:s5] =	ssyncset.done $0x0  }
0xd4: {  	s20 =	simm.s32 $0x13BC0;
	[sflag:s5] =	ssyncadd.s32 $0xFFFFE0C0  }
0xd5: {  	[spmem:s2] =	stream.indirect.scatter.add.f32 [tilespmem:s0], [sflag:$0xA], $0x40, s20, s22, $0xb8;
	[tilespmem:$0x1D880] =	vst v63  }
0xd6: {  	_ =	swait.ge [sflag:s25], $0x1F40  }
0xd7: {  	[sflag:s25] =	ssyncset.done $0x0  }
0xd8: {  	[sflag:s25] =	ssyncadd.s32 $0xFFFFE0C0  }
0xd9: {  	_ =	swait.ge [sflag:s28], $0x1F40  }
0xda: {  	[sflag:s28] =	ssyncset.done $0x0  }
0xdb: {  	[sflag:s28] =	ssyncadd.s32 $0xFFFFE0C0  }
0xdc: {  	_ =	swait.ge [sflag:s4], $0x1F40  }
0xdd: {  	[sflag:s4] =	ssyncset.done $0x0  }
0xde: {  	[sflag:s4] =	ssyncadd.s32 $0xFFFFE0C0  }
0xdf: {  	_ =	swait.ge [sflag:s12], $0x1F40  }
0xe0: {  	[sflag:s12] =	ssyncset.done $0x0  }
0xe1: {  	[sflag:s12] =	ssyncadd.s32 $0xFFFFE0C0  }
0xe2: {  	_ =	swait.ge [sflag:s13], $0x1F40  }
0xe3: {  	[sflag:s13] =	ssyncset.done $0x0  }
0xe4: {  	[sflag:s13] =	ssyncadd.s32 $0xFFFFE0C0  }
0xe5: {  	[bflag:$0x0] =	sbarrier.arrive $0xFFFF  }
0xe6: {  	[tilespmem:s21], [sflag:$0xB] =	stream.linear.gather [spmem:s6], $0x1F40, $0x38;
	[tilespmem:$0x1D880] =	vst v63  }
0xe7: {  	_ =	swait.ge [sflag:s19], $0x1F40  }
0xe8: {  	[sflag:s19] =	ssyncset.done $0x0  }
0xe9: {  	s15 =	rddreg [dreg:$0x5];
	[sflag:s19] =	ssyncadd.s32 $0xFFFFE0C0  }
0xea: {  	[hbm4b:s15+s3] =	stream.linear.scatter [tilespmem:s21], [sflag:$0xB], $0x1F40, $0x38;
	[tilespmem:$0x1D880] =	vst v63  }
0xeb: {  	_ =	swait.ge [sflag:s19], $0x1F40  }
0xec: {  	[sflag:s19] =	ssyncset.done $0x0  }
0xed: {  	[sflag:s19] =	ssyncadd.s32 $0xFFFFE0C0  }
0xee: {  	[tilespmem:s21], [sflag:$0xB] =	stream.linear.gather [spmem:s7], $0x1F40, $0x38;
	[tilespmem:$0x1D880] =	vst v63  }
0xef: {  	_ =	swait.ge [sflag:s19], $0x1F40  }
0xf0: {  	[sflag:s19] =	ssyncset.done $0x0  }
0xf1: {  	s20 =	rddreg [dreg:$0x6];
	[sflag:s19] =	ssyncadd.s32 $0xFFFFE0C0  }
0xf2: {  	[hbm4b:s20+s3] =	stream.linear.scatter [tilespmem:s21], [sflag:$0xB], $0x1F40, $0x38;
	[tilespmem:$0x1D880] =	vst v63  }
0xf3: {  	_ =	swait.ge [sflag:s19], $0x1F40  }
0xf4: {  	[sflag:s19] =	ssyncset.done $0x0  }
0xf5: {  	[sflag:s19] =	ssyncadd.s32 $0xFFFFE0C0  }
0xf6: {  	[tilespmem:s21], [sflag:$0xB] =	stream.linear.gather [spmem:s8], $0x1F40, $0x38;
	[tilespmem:$0x1D880] =	vst v63  }
0xf7: {  	_ =	swait.ge [sflag:s19], $0x1F40  }
0xf8: {  	[sflag:s19] =	ssyncset.done $0x0  }
0xf9: {  	s15 =	rddreg [dreg:$0x7];
	[sflag:s19] =	ssyncadd.s32 $0xFFFFE0C0  }
0xfa: {  	[hbm4b:s15+s3] =	stream.linear.scatter [tilespmem:s21], [sflag:$0xB], $0x1F40, $0x38;
	[tilespmem:$0x1D880] =	vst v63  }
0xfb: {  	_ =	swait.ge [sflag:s19], $0x1F40  }
0xfc: {  	[sflag:s19] =	ssyncset.done $0x0  }
0xfd: {  	[sflag:s19] =	ssyncadd.s32 $0xFFFFE0C0  }
0xfe: {  	[tilespmem:s21], [sflag:$0xB] =	stream.linear.gather [spmem:s9], $0x1F40, $0x38;
	[tilespmem:$0x1D880] =	vst v63  }
0xff: {  	_ =	swait.ge [sflag:s19], $0x1F40  }
0x100: {  	[sflag:s19] =	ssyncset.done $0x0  }
0x101: {  	s20 =	rddreg [dreg:$0x8];
	[sflag:s19] =	ssyncadd.s32 $0xFFFFE0C0  }
0x102: {  	[hbm4b:s20+s3] =	stream.linear.scatter [tilespmem:s21], [sflag:$0xB], $0x1F40, $0x38;
	[tilespmem:$0x1D880] =	vst v63  }
0x103: {  	_ =	swait.ge [sflag:s19], $0x1F40  }
0x104: {  	[sflag:s19] =	ssyncset.done $0x0  }
0x105: {  	[sflag:s19] =	ssyncadd.s32 $0xFFFFE0C0  }
0x106: {  	[tilespmem:s21], [sflag:$0xB] =	stream.linear.gather [spmem:s10], $0x1F40, $0x38;
	[tilespmem:$0x1D880] =	vst v63  }
0x107: {  	s18 =	sadd.s32 $0x1, s18;
	_ =	swait.ge [sflag:s19], $0x1F40  }
0x108: {  	p0 =	sne.s32 s18, s17;
	[sflag:s19] =	ssyncset.done $0x0  }
.Ltmp2:
0x109: {  	[sflag:s19] =	ssyncadd.s32 $0xFFFFE0C0;
	(pc) =	sbr.rel @p0 .LBB2_1-.Ltmp2, $4  }
0x10a: {  	[hbm4b:s16+s3] =	stream.linear.scatter [tilespmem:s21], [sflag:$0xB], $0x1F40, $0x38;
	[tilespmem:$0x1D880] =	vst v63  }
0x10b: {  	_ =	swait.ge [sflag:s19], $0x1F40  }
0x10c: {  	[sflag:s19] =	ssyncset.done $0x0  }
0x10d: {  	[sflag:s19] =	ssyncadd.s32 $0xFFFFE0C0  }
0x10e: {  	_ =	sfence.sel $0x180000  }
0x10f: {  	[bflag:$0x0] =	sbarrier.arrive $0xFFFF  }
0x110: {  	_ =	strace $0x9000004D  }
0x111: {  	s0 =	stileid.u32;
	[bflag:$0x2] =	sbarrier.arrive $0xFFFF  }
0x112: {  	p0 =	sne.s32 s0, $0x0;
	s0 =	rddreg [dreg:$0x2]  }
0x113: {  	s0 =	sadd.s32 @!p0 $0x100000, s0  }
0x114: {  	[sflag:s0] =	ssyncadd.tile.s32 @!p0 $0x1;
	_ =	shalt  }
.Lfunc_end2:
_tile_overlayer_lowered:
.L_overlay_start_2:
0x115: {  	(tag) =	ssettag $0x2  }
0x116: {  	s0 =	rddreg [dreg:$0x0];
	s2 =	stileid.u32  }
0x117: {  	s1 =	rddreg [dreg:$0x1];
	p0 =	sne.s32 s2, $0x0  }
0x118: {  	s3 =	rddreg [dreg:$0x2];
	[bflag:$0x3] =	sbarrier.arrive $0xFFFF;
	s2 =	simm.s32 @!p0 $0x1C0B  }
0x119: {  	[timem:s3], [sflag:s2] =	dma.local @!p0 [hbm:s0], s1  }
0x11a: {  	s0 =	simm.s32 @!p0 $0xB  }
0x11b: {  	_ =	swait.ge @!p0 [sflag:s0], s1  }
0x11c: {  	s1 =	ssub.s32 @!p0 $0x0, s1;
	[sflag:s0] =	ssyncset.done @!p0 $0x0  }
0x11d: {  	[sflag:s0] =	ssyncadd.s32 @!p0 s1  }
0x11e: {  	[bflag:$0x3] =	sbarrier.arrive $0xFFFF  }
0x11f: {  	_ =	shalt  }

// kernel: kernel.9.cloned.1.call-start
scs
__scs_entry_jumppad:
0x0: {  	(pc) =	sbr.rel $0x88, $3  }
0x1: {  	(tag) =	ssettag $0x0;
	lr =	simm.s32 $0x1  }
0x2: {  	[smem:$0x3F95] =	sst lr;
	_ =	strace $0xD0000000  }
0x3: {  	_ = 	snop  }
0x4: {  	_ = 	snop  }
0x5: {  	_ = 	snop  }
0x6: {  	_ = 	snop  }
0x7: {  	_ = 	snop  }
__scs_overlays_trampoline_lowered:
0x8: {  	[smem:$0x3FA4] =	sst s0  }
0x9: {  	[smem:$0x3FA5] =	sst s1  }
0xa: {  	[smem:$0x3FA6] =	sst s2  }
0xb: {  	[smem:$0x3FA7] =	sst s3  }
0xc: {  	[smem:$0x3FA8] =	sst s4  }
0xd: {  	[smem:$0x3FA9] =	sst s5  }
0xe: {  	[smem:$0x3FAA] =	sst s6  }
0xf: {  	[smem:$0x3FAB] =	sst s7  }
0x10: {  	[smem:$0x3FAC] =	sst s8  }
0x11: {  	[smem:$0x3FAD] =	sst s9;
	s0 =	simm.s32 @!p0 $0x0  }
0x12: {  	s1 =	sld [smem:$0x3F93];
	s0 =	simm.s32 @p0 $0x1  }
0x13: {  	[smem:$0x3FAE] =	sst s0;
	s0 =	simm.s32 @!p1 $0x0  }
0x14: {  	s2 =	sld [smem:$0x3F92];
	s0 =	simm.s32 @p1 $0x1  }
0x15: {  	[smem:$0x3FAF] =	sst s0;
	s0 =	simm.s32 @!p2 $0x0  }
0x16: {  	s3 =	sld [smem:$0x3FDB];
	s0 =	simm.s32 @p2 $0x1  }
0x17: {  	s4 =	simm.s32 $0x1BF5;
	[smem:$0x3FB1] =	sst s0  }
0x18: {  	s0 =	sld [smem:$0x3F94];
	_ =	swait.ge [sflag:s4], $0x0  }
0x19: {  	s7 =	sld [smem:$0x3F95]  }
0x1a: {  	s8 =	sadd.s32 $0xFFFFE003, lr  }
0x1b: {  	s9 =	sadd.s32 $0xFFFFFEF7, lr;
	s5 =	simm.s32 $0xFFFFFFFF;
	p2 =	slt.u32 s8, $0xFFFFF086  }
0x1c: {  	p1 =	slt.u32 s9, $0xF7A;
	s5 =	simm.s32 @!p2 $0x0  }
0x1d: {  	s5 =	simm.s32 @p1 $0x1;
	p0 =	seq.s32 s7, s2  }
0x1e: {  	s7 =	smul.u32 @!p0 $0xF7A, s2;
	p2 =	seq.s32 @!p0 s5, $0x0  }
0x1f: {  	s9 =	smul.u32 $0xF7A, s1;
	s8 =	simm.s32 @!p0 $0x1BF5;
	p2 =	por !p2, p0  }
0x20: {  	[sflag:s8] =	ssyncset.s32 @!p0 $0xFFFFF086;
	s6 =	sadd.s32 @!p0 s3, s7;
	s7 =	simm.s32 @!p0 $0x108  }
0x21: {  	s3 =	sadd.s32 s3, s9;
	s6 =	sadd.s32 @!p0 $0x88, s6;
	s7 =	simm.s32 @p2 $0x1082  }
0x22: {  	[simem:s7], [sflag:s8] =	dma.local @!p0 [hbm:s6], $0xF7A  }
0x23: {  	s9 =	sor.u32 $0xD0000000, s2;
	s6 =	simm.s32 $0x108;
	_ =	swait.ge @!p0 [sflag:s8], $0x0  }
0x24: {  	s3 =	sadd.s32 $0x88, s3;
	s6 =	simm.s32 @!p1 $0x1082;
	[sflag:s4] =	ssyncset.s32 $0xFFFFF086  }
0x25: {  	[simem:s6], [sflag:s4] =	dma.local [hbm:s3], $0xF7A  }
0x26: {  	[smem:$0x3F95] =	sst s1;
	(tag) =	ssettag s2;
	_ =	strace s9  }
0x27: {  	s1 =	sld [smem:$0x3FA5]  }
0x28: {  	s2 =	sld [smem:$0x3FA6]  }
0x29: {  	s4 =	sld [smem:$0x3FA8]  }
0x2a: {  	p0 =	seq.s32 s5, $0x0;
	s5 =	sld [smem:$0x3FA9]  }
0x2b: {  	s6 =	sld [smem:$0x3FAA]  }
0x2c: {  	s7 =	sld [smem:$0x3FAB]  }
0x2d: {  	s3 =	simm.s32 $0x108;
	s8 =	sld [smem:$0x3FAC]  }
0x2e: {  	s3 =	simm.s32 @!p0 $0x1082;
	s9 =	sld [smem:$0x3FAD]  }
0x2f: {  	lr =	sadd.s32 s0, s3;
	s0 =	sld [smem:$0x3FA4]  }
0x30: {  	s3 =	sld [smem:$0x3FA7]  }
0x31: {  	[smem:$0x3FB0] =	sst s10  }
0x32: {  	s10 =	sld [smem:$0x3FAE];
	_ =	sdelay $0x3  }
0x33: {  	p0 =	seq.s32 s10, $0x1;
	s10 =	sld [smem:$0x3FB0];
	_ =	sdelay $0x3  }
0x34: {  	[smem:$0x3FB0] =	sst s10  }
0x35: {  	s10 =	sld [smem:$0x3FAF];
	_ =	sdelay $0x3  }
0x36: {  	p1 =	seq.s32 s10, $0x1;
	s10 =	sld [smem:$0x3FB0];
	_ =	sdelay $0x3  }
0x37: {  	[smem:$0x3FB0] =	sst s10  }
0x38: {  	s10 =	sld [smem:$0x3FB1]  }
0x39: {  	_ = 	snop;
	(pc) =	sbr.ind lr, $3  }
0x3a: {  	_ = 	snop  }
0x3b: {  	_ = 	snop  }
0x3c: {  	p2 =	seq.s32 s10, $0x1;
	s10 =	sld [smem:$0x3FB0]  }
0x3d: {  	_ =	shalt  }
0x3e: {  	_ =	shalt  }
0x3f: {  	_ =	shalt  }
0x40: {  	_ =	shalt  }
0x41: {  	_ =	shalt  }
0x42: {  	_ =	shalt  }
0x43: {  	_ =	shalt  }
0x44: {  	_ =	shalt  }
0x45: {  	_ =	shalt  }
0x46: {  	_ =	shalt  }
0x47: {  	_ =	shalt  }
0x48: {  	_ =	shalt  }
0x49: {  	_ =	shalt  }
0x4a: {  	_ =	shalt  }
0x4b: {  	_ =	shalt  }
0x4c: {  	_ =	shalt  }
0x4d: {  	_ =	shalt  }
0x4e: {  	_ =	shalt  }
0x4f: {  	_ =	shalt  }
0x50: {  	_ =	shalt  }
0x51: {  	_ =	shalt  }
0x52: {  	_ =	shalt  }
0x53: {  	_ =	shalt  }
0x54: {  	_ =	shalt  }
0x55: {  	_ =	shalt  }
0x56: {  	_ =	shalt  }
0x57: {  	_ =	shalt  }
0x58: {  	_ =	shalt  }
0x59: {  	_ =	shalt  }
0x5a: {  	_ =	shalt  }
0x5b: {  	_ =	shalt  }
0x5c: {  	_ =	shalt  }
0x5d: {  	_ =	shalt  }
0x5e: {  	_ =	shalt  }
0x5f: {  	_ =	shalt  }
0x60: {  	_ =	shalt  }
0x61: {  	_ =	shalt  }
0x62: {  	_ =	shalt  }
0x63: {  	_ =	shalt  }
0x64: {  	_ =	shalt  }
0x65: {  	_ =	shalt  }
0x66: {  	_ =	shalt  }
0x67: {  	_ =	shalt  }
0x68: {  	_ =	shalt  }
0x69: {  	_ =	shalt  }
0x6a: {  	_ =	shalt  }
0x6b: {  	_ =	shalt  }
0x6c: {  	_ =	shalt  }
0x6d: {  	_ =	shalt  }
0x6e: {  	_ =	shalt  }
0x6f: {  	_ =	shalt  }
0x70: {  	_ =	shalt  }
0x71: {  	_ =	shalt  }
0x72: {  	_ =	shalt  }
0x73: {  	_ =	shalt  }
0x74: {  	_ =	shalt  }
0x75: {  	_ =	shalt  }
0x76: {  	_ =	shalt  }
0x77: {  	_ =	shalt  }
0x78: {  	_ =	shalt  }
0x79: {  	_ =	shalt  }
0x7a: {  	_ =	shalt  }
0x7b: {  	_ =	shalt  }
0x7c: {  	_ =	shalt  }
0x7d: {  	_ =	shalt  }
0x7e: {  	_ =	shalt  }
0x7f: {  	_ =	shalt  }
0x80: {  	_ =	shalt  }
0x81: {  	_ =	shalt  }
0x82: {  	_ =	shalt  }
0x83: {  	_ =	shalt  }
0x84: {  	_ =	shalt  }
0x85: {  	_ =	shalt  }
0x86: {  	_ =	shalt  }
0x87: {  	_ =	shalt  }
.Lfunc_end0:
.L_simem_size_0:
called_computation_lowered:
.L_overlay_start_0:
0x88: {  	s2 =	sld [smem:$0x3FD9]  }
0x89: {  	s3 =	sld [smem:$0x3FFE];
	_ =	sdelay $0x1  }
0x8a: {  	s1 =	srdreg.scid  }
0x8b: {  	s0 =	sand.u32 $0x1, s1  }
0x8c: {  	s16 =	sshll.u32 s0, $0xA;
	s2 =	sadd.s32 s3, s2  }
0x8d: {  	s2 =	sadd.s32 s2, s16  }
0x8e: {  	[smem:$0x3FBC] =	sst s2  }
0x8f: {  	_ = 	snop  }
0x90: {  	(tm) =	ssettm $0x1  }
0x91: {  	s17 =	sld [smem:$0x3FFB];
	_ =	sdelay $0x3  }
0x92: {  	_ =	strace s17  }
0x93: {  	s2 =	sld [smem:$0x3FFC];
	_ =	sdelay $0x3  }
0x94: {  	_ =	strace s2  }
0x95: {  	s2 =	sld [smem:$0x3FFD];
	_ =	sdelay $0x3  }
0x96: {  	_ =	strace s2  }
0x97: {  	_ =	strace $0x8FFFFFFF  }
0x98: {  	s18 =	sld [smem:$0x3FDB];
	_ =	sdelay $0x1  }
0x99: {  	s19 =	simm.s32 $_scs_section_size  }
0x9a: {  	s4 =	simm.s32 $_size__tile_overlayer_lowered;
	s5 =	simm.s32 $_tile_overlayer_lowered  }
0x9b: {  	s22 =	simm.s32 $0x1BFF;
	s21 =	sshll.u32 s5, $0x1;
	s2 =	sadd.s32 s19, s18  }
0x9c: {  	s6 =	simm.s32 $0x0;
	s20 =	sshll.u32 s4, $0x1;
	s4 =	sadd.s32 s21, s2  }
0x9d: {  	[timem:s6], [sflag:s22] =	dma.local [hbm:s4], s20  }
0x9e: {  	_ =	swait.ge [sflag:s22], s20  }
0x9f: {  	s3 =	ssub.s32 $0x0, s20;
	[sflag:s22] =	ssyncset.done $0x0  }
0xa0: {  	[sflag:s22] =	ssyncadd.s32 s3;
	_ =	sdelay $0x1  }
0xa1: {  	s23 =	simm.s32 $0x1B8B  }
0xa2: {  	_ =	swait.ge [sflag:s23], $0x1  }
0xa3: {  	[sflag:s23] =	ssyncset.done $0x0  }
0xa4: {  	s25 =	simm.s32 $0x1B8E;
	s24 =	sld [smem:$0x3FFE];
	[sflag:s23] =	ssyncadd.s32 $0xFFFFFFFF  }
0xa5: {  	s26 =	simm.s32 $execute0_lowered;
	[smem:$0x3FD2] =	sst s25  }
0xa6: {  	s4 =	sshll.u32 s26, $0x1;
	_ =	strace $0x80000046;
	[dreg:$0x1] =	wrdreg $0xFFFFFFFF  }
0xa7: {  	s28 =	simm.s32 $_size_execute0_lowered;
	s2 =	sadd.s32 s2, s4;
	[dreg:$0x0] =	wrdreg $0x0  }
0xa8: {  	s4 =	sshll.u32 s28, $0x1;
	[dreg:$0x2] =	wrdreg s2  }
0xa9: {  	[dreg:$0x3] =	wrdreg s4  }
0xaa: {  	[dreg:$0x4] =	wrdreg $0xC0  }
0xab: {  	_ =	task [dreg:s6], $0x5FFFF  }
0xac: {  	[dreg:$0x1] =	wrdreg $0xFFFFFFFF  }
0xad: {  	[dreg:$0x0] =	wrdreg $0x60  }
0xae: {  	[dreg:$0x2] =	wrdreg s24  }
0xaf: {  	[dreg:$0x3] =	wrdreg $0x9  }
0xb0: {  	_ =	task.clear_ibuf [dreg:s6], $0x4FFFF;
	_ =	strace $0x90000046  }
0xb1: {  	s29 =	simm.s32 $0x9;
	_ =	strace $0x80000048  }
0xb2: {  	_ =	swait.ge [sflag:s29], $0x1  }
0xb3: {  	[sflag:s29] =	ssyncadd.s32 $0xFFFFFFFF  }
0xb4: {  	_ =	strace $0x90000048  }
0xb5: {  	_ =	sfence  }
0xb6: {  	s30 =	sld [smem:$0x0];
	_ =	sdelay $0x2  }
0xb7: {  	s31 =	sshll.u32 s1, $0xD;
	s1 =	sshrl.u32 s1, $0x2  }
0xb8: {  	s3 =	sand.u32 $0x4000, s31;
	s1 =	sadd.s32 s1, s30  }
0xb9: {  	s0 =	sor.u32 s3, s0;
	s1 =	sshll.u32 s1, $0x11  }
0xba: {  	s0 =	sor.u32 s1, s0  }
0xbb: {  	s0 =	sadd.s32 $0x8F2B, s0  }
0xbc: {  	[sflag:s0] =	ssyncadd.remote.s32 $0x1  }
0xbd: {  	_ =	sfence.sel $0xFFFF  }
0xbe: {  	[dreg:$0x0] =	wrdreg $0xFFFFFFFF;
	(pc) =	sbr.abs _section_cstart, $3  }
0xbf: {  	[dreg:$0x1] =	wrdreg $0xFFFFFFFF  }
0xc0: {  	_ =	task.clear_ibuf [dreg:s6], $0x2FFFF;
	_ =	strace $0x9FFFFFFF  }
0xc1: {  	(tm) =	ssettm $0x7FFFFFFF  }
tec
execute0_lowered:
.L_overlay_start_1:
0x0: {  	(tag) =	ssettag $0x1  }
0x1: {  	s1 =	srdreg.scid;
	s0 =	stileid.u32  }
0x2: {  	s4 =	rddreg [dreg:$0x0];
	s2 =	simm.s32 $0x0;
	s9 =	simm.s32 $0x2710  }
0x3: {  	s10 =	simm.s32 $0x4E20;
	s3 =	sand.u32 $0x1, s1;
	s31 =	sshll.u32 s0, $0x1  }
0x4: {  	s11 =	simm.s32 $0x7530;
	s12 =	simm.s32 $0x0;
	s5 =	sor.u32 s3, s31  }
0x5: {  	s1 =	rddreg [dreg:$0x1];
	s3 =	ssub.s32 $0x2, s3;
	s6 =	smul.u32 $0x2710, s5  }
0x6: {  	[smem:$0x7FF] =	sst s2;
	s5 =	smul.u32 $0x4E20, s5;
	s7 =	sshrl.u32 s3, $0x1  }
0x7: {  	_ =	strace $0x80000047;
	s7 =	ssub.s32 s3, s7;
	s6 =	sshrl.u32 s6, $0x3  }
0x8: {  	s5 =	sshrl.u32 s5, $0x3;
	s7 =	smax.u32 s7, $0x1;
	s6 =	sadd.s32 s6, s4  }
0x9: {  	s8 =	sadd.s32 s5, s4;
	s3 =	sadd.s32 $0x2800, s6;
	s4 =	sadd.s32 $0xC440, s6  }
0xa: {  	v0 =	vimm.f32 $0.0e+00;
	v1 =	vimm.f32 $1.000000000e+00;
	s5 =	sadd.s32 $0x16200, s8;
	s6 =	sadd.s32 $0x166E2, s8;
	s8 =	simm.s32 $0x1  }
.LBB2_1:
0xb: {  	[tilespmem:s2], [sflag:$0x1] =	stream.linear.gather [hbm4b:s3+s2], $0x2710, $0x38;
	[tilespmem:$0x9C40] =	vst v63  }
0xc: {  	_ =	swait.ge [sflag:s8], $0x2710  }
0xd: {  	[sflag:s8] =	ssyncset.done $0x0  }
0xe: {  	[sflag:s8] =	ssyncadd.s32 $0xFFFFD8F0  }
0xf: {  	[tilespmem:s9], [sflag:$0x1] =	stream.linear.gather [hbm4b:s4+s2], $0x2710, $0x38;
	[tilespmem:$0x9C40] =	vst v63  }
0x10: {  	_ =	swait.ge [sflag:s8], $0x2710  }
0x11: {  	[sflag:s8] =	ssyncset.done $0x0  }
0x12: {  	s13 =	simm.s32 $0x0;
	[sflag:s8] =	ssyncadd.s32 $0xFFFFD8F0  }
.LBB2_2:
0x13: {  	p0 =	sne.s32 s13, $0x9C00  }
.Ltmp0:
0x14: {  	_ = 	snop;
	(pc) =	sbr.rel @p0 .LBB2_2-.Ltmp0, $4  }
0x15: {  	_ = 	snop  }
0x16: {  	s14 =	sshra.s32 s13, $0x2  }
0x17: {  	[tilespmem:s14+$0x4E20] =	vst v0  }
0x18: {  	s13 =	sadd.s32 $0x40, s13;
	[tilespmem:s14+$0x7530] =	vst v0  }
0x19: {  	s14 =	simm.s32 $0x0;
	s13 =	simm.s32 $0x40  }
.LBB2_4:
0x1a: {  	p0 =	sne.s32 s13, $0x9C00;
	v2 =	vld [tilespmem:s14+$0x0];
	_ =	sdelay $0x7  }
0x1b: {  	[tilespmem:v2+s10+$0x0] =	vst.idx.add.f32.msk $0xffff, v1  }
0x1c: {  	v2 =	vld [tilespmem:s14+$0x2710];
	_ =	sdelay $0x3  }
.Ltmp1:
0x1d: {  	(pc) =	sbr.rel @p0 .LBB2_4-.Ltmp1, $2  }
0x1e: {  	_ =	sdelay $0x2  }
0x1f: {  	s14 =	sshra.s32 s13, $0x2;
	s13 =	sadd.s32 $0x40, s13;
	[tilespmem:v2+s11+$0x0] =	vst.idx.add.f32.msk $0xffff, v1  }
0x20: {  	v2 =	vld [tilespmem:s14+$0x0];
	_ =	sdelay $0x7  }
0x21: {  	[tilespmem:v2+s10+$0x0] =	vst.idx.add.f32.msk $0xffff, v1  }
0x22: {  	v2 =	vld [tilespmem:s14+$0x2710];
	_ =	sdelay $0x7  }
0x23: {  	[tilespmem:v2+s11+$0x0] =	vst.idx.add.f32.msk $0xffff, v1  }
0x24: {  	[hbm4b:s5+s2] =	stream.linear.scatter [tilespmem:s10], [sflag:$0x1], $0x2710, $0x38;
	[tilespmem:$0x9C40] =	vst v63  }
0x25: {  	s12 =	sadd.s32 $0x1, s12;
	_ =	swait.ge [sflag:s8], $0x2710  }
0x26: {  	p0 =	sne.s32 s12, s7;
	[sflag:s8] =	ssyncset.done $0x0  }
.Ltmp2:
0x27: {  	[sflag:s8] =	ssyncadd.s32 $0xFFFFD8F0;
	(pc) =	sbr.rel @p0 .LBB2_1-.Ltmp2, $4  }
0x28: {  	[hbm4b:s6+s2] =	stream.linear.scatter [tilespmem:s11], [sflag:$0x1], $0x2710, $0x38;
	[tilespmem:$0x9C40] =	vst v63  }
0x29: {  	_ =	swait.ge [sflag:s8], $0x2710  }
0x2a: {  	[sflag:s8] =	ssyncset.done $0x0  }
0x2b: {  	[sflag:s8] =	ssyncadd.s32 $0xFFFFD8F0  }
0x2c: {  	_ =	sfence.sel $0x180000  }
0x2d: {  	[bflag:$0x0] =	sbarrier.arrive $0xFFFF  }
0x2e: {  	p0 =	sne.s32 s0, $0x0;
	_ =	strace $0x90000047  }
0x2f: {  	s0 =	sadd.s32 @!p0 $0x100000, s1;
	[bflag:$0x2] =	sbarrier.arrive $0xFFFF  }
0x30: {  	[sflag:s0] =	ssyncadd.tile.s32 @!p0 $0x1;
	_ =	shalt  }
.Lfunc_end2:
_tile_overlayer_lowered:
.L_overlay_start_2:
0x31: {  	(tag) =	ssettag $0x2  }
0x32: {  	s0 =	rddreg [dreg:$0x0];
	s2 =	stileid.u32  }
0x33: {  	s1 =	rddreg [dreg:$0x1];
	p0 =	sne.s32 s2, $0x0  }
0x34: {  	s3 =	rddreg [dreg:$0x2];
	[bflag:$0x3] =	sbarrier.arrive $0xFFFF;
	s2 =	simm.s32 @!p0 $0x1C01  }
0x35: {  	[timem:s3], [sflag:s2] =	dma.local @!p0 [hbm:s0], s1  }
0x36: {  	s0 =	simm.s32 @!p0 $0x1  }
0x37: {  	_ =	swait.ge @!p0 [sflag:s0], s1  }
0x38: {  	s1 =	ssub.s32 @!p0 $0x0, s1;
	[sflag:s0] =	ssyncset.done @!p0 $0x0  }
0x39: {  	[sflag:s0] =	ssyncadd.s32 @!p0 s1  }
0x3a: {  	[bflag:$0x3] =	sbarrier.arrive $0xFFFF  }
0x3b: {  	_ =	shalt  }

</sc_bundles>
